<compile_context>
chip_gen: v7x
topology: tpu7x:2x2x1
jax: 0.10.2.dev20260603
libtpu: 0.0.44.dev20260713+nightly
codegen_flags: <defaults>
</compile_context>

<pallas_src>
import functools

import jax
import jax.numpy as jnp
from jax import lax
from jax.experimental import pallas as pl
from jax.experimental.pallas import tpu as pltpu
from jax.experimental.pallas import tpu_sc as plsc

NC, NS, L = 2, 16, 16
NW = NC * NS
CH = 128

_LOG1P = (-0.01741407752432069, 0.08269123711159879, -0.19035433673328145,
          0.3157473167581094, -0.4973732161579986, 0.9998476974962415,
          1.4720650111430504e-06)


def _softplus(v):
    u = jnp.exp(-jnp.abs(v))
    p = jnp.full_like(v, _LOG1P[0])
    for c in _LOG1P[1:]:
        p = p * u + c
    return jnp.maximum(v, 0.0) + p


def _sigmoid(v):
    return 1.0 / (1.0 + jnp.exp(-v))


def _edge_body(psrc, pdst, srch, dsth, mean_h, var_h, wt_h,
               sidx_all, didx_all, A0, A1, B0, B1, M0, M1, V0, V1, W0, W1,
               semA0, semA1, semB0, semB1, semO0, semO1):
    c = lax.axis_index("c")
    s = lax.axis_index("s")
    wid = s * NC + c
    n_chunks_total = mean_h.shape[0] // CH
    base = n_chunks_total // NW
    rem = n_chunks_total % NW
    ncmax = base + (1 if rem else 0)
    start = wid * base + jnp.minimum(wid, rem)
    n = base + jnp.where(wid < rem, 1, 0)
    lanes = jnp.arange(L, dtype=jnp.int32)

    A = (A0, A1)
    B = (B0, B1)
    M = (M0, M1)
    V = (V0, V1)
    W = (W0, W1)
    semA = (semA0, semA1)
    semB = (semB0, semB1)
    semO = (semO0, semO1)

    pltpu.sync_copy(srch.at[pl.ds(start * CH, base * CH)],
                    sidx_all.at[pl.ds(0, base * CH)])
    pltpu.sync_copy(dsth.at[pl.ds(start * CH, base * CH)],
                    didx_all.at[pl.ds(0, base * CH)])

    @pl.when(wid < rem)
    def _():
        pltpu.sync_copy(srch.at[pl.ds(start * CH + base * CH, CH)],
                        sidx_all.at[pl.ds(base * CH, CH)])
        pltpu.sync_copy(dsth.at[pl.ds(start * CH + base * CH, CH)],
                        didx_all.at[pl.ds(base * CH, CH)])

    def gathers(i, b):
        o = i * CH
        return (
            pltpu.make_async_copy(psrc.at[sidx_all.at[pl.ds(o, CH)]],
                                  A[b], semA[b]),
            pltpu.make_async_copy(pdst.at[didx_all.at[pl.ds(o, CH)]],
                                  B[b], semB[b]),
        )

    def outs(i, b):
        off = (start + i) * CH
        return (
            pltpu.make_async_copy(M[b], mean_h.at[pl.ds(off, CH)], semO[b]),
            pltpu.make_async_copy(V[b], var_h.at[pl.ds(off, CH)], semO[b]),
            pltpu.make_async_copy(W[b], wt_h.at[pl.ds(off, CH)], semO[b]),
        )

    def compute(i, b):
        Ab, Bb, Mb, Vb, Wb = A[b], B[b], M[b], V[b], W[b]

        @plsc.parallel_loop(0, CH, unroll=2,
                            carry=jnp.zeros((L,), jnp.float32))
        def erow(e, wacc):
            m0 = Ab[e, pl.ds(0, L)] + Bb[e, pl.ds(0, L)]
            m1 = Ab[e, pl.ds(16, L)] + Bb[e, pl.ds(16, L)]
            Mb[e, pl.ds(0, L)] = m0
            Mb[e, pl.ds(16, L)] = m1
            v0 = Ab[e, pl.ds(32, L)] + Bb[e, pl.ds(32, L)]
            v1 = Ab[e, pl.ds(48, L)] + Bb[e, pl.ds(48, L)]
            Vb[e, pl.ds(0, L)] = _softplus(v0) + 1e-6
            Vb[e, pl.ds(16, L)] = _softplus(v1) + 1e-6
            w = _sigmoid(Ab[e, pl.ds(64, L)] + Bb[e, pl.ds(64, L)])
            lane = e % L
            wacc = jnp.where(lanes == lane, w, wacc)

            @pl.when(lane == L - 1)
            def _():
                Wb[pl.ds(e - (L - 1), L)] = wacc

            return wacc

        for cp in outs(i, b):
            cp.start()

    def step(i, b, nb):
        for cp in gathers(i, b):
            cp.wait()

        @pl.when(i + 1 < n)
        def _():
            for cp in gathers(i + 1, nb):
                cp.start()

        @pl.when(i >= 2)
        def _():
            for cp in outs(i - 2, b):
                cp.wait()

        compute(i, b)

    for cp in gathers(0, 0):
        cp.start()

    def body(i, carry):
        @pl.when(i % 2 == 0)
        def _():
            step(i, 0, 1)

        @pl.when(i % 2 == 1)
        def _():
            step(i, 1, 0)

        return carry

    lax.fori_loop(0, n, body, 0)

    def drain(i):
        @pl.when(i % 2 == 0)
        def _():
            for cp in outs(i, 0):
                cp.wait()

        @pl.when(i % 2 == 1)
        def _():
            for cp in outs(i, 1):
                cp.wait()

    drain(n - 2)
    drain(n - 1)


def _edge_stage(psrc, pdst, src, dst):
    e = src.shape[0]
    ncmax = (e // CH + NW - 1) // NW
    k = pl.kernel(
        _edge_body,
        out_type=(
            jax.ShapeDtypeStruct((e, 32), jnp.float32),
            jax.ShapeDtypeStruct((e, 32), jnp.float32),
            jax.ShapeDtypeStruct((e,), jnp.float32),
        ),
        mesh=plsc.VectorSubcoreMesh(core_axis_name="c", subcore_axis_name="s"),
        compiler_params=pltpu.CompilerParams(use_tc_tiling_on_sc=False),
        scratch_types=[
            pltpu.VMEM((ncmax * CH,), jnp.int32),
            pltpu.VMEM((ncmax * CH,), jnp.int32),
            pltpu.VMEM((CH, 80), jnp.float32),
            pltpu.VMEM((CH, 80), jnp.float32),
            pltpu.VMEM((CH, 80), jnp.float32),
            pltpu.VMEM((CH, 80), jnp.float32),
            pltpu.VMEM((CH, 32), jnp.float32),
            pltpu.VMEM((CH, 32), jnp.float32),
            pltpu.VMEM((CH, 32), jnp.float32),
            pltpu.VMEM((CH, 32), jnp.float32),
            pltpu.VMEM((CH,), jnp.float32),
            pltpu.VMEM((CH,), jnp.float32),
            pltpu.SemaphoreType.DMA,
            pltpu.SemaphoreType.DMA,
            pltpu.SemaphoreType.DMA,
            pltpu.SemaphoreType.DMA,
            pltpu.SemaphoreType.DMA,
            pltpu.SemaphoreType.DMA,
        ],
    )
    return k(psrc, pdst, src, dst)


def _agg_body(xh, srch, dsth, psum_h, pcnt_h,
              sidx0, sidx1, didx0, didx1, rows0, rows1, ones, acc, cntsh,
              semG0, semG1):
    c = lax.axis_index("c")
    s = lax.axis_index("s")
    wid = s * NC + c
    n_nodes = acc.shape[0]
    n_chunks_total = srch.shape[0] // CH
    base = n_chunks_total // NW
    rem = n_chunks_total % NW
    start = wid * base + jnp.minimum(wid, rem)
    n = base + jnp.where(wid < rem, 1, 0)
    rows = (rows0, rows1)
    didx = (didx0, didx1)
    semG = (semG0, semG1)

    zero = jnp.zeros((L,), jnp.float32)

    @plsc.parallel_loop(0, CH)
    def zrow(r):
        for j in range(128 // L):
            rows0[r, pl.ds(j * L, L)] = zero
        ones[r, pl.ds(0, L)] = zero

    rpt = n_nodes // NS
    nslc = rpt // 125
    for j in range(nslc):
        r0 = s * rpt + j * 125
        pltpu.sync_copy(rows0.at[pl.ds(0, 125)], acc.at[pl.ds(r0, 125)])
        pltpu.sync_copy(ones.at[pl.ds(0, 125)], cntsh.at[pl.ds(r0, 125)])
    plsc.subcore_barrier()

    one = jnp.full((L,), 1.0, jnp.float32)

    @plsc.parallel_loop(0, CH)
    def orow(r):
        ones[r, pl.ds(0, L)] = one

    sidx = (sidx0, sidx1)

    def gath(i, b):
        return pltpu.make_async_copy(xh.at[sidx[b]], rows[b], semG[b])

    def stage_idx(i, b):
        pltpu.sync_copy(srch.at[pl.ds((start + i) * CH, CH)], sidx[b])
        pltpu.sync_copy(dsth.at[pl.ds((start + i) * CH, CH)], didx[b])

    def step(i, b, nb):
        gath(i, b).wait()

        @pl.when(i + 1 < n)
        def _():
            stage_idx(i + 1, nb)
            gath(i + 1, nb).start()

        pltpu.sync_copy(rows[b], acc.at[didx[b]], add=True)
        pltpu.sync_copy(ones, cntsh.at[didx[b]], add=True)

    stage_idx(0, 0)
    gath(0, 0).start()

    def body(i, carry):
        @pl.when(i % 2 == 0)
        def _():
            step(i, 0, 1)

        @pl.when(i % 2 == 1)
        def _():
            step(i, 1, 0)

        return carry

    lax.fori_loop(0, n, body, 0)
    plsc.subcore_barrier()

    for j in range(nslc):
        r0 = s * rpt + j * 125
        ro = c * n_nodes + r0
        pltpu.sync_copy(acc.at[pl.ds(r0, 125)], rows0.at[pl.ds(0, 125)])
        pltpu.sync_copy(rows0.at[pl.ds(0, 125)], psum_h.at[pl.ds(ro, 125)])
        pltpu.sync_copy(cntsh.at[pl.ds(r0, 125)], ones.at[pl.ds(0, 125)])
        pltpu.sync_copy(ones.at[pl.ds(0, 125)], pcnt_h.at[pl.ds(ro, 125)])


def _agg_stage(x, src, dst):
    n_nodes = x.shape[0]
    k = pl.kernel(
        _agg_body,
        out_type=(
            jax.ShapeDtypeStruct((NC * n_nodes, 128), jnp.float32),
            jax.ShapeDtypeStruct((NC * n_nodes, 16), jnp.float32),
        ),
        mesh=plsc.VectorSubcoreMesh(core_axis_name="c", subcore_axis_name="s"),
        compiler_params=pltpu.CompilerParams(use_tc_tiling_on_sc=False),
        scratch_types=[
            pltpu.VMEM((CH,), jnp.int32),
            pltpu.VMEM((CH,), jnp.int32),
            pltpu.VMEM((CH,), jnp.int32),
            pltpu.VMEM((CH,), jnp.int32),
            pltpu.VMEM((CH, 128), jnp.float32),
            pltpu.VMEM((CH, 128), jnp.float32),
            pltpu.VMEM((CH, 16), jnp.float32),
            pltpu.VMEM_SHARED((n_nodes, 128), jnp.float32),
            pltpu.VMEM_SHARED((n_nodes, 16), jnp.float32),
            pltpu.SemaphoreType.DMA,
            pltpu.SemaphoreType.DMA,
        ],
    )
    return k(x, src, dst)


def _stage_b_body(psum_ref, pcnt_ref, gnnW_ref, gnnb_ref, wsrc_ref, wdst_ref,
                  zb_ref, psrc_ref, pdst_ref):
    n = psum_ref.shape[0] // 2
    summed = psum_ref[0:n] + psum_ref[n:2 * n]
    pcnt = pcnt_ref[0:n, 0:1] + pcnt_ref[n:2 * n, 0:1]
    cnt = jnp.maximum(pcnt, 1.0)
    agg = summed / cnt
    h = jnp.maximum(
        jnp.dot(agg, gnnW_ref[...].T, preferred_element_type=jnp.float32)
        + gnnb_ref[...], 0.0)
    psrc_ref[...] = (
        jnp.dot(h, wsrc_ref[...].T, preferred_element_type=jnp.float32)
        + zb_ref[...])
    pdst_ref[...] = jnp.dot(h, wdst_ref[...].T,
                            preferred_element_type=jnp.float32)


def _stage_b(psum, pcnt, gnn_W, gnn_b, wsrc, wdst, zb):
    n = psum.shape[0] // 2
    return pl.pallas_call(
        _stage_b_body,
        out_shape=(
            jax.ShapeDtypeStruct((n, 80), jnp.float32),
            jax.ShapeDtypeStruct((n, 80), jnp.float32),
        ),
    )(psum, pcnt, gnn_W, gnn_b, wsrc, wdst, zb)


def kernel(x_topology, x_temporal, edge_index, gnn_W, gnn_b, mean_W, mean_b,
           var_W, var_b, weight_W, weight_b):
    B, N, _ = x_topology.shape
    n_nodes = B * N
    x = jnp.concatenate([x_topology, x_temporal], axis=-1).reshape(
        n_nodes, -1).astype(jnp.float32)
    src = edge_index[0]
    dst = edge_index[1]

    psum, pcnt = _agg_stage(x, src, dst)

    wsrc = jnp.concatenate([mean_W[:, :128], var_W[:, :128],
                            jnp.tile(weight_W[:, :128], (16, 1))], axis=0)
    wdst = jnp.concatenate([mean_W[:, 128:], var_W[:, 128:],
                            jnp.tile(weight_W[:, 128:], (16, 1))], axis=0)
    zb = jnp.concatenate([mean_b, var_b, jnp.tile(weight_b, 16)])[None, :]

    psrc, pdst = _stage_b(psum, pcnt, gnn_W, gnn_b[None, :], wsrc, wdst, zb)
    mean, var, wt = _edge_stage(psrc, pdst, src, dst)
    return (mean, var, wt)

# --- scband reference (transcript-rebuilt; emitter-appended) ---
"""Pipeline reference for scband-para-learner-8924942041827 (READ-ONLY COPY).

The authoritative reference and input builder live on the scoring server;
editing this copy changes nothing except your own understanding.
"""

import jax, jax.numpy as jnp
import numpy as np


def setup_inputs(seed: int = 0) -> dict:
    key = jax.random.key(seed)
    ks = jax.random.split(key, 12)
    B, N = 100, 100
    topo_dim, temp_dim = 64, 64
    in_ch, hidden, out_ch = 128, 128, 32
    n_nodes = B * N
    E = 320000
    s = 0.05
    inp = {}
    inp["x_topology"] = jax.random.normal(ks[0], (B, N, topo_dim), dtype=jnp.float32)
    inp["x_temporal"] = jax.random.normal(ks[1], (B, N, temp_dim), dtype=jnp.float32)
    inp["edge_index"] = jax.random.randint(ks[2], (2, E), 0, n_nodes, dtype=jnp.int32)
    inp["gnn_W"] = jax.random.normal(ks[3], (hidden, in_ch), dtype=jnp.float32) * s
    inp["gnn_b"] = jnp.zeros((hidden,), dtype=jnp.float32)
    inp["mean_W"] = jax.random.normal(ks[4], (out_ch, 2 * hidden), dtype=jnp.float32) * s
    inp["mean_b"] = jnp.zeros((out_ch,), dtype=jnp.float32)
    inp["var_W"] = jax.random.normal(ks[5], (out_ch, 2 * hidden), dtype=jnp.float32) * s
    inp["var_b"] = jnp.zeros((out_ch,), dtype=jnp.float32)
    inp["weight_W"] = jax.random.normal(ks[6], (1, 2 * hidden), dtype=jnp.float32) * s
    inp["weight_b"] = jnp.zeros((1,), dtype=jnp.float32)
    return inp


def reference(x_topology, x_temporal, edge_index, gnn_W, gnn_b, mean_W, mean_b, var_W, var_b, weight_W, weight_b):
    B, N, _ = x_topology.shape
    n_nodes = B * N
    # combine topology + temporal features and flatten batch into node dim
    x = jnp.concatenate([x_topology, x_temporal], axis=-1).reshape(n_nodes, -1).astype(jnp.float32)
    src = edge_index[0]
    dst = edge_index[1]
    # GNNLayer: MessagePassing(aggr='mean'), message = x_j (gather at src, reduce at dst)
    msgs = jnp.take(x, src, axis=0)
    summed = jax.ops.segment_sum(msgs, dst, num_segments=n_nodes)
    cnt = jax.ops.segment_sum(jnp.ones((dst.shape[0],), dtype=x.dtype), dst, num_segments=n_nodes)
    agg = summed / jnp.clip(cnt, 1.0, None)[:, None]
    # linear + relu
    h = jax.nn.relu(agg @ gnn_W.T + gnn_b)
    # edge-level features: concat(src_emb, dst_emb)
    ef = jnp.concatenate([jnp.take(h, src, axis=0), jnp.take(h, dst, axis=0)], axis=1)
    mean = ef @ mean_W.T + mean_b
    variance = jax.nn.softplus(ef @ var_W.T + var_b) + 1e-06
    weight = jax.nn.sigmoid(ef @ weight_W.T + weight_b)[:, 0]
    return (mean, variance, weight)

if __name__ == "__main__":
    import jax
    _d = setup_inputs()
    print(jax.jit(kernel)(*tuple(_d.values())))

</pallas_src>

<mosaic_0001>
#map = affine_map<(d0, d1) -> (0, 0)>
#map1 = affine_map<(d0, d1) -> (0)>
module attributes {stable_mosaic.version = 14 : i64} {
  func.func @_agg_body(%arg0: i32, %arg1: i32, %arg2: memref<10000x128xf32, #tpu.memory_space<hbm>>, %arg3: memref<320000xi32, #tpu.memory_space<hbm>>, %arg4: memref<320000xi32, #tpu.memory_space<hbm>>, %arg5: memref<20000x128xf32, #tpu.memory_space<hbm>>, %arg6: memref<20000x16xf32, #tpu.memory_space<hbm>>, %arg7: memref<128xi32, #tpu.memory_space<vmem>>, %arg8: memref<128xi32, #tpu.memory_space<vmem>>, %arg9: memref<128xi32, #tpu.memory_space<vmem>>, %arg10: memref<128xi32, #tpu.memory_space<vmem>>, %arg11: memref<128x128xf32, #tpu.memory_space<vmem>>, %arg12: memref<128x128xf32, #tpu.memory_space<vmem>>, %arg13: memref<128x16xf32, #tpu.memory_space<vmem>>, %arg14: memref<10000x128xf32, #tpu.memory_space<vmem_shared>>, %arg15: memref<10000x16xf32, #tpu.memory_space<vmem_shared>>, %arg16: memref<!tpu.dma_semaphore, #tpu.memory_space<semaphore_mem>>, %arg17: memref<!tpu.dma_semaphore, #tpu.memory_space<semaphore_mem>>) attributes {dimension_semantics = [#tpu.dimension_semantics<core_parallel>, #tpu.dimension_semantics<subcore_parallel>], iteration_bounds = array<i64: 2, 16>, scalar_prefetch = 0 : i64, scratch_operands = 11 : i64, tpu.core_type = #tpu.core_type<sc_vector_subcore>, window_params = [{transform_indices = #map}, {transform_indices = #map1}, {transform_indices = #map1}, {transform_indices = #map}, {transform_indices = #map}]} {
    %mul3A = arith.constant 2 : i32
    %mul3A_0 = arith.muli %arg1, %mul3A : i32
    %add3A = arith.addi %mul3A_0, %arg0 : i32
    %mul3A_1 = arith.constant 78 : i32
    %mul3A_2 = arith.muli %add3A, %mul3A_1 : i32
    %min3A = arith.constant 4 : i32
    %min3A_3 = arith.minsi %add3A, %min3A : i32
    %add3A_4 = arith.addi %mul3A_2, %min3A_3 : i32
    %lt3A = arith.constant 4 : i32
    %lt3A_5 = arith.cmpi slt, %add3A, %lt3A : i32
    %jit3A = arith.constant 1 : i32
    %jit3A_6 = arith.constant 0 : i32
    %select_n3A = arith.select %lt3A_5, %jit3A, %jit3A_6 : i32
    %add3A_7 = arith.constant 78 : i32
    %add3A_8 = arith.addi %add3A_7, %select_n3A : i32
    %broadcast_in_dim3A = arith.constant 0.000000e+00 : f32
    %broadcast_in_dim3A_9 = vector.broadcast %broadcast_in_dim3A : f32 to vector<16xf32>
    %parallel_loop3A = arith.constant 0 : i32
    %parallel_loop3A_10 = arith.constant 128 : i32
    %parallel_loop3A_11 = arith.constant 1 : i32
    scf.for %parallel_loop3A_92 = %parallel_loop3A to %parallel_loop3A_10 step %parallel_loop3A_11  : i32 {
      %parallel_loop3A_93 = arith.index_cast %parallel_loop3A_92 : i32 to index
      %parallel_loop3A_94 = arith.constant 0 : index
      %parallel_loop3A_95 = tpu.vector_load %arg11[%parallel_loop3A_93, %parallel_loop3A_94] {strides = array<i32>} : memref<128x128xf32, #tpu.memory_space<vmem>>, vector<1x16xf32>,
      %parallel_loop3A_96 = vector.shape_cast %parallel_loop3A_95 : vector<1x16xf32> to vector<16xf32>
      %parallel_loop3A_97 = vector.shape_cast %broadcast_in_dim3A_9 : vector<16xf32> to vector<1x16xf32>
      tpu.vector_store %arg11[%parallel_loop3A_93, %parallel_loop3A_94], %parallel_loop3A_97 {strides = array<i32>} : memref<128x128xf32, #tpu.memory_space<vmem>>, vector<1x16xf32>,
      %parallel_loop3A_98 = arith.index_cast %parallel_loop3A_92 : i32 to index
      %parallel_loop3A_99 = arith.constant 16 : index
      %parallel_loop3A_100 = tpu.vector_load %arg11[%parallel_loop3A_98, %parallel_loop3A_99] {strides = array<i32>} : memref<128x128xf32, #tpu.memory_space<vmem>>, vector<1x16xf32>,
      %parallel_loop3A_101 = vector.shape_cast %parallel_loop3A_100 : vector<1x16xf32> to vector<16xf32>
      %parallel_loop3A_102 = vector.shape_cast %broadcast_in_dim3A_9 : vector<16xf32> to vector<1x16xf32>
      tpu.vector_store %arg11[%parallel_loop3A_98, %parallel_loop3A_99], %parallel_loop3A_102 {strides = array<i32>} : memref<128x128xf32, #tpu.memory_space<vmem>>, vector<1x16xf32>,
      %parallel_loop3A_103 = arith.index_cast %parallel_loop3A_92 : i32 to index
      %parallel_loop3A_104 = arith.constant 32 : index
      %parallel_loop3A_105 = tpu.vector_load %arg11[%parallel_loop3A_103, %parallel_loop3A_104] {strides = array<i32>} : memref<128x128xf32, #tpu.memory_space<vmem>>, vector<1x16xf32>,
      %parallel_loop3A_106 = vector.shape_cast %parallel_loop3A_105 : vector<1x16xf32> to vector<16xf32>
      %parallel_loop3A_107 = vector.shape_cast %broadcast_in_dim3A_9 : vector<16xf32> to vector<1x16xf32>
      tpu.vector_store %arg11[%parallel_loop3A_103, %parallel_loop3A_104], %parallel_loop3A_107 {strides = array<i32>} : memref<128x128xf32, #tpu.memory_space<vmem>>, vector<1x16xf32>,
      %parallel_loop3A_108 = arith.index_cast %parallel_loop3A_92 : i32 to index
      %parallel_loop3A_109 = arith.constant 48 : index
      %parallel_loop3A_110 = tpu.vector_load %arg11[%parallel_loop3A_108, %parallel_loop3A_109] {strides = array<i32>} : memref<128x128xf32, #tpu.memory_space<vmem>>, vector<1x16xf32>,
      %parallel_loop3A_111 = vector.shape_cast %parallel_loop3A_110 : vector<1x16xf32> to vector<16xf32>
      %parallel_loop3A_112 = vector.shape_cast %broadcast_in_dim3A_9 : vector<16xf32> to vector<1x16xf32>
      tpu.vector_store %arg11[%parallel_loop3A_108, %parallel_loop3A_109], %parallel_loop3A_112 {strides = array<i32>} : memref<128x128xf32, #tpu.memory_space<vmem>>, vector<1x16xf32>,
      %parallel_loop3A_113 = arith.index_cast %parallel_loop3A_92 : i32 to index
      %parallel_loop3A_114 = arith.constant 64 : index
      %parallel_loop3A_115 = tpu.vector_load %arg11[%parallel_loop3A_113, %parallel_loop3A_114] {strides = array<i32>} : memref<128x128xf32, #tpu.memory_space<vmem>>, vector<1x16xf32>,
      %parallel_loop3A_116 = vector.shape_cast %parallel_loop3A_115 : vector<1x16xf32> to vector<16xf32>
      %parallel_loop3A_117 = vector.shape_cast %broadcast_in_dim3A_9 : vector<16xf32> to vector<1x16xf32>
      tpu.vector_store %arg11[%parallel_loop3A_113, %parallel_loop3A_114], %parallel_loop3A_117 {strides = array<i32>} : memref<128x128xf32, #tpu.memory_space<vmem>>, vector<1x16xf32>,
      %parallel_loop3A_118 = arith.index_cast %parallel_loop3A_92 : i32 to index
      %parallel_loop3A_119 = arith.constant 80 : index
      %parallel_loop3A_120 = tpu.vector_load %arg11[%parallel_loop3A_118, %parallel_loop3A_119] {strides = array<i32>} : memref<128x128xf32, #tpu.memory_space<vmem>>, vector<1x16xf32>,
      %parallel_loop3A_121 = vector.shape_cast %parallel_loop3A_120 : vector<1x16xf32> to vector<16xf32>
      %parallel_loop3A_122 = vector.shape_cast %broadcast_in_dim3A_9 : vector<16xf32> to vector<1x16xf32>
      tpu.vector_store %arg11[%parallel_loop3A_118, %parallel_loop3A_119], %parallel_loop3A_122 {strides = array<i32>} : memref<128x128xf32, #tpu.memory_space<vmem>>, vector<1x16xf32>,
      %parallel_loop3A_123 = arith.index_cast %parallel_loop3A_92 : i32 to index
      %parallel_loop3A_124 = arith.constant 96 : index
      %parallel_loop3A_125 = tpu.vector_load %arg11[%parallel_loop3A_123, %parallel_loop3A_124] {strides = array<i32>} : memref<128x128xf32, #tpu.memory_space<vmem>>, vector<1x16xf32>,
      %parallel_loop3A_126 = vector.shape_cast %parallel_loop3A_125 : vector<1x16xf32> to vector<16xf32>
      %parallel_loop3A_127 = vector.shape_cast %broadcast_in_dim3A_9 : vector<16xf32> to vector<1x16xf32>
      tpu.vector_store %arg11[%parallel_loop3A_123, %parallel_loop3A_124], %parallel_loop3A_127 {strides = array<i32>} : memref<128x128xf32, #tpu.memory_space<vmem>>, vector<1x16xf32>,
      %parallel_loop3A_128 = arith.index_cast %parallel_loop3A_92 : i32 to index
      %parallel_loop3A_129 = arith.constant 112 : index
      %parallel_loop3A_130 = tpu.vector_load %arg11[%parallel_loop3A_128, %parallel_loop3A_129] {strides = array<i32>} : memref<128x128xf32, #tpu.memory_space<vmem>>, vector<1x16xf32>,
      %parallel_loop3A_131 = vector.shape_cast %parallel_loop3A_130 : vector<1x16xf32> to vector<16xf32>
      %parallel_loop3A_132 = vector.shape_cast %broadcast_in_dim3A_9 : vector<16xf32> to vector<1x16xf32>
      tpu.vector_store %arg11[%parallel_loop3A_128, %parallel_loop3A_129], %parallel_loop3A_132 {strides = array<i32>} : memref<128x128xf32, #tpu.memory_space<vmem>>, vector<1x16xf32>,
      %parallel_loop3A_133 = arith.index_cast %parallel_loop3A_92 : i32 to index
      %parallel_loop3A_134 = arith.constant 0 : index
      %parallel_loop3A_135 = tpu.vector_load %arg13[%parallel_loop3A_133, %parallel_loop3A_134] {strides = array<i32>} : memref<128x16xf32, #tpu.memory_space<vmem>>, vector<1x16xf32>,
      %parallel_loop3A_136 = vector.shape_cast %parallel_loop3A_135 : vector<1x16xf32> to vector<16xf32>
      %parallel_loop3A_137 = vector.shape_cast %broadcast_in_dim3A_9 : vector<16xf32> to vector<1x16xf32>
      tpu.vector_store %arg13[%parallel_loop3A_133, %parallel_loop3A_134], %parallel_loop3A_137 {strides = array<i32>} : memref<128x16xf32, #tpu.memory_space<vmem>>, vector<1x16xf32>,
    } {sc.loop_unroll_factor = 1 : i64, sc.parallel_access}
    %mul3A_12 = arith.constant 625 : i32
    %mul3A_13 = arith.muli %arg1, %mul3A_12 : i32
    %add3A_14 = arith.constant 0 : i32
    %add3A_15 = arith.addi %mul3A_13, %add3A_14 : i32
    "tpu.region"() ({
      %run_scoped3A = tpu.sem_alloc : memref<!tpu.dma_semaphore, #tpu.memory_space<semaphore_mem>>
      %dma_start3A_92 = arith.constant 0 : i32
      %dma_start3A_93 = arith.constant 0 : i32
      %dma_start3A_94 = tpu.memref_slice %arg11[%dma_start3A_92, %dma_start3A_93] : memref<128x128xf32, #tpu.memory_space<vmem>> -> memref<125x128xf32, #tpu.memory_space<vmem>>
      %dma_start3A_95 = arith.constant 0 : i32
      %dma_start3A_96 = tpu.memref_slice %arg14[%add3A_15, %dma_start3A_95] : memref<10000x128xf32, #tpu.memory_space<vmem_shared>> -> memref<125x128xf32, #tpu.memory_space<vmem_shared>>
      %dma_start3A_97 = arith.constant 0 : i32
      %dma_start3A_98 = tpu.memref_slice %arg14[%add3A_15, %dma_start3A_97] : memref<10000x128xf32, #tpu.memory_space<vmem_shared>> -> memref<125x128xf32, #tpu.memory_space<vmem_shared>>
      %dma_start3A_99 = arith.constant 0 : i32
      %dma_start3A_100 = arith.constant 0 : i32
      %dma_start3A_101 = tpu.memref_slice %arg11[%dma_start3A_99, %dma_start3A_100] : memref<128x128xf32, #tpu.memory_space<vmem>> -> memref<125x128xf32, #tpu.memory_space<vmem>>
      tpu.enqueue_dma source(%dma_start3A_101 : memref<125x128xf32, #tpu.memory_space<vmem>>) target(%dma_start3A_98 : memref<125x128xf32, #tpu.memory_space<vmem_shared>>) target_semaphore(%run_scoped3A : memref<!tpu.dma_semaphore, #tpu.memory_space<semaphore_mem>>)
      %dma_wait3A = arith.constant 0 : i32
      %dma_wait3A_102 = arith.constant 0 : i32
      %dma_wait3A_103 = tpu.memref_slice %arg11[%dma_wait3A, %dma_wait3A_102] : memref<128x128xf32, #tpu.memory_space<vmem>> -> memref<125x128xf32, #tpu.memory_space<vmem>>
      %dma_wait3A_104 = arith.constant 0 : i32
      %dma_wait3A_105 = tpu.memref_slice %arg14[%add3A_15, %dma_wait3A_104] : memref<10000x128xf32, #tpu.memory_space<vmem_shared>> -> memref<125x128xf32, #tpu.memory_space<vmem_shared>>
      %dma_wait3A_106 = arith.constant 0 : i32
      %dma_wait3A_107 = tpu.memref_slice %arg14[%add3A_15, %dma_wait3A_106] : memref<10000x128xf32, #tpu.memory_space<vmem_shared>> -> memref<125x128xf32, #tpu.memory_space<vmem_shared>>
      %dma_wait3A_108 = arith.constant 0 : i32
      %dma_wait3A_109 = arith.constant 0 : i32
      %dma_wait3A_110 = tpu.memref_slice %arg11[%dma_wait3A_108, %dma_wait3A_109] : memref<128x128xf32, #tpu.memory_space<vmem>> -> memref<125x128xf32, #tpu.memory_space<vmem>>
      tpu.wait_dma2 semaphore(%run_scoped3A : memref<!tpu.dma_semaphore, #tpu.memory_space<semaphore_mem>>) src(%dma_wait3A_110 : memref<125x128xf32, #tpu.memory_space<vmem>>) dst(%dma_wait3A_107 : memref<125x128xf32, #tpu.memory_space<vmem_shared>>)
      tpu.yield
    }) : () -> ()
    "tpu.region"() ({
      %run_scoped3A = tpu.sem_alloc : memref<!tpu.dma_semaphore, #tpu.memory_space<semaphore_mem>>
      %dma_start3A_92 = arith.constant 0 : i32
      %dma_start3A_93 = arith.constant 0 : i32
      %dma_start3A_94 = tpu.memref_slice %arg13[%dma_start3A_92, %dma_start3A_93] : memref<128x16xf32, #tpu.memory_space<vmem>> -> memref<125x16xf32, #tpu.memory_space<vmem>>
      %dma_start3A_95 = arith.constant 0 : i32
      %dma_start3A_96 = tpu.memref_slice %arg15[%add3A_15, %dma_start3A_95] : memref<10000x16xf32, #tpu.memory_space<vmem_shared>> -> memref<125x16xf32, #tpu.memory_space<vmem_shared>>
      %dma_start3A_97 = arith.constant 0 : i32
      %dma_start3A_98 = tpu.memref_slice %arg15[%add3A_15, %dma_start3A_97] : memref<10000x16xf32, #tpu.memory_space<vmem_shared>> -> memref<125x16xf32, #tpu.memory_space<vmem_shared>>
      %dma_start3A_99 = arith.constant 0 : i32
      %dma_start3A_100 = arith.constant 0 : i32
      %dma_start3A_101 = tpu.memref_slice %arg13[%dma_start3A_99, %dma_start3A_100] : memref<128x16xf32, #tpu.memory_space<vmem>> -> memref<125x16xf32, #tpu.memory_space<vmem>>
      tpu.enqueue_dma source(%dma_start3A_101 : memref<125x16xf32, #tpu.memory_space<vmem>>) target(%dma_start3A_98 : memref<125x16xf32, #tpu.memory_space<vmem_shared>>) target_semaphore(%run_scoped3A : memref<!tpu.dma_semaphore, #tpu.memory_space<semaphore_mem>>)
      %dma_wait3A = arith.constant 0 : i32
      %dma_wait3A_102 = arith.constant 0 : i32
      %dma_wait3A_103 = tpu.memref_slice %arg13[%dma_wait3A, %dma_wait3A_102] : memref<128x16xf32, #tpu.memory_space<vmem>> -> memref<125x16xf32, #tpu.memory_space<vmem>>
      %dma_wait3A_104 = arith.constant 0 : i32
      %dma_wait3A_105 = tpu.memref_slice %arg15[%add3A_15, %dma_wait3A_104] : memref<10000x16xf32, #tpu.memory_space<vmem_shared>> -> memref<125x16xf32, #tpu.memory_space<vmem_shared>>
      %dma_wait3A_106 = arith.constant 0 : i32
      %dma_wait3A_107 = tpu.memref_slice %arg15[%add3A_15, %dma_wait3A_106] : memref<10000x16xf32, #tpu.memory_space<vmem_shared>> -> memref<125x16xf32, #tpu.memory_space<vmem_shared>>
      %dma_wait3A_108 = arith.constant 0 : i32
      %dma_wait3A_109 = arith.constant 0 : i32
      %dma_wait3A_110 = tpu.memref_slice %arg13[%dma_wait3A_108, %dma_wait3A_109] : memref<128x16xf32, #tpu.memory_space<vmem>> -> memref<125x16xf32, #tpu.memory_space<vmem>>
      tpu.wait_dma2 semaphore(%run_scoped3A : memref<!tpu.dma_semaphore, #tpu.memory_space<semaphore_mem>>) src(%dma_wait3A_110 : memref<125x16xf32, #tpu.memory_space<vmem>>) dst(%dma_wait3A_107 : memref<125x16xf32, #tpu.memory_space<vmem_shared>>)
      tpu.yield
    }) : () -> ()
    %mul3A_16 = arith.constant 625 : i32
    %mul3A_17 = arith.muli %arg1, %mul3A_16 : i32
    %add3A_18 = arith.constant 125 : i32
    %add3A_19 = arith.addi %mul3A_17, %add3A_18 : i32
    "tpu.region"() ({
      %run_scoped3A = tpu.sem_alloc : memref<!tpu.dma_semaphore, #tpu.memory_space<semaphore_mem>>
      %dma_start3A_92 = arith.constant 0 : i32
      %dma_start3A_93 = arith.constant 0 : i32
      %dma_start3A_94 = tpu.memref_slice %arg11[%dma_start3A_92, %dma_start3A_93] : memref<128x128xf32, #tpu.memory_space<vmem>> -> memref<125x128xf32, #tpu.memory_space<vmem>>
      %dma_start3A_95 = arith.constant 0 : i32
      %dma_start3A_96 = tpu.memref_slice %arg14[%add3A_19, %dma_start3A_95] : memref<10000x128xf32, #tpu.memory_space<vmem_shared>> -> memref<125x128xf32, #tpu.memory_space<vmem_shared>>
      %dma_start3A_97 = arith.constant 0 : i32
      %dma_start3A_98 = tpu.memref_slice %arg14[%add3A_19, %dma_start3A_97] : memref<10000x128xf32, #tpu.memory_space<vmem_shared>> -> memref<125x128xf32, #tpu.memory_space<vmem_shared>>
      %dma_start3A_99 = arith.constant 0 : i32
      %dma_start3A_100 = arith.constant 0 : i32
      %dma_start3A_101 = tpu.memref_slice %arg11[%dma_start3A_99, %dma_start3A_100] : memref<128x128xf32, #tpu.memory_space<vmem>> -> memref<125x128xf32, #tpu.memory_space<vmem>>
      tpu.enqueue_dma source(%dma_start3A_101 : memref<125x128xf32, #tpu.memory_space<vmem>>) target(%dma_start3A_98 : memref<125x128xf32, #tpu.memory_space<vmem_shared>>) target_semaphore(%run_scoped3A : memref<!tpu.dma_semaphore, #tpu.memory_space<semaphore_mem>>)
      %dma_wait3A = arith.constant 0 : i32
      %dma_wait3A_102 = arith.constant 0 : i32
      %dma_wait3A_103 = tpu.memref_slice %arg11[%dma_wait3A, %dma_wait3A_102] : memref<128x128xf32, #tpu.memory_space<vmem>> -> memref<125x128xf32, #tpu.memory_space<vmem>>
      %dma_wait3A_104 = arith.constant 0 : i32
      %dma_wait3A_105 = tpu.memref_slice %arg14[%add3A_19, %dma_wait3A_104] : memref<10000x128xf32, #tpu.memory_space<vmem_shared>> -> memref<125x128xf32, #tpu.memory_space<vmem_shared>>
      %dma_wait3A_106 = arith.constant 0 : i32
      %dma_wait3A_107 = tpu.memref_slice %arg14[%add3A_19, %dma_wait3A_106] : memref<10000x128xf32, #tpu.memory_space<vmem_shared>> -> memref<125x128xf32, #tpu.memory_space<vmem_shared>>
      %dma_wait3A_108 = arith.constant 0 : i32
      %dma_wait3A_109 = arith.constant 0 : i32
      %dma_wait3A_110 = tpu.memref_slice %arg11[%dma_wait3A_108, %dma_wait3A_109] : memref<128x128xf32, #tpu.memory_space<vmem>> -> memref<125x128xf32, #tpu.memory_space<vmem>>
      tpu.wait_dma2 semaphore(%run_scoped3A : memref<!tpu.dma_semaphore, #tpu.memory_space<semaphore_mem>>) src(%dma_wait3A_110 : memref<125x128xf32, #tpu.memory_space<vmem>>) dst(%dma_wait3A_107 : memref<125x128xf32, #tpu.memory_space<vmem_shared>>)
      tpu.yield
    }) : () -> ()
    "tpu.region"() ({
      %run_scoped3A = tpu.sem_alloc : memref<!tpu.dma_semaphore, #tpu.memory_space<semaphore_mem>>
      %dma_start3A_92 = arith.constant 0 : i32
      %dma_start3A_93 = arith.constant 0 : i32
      %dma_start3A_94 = tpu.memref_slice %arg13[%dma_start3A_92, %dma_start3A_93] : memref<128x16xf32, #tpu.memory_space<vmem>> -> memref<125x16xf32, #tpu.memory_space<vmem>>
      %dma_start3A_95 = arith.constant 0 : i32
      %dma_start3A_96 = tpu.memref_slice %arg15[%add3A_19, %dma_start3A_95] : memref<10000x16xf32, #tpu.memory_space<vmem_shared>> -> memref<125x16xf32, #tpu.memory_space<vmem_shared>>
      %dma_start3A_97 = arith.constant 0 : i32
      %dma_start3A_98 = tpu.memref_slice %arg15[%add3A_19, %dma_start3A_97] : memref<10000x16xf32, #tpu.memory_space<vmem_shared>> -> memref<125x16xf32, #tpu.memory_space<vmem_shared>>
      %dma_start3A_99 = arith.constant 0 : i32
      %dma_start3A_100 = arith.constant 0 : i32
      %dma_start3A_101 = tpu.memref_slice %arg13[%dma_start3A_99, %dma_start3A_100] : memref<128x16xf32, #tpu.memory_space<vmem>> -> memref<125x16xf32, #tpu.memory_space<vmem>>
      tpu.enqueue_dma source(%dma_start3A_101 : memref<125x16xf32, #tpu.memory_space<vmem>>) target(%dma_start3A_98 : memref<125x16xf32, #tpu.memory_space<vmem_shared>>) target_semaphore(%run_scoped3A : memref<!tpu.dma_semaphore, #tpu.memory_space<semaphore_mem>>)
      %dma_wait3A = arith.constant 0 : i32
      %dma_wait3A_102 = arith.constant 0 : i32
      %dma_wait3A_103 = tpu.memref_slice %arg13[%dma_wait3A, %dma_wait3A_102] : memref<128x16xf32, #tpu.memory_space<vmem>> -> memref<125x16xf32, #tpu.memory_space<vmem>>
      %dma_wait3A_104 = arith.constant 0 : i32
      %dma_wait3A_105 = tpu.memref_slice %arg15[%add3A_19, %dma_wait3A_104] : memref<10000x16xf32, #tpu.memory_space<vmem_shared>> -> memref<125x16xf32, #tpu.memory_space<vmem_shared>>
      %dma_wait3A_106 = arith.constant 0 : i32
      %dma_wait3A_107 = tpu.memref_slice %arg15[%add3A_19, %dma_wait3A_106] : memref<10000x16xf32, #tpu.memory_space<vmem_shared>> -> memref<125x16xf32, #tpu.memory_space<vmem_shared>>
      %dma_wait3A_108 = arith.constant 0 : i32
      %dma_wait3A_109 = arith.constant 0 : i32
      %dma_wait3A_110 = tpu.memref_slice %arg13[%dma_wait3A_108, %dma_wait3A_109] : memref<128x16xf32, #tpu.memory_space<vmem>> -> memref<125x16xf32, #tpu.memory_space<vmem>>
      tpu.wait_dma2 semaphore(%run_scoped3A : memref<!tpu.dma_semaphore, #tpu.memory_space<semaphore_mem>>) src(%dma_wait3A_110 : memref<125x16xf32, #tpu.memory_space<vmem>>) dst(%dma_wait3A_107 : memref<125x16xf32, #tpu.memory_space<vmem_shared>>)
      tpu.yield
    }) : () -> ()
    %mul3A_20 = arith.constant 625 : i32
    %mul3A_21 = arith.muli %arg1, %mul3A_20 : i32
    %add3A_22 = arith.constant 250 : i32
    %add3A_23 = arith.addi %mul3A_21, %add3A_22 : i32
    "tpu.region"() ({
      %run_scoped3A = tpu.sem_alloc : memref<!tpu.dma_semaphore, #tpu.memory_space<semaphore_mem>>
      %dma_start3A_92 = arith.constant 0 : i32
      %dma_start3A_93 = arith.constant 0 : i32
      %dma_start3A_94 = tpu.memref_slice %arg11[%dma_start3A_92, %dma_start3A_93] : memref<128x128xf32, #tpu.memory_space<vmem>> -> memref<125x128xf32, #tpu.memory_space<vmem>>
      %dma_start3A_95 = arith.constant 0 : i32
      %dma_start3A_96 = tpu.memref_slice %arg14[%add3A_23, %dma_start3A_95] : memref<10000x128xf32, #tpu.memory_space<vmem_shared>> -> memref<125x128xf32, #tpu.memory_space<vmem_shared>>
      %dma_start3A_97 = arith.constant 0 : i32
      %dma_start3A_98 = tpu.memref_slice %arg14[%add3A_23, %dma_start3A_97] : memref<10000x128xf32, #tpu.memory_space<vmem_shared>> -> memref<125x128xf32, #tpu.memory_space<vmem_shared>>
      %dma_start3A_99 = arith.constant 0 : i32
      %dma_start3A_100 = arith.constant 0 : i32
      %dma_start3A_101 = tpu.memref_slice %arg11[%dma_start3A_99, %dma_start3A_100] : memref<128x128xf32, #tpu.memory_space<vmem>> -> memref<125x128xf32, #tpu.memory_space<vmem>>
      tpu.enqueue_dma source(%dma_start3A_101 : memref<125x128xf32, #tpu.memory_space<vmem>>) target(%dma_start3A_98 : memref<125x128xf32, #tpu.memory_space<vmem_shared>>) target_semaphore(%run_scoped3A : memref<!tpu.dma_semaphore, #tpu.memory_space<semaphore_mem>>)
      %dma_wait3A = arith.constant 0 : i32
      %dma_wait3A_102 = arith.constant 0 : i32
      %dma_wait3A_103 = tpu.memref_slice %arg11[%dma_wait3A, %dma_wait3A_102] : memref<128x128xf32, #tpu.memory_space<vmem>> -> memref<125x128xf32, #tpu.memory_space<vmem>>
      %dma_wait3A_104 = arith.constant 0 : i32
      %dma_wait3A_105 = tpu.memref_slice %arg14[%add3A_23, %dma_wait3A_104] : memref<10000x128xf32, #tpu.memory_space<vmem_shared>> -> memref<125x128xf32, #tpu.memory_space<vmem_shared>>
      %dma_wait3A_106 = arith.constant 0 : i32
      %dma_wait3A_107 = tpu.memref_slice %arg14[%add3A_23, %dma_wait3A_106] : memref<10000x128xf32, #tpu.memory_space<vmem_shared>> -> memref<125x128xf32, #tpu.memory_space<vmem_shared>>
      %dma_wait3A_108 = arith.constant 0 : i32
      %dma_wait3A_109 = arith.constant 0 : i32
      %dma_wait3A_110 = tpu.memref_slice %arg11[%dma_wait3A_108, %dma_wait3A_109] : memref<128x128xf32, #tpu.memory_space<vmem>> -> memref<125x128xf32, #tpu.memory_space<vmem>>
      tpu.wait_dma2 semaphore(%run_scoped3A : memref<!tpu.dma_semaphore, #tpu.memory_space<semaphore_mem>>) src(%dma_wait3A_110 : memref<125x128xf32, #tpu.memory_space<vmem>>) dst(%dma_wait3A_107 : memref<125x128xf32, #tpu.memory_space<vmem_shared>>)
      tpu.yield
    }) : () -> ()
    "tpu.region"() ({
      %run_scoped3A = tpu.sem_alloc : memref<!tpu.dma_semaphore, #tpu.memory_space<semaphore_mem>>
      %dma_start3A_92 = arith.constant 0 : i32
      %dma_start3A_93 = arith.constant 0 : i32
      %dma_start3A_94 = tpu.memref_slice %arg13[%dma_start3A_92, %dma_start3A_93] : memref<128x16xf32, #tpu.memory_space<vmem>> -> memref<125x16xf32, #tpu.memory_space<vmem>>
      %dma_start3A_95 = arith.constant 0 : i32
      %dma_start3A_96 = tpu.memref_slice %arg15[%add3A_23, %dma_start3A_95] : memref<10000x16xf32, #tpu.memory_space<vmem_shared>> -> memref<125x16xf32, #tpu.memory_space<vmem_shared>>
      %dma_start3A_97 = arith.constant 0 : i32
      %dma_start3A_98 = tpu.memref_slice %arg15[%add3A_23, %dma_start3A_97] : memref<10000x16xf32, #tpu.memory_space<vmem_shared>> -> memref<125x16xf32, #tpu.memory_space<vmem_shared>>
      %dma_start3A_99 = arith.constant 0 : i32
      %dma_start3A_100 = arith.constant 0 : i32
      %dma_start3A_101 = tpu.memref_slice %arg13[%dma_start3A_99, %dma_start3A_100] : memref<128x16xf32, #tpu.memory_space<vmem>> -> memref<125x16xf32, #tpu.memory_space<vmem>>
      tpu.enqueue_dma source(%dma_start3A_101 : memref<125x16xf32, #tpu.memory_space<vmem>>) target(%dma_start3A_98 : memref<125x16xf32, #tpu.memory_space<vmem_shared>>) target_semaphore(%run_scoped3A : memref<!tpu.dma_semaphore, #tpu.memory_space<semaphore_mem>>)
      %dma_wait3A = arith.constant 0 : i32
      %dma_wait3A_102 = arith.constant 0 : i32
      %dma_wait3A_103 = tpu.memref_slice %arg13[%dma_wait3A, %dma_wait3A_102] : memref<128x16xf32, #tpu.memory_space<vmem>> -> memref<125x16xf32, #tpu.memory_space<vmem>>
      %dma_wait3A_104 = arith.constant 0 : i32
      %dma_wait3A_105 = tpu.memref_slice %arg15[%add3A_23, %dma_wait3A_104] : memref<10000x16xf32, #tpu.memory_space<vmem_shared>> -> memref<125x16xf32, #tpu.memory_space<vmem_shared>>
      %dma_wait3A_106 = arith.constant 0 : i32
      %dma_wait3A_107 = tpu.memref_slice %arg15[%add3A_23, %dma_wait3A_106] : memref<10000x16xf32, #tpu.memory_space<vmem_shared>> -> memref<125x16xf32, #tpu.memory_space<vmem_shared>>
      %dma_wait3A_108 = arith.constant 0 : i32
      %dma_wait3A_109 = arith.constant 0 : i32
      %dma_wait3A_110 = tpu.memref_slice %arg13[%dma_wait3A_108, %dma_wait3A_109] : memref<128x16xf32, #tpu.memory_space<vmem>> -> memref<125x16xf32, #tpu.memory_space<vmem>>
      tpu.wait_dma2 semaphore(%run_scoped3A : memref<!tpu.dma_semaphore, #tpu.memory_space<semaphore_mem>>) src(%dma_wait3A_110 : memref<125x16xf32, #tpu.memory_space<vmem>>) dst(%dma_wait3A_107 : memref<125x16xf32, #tpu.memory_space<vmem_shared>>)
      tpu.yield
    }) : () -> ()
    %mul3A_24 = arith.constant 625 : i32
    %mul3A_25 = arith.muli %arg1, %mul3A_24 : i32
    %add3A_26 = arith.constant 375 : i32
    %add3A_27 = arith.addi %mul3A_25, %add3A_26 : i32
    "tpu.region"() ({
      %run_scoped3A = tpu.sem_alloc : memref<!tpu.dma_semaphore, #tpu.memory_space<semaphore_mem>>
      %dma_start3A_92 = arith.constant 0 : i32
      %dma_start3A_93 = arith.constant 0 : i32
      %dma_start3A_94 = tpu.memref_slice %arg11[%dma_start3A_92, %dma_start3A_93] : memref<128x128xf32, #tpu.memory_space<vmem>> -> memref<125x128xf32, #tpu.memory_space<vmem>>
      %dma_start3A_95 = arith.constant 0 : i32
      %dma_start3A_96 = tpu.memref_slice %arg14[%add3A_27, %dma_start3A_95] : memref<10000x128xf32, #tpu.memory_space<vmem_shared>> -> memref<125x128xf32, #tpu.memory_space<vmem_shared>>
      %dma_start3A_97 = arith.constant 0 : i32
      %dma_start3A_98 = tpu.memref_slice %arg14[%add3A_27, %dma_start3A_97] : memref<10000x128xf32, #tpu.memory_space<vmem_shared>> -> memref<125x128xf32, #tpu.memory_space<vmem_shared>>
      %dma_start3A_99 = arith.constant 0 : i32
      %dma_start3A_100 = arith.constant 0 : i32
      %dma_start3A_101 = tpu.memref_slice %arg11[%dma_start3A_99, %dma_start3A_100] : memref<128x128xf32, #tpu.memory_space<vmem>> -> memref<125x128xf32, #tpu.memory_space<vmem>>
      tpu.enqueue_dma source(%dma_start3A_101 : memref<125x128xf32, #tpu.memory_space<vmem>>) target(%dma_start3A_98 : memref<125x128xf32, #tpu.memory_space<vmem_shared>>) target_semaphore(%run_scoped3A : memref<!tpu.dma_semaphore, #tpu.memory_space<semaphore_mem>>)
      %dma_wait3A = arith.constant 0 : i32
      %dma_wait3A_102 = arith.constant 0 : i32
      %dma_wait3A_103 = tpu.memref_slice %arg11[%dma_wait3A, %dma_wait3A_102] : memref<128x128xf32, #tpu.memory_space<vmem>> -> memref<125x128xf32, #tpu.memory_space<vmem>>
      %dma_wait3A_104 = arith.constant 0 : i32
      %dma_wait3A_105 = tpu.memref_slice %arg14[%add3A_27, %dma_wait3A_104] : memref<10000x128xf32, #tpu.memory_space<vmem_shared>> -> memref<125x128xf32, #tpu.memory_space<vmem_shared>>
      %dma_wait3A_106 = arith.constant 0 : i32
      %dma_wait3A_107 = tpu.memref_slice %arg14[%add3A_27, %dma_wait3A_106] : memref<10000x128xf32, #tpu.memory_space<vmem_shared>> -> memref<125x128xf32, #tpu.memory_space<vmem_shared>>
      %dma_wait3A_108 = arith.constant 0 : i32
      %dma_wait3A_109 = arith.constant 0 : i32
      %dma_wait3A_110 = tpu.memref_slice %arg11[%dma_wait3A_108, %dma_wait3A_109] : memref<128x128xf32, #tpu.memory_space<vmem>> -> memref<125x128xf32, #tpu.memory_space<vmem>>
      tpu.wait_dma2 semaphore(%run_scoped3A : memref<!tpu.dma_semaphore, #tpu.memory_space<semaphore_mem>>) src(%dma_wait3A_110 : memref<125x128xf32, #tpu.memory_space<vmem>>) dst(%dma_wait3A_107 : memref<125x128xf32, #tpu.memory_space<vmem_shared>>)
      tpu.yield
    }) : () -> ()
    "tpu.region"() ({
      %run_scoped3A = tpu.sem_alloc : memref<!tpu.dma_semaphore, #tpu.memory_space<semaphore_mem>>
      %dma_start3A_92 = arith.constant 0 : i32
      %dma_start3A_93 = arith.constant 0 : i32
      %dma_start3A_94 = tpu.memref_slice %arg13[%dma_start3A_92, %dma_start3A_93] : memref<128x16xf32, #tpu.memory_space<vmem>> -> memref<125x16xf32, #tpu.memory_space<vmem>>
      %dma_start3A_95 = arith.constant 0 : i32
      %dma_start3A_96 = tpu.memref_slice %arg15[%add3A_27, %dma_start3A_95] : memref<10000x16xf32, #tpu.memory_space<vmem_shared>> -> memref<125x16xf32, #tpu.memory_space<vmem_shared>>
      %dma_start3A_97 = arith.constant 0 : i32
      %dma_start3A_98 = tpu.memref_slice %arg15[%add3A_27, %dma_start3A_97] : memref<10000x16xf32, #tpu.memory_space<vmem_shared>> -> memref<125x16xf32, #tpu.memory_space<vmem_shared>>
      %dma_start3A_99 = arith.constant 0 : i32
      %dma_start3A_100 = arith.constant 0 : i32
      %dma_start3A_101 = tpu.memref_slice %arg13[%dma_start3A_99, %dma_start3A_100] : memref<128x16xf32, #tpu.memory_space<vmem>> -> memref<125x16xf32, #tpu.memory_space<vmem>>
      tpu.enqueue_dma source(%dma_start3A_101 : memref<125x16xf32, #tpu.memory_space<vmem>>) target(%dma_start3A_98 : memref<125x16xf32, #tpu.memory_space<vmem_shared>>) target_semaphore(%run_scoped3A : memref<!tpu.dma_semaphore, #tpu.memory_space<semaphore_mem>>)
      %dma_wait3A = arith.constant 0 : i32
      %dma_wait3A_102 = arith.constant 0 : i32
      %dma_wait3A_103 = tpu.memref_slice %arg13[%dma_wait3A, %dma_wait3A_102] : memref<128x16xf32, #tpu.memory_space<vmem>> -> memref<125x16xf32, #tpu.memory_space<vmem>>
      %dma_wait3A_104 = arith.constant 0 : i32
      %dma_wait3A_105 = tpu.memref_slice %arg15[%add3A_27, %dma_wait3A_104] : memref<10000x16xf32, #tpu.memory_space<vmem_shared>> -> memref<125x16xf32, #tpu.memory_space<vmem_shared>>
      %dma_wait3A_106 = arith.constant 0 : i32
      %dma_wait3A_107 = tpu.memref_slice %arg15[%add3A_27, %dma_wait3A_106] : memref<10000x16xf32, #tpu.memory_space<vmem_shared>> -> memref<125x16xf32, #tpu.memory_space<vmem_shared>>
      %dma_wait3A_108 = arith.constant 0 : i32
      %dma_wait3A_109 = arith.constant 0 : i32
      %dma_wait3A_110 = tpu.memref_slice %arg13[%dma_wait3A_108, %dma_wait3A_109] : memref<128x16xf32, #tpu.memory_space<vmem>> -> memref<125x16xf32, #tpu.memory_space<vmem>>
      tpu.wait_dma2 semaphore(%run_scoped3A : memref<!tpu.dma_semaphore, #tpu.memory_space<semaphore_mem>>) src(%dma_wait3A_110 : memref<125x16xf32, #tpu.memory_space<vmem>>) dst(%dma_wait3A_107 : memref<125x16xf32, #tpu.memory_space<vmem_shared>>)
      tpu.yield
    }) : () -> ()
    %mul3A_28 = arith.constant 625 : i32
    %mul3A_29 = arith.muli %arg1, %mul3A_28 : i32
    %add3A_30 = arith.constant 500 : i32
    %add3A_31 = arith.addi %mul3A_29, %add3A_30 : i32
    "tpu.region"() ({
      %run_scoped3A = tpu.sem_alloc : memref<!tpu.dma_semaphore, #tpu.memory_space<semaphore_mem>>
      %dma_start3A_92 = arith.constant 0 : i32
      %dma_start3A_93 = arith.constant 0 : i32
      %dma_start3A_94 = tpu.memref_slice %arg11[%dma_start3A_92, %dma_start3A_93] : memref<128x128xf32, #tpu.memory_space<vmem>> -> memref<125x128xf32, #tpu.memory_space<vmem>>
      %dma_start3A_95 = arith.constant 0 : i32
      %dma_start3A_96 = tpu.memref_slice %arg14[%add3A_31, %dma_start3A_95] : memref<10000x128xf32, #tpu.memory_space<vmem_shared>> -> memref<125x128xf32, #tpu.memory_space<vmem_shared>>
      %dma_start3A_97 = arith.constant 0 : i32
      %dma_start3A_98 = tpu.memref_slice %arg14[%add3A_31, %dma_start3A_97] : memref<10000x128xf32, #tpu.memory_space<vmem_shared>> -> memref<125x128xf32, #tpu.memory_space<vmem_shared>>
      %dma_start3A_99 = arith.constant 0 : i32
      %dma_start3A_100 = arith.constant 0 : i32
      %dma_start3A_101 = tpu.memref_slice %arg11[%dma_start3A_99, %dma_start3A_100] : memref<128x128xf32, #tpu.memory_space<vmem>> -> memref<125x128xf32, #tpu.memory_space<vmem>>
      tpu.enqueue_dma source(%dma_start3A_101 : memref<125x128xf32, #tpu.memory_space<vmem>>) target(%dma_start3A_98 : memref<125x128xf32, #tpu.memory_space<vmem_shared>>) target_semaphore(%run_scoped3A : memref<!tpu.dma_semaphore, #tpu.memory_space<semaphore_mem>>)
      %dma_wait3A = arith.constant 0 : i32
      %dma_wait3A_102 = arith.constant 0 : i32
      %dma_wait3A_103 = tpu.memref_slice %arg11[%dma_wait3A, %dma_wait3A_102] : memref<128x128xf32, #tpu.memory_space<vmem>> -> memref<125x128xf32, #tpu.memory_space<vmem>>
      %dma_wait3A_104 = arith.constant 0 : i32
      %dma_wait3A_105 = tpu.memref_slice %arg14[%add3A_31, %dma_wait3A_104] : memref<10000x128xf32, #tpu.memory_space<vmem_shared>> -> memref<125x128xf32, #tpu.memory_space<vmem_shared>>
      %dma_wait3A_106 = arith.constant 0 : i32
      %dma_wait3A_107 = tpu.memref_slice %arg14[%add3A_31, %dma_wait3A_106] : memref<10000x128xf32, #tpu.memory_space<vmem_shared>> -> memref<125x128xf32, #tpu.memory_space<vmem_shared>>
      %dma_wait3A_108 = arith.constant 0 : i32
      %dma_wait3A_109 = arith.constant 0 : i32
      %dma_wait3A_110 = tpu.memref_slice %arg11[%dma_wait3A_108, %dma_wait3A_109] : memref<128x128xf32, #tpu.memory_space<vmem>> -> memref<125x128xf32, #tpu.memory_space<vmem>>
      tpu.wait_dma2 semaphore(%run_scoped3A : memref<!tpu.dma_semaphore, #tpu.memory_space<semaphore_mem>>) src(%dma_wait3A_110 : memref<125x128xf32, #tpu.memory_space<vmem>>) dst(%dma_wait3A_107 : memref<125x128xf32, #tpu.memory_space<vmem_shared>>)
      tpu.yield
    }) : () -> ()
    "tpu.region"() ({
      %run_scoped3A = tpu.sem_alloc : memref<!tpu.dma_semaphore, #tpu.memory_space<semaphore_mem>>
      %dma_start3A_92 = arith.constant 0 : i32
      %dma_start3A_93 = arith.constant 0 : i32
      %dma_start3A_94 = tpu.memref_slice %arg13[%dma_start3A_92, %dma_start3A_93] : memref<128x16xf32, #tpu.memory_space<vmem>> -> memref<125x16xf32, #tpu.memory_space<vmem>>
      %dma_start3A_95 = arith.constant 0 : i32
      %dma_start3A_96 = tpu.memref_slice %arg15[%add3A_31, %dma_start3A_95] : memref<10000x16xf32, #tpu.memory_space<vmem_shared>> -> memref<125x16xf32, #tpu.memory_space<vmem_shared>>
      %dma_start3A_97 = arith.constant 0 : i32
      %dma_start3A_98 = tpu.memref_slice %arg15[%add3A_31, %dma_start3A_97] : memref<10000x16xf32, #tpu.memory_space<vmem_shared>> -> memref<125x16xf32, #tpu.memory_space<vmem_shared>>
      %dma_start3A_99 = arith.constant 0 : i32
      %dma_start3A_100 = arith.constant 0 : i32
      %dma_start3A_101 = tpu.memref_slice %arg13[%dma_start3A_99, %dma_start3A_100] : memref<128x16xf32, #tpu.memory_space<vmem>> -> memref<125x16xf32, #tpu.memory_space<vmem>>
      tpu.enqueue_dma source(%dma_start3A_101 : memref<125x16xf32, #tpu.memory_space<vmem>>) target(%dma_start3A_98 : memref<125x16xf32, #tpu.memory_space<vmem_shared>>) target_semaphore(%run_scoped3A : memref<!tpu.dma_semaphore, #tpu.memory_space<semaphore_mem>>)
      %dma_wait3A = arith.constant 0 : i32
      %dma_wait3A_102 = arith.constant 0 : i32
      %dma_wait3A_103 = tpu.memref_slice %arg13[%dma_wait3A, %dma_wait3A_102] : memref<128x16xf32, #tpu.memory_space<vmem>> -> memref<125x16xf32, #tpu.memory_space<vmem>>
      %dma_wait3A_104 = arith.constant 0 : i32
      %dma_wait3A_105 = tpu.memref_slice %arg15[%add3A_31, %dma_wait3A_104] : memref<10000x16xf32, #tpu.memory_space<vmem_shared>> -> memref<125x16xf32, #tpu.memory_space<vmem_shared>>
      %dma_wait3A_106 = arith.constant 0 : i32
      %dma_wait3A_107 = tpu.memref_slice %arg15[%add3A_31, %dma_wait3A_106] : memref<10000x16xf32, #tpu.memory_space<vmem_shared>> -> memref<125x16xf32, #tpu.memory_space<vmem_shared>>
      %dma_wait3A_108 = arith.constant 0 : i32
      %dma_wait3A_109 = arith.constant 0 : i32
      %dma_wait3A_110 = tpu.memref_slice %arg13[%dma_wait3A_108, %dma_wait3A_109] : memref<128x16xf32, #tpu.memory_space<vmem>> -> memref<125x16xf32, #tpu.memory_space<vmem>>
      tpu.wait_dma2 semaphore(%run_scoped3A : memref<!tpu.dma_semaphore, #tpu.memory_space<semaphore_mem>>) src(%dma_wait3A_110 : memref<125x16xf32, #tpu.memory_space<vmem>>) dst(%dma_wait3A_107 : memref<125x16xf32, #tpu.memory_space<vmem_shared>>)
      tpu.yield
    }) : () -> ()
    %barrier3A = arith.constant 0 : index
    tpu.barrier barrier_id(%barrier3A)
    %broadcast_in_dim3A_32 = arith.constant 1.000000e+00 : f32
    %broadcast_in_dim3A_33 = vector.broadcast %broadcast_in_dim3A_32 : f32 to vector<16xf32>
    %parallel_loop3A_34 = arith.constant 0 : i32
    %parallel_loop3A_35 = arith.constant 128 : i32
    %parallel_loop3A_36 = arith.constant 1 : i32
    scf.for %parallel_loop3A_92 = %parallel_loop3A_34 to %parallel_loop3A_35 step %parallel_loop3A_36  : i32 {
      %parallel_loop3A_93 = arith.index_cast %parallel_loop3A_92 : i32 to index
      %parallel_loop3A_94 = arith.constant 0 : index
      %parallel_loop3A_95 = tpu.vector_load %arg13[%parallel_loop3A_93, %parallel_loop3A_94] {strides = array<i32>} : memref<128x16xf32, #tpu.memory_space<vmem>>, vector<1x16xf32>,
      %parallel_loop3A_96 = vector.shape_cast %parallel_loop3A_95 : vector<1x16xf32> to vector<16xf32>
      %parallel_loop3A_97 = vector.shape_cast %broadcast_in_dim3A_33 : vector<16xf32> to vector<1x16xf32>
      tpu.vector_store %arg13[%parallel_loop3A_93, %parallel_loop3A_94], %parallel_loop3A_97 {strides = array<i32>} : memref<128x16xf32, #tpu.memory_space<vmem>>, vector<1x16xf32>,
    } {sc.loop_unroll_factor = 1 : i64, sc.parallel_access}
    %add3A_37 = arith.constant 0 : i32
    %add3A_38 = arith.addi %add3A_4, %add3A_37 : i32
    %mul3A_39 = arith.constant 128 : i32
    %mul3A_40 = arith.muli %add3A_38, %mul3A_39 : i32
    "tpu.region"() ({
      %run_scoped3A = tpu.sem_alloc : memref<!tpu.dma_semaphore, #tpu.memory_space<semaphore_mem>>
      %dma_start3A_92 = tpu.memref_slice %arg3[%mul3A_40] : memref<320000xi32, #tpu.memory_space<hbm>> -> memref<128xi32, #tpu.memory_space<hbm>>
      %dma_start3A_93 = tpu.memref_slice %arg3[%mul3A_40] : memref<320000xi32, #tpu.memory_space<hbm>> -> memref<128xi32, #tpu.memory_space<hbm>>
      tpu.enqueue_dma source(%dma_start3A_93 : memref<128xi32, #tpu.memory_space<hbm>>) target(%arg7 : memref<128xi32, #tpu.memory_space<vmem>>) target_semaphore(%run_scoped3A : memref<!tpu.dma_semaphore, #tpu.memory_space<semaphore_mem>>)
      %dma_wait3A = tpu.memref_slice %arg3[%mul3A_40] : memref<320000xi32, #tpu.memory_space<hbm>> -> memref<128xi32, #tpu.memory_space<hbm>>
      %dma_wait3A_94 = tpu.memref_slice %arg3[%mul3A_40] : memref<320000xi32, #tpu.memory_space<hbm>> -> memref<128xi32, #tpu.memory_space<hbm>>
      tpu.wait_dma2 semaphore(%run_scoped3A : memref<!tpu.dma_semaphore, #tpu.memory_space<semaphore_mem>>) src(%dma_wait3A_94 : memref<128xi32, #tpu.memory_space<hbm>>) dst(%arg7 : memref<128xi32, #tpu.memory_space<vmem>>)
      tpu.yield
    }) : () -> ()
    %add3A_41 = arith.constant 0 : i32
    %add3A_42 = arith.addi %add3A_4, %add3A_41 : i32
    %mul3A_43 = arith.constant 128 : i32
    %mul3A_44 = arith.muli %add3A_42, %mul3A_43 : i32
    "tpu.region"() ({
      %run_scoped3A = tpu.sem_alloc : memref<!tpu.dma_semaphore, #tpu.memory_space<semaphore_mem>>
      %dma_start3A_92 = tpu.memref_slice %arg4[%mul3A_44] : memref<320000xi32, #tpu.memory_space<hbm>> -> memref<128xi32, #tpu.memory_space<hbm>>
      %dma_start3A_93 = tpu.memref_slice %arg4[%mul3A_44] : memref<320000xi32, #tpu.memory_space<hbm>> -> memref<128xi32, #tpu.memory_space<hbm>>
      tpu.enqueue_dma source(%dma_start3A_93 : memref<128xi32, #tpu.memory_space<hbm>>) target(%arg9 : memref<128xi32, #tpu.memory_space<vmem>>) target_semaphore(%run_scoped3A : memref<!tpu.dma_semaphore, #tpu.memory_space<semaphore_mem>>)
      %dma_wait3A = tpu.memref_slice %arg4[%mul3A_44] : memref<320000xi32, #tpu.memory_space<hbm>> -> memref<128xi32, #tpu.memory_space<hbm>>
      %dma_wait3A_94 = tpu.memref_slice %arg4[%mul3A_44] : memref<320000xi32, #tpu.memory_space<hbm>> -> memref<128xi32, #tpu.memory_space<hbm>>
      tpu.wait_dma2 semaphore(%run_scoped3A : memref<!tpu.dma_semaphore, #tpu.memory_space<semaphore_mem>>) src(%dma_wait3A_94 : memref<128xi32, #tpu.memory_space<hbm>>) dst(%arg9 : memref<128xi32, #tpu.memory_space<vmem>>)
      tpu.yield
    }) : () -> ()
    %dma_start3A = arith.constant 0 : i32
    %dma_start3A_45 = arith.constant 0 : i32
    %dma_start3A_46 = tpu.memref_slice %arg2[%dma_start3A, %dma_start3A_45] : memref<10000x128xf32, #tpu.memory_space<hbm>> -> memref<10000x128xf32, #tpu.memory_space<hbm>>
    tpu.enqueue_indirect_dma source(%dma_start3A_46 : memref<10000x128xf32, #tpu.memory_space<hbm>>) target(%arg11 : memref<128x128xf32, #tpu.memory_space<vmem>>) offsets(%arg7 : memref<128xi32, #tpu.memory_space<vmem>>) semaphore(%arg16 : memref<!tpu.dma_semaphore, #tpu.memory_space<semaphore_mem>>)
    %while3A = arith.constant 0 : i32
    %while3A_47 = arith.constant 0 : i32
    %while3A_48 = arith.subi %add3A_8, %while3A_47 : i32
    %while3A_49 = arith.addi %while3A_47, %while3A_48 : i32
    %while3A_50 = arith.constant 1 : i32
    %while3A_51 = arith.divsi %while3A_48, %while3A_50 : i32
    %while3A_52 = arith.muli %while3A_51, %while3A_50 : i32
    %while3A_53 = arith.addi %while3A_47, %while3A_52 : i32
    %while3A_54 = arith.constant 1 : i32
    scf.for %while3A_92 = %while3A_47 to %while3A_53 step %while3A_54  : i32 {
      %jit3A_93 = arith.constant 2 : i32
      %eq3A = arith.constant 0 : i32
      %eq3A_94 = arith.cmpi eq, %jit3A_93, %eq3A : i32
      %jit3A_95 = arith.constant 1 : i32
      %select_n3A_96 = arith.select %eq3A_94, %jit3A_95, %jit3A_93 : i32
      %rem3A = arith.remsi %while3A_92, %select_n3A_96 : i32
      %ne3A = arith.constant 0 : i32
      %ne3A_97 = arith.cmpi ne, %rem3A, %ne3A : i32
      %lt3A_98 = arith.constant 0 : i32
      %lt3A_99 = arith.cmpi slt, %rem3A, %lt3A_98 : i32
      %lt3A_100 = arith.constant 0 : i32
      %lt3A_101 = arith.cmpi slt, %select_n3A_96, %lt3A_100 : i32
      %ne3A_102 = arith.xori %lt3A_99, %lt3A_101 : i1
      %and3A = arith.andi %ne3A_102, %ne3A_97 : i1
      %add3A_103 = arith.addi %rem3A, %select_n3A_96 : i32
      %select_n3A_104 = arith.select %and3A, %add3A_103, %rem3A : i32
      %eq3A_105 = arith.constant 0 : i32
      %eq3A_106 = arith.cmpi eq, %select_n3A_104, %eq3A_105 : i32
      %convert_element_type3A = arith.extui %eq3A_106 : i1 to i32
      %cond3A = arith.constant 0 : i32
      %cond3A_107 = arith.cmpi ne, %convert_element_type3A, %cond3A : i32
      scf.if %cond3A_107 {
        %dma_wait3A = arith.constant 0 : i32
        %dma_wait3A_129 = arith.constant 0 : i32
        %dma_wait3A_130 = tpu.memref_slice %arg2[%dma_wait3A, %dma_wait3A_129] : memref<10000x128xf32, #tpu.memory_space<hbm>> -> memref<10000x128xf32, #tpu.memory_space<hbm>>
        tpu.wait_indirect_dma semaphore(%arg16 : memref<!tpu.dma_semaphore, #tpu.memory_space<semaphore_mem>>) src(%dma_wait3A_130 : memref<10000x128xf32, #tpu.memory_space<hbm>>) dst(%arg11 : memref<128x128xf32, #tpu.memory_space<vmem>>)
        %add3A_131 = arith.constant 1 : i32
        %add3A_132 = arith.addi %while3A_92, %add3A_131 : i32
        %lt3A_133 = arith.cmpi slt, %add3A_132, %add3A_8 : i32
        %convert_element_type3A_134 = arith.extui %lt3A_133 : i1 to i32
        %cond3A_135 = arith.constant 0 : i32
        %cond3A_136 = arith.cmpi ne, %convert_element_type3A_134, %cond3A_135 : i32
        scf.if %cond3A_136 {
          %add3A_137 = arith.constant 1 : i32
          %add3A_138 = arith.addi %while3A_92, %add3A_137 : i32
          %add3A_139 = arith.addi %add3A_4, %add3A_138 : i32
          %mul3A_140 = arith.constant 128 : i32
          %mul3A_141 = arith.muli %add3A_139, %mul3A_140 : i32
          "tpu.region"() ({
            %run_scoped3A = tpu.sem_alloc : memref<!tpu.dma_semaphore, #tpu.memory_space<semaphore_mem>>
            %dma_start3A_150 = tpu.memref_slice %arg3[%mul3A_141] : memref<320000xi32, #tpu.memory_space<hbm>> -> memref<128xi32, #tpu.memory_space<hbm>>
            %dma_start3A_151 = tpu.memref_slice %arg3[%mul3A_141] : memref<320000xi32, #tpu.memory_space<hbm>> -> memref<128xi32, #tpu.memory_space<hbm>>
            tpu.enqueue_dma source(%dma_start3A_151 : memref<128xi32, #tpu.memory_space<hbm>>) target(%arg8 : memref<128xi32, #tpu.memory_space<vmem>>) target_semaphore(%run_scoped3A : memref<!tpu.dma_semaphore, #tpu.memory_space<semaphore_mem>>)
            %dma_wait3A_152 = tpu.memref_slice %arg3[%mul3A_141] : memref<320000xi32, #tpu.memory_space<hbm>> -> memref<128xi32, #tpu.memory_space<hbm>>
            %dma_wait3A_153 = tpu.memref_slice %arg3[%mul3A_141] : memref<320000xi32, #tpu.memory_space<hbm>> -> memref<128xi32, #tpu.memory_space<hbm>>
            tpu.wait_dma2 semaphore(%run_scoped3A : memref<!tpu.dma_semaphore, #tpu.memory_space<semaphore_mem>>) src(%dma_wait3A_153 : memref<128xi32, #tpu.memory_space<hbm>>) dst(%arg8 : memref<128xi32, #tpu.memory_space<vmem>>)
            tpu.yield
          }) : () -> ()
          %add3A_142 = arith.addi %add3A_4, %add3A_138 : i32
          %mul3A_143 = arith.constant 128 : i32
          %mul3A_144 = arith.muli %add3A_142, %mul3A_143 : i32
          "tpu.region"() ({
            %run_scoped3A = tpu.sem_alloc : memref<!tpu.dma_semaphore, #tpu.memory_space<semaphore_mem>>
            %dma_start3A_150 = tpu.memref_slice %arg4[%mul3A_144] : memref<320000xi32, #tpu.memory_space<hbm>> -> memref<128xi32, #tpu.memory_space<hbm>>
            %dma_start3A_151 = tpu.memref_slice %arg4[%mul3A_144] : memref<320000xi32, #tpu.memory_space<hbm>> -> memref<128xi32, #tpu.memory_space<hbm>>
            tpu.enqueue_dma source(%dma_start3A_151 : memref<128xi32, #tpu.memory_space<hbm>>) target(%arg10 : memref<128xi32, #tpu.memory_space<vmem>>) target_semaphore(%run_scoped3A : memref<!tpu.dma_semaphore, #tpu.memory_space<semaphore_mem>>)
            %dma_wait3A_152 = tpu.memref_slice %arg4[%mul3A_144] : memref<320000xi32, #tpu.memory_space<hbm>> -> memref<128xi32, #tpu.memory_space<hbm>>
            %dma_wait3A_153 = tpu.memref_slice %arg4[%mul3A_144] : memref<320000xi32, #tpu.memory_space<hbm>> -> memref<128xi32, #tpu.memory_space<hbm>>
            tpu.wait_dma2 semaphore(%run_scoped3A : memref<!tpu.dma_semaphore, #tpu.memory_space<semaphore_mem>>) src(%dma_wait3A_153 : memref<128xi32, #tpu.memory_space<hbm>>) dst(%arg10 : memref<128xi32, #tpu.memory_space<vmem>>)
            tpu.yield
          }) : () -> ()
          %add3A_145 = arith.constant 1 : i32
          %add3A_146 = arith.addi %while3A_92, %add3A_145 : i32
          %dma_start3A_147 = arith.constant 0 : i32
          %dma_start3A_148 = arith.constant 0 : i32
          %dma_start3A_149 = tpu.memref_slice %arg2[%dma_start3A_147, %dma_start3A_148] : memref<10000x128xf32, #tpu.memory_space<hbm>> -> memref<10000x128xf32, #tpu.memory_space<hbm>>
          tpu.enqueue_indirect_dma source(%dma_start3A_149 : memref<10000x128xf32, #tpu.memory_space<hbm>>) target(%arg12 : memref<128x128xf32, #tpu.memory_space<vmem>>) offsets(%arg8 : memref<128xi32, #tpu.memory_space<vmem>>) semaphore(%arg17 : memref<!tpu.dma_semaphore, #tpu.memory_space<semaphore_mem>>)
        } else {
        }
        "tpu.region"() ({
          %run_scoped3A = tpu.sem_alloc : memref<!tpu.dma_semaphore, #tpu.memory_space<semaphore_mem>>
          %dma_start3A_137 = arith.constant 0 : i32
          %dma_start3A_138 = arith.constant 0 : i32
          %dma_start3A_139 = tpu.memref_slice %arg14[%dma_start3A_137, %dma_start3A_138] : memref<10000x128xf32, #tpu.memory_space<vmem_shared>> -> memref<10000x128xf32, #tpu.memory_space<vmem_shared>>
          tpu.enqueue_indirect_dma source(%arg11 : memref<128x128xf32, #tpu.memory_space<vmem>>) target(%dma_start3A_139 : memref<10000x128xf32, #tpu.memory_space<vmem_shared>>) offsets(%arg9 : memref<128xi32, #tpu.memory_space<vmem>>) semaphore(%run_scoped3A : memref<!tpu.dma_semaphore, #tpu.memory_space<semaphore_mem>>) {add = true}
          %dma_wait3A_140 = arith.constant 0 : i32
          %dma_wait3A_141 = arith.constant 0 : i32
          %dma_wait3A_142 = tpu.memref_slice %arg14[%dma_wait3A_140, %dma_wait3A_141] : memref<10000x128xf32, #tpu.memory_space<vmem_shared>> -> memref<10000x128xf32, #tpu.memory_space<vmem_shared>>
          tpu.wait_indirect_dma semaphore(%run_scoped3A : memref<!tpu.dma_semaphore, #tpu.memory_space<semaphore_mem>>) src(%arg11 : memref<128x128xf32, #tpu.memory_space<vmem>>) dst(%dma_wait3A_142 : memref<10000x128xf32, #tpu.memory_space<vmem_shared>>)
          tpu.yield
        }) : () -> ()
        "tpu.region"() ({
          %run_scoped3A = tpu.sem_alloc : memref<!tpu.dma_semaphore, #tpu.memory_space<semaphore_mem>>
          %dma_start3A_137 = arith.constant 0 : i32
          %dma_start3A_138 = arith.constant 0 : i32
          %dma_start3A_139 = tpu.memref_slice %arg15[%dma_start3A_137, %dma_start3A_138] : memref<10000x16xf32, #tpu.memory_space<vmem_shared>> -> memref<10000x16xf32, #tpu.memory_space<vmem_shared>>
          tpu.enqueue_indirect_dma source(%arg13 : memref<128x16xf32, #tpu.memory_space<vmem>>) target(%dma_start3A_139 : memref<10000x16xf32, #tpu.memory_space<vmem_shared>>) offsets(%arg9 : memref<128xi32, #tpu.memory_space<vmem>>) semaphore(%run_scoped3A : memref<!tpu.dma_semaphore, #tpu.memory_space<semaphore_mem>>) {add = true}
          %dma_wait3A_140 = arith.constant 0 : i32
          %dma_wait3A_141 = arith.constant 0 : i32
          %dma_wait3A_142 = tpu.memref_slice %arg15[%dma_wait3A_140, %dma_wait3A_141] : memref<10000x16xf32, #tpu.memory_space<vmem_shared>> -> memref<10000x16xf32, #tpu.memory_space<vmem_shared>>
          tpu.wait_indirect_dma semaphore(%run_scoped3A : memref<!tpu.dma_semaphore, #tpu.memory_space<semaphore_mem>>) src(%arg13 : memref<128x16xf32, #tpu.memory_space<vmem>>) dst(%dma_wait3A_142 : memref<10000x16xf32, #tpu.memory_space<vmem_shared>>)
          tpu.yield
        }) : () -> ()
      } else {
      }
      %jit3A_108 = arith.constant 2 : i32
      %eq3A_109 = arith.constant 0 : i32
      %eq3A_110 = arith.cmpi eq, %jit3A_108, %eq3A_109 : i32
      %jit3A_111 = arith.constant 1 : i32
      %select_n3A_112 = arith.select %eq3A_110, %jit3A_111, %jit3A_108 : i32
      %rem3A_113 = arith.remsi %while3A_92, %select_n3A_112 : i32
      %ne3A_114 = arith.constant 0 : i32
      %ne3A_115 = arith.cmpi ne, %rem3A_113, %ne3A_114 : i32
      %lt3A_116 = arith.constant 0 : i32
      %lt3A_117 = arith.cmpi slt, %rem3A_113, %lt3A_116 : i32
      %lt3A_118 = arith.constant 0 : i32
      %lt3A_119 = arith.cmpi slt, %select_n3A_112, %lt3A_118 : i32
      %ne3A_120 = arith.xori %lt3A_117, %lt3A_119 : i1
      %and3A_121 = arith.andi %ne3A_120, %ne3A_115 : i1
      %add3A_122 = arith.addi %rem3A_113, %select_n3A_112 : i32
      %select_n3A_123 = arith.select %and3A_121, %add3A_122, %rem3A_113 : i32
      %eq3A_124 = arith.constant 1 : i32
      %eq3A_125 = arith.cmpi eq, %select_n3A_123, %eq3A_124 : i32
      %convert_element_type3A_126 = arith.extui %eq3A_125 : i1 to i32
      %cond3A_127 = arith.constant 0 : i32
      %cond3A_128 = arith.cmpi ne, %convert_element_type3A_126, %cond3A_127 : i32
      scf.if %cond3A_128 {
        %dma_wait3A = arith.constant 0 : i32
        %dma_wait3A_129 = arith.constant 0 : i32
        %dma_wait3A_130 = tpu.memref_slice %arg2[%dma_wait3A, %dma_wait3A_129] : memref<10000x128xf32, #tpu.memory_space<hbm>> -> memref<10000x128xf32, #tpu.memory_space<hbm>>
        tpu.wait_indirect_dma semaphore(%arg17 : memref<!tpu.dma_semaphore, #tpu.memory_space<semaphore_mem>>) src(%dma_wait3A_130 : memref<10000x128xf32, #tpu.memory_space<hbm>>) dst(%arg12 : memref<128x128xf32, #tpu.memory_space<vmem>>)
        %add3A_131 = arith.constant 1 : i32
        %add3A_132 = arith.addi %while3A_92, %add3A_131 : i32
        %lt3A_133 = arith.cmpi slt, %add3A_132, %add3A_8 : i32
        %convert_element_type3A_134 = arith.extui %lt3A_133 : i1 to i32
        %cond3A_135 = arith.constant 0 : i32
        %cond3A_136 = arith.cmpi ne, %convert_element_type3A_134, %cond3A_135 : i32
        scf.if %cond3A_136 {
          %add3A_137 = arith.constant 1 : i32
          %add3A_138 = arith.addi %while3A_92, %add3A_137 : i32
          %add3A_139 = arith.addi %add3A_4, %add3A_138 : i32
          %mul3A_140 = arith.constant 128 : i32
          %mul3A_141 = arith.muli %add3A_139, %mul3A_140 : i32
          "tpu.region"() ({
            %run_scoped3A = tpu.sem_alloc : memref<!tpu.dma_semaphore, #tpu.memory_space<semaphore_mem>>
            %dma_start3A_150 = tpu.memref_slice %arg3[%mul3A_141] : memref<320000xi32, #tpu.memory_space<hbm>> -> memref<128xi32, #tpu.memory_space<hbm>>
            %dma_start3A_151 = tpu.memref_slice %arg3[%mul3A_141] : memref<320000xi32, #tpu.memory_space<hbm>> -> memref<128xi32, #tpu.memory_space<hbm>>
            tpu.enqueue_dma source(%dma_start3A_151 : memref<128xi32, #tpu.memory_space<hbm>>) target(%arg7 : memref<128xi32, #tpu.memory_space<vmem>>) target_semaphore(%run_scoped3A : memref<!tpu.dma_semaphore, #tpu.memory_space<semaphore_mem>>)
            %dma_wait3A_152 = tpu.memref_slice %arg3[%mul3A_141] : memref<320000xi32, #tpu.memory_space<hbm>> -> memref<128xi32, #tpu.memory_space<hbm>>
            %dma_wait3A_153 = tpu.memref_slice %arg3[%mul3A_141] : memref<320000xi32, #tpu.memory_space<hbm>> -> memref<128xi32, #tpu.memory_space<hbm>>
            tpu.wait_dma2 semaphore(%run_scoped3A : memref<!tpu.dma_semaphore, #tpu.memory_space<semaphore_mem>>) src(%dma_wait3A_153 : memref<128xi32, #tpu.memory_space<hbm>>) dst(%arg7 : memref<128xi32, #tpu.memory_space<vmem>>)
            tpu.yield
          }) : () -> ()
          %add3A_142 = arith.addi %add3A_4, %add3A_138 : i32
          %mul3A_143 = arith.constant 128 : i32
          %mul3A_144 = arith.muli %add3A_142, %mul3A_143 : i32
          "tpu.region"() ({
            %run_scoped3A = tpu.sem_alloc : memref<!tpu.dma_semaphore, #tpu.memory_space<semaphore_mem>>
            %dma_start3A_150 = tpu.memref_slice %arg4[%mul3A_144] : memref<320000xi32, #tpu.memory_space<hbm>> -> memref<128xi32, #tpu.memory_space<hbm>>
            %dma_start3A_151 = tpu.memref_slice %arg4[%mul3A_144] : memref<320000xi32, #tpu.memory_space<hbm>> -> memref<128xi32, #tpu.memory_space<hbm>>
            tpu.enqueue_dma source(%dma_start3A_151 : memref<128xi32, #tpu.memory_space<hbm>>) target(%arg9 : memref<128xi32, #tpu.memory_space<vmem>>) target_semaphore(%run_scoped3A : memref<!tpu.dma_semaphore, #tpu.memory_space<semaphore_mem>>)
            %dma_wait3A_152 = tpu.memref_slice %arg4[%mul3A_144] : memref<320000xi32, #tpu.memory_space<hbm>> -> memref<128xi32, #tpu.memory_space<hbm>>
            %dma_wait3A_153 = tpu.memref_slice %arg4[%mul3A_144] : memref<320000xi32, #tpu.memory_space<hbm>> -> memref<128xi32, #tpu.memory_space<hbm>>
            tpu.wait_dma2 semaphore(%run_scoped3A : memref<!tpu.dma_semaphore, #tpu.memory_space<semaphore_mem>>) src(%dma_wait3A_153 : memref<128xi32, #tpu.memory_space<hbm>>) dst(%arg9 : memref<128xi32, #tpu.memory_space<vmem>>)
            tpu.yield
          }) : () -> ()
          %add3A_145 = arith.constant 1 : i32
          %add3A_146 = arith.addi %while3A_92, %add3A_145 : i32
          %dma_start3A_147 = arith.constant 0 : i32
          %dma_start3A_148 = arith.constant 0 : i32
          %dma_start3A_149 = tpu.memref_slice %arg2[%dma_start3A_147, %dma_start3A_148] : memref<10000x128xf32, #tpu.memory_space<hbm>> -> memref<10000x128xf32, #tpu.memory_space<hbm>>
          tpu.enqueue_indirect_dma source(%dma_start3A_149 : memref<10000x128xf32, #tpu.memory_space<hbm>>) target(%arg11 : memref<128x128xf32, #tpu.memory_space<vmem>>) offsets(%arg7 : memref<128xi32, #tpu.memory_space<vmem>>) semaphore(%arg16 : memref<!tpu.dma_semaphore, #tpu.memory_space<semaphore_mem>>)
        } else {
        }
        "tpu.region"() ({
          %run_scoped3A = tpu.sem_alloc : memref<!tpu.dma_semaphore, #tpu.memory_space<semaphore_mem>>
          %dma_start3A_137 = arith.constant 0 : i32
          %dma_start3A_138 = arith.constant 0 : i32
          %dma_start3A_139 = tpu.memref_slice %arg14[%dma_start3A_137, %dma_start3A_138] : memref<10000x128xf32, #tpu.memory_space<vmem_shared>> -> memref<10000x128xf32, #tpu.memory_space<vmem_shared>>
          tpu.enqueue_indirect_dma source(%arg12 : memref<128x128xf32, #tpu.memory_space<vmem>>) target(%dma_start3A_139 : memref<10000x128xf32, #tpu.memory_space<vmem_shared>>) offsets(%arg10 : memref<128xi32, #tpu.memory_space<vmem>>) semaphore(%run_scoped3A : memref<!tpu.dma_semaphore, #tpu.memory_space<semaphore_mem>>) {add = true}
          %dma_wait3A_140 = arith.constant 0 : i32
          %dma_wait3A_141 = arith.constant 0 : i32
          %dma_wait3A_142 = tpu.memref_slice %arg14[%dma_wait3A_140, %dma_wait3A_141] : memref<10000x128xf32, #tpu.memory_space<vmem_shared>> -> memref<10000x128xf32, #tpu.memory_space<vmem_shared>>
          tpu.wait_indirect_dma semaphore(%run_scoped3A : memref<!tpu.dma_semaphore, #tpu.memory_space<semaphore_mem>>) src(%arg12 : memref<128x128xf32, #tpu.memory_space<vmem>>) dst(%dma_wait3A_142 : memref<10000x128xf32, #tpu.memory_space<vmem_shared>>)
          tpu.yield
        }) : () -> ()
        "tpu.region"() ({
          %run_scoped3A = tpu.sem_alloc : memref<!tpu.dma_semaphore, #tpu.memory_space<semaphore_mem>>
          %dma_start3A_137 = arith.constant 0 : i32
          %dma_start3A_138 = arith.constant 0 : i32
          %dma_start3A_139 = tpu.memref_slice %arg15[%dma_start3A_137, %dma_start3A_138] : memref<10000x16xf32, #tpu.memory_space<vmem_shared>> -> memref<10000x16xf32, #tpu.memory_space<vmem_shared>>
          tpu.enqueue_indirect_dma source(%arg13 : memref<128x16xf32, #tpu.memory_space<vmem>>) target(%dma_start3A_139 : memref<10000x16xf32, #tpu.memory_space<vmem_shared>>) offsets(%arg10 : memref<128xi32, #tpu.memory_space<vmem>>) semaphore(%run_scoped3A : memref<!tpu.dma_semaphore, #tpu.memory_space<semaphore_mem>>) {add = true}
          %dma_wait3A_140 = arith.constant 0 : i32
          %dma_wait3A_141 = arith.constant 0 : i32
          %dma_wait3A_142 = tpu.memref_slice %arg15[%dma_wait3A_140, %dma_wait3A_141] : memref<10000x16xf32, #tpu.memory_space<vmem_shared>> -> memref<10000x16xf32, #tpu.memory_space<vmem_shared>>
          tpu.wait_indirect_dma semaphore(%run_scoped3A : memref<!tpu.dma_semaphore, #tpu.memory_space<semaphore_mem>>) src(%arg13 : memref<128x16xf32, #tpu.memory_space<vmem>>) dst(%dma_wait3A_142 : memref<10000x16xf32, #tpu.memory_space<vmem_shared>>)
          tpu.yield
        }) : () -> ()
      } else {
      }
    }
    %while3A_55 = arith.constant 1 : i32
    scf.for %while3A_92 = %while3A_53 to %while3A_49 step %while3A_55  : i32 {
      %jit3A_93 = arith.constant 2 : i32
      %eq3A = arith.constant 0 : i32
      %eq3A_94 = arith.cmpi eq, %jit3A_93, %eq3A : i32
      %jit3A_95 = arith.constant 1 : i32
      %select_n3A_96 = arith.select %eq3A_94, %jit3A_95, %jit3A_93 : i32
      %rem3A = arith.remsi %while3A_92, %select_n3A_96 : i32
      %ne3A = arith.constant 0 : i32
      %ne3A_97 = arith.cmpi ne, %rem3A, %ne3A : i32
      %lt3A_98 = arith.constant 0 : i32
      %lt3A_99 = arith.cmpi slt, %rem3A, %lt3A_98 : i32
      %lt3A_100 = arith.constant 0 : i32
      %lt3A_101 = arith.cmpi slt, %select_n3A_96, %lt3A_100 : i32
      %ne3A_102 = arith.xori %lt3A_99, %lt3A_101 : i1
      %and3A = arith.andi %ne3A_102, %ne3A_97 : i1
      %add3A_103 = arith.addi %rem3A, %select_n3A_96 : i32
      %select_n3A_104 = arith.select %and3A, %add3A_103, %rem3A : i32
      %eq3A_105 = arith.constant 0 : i32
      %eq3A_106 = arith.cmpi eq, %select_n3A_104, %eq3A_105 : i32
      %convert_element_type3A = arith.extui %eq3A_106 : i1 to i32
      %cond3A = arith.constant 0 : i32
      %cond3A_107 = arith.cmpi ne, %convert_element_type3A, %cond3A : i32
      scf.if %cond3A_107 {
        %dma_wait3A = arith.constant 0 : i32
        %dma_wait3A_129 = arith.constant 0 : i32
        %dma_wait3A_130 = tpu.memref_slice %arg2[%dma_wait3A, %dma_wait3A_129] : memref<10000x128xf32, #tpu.memory_space<hbm>> -> memref<10000x128xf32, #tpu.memory_space<hbm>>
        tpu.wait_indirect_dma semaphore(%arg16 : memref<!tpu.dma_semaphore, #tpu.memory_space<semaphore_mem>>) src(%dma_wait3A_130 : memref<10000x128xf32, #tpu.memory_space<hbm>>) dst(%arg11 : memref<128x128xf32, #tpu.memory_space<vmem>>)
        %add3A_131 = arith.constant 1 : i32
        %add3A_132 = arith.addi %while3A_92, %add3A_131 : i32
        %lt3A_133 = arith.cmpi slt, %add3A_132, %add3A_8 : i32
        %convert_element_type3A_134 = arith.extui %lt3A_133 : i1 to i32
        %cond3A_135 = arith.constant 0 : i32
        %cond3A_136 = arith.cmpi ne, %convert_element_type3A_134, %cond3A_135 : i32
        scf.if %cond3A_136 {
          %add3A_137 = arith.constant 1 : i32
          %add3A_138 = arith.addi %while3A_92, %add3A_137 : i32
          %add3A_139 = arith.addi %add3A_4, %add3A_138 : i32
          %mul3A_140 = arith.constant 128 : i32
          %mul3A_141 = arith.muli %add3A_139, %mul3A_140 : i32
          "tpu.region"() ({
            %run_scoped3A = tpu.sem_alloc : memref<!tpu.dma_semaphore, #tpu.memory_space<semaphore_mem>>
            %dma_start3A_150 = tpu.memref_slice %arg3[%mul3A_141] : memref<320000xi32, #tpu.memory_space<hbm>> -> memref<128xi32, #tpu.memory_space<hbm>>
            %dma_start3A_151 = tpu.memref_slice %arg3[%mul3A_141] : memref<320000xi32, #tpu.memory_space<hbm>> -> memref<128xi32, #tpu.memory_space<hbm>>
            tpu.enqueue_dma source(%dma_start3A_151 : memref<128xi32, #tpu.memory_space<hbm>>) target(%arg8 : memref<128xi32, #tpu.memory_space<vmem>>) target_semaphore(%run_scoped3A : memref<!tpu.dma_semaphore, #tpu.memory_space<semaphore_mem>>)
            %dma_wait3A_152 = tpu.memref_slice %arg3[%mul3A_141] : memref<320000xi32, #tpu.memory_space<hbm>> -> memref<128xi32, #tpu.memory_space<hbm>>
            %dma_wait3A_153 = tpu.memref_slice %arg3[%mul3A_141] : memref<320000xi32, #tpu.memory_space<hbm>> -> memref<128xi32, #tpu.memory_space<hbm>>
            tpu.wait_dma2 semaphore(%run_scoped3A : memref<!tpu.dma_semaphore, #tpu.memory_space<semaphore_mem>>) src(%dma_wait3A_153 : memref<128xi32, #tpu.memory_space<hbm>>) dst(%arg8 : memref<128xi32, #tpu.memory_space<vmem>>)
            tpu.yield
          }) : () -> ()
          %add3A_142 = arith.addi %add3A_4, %add3A_138 : i32
          %mul3A_143 = arith.constant 128 : i32
          %mul3A_144 = arith.muli %add3A_142, %mul3A_143 : i32
          "tpu.region"() ({
            %run_scoped3A = tpu.sem_alloc : memref<!tpu.dma_semaphore, #tpu.memory_space<semaphore_mem>>
            %dma_start3A_150 = tpu.memref_slice %arg4[%mul3A_144] : memref<320000xi32, #tpu.memory_space<hbm>> -> memref<128xi32, #tpu.memory_space<hbm>>
            %dma_start3A_151 = tpu.memref_slice %arg4[%mul3A_144] : memref<320000xi32, #tpu.memory_space<hbm>> -> memref<128xi32, #tpu.memory_space<hbm>>
            tpu.enqueue_dma source(%dma_start3A_151 : memref<128xi32, #tpu.memory_space<hbm>>) target(%arg10 : memref<128xi32, #tpu.memory_space<vmem>>) target_semaphore(%run_scoped3A : memref<!tpu.dma_semaphore, #tpu.memory_space<semaphore_mem>>)
            %dma_wait3A_152 = tpu.memref_slice %arg4[%mul3A_144] : memref<320000xi32, #tpu.memory_space<hbm>> -> memref<128xi32, #tpu.memory_space<hbm>>
            %dma_wait3A_153 = tpu.memref_slice %arg4[%mul3A_144] : memref<320000xi32, #tpu.memory_space<hbm>> -> memref<128xi32, #tpu.memory_space<hbm>>
            tpu.wait_dma2 semaphore(%run_scoped3A : memref<!tpu.dma_semaphore, #tpu.memory_space<semaphore_mem>>) src(%dma_wait3A_153 : memref<128xi32, #tpu.memory_space<hbm>>) dst(%arg10 : memref<128xi32, #tpu.memory_space<vmem>>)
            tpu.yield
          }) : () -> ()
          %add3A_145 = arith.constant 1 : i32
          %add3A_146 = arith.addi %while3A_92, %add3A_145 : i32
          %dma_start3A_147 = arith.constant 0 : i32
          %dma_start3A_148 = arith.constant 0 : i32
          %dma_start3A_149 = tpu.memref_slice %arg2[%dma_start3A_147, %dma_start3A_148] : memref<10000x128xf32, #tpu.memory_space<hbm>> -> memref<10000x128xf32, #tpu.memory_space<hbm>>
          tpu.enqueue_indirect_dma source(%dma_start3A_149 : memref<10000x128xf32, #tpu.memory_space<hbm>>) target(%arg12 : memref<128x128xf32, #tpu.memory_space<vmem>>) offsets(%arg8 : memref<128xi32, #tpu.memory_space<vmem>>) semaphore(%arg17 : memref<!tpu.dma_semaphore, #tpu.memory_space<semaphore_mem>>)
        } else {
        }
        "tpu.region"() ({
          %run_scoped3A = tpu.sem_alloc : memref<!tpu.dma_semaphore, #tpu.memory_space<semaphore_mem>>
          %dma_start3A_137 = arith.constant 0 : i32
          %dma_start3A_138 = arith.constant 0 : i32
          %dma_start3A_139 = tpu.memref_slice %arg14[%dma_start3A_137, %dma_start3A_138] : memref<10000x128xf32, #tpu.memory_space<vmem_shared>> -> memref<10000x128xf32, #tpu.memory_space<vmem_shared>>
          tpu.enqueue_indirect_dma source(%arg11 : memref<128x128xf32, #tpu.memory_space<vmem>>) target(%dma_start3A_139 : memref<10000x128xf32, #tpu.memory_space<vmem_shared>>) offsets(%arg9 : memref<128xi32, #tpu.memory_space<vmem>>) semaphore(%run_scoped3A : memref<!tpu.dma_semaphore, #tpu.memory_space<semaphore_mem>>) {add = true}
          %dma_wait3A_140 = arith.constant 0 : i32
          %dma_wait3A_141 = arith.constant 0 : i32
          %dma_wait3A_142 = tpu.memref_slice %arg14[%dma_wait3A_140, %dma_wait3A_141] : memref<10000x128xf32, #tpu.memory_space<vmem_shared>> -> memref<10000x128xf32, #tpu.memory_space<vmem_shared>>
          tpu.wait_indirect_dma semaphore(%run_scoped3A : memref<!tpu.dma_semaphore, #tpu.memory_space<semaphore_mem>>) src(%arg11 : memref<128x128xf32, #tpu.memory_space<vmem>>) dst(%dma_wait3A_142 : memref<10000x128xf32, #tpu.memory_space<vmem_shared>>)
          tpu.yield
        }) : () -> ()
        "tpu.region"() ({
          %run_scoped3A = tpu.sem_alloc : memref<!tpu.dma_semaphore, #tpu.memory_space<semaphore_mem>>
          %dma_start3A_137 = arith.constant 0 : i32
          %dma_start3A_138 = arith.constant 0 : i32
          %dma_start3A_139 = tpu.memref_slice %arg15[%dma_start3A_137, %dma_start3A_138] : memref<10000x16xf32, #tpu.memory_space<vmem_shared>> -> memref<10000x16xf32, #tpu.memory_space<vmem_shared>>
          tpu.enqueue_indirect_dma source(%arg13 : memref<128x16xf32, #tpu.memory_space<vmem>>) target(%dma_start3A_139 : memref<10000x16xf32, #tpu.memory_space<vmem_shared>>) offsets(%arg9 : memref<128xi32, #tpu.memory_space<vmem>>) semaphore(%run_scoped3A : memref<!tpu.dma_semaphore, #tpu.memory_space<semaphore_mem>>) {add = true}
          %dma_wait3A_140 = arith.constant 0 : i32
          %dma_wait3A_141 = arith.constant 0 : i32
          %dma_wait3A_142 = tpu.memref_slice %arg15[%dma_wait3A_140, %dma_wait3A_141] : memref<10000x16xf32, #tpu.memory_space<vmem_shared>> -> memref<10000x16xf32, #tpu.memory_space<vmem_shared>>
          tpu.wait_indirect_dma semaphore(%run_scoped3A : memref<!tpu.dma_semaphore, #tpu.memory_space<semaphore_mem>>) src(%arg13 : memref<128x16xf32, #tpu.memory_space<vmem>>) dst(%dma_wait3A_142 : memref<10000x16xf32, #tpu.memory_space<vmem_shared>>)
          tpu.yield
        }) : () -> ()
      } else {
      }
      %jit3A_108 = arith.constant 2 : i32
      %eq3A_109 = arith.constant 0 : i32
      %eq3A_110 = arith.cmpi eq, %jit3A_108, %eq3A_109 : i32
      %jit3A_111 = arith.constant 1 : i32
      %select_n3A_112 = arith.select %eq3A_110, %jit3A_111, %jit3A_108 : i32
      %rem3A_113 = arith.remsi %while3A_92, %select_n3A_112 : i32
      %ne3A_114 = arith.constant 0 : i32
      %ne3A_115 = arith.cmpi ne, %rem3A_113, %ne3A_114 : i32
      %lt3A_116 = arith.constant 0 : i32
      %lt3A_117 = arith.cmpi slt, %rem3A_113, %lt3A_116 : i32
      %lt3A_118 = arith.constant 0 : i32
      %lt3A_119 = arith.cmpi slt, %select_n3A_112, %lt3A_118 : i32
      %ne3A_120 = arith.xori %lt3A_117, %lt3A_119 : i1
      %and3A_121 = arith.andi %ne3A_120, %ne3A_115 : i1
      %add3A_122 = arith.addi %rem3A_113, %select_n3A_112 : i32
      %select_n3A_123 = arith.select %and3A_121, %add3A_122, %rem3A_113 : i32
      %eq3A_124 = arith.constant 1 : i32
      %eq3A_125 = arith.cmpi eq, %select_n3A_123, %eq3A_124 : i32
      %convert_element_type3A_126 = arith.extui %eq3A_125 : i1 to i32
      %cond3A_127 = arith.constant 0 : i32
      %cond3A_128 = arith.cmpi ne, %convert_element_type3A_126, %cond3A_127 : i32
      scf.if %cond3A_128 {
        %dma_wait3A = arith.constant 0 : i32
        %dma_wait3A_129 = arith.constant 0 : i32
        %dma_wait3A_130 = tpu.memref_slice %arg2[%dma_wait3A, %dma_wait3A_129] : memref<10000x128xf32, #tpu.memory_space<hbm>> -> memref<10000x128xf32, #tpu.memory_space<hbm>>
        tpu.wait_indirect_dma semaphore(%arg17 : memref<!tpu.dma_semaphore, #tpu.memory_space<semaphore_mem>>) src(%dma_wait3A_130 : memref<10000x128xf32, #tpu.memory_space<hbm>>) dst(%arg12 : memref<128x128xf32, #tpu.memory_space<vmem>>)
        %add3A_131 = arith.constant 1 : i32
        %add3A_132 = arith.addi %while3A_92, %add3A_131 : i32
        %lt3A_133 = arith.cmpi slt, %add3A_132, %add3A_8 : i32
        %convert_element_type3A_134 = arith.extui %lt3A_133 : i1 to i32
        %cond3A_135 = arith.constant 0 : i32
        %cond3A_136 = arith.cmpi ne, %convert_element_type3A_134, %cond3A_135 : i32
        scf.if %cond3A_136 {
          %add3A_137 = arith.constant 1 : i32
          %add3A_138 = arith.addi %while3A_92, %add3A_137 : i32
          %add3A_139 = arith.addi %add3A_4, %add3A_138 : i32
          %mul3A_140 = arith.constant 128 : i32
          %mul3A_141 = arith.muli %add3A_139, %mul3A_140 : i32
          "tpu.region"() ({
            %run_scoped3A = tpu.sem_alloc : memref<!tpu.dma_semaphore, #tpu.memory_space<semaphore_mem>>
            %dma_start3A_150 = tpu.memref_slice %arg3[%mul3A_141] : memref<320000xi32, #tpu.memory_space<hbm>> -> memref<128xi32, #tpu.memory_space<hbm>>
            %dma_start3A_151 = tpu.memref_slice %arg3[%mul3A_141] : memref<320000xi32, #tpu.memory_space<hbm>> -> memref<128xi32, #tpu.memory_space<hbm>>
            tpu.enqueue_dma source(%dma_start3A_151 : memref<128xi32, #tpu.memory_space<hbm>>) target(%arg7 : memref<128xi32, #tpu.memory_space<vmem>>) target_semaphore(%run_scoped3A : memref<!tpu.dma_semaphore, #tpu.memory_space<semaphore_mem>>)
            %dma_wait3A_152 = tpu.memref_slice %arg3[%mul3A_141] : memref<320000xi32, #tpu.memory_space<hbm>> -> memref<128xi32, #tpu.memory_space<hbm>>
            %dma_wait3A_153 = tpu.memref_slice %arg3[%mul3A_141] : memref<320000xi32, #tpu.memory_space<hbm>> -> memref<128xi32, #tpu.memory_space<hbm>>
            tpu.wait_dma2 semaphore(%run_scoped3A : memref<!tpu.dma_semaphore, #tpu.memory_space<semaphore_mem>>) src(%dma_wait3A_153 : memref<128xi32, #tpu.memory_space<hbm>>) dst(%arg7 : memref<128xi32, #tpu.memory_space<vmem>>)
            tpu.yield
          }) : () -> ()
          %add3A_142 = arith.addi %add3A_4, %add3A_138 : i32
          %mul3A_143 = arith.constant 128 : i32
          %mul3A_144 = arith.muli %add3A_142, %mul3A_143 : i32
          "tpu.region"() ({
            %run_scoped3A = tpu.sem_alloc : memref<!tpu.dma_semaphore, #tpu.memory_space<semaphore_mem>>
            %dma_start3A_150 = tpu.memref_slice %arg4[%mul3A_144] : memref<320000xi32, #tpu.memory_space<hbm>> -> memref<128xi32, #tpu.memory_space<hbm>>
            %dma_start3A_151 = tpu.memref_slice %arg4[%mul3A_144] : memref<320000xi32, #tpu.memory_space<hbm>> -> memref<128xi32, #tpu.memory_space<hbm>>
            tpu.enqueue_dma source(%dma_start3A_151 : memref<128xi32, #tpu.memory_space<hbm>>) target(%arg9 : memref<128xi32, #tpu.memory_space<vmem>>) target_semaphore(%run_scoped3A : memref<!tpu.dma_semaphore, #tpu.memory_space<semaphore_mem>>)
            %dma_wait3A_152 = tpu.memref_slice %arg4[%mul3A_144] : memref<320000xi32, #tpu.memory_space<hbm>> -> memref<128xi32, #tpu.memory_space<hbm>>
            %dma_wait3A_153 = tpu.memref_slice %arg4[%mul3A_144] : memref<320000xi32, #tpu.memory_space<hbm>> -> memref<128xi32, #tpu.memory_space<hbm>>
            tpu.wait_dma2 semaphore(%run_scoped3A : memref<!tpu.dma_semaphore, #tpu.memory_space<semaphore_mem>>) src(%dma_wait3A_153 : memref<128xi32, #tpu.memory_space<hbm>>) dst(%arg9 : memref<128xi32, #tpu.memory_space<vmem>>)
            tpu.yield
          }) : () -> ()
          %add3A_145 = arith.constant 1 : i32
          %add3A_146 = arith.addi %while3A_92, %add3A_145 : i32
          %dma_start3A_147 = arith.constant 0 : i32
          %dma_start3A_148 = arith.constant 0 : i32
          %dma_start3A_149 = tpu.memref_slice %arg2[%dma_start3A_147, %dma_start3A_148] : memref<10000x128xf32, #tpu.memory_space<hbm>> -> memref<10000x128xf32, #tpu.memory_space<hbm>>
          tpu.enqueue_indirect_dma source(%dma_start3A_149 : memref<10000x128xf32, #tpu.memory_space<hbm>>) target(%arg11 : memref<128x128xf32, #tpu.memory_space<vmem>>) offsets(%arg7 : memref<128xi32, #tpu.memory_space<vmem>>) semaphore(%arg16 : memref<!tpu.dma_semaphore, #tpu.memory_space<semaphore_mem>>)
        } else {
        }
        "tpu.region"() ({
          %run_scoped3A = tpu.sem_alloc : memref<!tpu.dma_semaphore, #tpu.memory_space<semaphore_mem>>
          %dma_start3A_137 = arith.constant 0 : i32
          %dma_start3A_138 = arith.constant 0 : i32
          %dma_start3A_139 = tpu.memref_slice %arg14[%dma_start3A_137, %dma_start3A_138] : memref<10000x128xf32, #tpu.memory_space<vmem_shared>> -> memref<10000x128xf32, #tpu.memory_space<vmem_shared>>
          tpu.enqueue_indirect_dma source(%arg12 : memref<128x128xf32, #tpu.memory_space<vmem>>) target(%dma_start3A_139 : memref<10000x128xf32, #tpu.memory_space<vmem_shared>>) offsets(%arg10 : memref<128xi32, #tpu.memory_space<vmem>>) semaphore(%run_scoped3A : memref<!tpu.dma_semaphore, #tpu.memory_space<semaphore_mem>>) {add = true}
          %dma_wait3A_140 = arith.constant 0 : i32
          %dma_wait3A_141 = arith.constant 0 : i32
          %dma_wait3A_142 = tpu.memref_slice %arg14[%dma_wait3A_140, %dma_wait3A_141] : memref<10000x128xf32, #tpu.memory_space<vmem_shared>> -> memref<10000x128xf32, #tpu.memory_space<vmem_shared>>
          tpu.wait_indirect_dma semaphore(%run_scoped3A : memref<!tpu.dma_semaphore, #tpu.memory_space<semaphore_mem>>) src(%arg12 : memref<128x128xf32, #tpu.memory_space<vmem>>) dst(%dma_wait3A_142 : memref<10000x128xf32, #tpu.memory_space<vmem_shared>>)
          tpu.yield
        }) : () -> ()
        "tpu.region"() ({
          %run_scoped3A = tpu.sem_alloc : memref<!tpu.dma_semaphore, #tpu.memory_space<semaphore_mem>>
          %dma_start3A_137 = arith.constant 0 : i32
          %dma_start3A_138 = arith.constant 0 : i32
          %dma_start3A_139 = tpu.memref_slice %arg15[%dma_start3A_137, %dma_start3A_138] : memref<10000x16xf32, #tpu.memory_space<vmem_shared>> -> memref<10000x16xf32, #tpu.memory_space<vmem_shared>>
          tpu.enqueue_indirect_dma source(%arg13 : memref<128x16xf32, #tpu.memory_space<vmem>>) target(%dma_start3A_139 : memref<10000x16xf32, #tpu.memory_space<vmem_shared>>) offsets(%arg10 : memref<128xi32, #tpu.memory_space<vmem>>) semaphore(%run_scoped3A : memref<!tpu.dma_semaphore, #tpu.memory_space<semaphore_mem>>) {add = true}
          %dma_wait3A_140 = arith.constant 0 : i32
          %dma_wait3A_141 = arith.constant 0 : i32
          %dma_wait3A_142 = tpu.memref_slice %arg15[%dma_wait3A_140, %dma_wait3A_141] : memref<10000x16xf32, #tpu.memory_space<vmem_shared>> -> memref<10000x16xf32, #tpu.memory_space<vmem_shared>>
          tpu.wait_indirect_dma semaphore(%run_scoped3A : memref<!tpu.dma_semaphore, #tpu.memory_space<semaphore_mem>>) src(%arg13 : memref<128x16xf32, #tpu.memory_space<vmem>>) dst(%dma_wait3A_142 : memref<10000x16xf32, #tpu.memory_space<vmem_shared>>)
          tpu.yield
        }) : () -> ()
      } else {
      }
    }
    %barrier3A_56 = arith.constant 0 : index
    tpu.barrier barrier_id(%barrier3A_56)
    %mul3A_57 = arith.constant 625 : i32
    %mul3A_58 = arith.muli %arg1, %mul3A_57 : i32
    %add3A_59 = arith.constant 0 : i32
    %add3A_60 = arith.addi %mul3A_58, %add3A_59 : i32
    %mul3A_61 = arith.constant 10000 : i32
    %mul3A_62 = arith.muli %arg0, %mul3A_61 : i32
    %add3A_63 = arith.addi %mul3A_62, %add3A_60 : i32
    "tpu.region"() ({
      %run_scoped3A = tpu.sem_alloc : memref<!tpu.dma_semaphore, #tpu.memory_space<semaphore_mem>>
      %dma_start3A_92 = arith.constant 0 : i32
      %dma_start3A_93 = arith.constant 0 : i32
      %dma_start3A_94 = tpu.memref_slice %arg11[%dma_start3A_92, %dma_start3A_93] : memref<128x128xf32, #tpu.memory_space<vmem>> -> memref<125x128xf32, #tpu.memory_space<vmem>>
      %dma_start3A_95 = arith.constant 0 : i32
      %dma_start3A_96 = tpu.memref_slice %arg14[%add3A_60, %dma_start3A_95] : memref<10000x128xf32, #tpu.memory_space<vmem_shared>> -> memref<125x128xf32, #tpu.memory_space<vmem_shared>>
      %dma_start3A_97 = arith.constant 0 : i32
      %dma_start3A_98 = arith.constant 0 : i32
      %dma_start3A_99 = tpu.memref_slice %arg11[%dma_start3A_97, %dma_start3A_98] : memref<128x128xf32, #tpu.memory_space<vmem>> -> memref<125x128xf32, #tpu.memory_space<vmem>>
      %dma_start3A_100 = arith.constant 0 : i32
      %dma_start3A_101 = tpu.memref_slice %arg14[%add3A_60, %dma_start3A_100] : memref<10000x128xf32, #tpu.memory_space<vmem_shared>> -> memref<125x128xf32, #tpu.memory_space<vmem_shared>>
      tpu.enqueue_dma source(%dma_start3A_101 : memref<125x128xf32, #tpu.memory_space<vmem_shared>>) target(%dma_start3A_99 : memref<125x128xf32, #tpu.memory_space<vmem>>) target_semaphore(%run_scoped3A : memref<!tpu.dma_semaphore, #tpu.memory_space<semaphore_mem>>)
      %dma_wait3A = arith.constant 0 : i32
      %dma_wait3A_102 = arith.constant 0 : i32
      %dma_wait3A_103 = tpu.memref_slice %arg11[%dma_wait3A, %dma_wait3A_102] : memref<128x128xf32, #tpu.memory_space<vmem>> -> memref<125x128xf32, #tpu.memory_space<vmem>>
      %dma_wait3A_104 = arith.constant 0 : i32
      %dma_wait3A_105 = tpu.memref_slice %arg14[%add3A_60, %dma_wait3A_104] : memref<10000x128xf32, #tpu.memory_space<vmem_shared>> -> memref<125x128xf32, #tpu.memory_space<vmem_shared>>
      %dma_wait3A_106 = arith.constant 0 : i32
      %dma_wait3A_107 = arith.constant 0 : i32
      %dma_wait3A_108 = tpu.memref_slice %arg11[%dma_wait3A_106, %dma_wait3A_107] : memref<128x128xf32, #tpu.memory_space<vmem>> -> memref<125x128xf32, #tpu.memory_space<vmem>>
      %dma_wait3A_109 = arith.constant 0 : i32
      %dma_wait3A_110 = tpu.memref_slice %arg14[%add3A_60, %dma_wait3A_109] : memref<10000x128xf32, #tpu.memory_space<vmem_shared>> -> memref<125x128xf32, #tpu.memory_space<vmem_shared>>
      tpu.wait_dma2 semaphore(%run_scoped3A : memref<!tpu.dma_semaphore, #tpu.memory_space<semaphore_mem>>) src(%dma_wait3A_110 : memref<125x128xf32, #tpu.memory_space<vmem_shared>>) dst(%dma_wait3A_108 : memref<125x128xf32, #tpu.memory_space<vmem>>)
      tpu.yield
    }) : () -> ()
    "tpu.region"() ({
      %run_scoped3A = tpu.sem_alloc : memref<!tpu.dma_semaphore, #tpu.memory_space<semaphore_mem>>
      %dma_start3A_92 = arith.constant 0 : i32
      %dma_start3A_93 = arith.constant 0 : i32
      %dma_start3A_94 = tpu.memref_slice %arg11[%dma_start3A_92, %dma_start3A_93] : memref<128x128xf32, #tpu.memory_space<vmem>> -> memref<125x128xf32, #tpu.memory_space<vmem>>
      %dma_start3A_95 = arith.constant 0 : i32
      %dma_start3A_96 = tpu.memref_slice %arg5[%add3A_63, %dma_start3A_95] : memref<20000x128xf32, #tpu.memory_space<hbm>> -> memref<125x128xf32, #tpu.memory_space<hbm>>
      %dma_start3A_97 = arith.constant 0 : i32
      %dma_start3A_98 = tpu.memref_slice %arg5[%add3A_63, %dma_start3A_97] : memref<20000x128xf32, #tpu.memory_space<hbm>> -> memref<125x128xf32, #tpu.memory_space<hbm>>
      %dma_start3A_99 = arith.constant 0 : i32
      %dma_start3A_100 = arith.constant 0 : i32
      %dma_start3A_101 = tpu.memref_slice %arg11[%dma_start3A_99, %dma_start3A_100] : memref<128x128xf32, #tpu.memory_space<vmem>> -> memref<125x128xf32, #tpu.memory_space<vmem>>
      tpu.enqueue_dma source(%dma_start3A_101 : memref<125x128xf32, #tpu.memory_space<vmem>>) target(%dma_start3A_98 : memref<125x128xf32, #tpu.memory_space<hbm>>) target_semaphore(%run_scoped3A : memref<!tpu.dma_semaphore, #tpu.memory_space<semaphore_mem>>)
      %dma_wait3A = arith.constant 0 : i32
      %dma_wait3A_102 = arith.constant 0 : i32
      %dma_wait3A_103 = tpu.memref_slice %arg11[%dma_wait3A, %dma_wait3A_102] : memref<128x128xf32, #tpu.memory_space<vmem>> -> memref<125x128xf32, #tpu.memory_space<vmem>>
      %dma_wait3A_104 = arith.constant 0 : i32
      %dma_wait3A_105 = tpu.memref_slice %arg5[%add3A_63, %dma_wait3A_104] : memref<20000x128xf32, #tpu.memory_space<hbm>> -> memref<125x128xf32, #tpu.memory_space<hbm>>
      %dma_wait3A_106 = arith.constant 0 : i32
      %dma_wait3A_107 = tpu.memref_slice %arg5[%add3A_63, %dma_wait3A_106] : memref<20000x128xf32, #tpu.memory_space<hbm>> -> memref<125x128xf32, #tpu.memory_space<hbm>>
      %dma_wait3A_108 = arith.constant 0 : i32
      %dma_wait3A_109 = arith.constant 0 : i32
      %dma_wait3A_110 = tpu.memref_slice %arg11[%dma_wait3A_108, %dma_wait3A_109] : memref<128x128xf32, #tpu.memory_space<vmem>> -> memref<125x128xf32, #tpu.memory_space<vmem>>
      tpu.wait_dma2 semaphore(%run_scoped3A : memref<!tpu.dma_semaphore, #tpu.memory_space<semaphore_mem>>) src(%dma_wait3A_110 : memref<125x128xf32, #tpu.memory_space<vmem>>) dst(%dma_wait3A_107 : memref<125x128xf32, #tpu.memory_space<hbm>>)
      tpu.yield
    }) : () -> ()
    "tpu.region"() ({
      %run_scoped3A = tpu.sem_alloc : memref<!tpu.dma_semaphore, #tpu.memory_space<semaphore_mem>>
      %dma_start3A_92 = arith.constant 0 : i32
      %dma_start3A_93 = arith.constant 0 : i32
      %dma_start3A_94 = tpu.memref_slice %arg13[%dma_start3A_92, %dma_start3A_93] : memref<128x16xf32, #tpu.memory_space<vmem>> -> memref<125x16xf32, #tpu.memory_space<vmem>>
      %dma_start3A_95 = arith.constant 0 : i32
      %dma_start3A_96 = tpu.memref_slice %arg15[%add3A_60, %dma_start3A_95] : memref<10000x16xf32, #tpu.memory_space<vmem_shared>> -> memref<125x16xf32, #tpu.memory_space<vmem_shared>>
      %dma_start3A_97 = arith.constant 0 : i32
      %dma_start3A_98 = arith.constant 0 : i32
      %dma_start3A_99 = tpu.memref_slice %arg13[%dma_start3A_97, %dma_start3A_98] : memref<128x16xf32, #tpu.memory_space<vmem>> -> memref<125x16xf32, #tpu.memory_space<vmem>>
      %dma_start3A_100 = arith.constant 0 : i32
      %dma_start3A_101 = tpu.memref_slice %arg15[%add3A_60, %dma_start3A_100] : memref<10000x16xf32, #tpu.memory_space<vmem_shared>> -> memref<125x16xf32, #tpu.memory_space<vmem_shared>>
      tpu.enqueue_dma source(%dma_start3A_101 : memref<125x16xf32, #tpu.memory_space<vmem_shared>>) target(%dma_start3A_99 : memref<125x16xf32, #tpu.memory_space<vmem>>) target_semaphore(%run_scoped3A : memref<!tpu.dma_semaphore, #tpu.memory_space<semaphore_mem>>)
      %dma_wait3A = arith.constant 0 : i32
      %dma_wait3A_102 = arith.constant 0 : i32
      %dma_wait3A_103 = tpu.memref_slice %arg13[%dma_wait3A, %dma_wait3A_102] : memref<128x16xf32, #tpu.memory_space<vmem>> -> memref<125x16xf32, #tpu.memory_space<vmem>>
      %dma_wait3A_104 = arith.constant 0 : i32
      %dma_wait3A_105 = tpu.memref_slice %arg15[%add3A_60, %dma_wait3A_104] : memref<10000x16xf32, #tpu.memory_space<vmem_shared>> -> memref<125x16xf32, #tpu.memory_space<vmem_shared>>
      %dma_wait3A_106 = arith.constant 0 : i32
      %dma_wait3A_107 = arith.constant 0 : i32
      %dma_wait3A_108 = tpu.memref_slice %arg13[%dma_wait3A_106, %dma_wait3A_107] : memref<128x16xf32, #tpu.memory_space<vmem>> -> memref<125x16xf32, #tpu.memory_space<vmem>>
      %dma_wait3A_109 = arith.constant 0 : i32
      %dma_wait3A_110 = tpu.memref_slice %arg15[%add3A_60, %dma_wait3A_109] : memref<10000x16xf32, #tpu.memory_space<vmem_shared>> -> memref<125x16xf32, #tpu.memory_space<vmem_shared>>
      tpu.wait_dma2 semaphore(%run_scoped3A : memref<!tpu.dma_semaphore, #tpu.memory_space<semaphore_mem>>) src(%dma_wait3A_110 : memref<125x16xf32, #tpu.memory_space<vmem_shared>>) dst(%dma_wait3A_108 : memref<125x16xf32, #tpu.memory_space<vmem>>)
      tpu.yield
    }) : () -> ()
    "tpu.region"() ({
      %run_scoped3A = tpu.sem_alloc : memref<!tpu.dma_semaphore, #tpu.memory_space<semaphore_mem>>
      %dma_start3A_92 = arith.constant 0 : i32
      %dma_start3A_93 = arith.constant 0 : i32
      %dma_start3A_94 = tpu.memref_slice %arg13[%dma_start3A_92, %dma_start3A_93] : memref<128x16xf32, #tpu.memory_space<vmem>> -> memref<125x16xf32, #tpu.memory_space<vmem>>
      %dma_start3A_95 = arith.constant 0 : i32
      %dma_start3A_96 = tpu.memref_slice %arg6[%add3A_63, %dma_start3A_95] : memref<20000x16xf32, #tpu.memory_space<hbm>> -> memref<125x16xf32, #tpu.memory_space<hbm>>
      %dma_start3A_97 = arith.constant 0 : i32
      %dma_start3A_98 = tpu.memref_slice %arg6[%add3A_63, %dma_start3A_97] : memref<20000x16xf32, #tpu.memory_space<hbm>> -> memref<125x16xf32, #tpu.memory_space<hbm>>
      %dma_start3A_99 = arith.constant 0 : i32
      %dma_start3A_100 = arith.constant 0 : i32
      %dma_start3A_101 = tpu.memref_slice %arg13[%dma_start3A_99, %dma_start3A_100] : memref<128x16xf32, #tpu.memory_space<vmem>> -> memref<125x16xf32, #tpu.memory_space<vmem>>
      tpu.enqueue_dma source(%dma_start3A_101 : memref<125x16xf32, #tpu.memory_space<vmem>>) target(%dma_start3A_98 : memref<125x16xf32, #tpu.memory_space<hbm>>) target_semaphore(%run_scoped3A : memref<!tpu.dma_semaphore, #tpu.memory_space<semaphore_mem>>)
      %dma_wait3A = arith.constant 0 : i32
      %dma_wait3A_102 = arith.constant 0 : i32
      %dma_wait3A_103 = tpu.memref_slice %arg13[%dma_wait3A, %dma_wait3A_102] : memref<128x16xf32, #tpu.memory_space<vmem>> -> memref<125x16xf32, #tpu.memory_space<vmem>>
      %dma_wait3A_104 = arith.constant 0 : i32
      %dma_wait3A_105 = tpu.memref_slice %arg6[%add3A_63, %dma_wait3A_104] : memref<20000x16xf32, #tpu.memory_space<hbm>> -> memref<125x16xf32, #tpu.memory_space<hbm>>
      %dma_wait3A_106 = arith.constant 0 : i32
      %dma_wait3A_107 = tpu.memref_slice %arg6[%add3A_63, %dma_wait3A_106] : memref<20000x16xf32, #tpu.memory_space<hbm>> -> memref<125x16xf32, #tpu.memory_space<hbm>>
      %dma_wait3A_108 = arith.constant 0 : i32
      %dma_wait3A_109 = arith.constant 0 : i32
      %dma_wait3A_110 = tpu.memref_slice %arg13[%dma_wait3A_108, %dma_wait3A_109] : memref<128x16xf32, #tpu.memory_space<vmem>> -> memref<125x16xf32, #tpu.memory_space<vmem>>
      tpu.wait_dma2 semaphore(%run_scoped3A : memref<!tpu.dma_semaphore, #tpu.memory_space<semaphore_mem>>) src(%dma_wait3A_110 : memref<125x16xf32, #tpu.memory_space<vmem>>) dst(%dma_wait3A_107 : memref<125x16xf32, #tpu.memory_space<hbm>>)
      tpu.yield
    }) : () -> ()
    %mul3A_64 = arith.constant 625 : i32
    %mul3A_65 = arith.muli %arg1, %mul3A_64 : i32
    %add3A_66 = arith.constant 125 : i32
    %add3A_67 = arith.addi %mul3A_65, %add3A_66 : i32
    %mul3A_68 = arith.constant 10000 : i32
    %mul3A_69 = arith.muli %arg0, %mul3A_68 : i32
    %add3A_70 = arith.addi %mul3A_69, %add3A_67 : i32
    "tpu.region"() ({
      %run_scoped3A = tpu.sem_alloc : memref<!tpu.dma_semaphore, #tpu.memory_space<semaphore_mem>>
      %dma_start3A_92 = arith.constant 0 : i32
      %dma_start3A_93 = arith.constant 0 : i32
      %dma_start3A_94 = tpu.memref_slice %arg11[%dma_start3A_92, %dma_start3A_93] : memref<128x128xf32, #tpu.memory_space<vmem>> -> memref<125x128xf32, #tpu.memory_space<vmem>>
      %dma_start3A_95 = arith.constant 0 : i32
      %dma_start3A_96 = tpu.memref_slice %arg14[%add3A_67, %dma_start3A_95] : memref<10000x128xf32, #tpu.memory_space<vmem_shared>> -> memref<125x128xf32, #tpu.memory_space<vmem_shared>>
      %dma_start3A_97 = arith.constant 0 : i32
      %dma_start3A_98 = arith.constant 0 : i32
      %dma_start3A_99 = tpu.memref_slice %arg11[%dma_start3A_97, %dma_start3A_98] : memref<128x128xf32, #tpu.memory_space<vmem>> -> memref<125x128xf32, #tpu.memory_space<vmem>>
      %dma_start3A_100 = arith.constant 0 : i32
      %dma_start3A_101 = tpu.memref_slice %arg14[%add3A_67, %dma_start3A_100] : memref<10000x128xf32, #tpu.memory_space<vmem_shared>> -> memref<125x128xf32, #tpu.memory_space<vmem_shared>>
      tpu.enqueue_dma source(%dma_start3A_101 : memref<125x128xf32, #tpu.memory_space<vmem_shared>>) target(%dma_start3A_99 : memref<125x128xf32, #tpu.memory_space<vmem>>) target_semaphore(%run_scoped3A : memref<!tpu.dma_semaphore, #tpu.memory_space<semaphore_mem>>)
      %dma_wait3A = arith.constant 0 : i32
      %dma_wait3A_102 = arith.constant 0 : i32
      %dma_wait3A_103 = tpu.memref_slice %arg11[%dma_wait3A, %dma_wait3A_102] : memref<128x128xf32, #tpu.memory_space<vmem>> -> memref<125x128xf32, #tpu.memory_space<vmem>>
      %dma_wait3A_104 = arith.constant 0 : i32
      %dma_wait3A_105 = tpu.memref_slice %arg14[%add3A_67, %dma_wait3A_104] : memref<10000x128xf32, #tpu.memory_space<vmem_shared>> -> memref<125x128xf32, #tpu.memory_space<vmem_shared>>
      %dma_wait3A_106 = arith.constant 0 : i32
      %dma_wait3A_107 = arith.constant 0 : i32
      %dma_wait3A_108 = tpu.memref_slice %arg11[%dma_wait3A_106, %dma_wait3A_107] : memref<128x128xf32, #tpu.memory_space<vmem>> -> memref<125x128xf32, #tpu.memory_space<vmem>>
      %dma_wait3A_109 = arith.constant 0 : i32
      %dma_wait3A_110 = tpu.memref_slice %arg14[%add3A_67, %dma_wait3A_109] : memref<10000x128xf32, #tpu.memory_space<vmem_shared>> -> memref<125x128xf32, #tpu.memory_space<vmem_shared>>
      tpu.wait_dma2 semaphore(%run_scoped3A : memref<!tpu.dma_semaphore, #tpu.memory_space<semaphore_mem>>) src(%dma_wait3A_110 : memref<125x128xf32, #tpu.memory_space<vmem_shared>>) dst(%dma_wait3A_108 : memref<125x128xf32, #tpu.memory_space<vmem>>)
      tpu.yield
    }) : () -> ()
    "tpu.region"() ({
      %run_scoped3A = tpu.sem_alloc : memref<!tpu.dma_semaphore, #tpu.memory_space<semaphore_mem>>
      %dma_start3A_92 = arith.constant 0 : i32
      %dma_start3A_93 = arith.constant 0 : i32
      %dma_start3A_94 = tpu.memref_slice %arg11[%dma_start3A_92, %dma_start3A_93] : memref<128x128xf32, #tpu.memory_space<vmem>> -> memref<125x128xf32, #tpu.memory_space<vmem>>
      %dma_start3A_95 = arith.constant 0 : i32
      %dma_start3A_96 = tpu.memref_slice %arg5[%add3A_70, %dma_start3A_95] : memref<20000x128xf32, #tpu.memory_space<hbm>> -> memref<125x128xf32, #tpu.memory_space<hbm>>
      %dma_start3A_97 = arith.constant 0 : i32
      %dma_start3A_98 = tpu.memref_slice %arg5[%add3A_70, %dma_start3A_97] : memref<20000x128xf32, #tpu.memory_space<hbm>> -> memref<125x128xf32, #tpu.memory_space<hbm>>
      %dma_start3A_99 = arith.constant 0 : i32
      %dma_start3A_100 = arith.constant 0 : i32
      %dma_start3A_101 = tpu.memref_slice %arg11[%dma_start3A_99, %dma_start3A_100] : memref<128x128xf32, #tpu.memory_space<vmem>> -> memref<125x128xf32, #tpu.memory_space<vmem>>
      tpu.enqueue_dma source(%dma_start3A_101 : memref<125x128xf32, #tpu.memory_space<vmem>>) target(%dma_start3A_98 : memref<125x128xf32, #tpu.memory_space<hbm>>) target_semaphore(%run_scoped3A : memref<!tpu.dma_semaphore, #tpu.memory_space<semaphore_mem>>)
      %dma_wait3A = arith.constant 0 : i32
      %dma_wait3A_102 = arith.constant 0 : i32
      %dma_wait3A_103 = tpu.memref_slice %arg11[%dma_wait3A, %dma_wait3A_102] : memref<128x128xf32, #tpu.memory_space<vmem>> -> memref<125x128xf32, #tpu.memory_space<vmem>>
      %dma_wait3A_104 = arith.constant 0 : i32
      %dma_wait3A_105 = tpu.memref_slice %arg5[%add3A_70, %dma_wait3A_104] : memref<20000x128xf32, #tpu.memory_space<hbm>> -> memref<125x128xf32, #tpu.memory_space<hbm>>
      %dma_wait3A_106 = arith.constant 0 : i32
      %dma_wait3A_107 = tpu.memref_slice %arg5[%add3A_70, %dma_wait3A_106] : memref<20000x128xf32, #tpu.memory_space<hbm>> -> memref<125x128xf32, #tpu.memory_space<hbm>>
      %dma_wait3A_108 = arith.constant 0 : i32
      %dma_wait3A_109 = arith.constant 0 : i32
      %dma_wait3A_110 = tpu.memref_slice %arg11[%dma_wait3A_108, %dma_wait3A_109] : memref<128x128xf32, #tpu.memory_space<vmem>> -> memref<125x128xf32, #tpu.memory_space<vmem>>
      tpu.wait_dma2 semaphore(%run_scoped3A : memref<!tpu.dma_semaphore, #tpu.memory_space<semaphore_mem>>) src(%dma_wait3A_110 : memref<125x128xf32, #tpu.memory_space<vmem>>) dst(%dma_wait3A_107 : memref<125x128xf32, #tpu.memory_space<hbm>>)
      tpu.yield
    }) : () -> ()
    "tpu.region"() ({
      %run_scoped3A = tpu.sem_alloc : memref<!tpu.dma_semaphore, #tpu.memory_space<semaphore_mem>>
      %dma_start3A_92 = arith.constant 0 : i32
      %dma_start3A_93 = arith.constant 0 : i32
      %dma_start3A_94 = tpu.memref_slice %arg13[%dma_start3A_92, %dma_start3A_93] : memref<128x16xf32, #tpu.memory_space<vmem>> -> memref<125x16xf32, #tpu.memory_space<vmem>>
      %dma_start3A_95 = arith.constant 0 : i32
      %dma_start3A_96 = tpu.memref_slice %arg15[%add3A_67, %dma_start3A_95] : memref<10000x16xf32, #tpu.memory_space<vmem_shared>> -> memref<125x16xf32, #tpu.memory_space<vmem_shared>>
      %dma_start3A_97 = arith.constant 0 : i32
      %dma_start3A_98 = arith.constant 0 : i32
      %dma_start3A_99 = tpu.memref_slice %arg13[%dma_start3A_97, %dma_start3A_98] : memref<128x16xf32, #tpu.memory_space<vmem>> -> memref<125x16xf32, #tpu.memory_space<vmem>>
      %dma_start3A_100 = arith.constant 0 : i32
      %dma_start3A_101 = tpu.memref_slice %arg15[%add3A_67, %dma_start3A_100] : memref<10000x16xf32, #tpu.memory_space<vmem_shared>> -> memref<125x16xf32, #tpu.memory_space<vmem_shared>>
      tpu.enqueue_dma source(%dma_start3A_101 : memref<125x16xf32, #tpu.memory_space<vmem_shared>>) target(%dma_start3A_99 : memref<125x16xf32, #tpu.memory_space<vmem>>) target_semaphore(%run_scoped3A : memref<!tpu.dma_semaphore, #tpu.memory_space<semaphore_mem>>)
      %dma_wait3A = arith.constant 0 : i32
      %dma_wait3A_102 = arith.constant 0 : i32
      %dma_wait3A_103 = tpu.memref_slice %arg13[%dma_wait3A, %dma_wait3A_102] : memref<128x16xf32, #tpu.memory_space<vmem>> -> memref<125x16xf32, #tpu.memory_space<vmem>>
      %dma_wait3A_104 = arith.constant 0 : i32
      %dma_wait3A_105 = tpu.memref_slice %arg15[%add3A_67, %dma_wait3A_104] : memref<10000x16xf32, #tpu.memory_space<vmem_shared>> -> memref<125x16xf32, #tpu.memory_space<vmem_shared>>
      %dma_wait3A_106 = arith.constant 0 : i32
      %dma_wait3A_107 = arith.constant 0 : i32
      %dma_wait3A_108 = tpu.memref_slice %arg13[%dma_wait3A_106, %dma_wait3A_107] : memref<128x16xf32, #tpu.memory_space<vmem>> -> memref<125x16xf32, #tpu.memory_space<vmem>>
      %dma_wait3A_109 = arith.constant 0 : i32
      %dma_wait3A_110 = tpu.memref_slice %arg15[%add3A_67, %dma_wait3A_109] : memref<10000x16xf32, #tpu.memory_space<vmem_shared>> -> memref<125x16xf32, #tpu.memory_space<vmem_shared>>
      tpu.wait_dma2 semaphore(%run_scoped3A : memref<!tpu.dma_semaphore, #tpu.memory_space<semaphore_mem>>) src(%dma_wait3A_110 : memref<125x16xf32, #tpu.memory_space<vmem_shared>>) dst(%dma_wait3A_108 : memref<125x16xf32, #tpu.memory_space<vmem>>)
      tpu.yield
    }) : () -> ()
    "tpu.region"() ({
      %run_scoped3A = tpu.sem_alloc : memref<!tpu.dma_semaphore, #tpu.memory_space<semaphore_mem>>
      %dma_start3A_92 = arith.constant 0 : i32
      %dma_start3A_93 = arith.constant 0 : i32
      %dma_start3A_94 = tpu.memref_slice %arg13[%dma_start3A_92, %dma_start3A_93] : memref<128x16xf32, #tpu.memory_space<vmem>> -> memref<125x16xf32, #tpu.memory_space<vmem>>
      %dma_start3A_95 = arith.constant 0 : i32
      %dma_start3A_96 = tpu.memref_slice %arg6[%add3A_70, %dma_start3A_95] : memref<20000x16xf32, #tpu.memory_space<hbm>> -> memref<125x16xf32, #tpu.memory_space<hbm>>
      %dma_start3A_97 = arith.constant 0 : i32
      %dma_start3A_98 = tpu.memref_slice %arg6[%add3A_70, %dma_start3A_97] : memref<20000x16xf32, #tpu.memory_space<hbm>> -> memref<125x16xf32, #tpu.memory_space<hbm>>
      %dma_start3A_99 = arith.constant 0 : i32
      %dma_start3A_100 = arith.constant 0 : i32
      %dma_start3A_101 = tpu.memref_slice %arg13[%dma_start3A_99, %dma_start3A_100] : memref<128x16xf32, #tpu.memory_space<vmem>> -> memref<125x16xf32, #tpu.memory_space<vmem>>
      tpu.enqueue_dma source(%dma_start3A_101 : memref<125x16xf32, #tpu.memory_space<vmem>>) target(%dma_start3A_98 : memref<125x16xf32, #tpu.memory_space<hbm>>) target_semaphore(%run_scoped3A : memref<!tpu.dma_semaphore, #tpu.memory_space<semaphore_mem>>)
      %dma_wait3A = arith.constant 0 : i32
      %dma_wait3A_102 = arith.constant 0 : i32
      %dma_wait3A_103 = tpu.memref_slice %arg13[%dma_wait3A, %dma_wait3A_102] : memref<128x16xf32, #tpu.memory_space<vmem>> -> memref<125x16xf32, #tpu.memory_space<vmem>>
      %dma_wait3A_104 = arith.constant 0 : i32
      %dma_wait3A_105 = tpu.memref_slice %arg6[%add3A_70, %dma_wait3A_104] : memref<20000x16xf32, #tpu.memory_space<hbm>> -> memref<125x16xf32, #tpu.memory_space<hbm>>
      %dma_wait3A_106 = arith.constant 0 : i32
      %dma_wait3A_107 = tpu.memref_slice %arg6[%add3A_70, %dma_wait3A_106] : memref<20000x16xf32, #tpu.memory_space<hbm>> -> memref<125x16xf32, #tpu.memory_space<hbm>>
      %dma_wait3A_108 = arith.constant 0 : i32
      %dma_wait3A_109 = arith.constant 0 : i32
      %dma_wait3A_110 = tpu.memref_slice %arg13[%dma_wait3A_108, %dma_wait3A_109] : memref<128x16xf32, #tpu.memory_space<vmem>> -> memref<125x16xf32, #tpu.memory_space<vmem>>
      tpu.wait_dma2 semaphore(%run_scoped3A : memref<!tpu.dma_semaphore, #tpu.memory_space<semaphore_mem>>) src(%dma_wait3A_110 : memref<125x16xf32, #tpu.memory_space<vmem>>) dst(%dma_wait3A_107 : memref<125x16xf32, #tpu.memory_space<hbm>>)
      tpu.yield
    }) : () -> ()
    %mul3A_71 = arith.constant 625 : i32
    %mul3A_72 = arith.muli %arg1, %mul3A_71 : i32
    %add3A_73 = arith.constant 250 : i32
    %add3A_74 = arith.addi %mul3A_72, %add3A_73 : i32
    %mul3A_75 = arith.constant 10000 : i32
    %mul3A_76 = arith.muli %arg0, %mul3A_75 : i32
    %add3A_77 = arith.addi %mul3A_76, %add3A_74 : i32
    "tpu.region"() ({
      %run_scoped3A = tpu.sem_alloc : memref<!tpu.dma_semaphore, #tpu.memory_space<semaphore_mem>>
      %dma_start3A_92 = arith.constant 0 : i32
      %dma_start3A_93 = arith.constant 0 : i32
      %dma_start3A_94 = tpu.memref_slice %arg11[%dma_start3A_92, %dma_start3A_93] : memref<128x128xf32, #tpu.memory_space<vmem>> -> memref<125x128xf32, #tpu.memory_space<vmem>>
      %dma_start3A_95 = arith.constant 0 : i32
      %dma_start3A_96 = tpu.memref_slice %arg14[%add3A_74, %dma_start3A_95] : memref<10000x128xf32, #tpu.memory_space<vmem_shared>> -> memref<125x128xf32, #tpu.memory_space<vmem_shared>>
      %dma_start3A_97 = arith.constant 0 : i32
      %dma_start3A_98 = arith.constant 0 : i32
      %dma_start3A_99 = tpu.memref_slice %arg11[%dma_start3A_97, %dma_start3A_98] : memref<128x128xf32, #tpu.memory_space<vmem>> -> memref<125x128xf32, #tpu.memory_space<vmem>>
      %dma_start3A_100 = arith.constant 0 : i32
      %dma_start3A_101 = tpu.memref_slice %arg14[%add3A_74, %dma_start3A_100] : memref<10000x128xf32, #tpu.memory_space<vmem_shared>> -> memref<125x128xf32, #tpu.memory_space<vmem_shared>>
      tpu.enqueue_dma source(%dma_start3A_101 : memref<125x128xf32, #tpu.memory_space<vmem_shared>>) target(%dma_start3A_99 : memref<125x128xf32, #tpu.memory_space<vmem>>) target_semaphore(%run_scoped3A : memref<!tpu.dma_semaphore, #tpu.memory_space<semaphore_mem>>)
      %dma_wait3A = arith.constant 0 : i32
      %dma_wait3A_102 = arith.constant 0 : i32
      %dma_wait3A_103 = tpu.memref_slice %arg11[%dma_wait3A, %dma_wait3A_102] : memref<128x128xf32, #tpu.memory_space<vmem>> -> memref<125x128xf32, #tpu.memory_space<vmem>>
      %dma_wait3A_104 = arith.constant 0 : i32
      %dma_wait3A_105 = tpu.memref_slice %arg14[%add3A_74, %dma_wait3A_104] : memref<10000x128xf32, #tpu.memory_space<vmem_shared>> -> memref<125x128xf32, #tpu.memory_space<vmem_shared>>
      %dma_wait3A_106 = arith.constant 0 : i32
      %dma_wait3A_107 = arith.constant 0 : i32
      %dma_wait3A_108 = tpu.memref_slice %arg11[%dma_wait3A_106, %dma_wait3A_107] : memref<128x128xf32, #tpu.memory_space<vmem>> -> memref<125x128xf32, #tpu.memory_space<vmem>>
      %dma_wait3A_109 = arith.constant 0 : i32
      %dma_wait3A_110 = tpu.memref_slice %arg14[%add3A_74, %dma_wait3A_109] : memref<10000x128xf32, #tpu.memory_space<vmem_shared>> -> memref<125x128xf32, #tpu.memory_space<vmem_shared>>
      tpu.wait_dma2 semaphore(%run_scoped3A : memref<!tpu.dma_semaphore, #tpu.memory_space<semaphore_mem>>) src(%dma_wait3A_110 : memref<125x128xf32, #tpu.memory_space<vmem_shared>>) dst(%dma_wait3A_108 : memref<125x128xf32, #tpu.memory_space<vmem>>)
      tpu.yield
    }) : () -> ()
    "tpu.region"() ({
      %run_scoped3A = tpu.sem_alloc : memref<!tpu.dma_semaphore, #tpu.memory_space<semaphore_mem>>
      %dma_start3A_92 = arith.constant 0 : i32
      %dma_start3A_93 = arith.constant 0 : i32
      %dma_start3A_94 = tpu.memref_slice %arg11[%dma_start3A_92, %dma_start3A_93] : memref<128x128xf32, #tpu.memory_space<vmem>> -> memref<125x128xf32, #tpu.memory_space<vmem>>
      %dma_start3A_95 = arith.constant 0 : i32
      %dma_start3A_96 = tpu.memref_slice %arg5[%add3A_77, %dma_start3A_95] : memref<20000x128xf32, #tpu.memory_space<hbm>> -> memref<125x128xf32, #tpu.memory_space<hbm>>
      %dma_start3A_97 = arith.constant 0 : i32
      %dma_start3A_98 = tpu.memref_slice %arg5[%add3A_77, %dma_start3A_97] : memref<20000x128xf32, #tpu.memory_space<hbm>> -> memref<125x128xf32, #tpu.memory_space<hbm>>
      %dma_start3A_99 = arith.constant 0 : i32
      %dma_start3A_100 = arith.constant 0 : i32
      %dma_start3A_101 = tpu.memref_slice %arg11[%dma_start3A_99, %dma_start3A_100] : memref<128x128xf32, #tpu.memory_space<vmem>> -> memref<125x128xf32, #tpu.memory_space<vmem>>
      tpu.enqueue_dma source(%dma_start3A_101 : memref<125x128xf32, #tpu.memory_space<vmem>>) target(%dma_start3A_98 : memref<125x128xf32, #tpu.memory_space<hbm>>) target_semaphore(%run_scoped3A : memref<!tpu.dma_semaphore, #tpu.memory_space<semaphore_mem>>)
      %dma_wait3A = arith.constant 0 : i32
      %dma_wait3A_102 = arith.constant 0 : i32
      %dma_wait3A_103 = tpu.memref_slice %arg11[%dma_wait3A, %dma_wait3A_102] : memref<128x128xf32, #tpu.memory_space<vmem>> -> memref<125x128xf32, #tpu.memory_space<vmem>>
      %dma_wait3A_104 = arith.constant 0 : i32
      %dma_wait3A_105 = tpu.memref_slice %arg5[%add3A_77, %dma_wait3A_104] : memref<20000x128xf32, #tpu.memory_space<hbm>> -> memref<125x128xf32, #tpu.memory_space<hbm>>
      %dma_wait3A_106 = arith.constant 0 : i32
      %dma_wait3A_107 = tpu.memref_slice %arg5[%add3A_77, %dma_wait3A_106] : memref<20000x128xf32, #tpu.memory_space<hbm>> -> memref<125x128xf32, #tpu.memory_space<hbm>>
      %dma_wait3A_108 = arith.constant 0 : i32
      %dma_wait3A_109 = arith.constant 0 : i32
      %dma_wait3A_110 = tpu.memref_slice %arg11[%dma_wait3A_108, %dma_wait3A_109] : memref<128x128xf32, #tpu.memory_space<vmem>> -> memref<125x128xf32, #tpu.memory_space<vmem>>
      tpu.wait_dma2 semaphore(%run_scoped3A : memref<!tpu.dma_semaphore, #tpu.memory_space<semaphore_mem>>) src(%dma_wait3A_110 : memref<125x128xf32, #tpu.memory_space<vmem>>) dst(%dma_wait3A_107 : memref<125x128xf32, #tpu.memory_space<hbm>>)
      tpu.yield
    }) : () -> ()
    "tpu.region"() ({
      %run_scoped3A = tpu.sem_alloc : memref<!tpu.dma_semaphore, #tpu.memory_space<semaphore_mem>>
      %dma_start3A_92 = arith.constant 0 : i32
      %dma_start3A_93 = arith.constant 0 : i32
      %dma_start3A_94 = tpu.memref_slice %arg13[%dma_start3A_92, %dma_start3A_93] : memref<128x16xf32, #tpu.memory_space<vmem>> -> memref<125x16xf32, #tpu.memory_space<vmem>>
      %dma_start3A_95 = arith.constant 0 : i32
      %dma_start3A_96 = tpu.memref_slice %arg15[%add3A_74, %dma_start3A_95] : memref<10000x16xf32, #tpu.memory_space<vmem_shared>> -> memref<125x16xf32, #tpu.memory_space<vmem_shared>>
      %dma_start3A_97 = arith.constant 0 : i32
      %dma_start3A_98 = arith.constant 0 : i32
      %dma_start3A_99 = tpu.memref_slice %arg13[%dma_start3A_97, %dma_start3A_98] : memref<128x16xf32, #tpu.memory_space<vmem>> -> memref<125x16xf32, #tpu.memory_space<vmem>>
      %dma_start3A_100 = arith.constant 0 : i32
      %dma_start3A_101 = tpu.memref_slice %arg15[%add3A_74, %dma_start3A_100] : memref<10000x16xf32, #tpu.memory_space<vmem_shared>> -> memref<125x16xf32, #tpu.memory_space<vmem_shared>>
      tpu.enqueue_dma source(%dma_start3A_101 : memref<125x16xf32, #tpu.memory_space<vmem_shared>>) target(%dma_start3A_99 : memref<125x16xf32, #tpu.memory_space<vmem>>) target_semaphore(%run_scoped3A : memref<!tpu.dma_semaphore, #tpu.memory_space<semaphore_mem>>)
      %dma_wait3A = arith.constant 0 : i32
      %dma_wait3A_102 = arith.constant 0 : i32
      %dma_wait3A_103 = tpu.memref_slice %arg13[%dma_wait3A, %dma_wait3A_102] : memref<128x16xf32, #tpu.memory_space<vmem>> -> memref<125x16xf32, #tpu.memory_space<vmem>>
      %dma_wait3A_104 = arith.constant 0 : i32
      %dma_wait3A_105 = tpu.memref_slice %arg15[%add3A_74, %dma_wait3A_104] : memref<10000x16xf32, #tpu.memory_space<vmem_shared>> -> memref<125x16xf32, #tpu.memory_space<vmem_shared>>
      %dma_wait3A_106 = arith.constant 0 : i32
      %dma_wait3A_107 = arith.constant 0 : i32
      %dma_wait3A_108 = tpu.memref_slice %arg13[%dma_wait3A_106, %dma_wait3A_107] : memref<128x16xf32, #tpu.memory_space<vmem>> -> memref<125x16xf32, #tpu.memory_space<vmem>>
      %dma_wait3A_109 = arith.constant 0 : i32
      %dma_wait3A_110 = tpu.memref_slice %arg15[%add3A_74, %dma_wait3A_109] : memref<10000x16xf32, #tpu.memory_space<vmem_shared>> -> memref<125x16xf32, #tpu.memory_space<vmem_shared>>
      tpu.wait_dma2 semaphore(%run_scoped3A : memref<!tpu.dma_semaphore, #tpu.memory_space<semaphore_mem>>) src(%dma_wait3A_110 : memref<125x16xf32, #tpu.memory_space<vmem_shared>>) dst(%dma_wait3A_108 : memref<125x16xf32, #tpu.memory_space<vmem>>)
      tpu.yield
    }) : () -> ()
    "tpu.region"() ({
      %run_scoped3A = tpu.sem_alloc : memref<!tpu.dma_semaphore, #tpu.memory_space<semaphore_mem>>
      %dma_start3A_92 = arith.constant 0 : i32
      %dma_start3A_93 = arith.constant 0 : i32
      %dma_start3A_94 = tpu.memref_slice %arg13[%dma_start3A_92, %dma_start3A_93] : memref<128x16xf32, #tpu.memory_space<vmem>> -> memref<125x16xf32, #tpu.memory_space<vmem>>
      %dma_start3A_95 = arith.constant 0 : i32
      %dma_start3A_96 = tpu.memref_slice %arg6[%add3A_77, %dma_start3A_95] : memref<20000x16xf32, #tpu.memory_space<hbm>> -> memref<125x16xf32, #tpu.memory_space<hbm>>
      %dma_start3A_97 = arith.constant 0 : i32
      %dma_start3A_98 = tpu.memref_slice %arg6[%add3A_77, %dma_start3A_97] : memref<20000x16xf32, #tpu.memory_space<hbm>> -> memref<125x16xf32, #tpu.memory_space<hbm>>
      %dma_start3A_99 = arith.constant 0 : i32
      %dma_start3A_100 = arith.constant 0 : i32
      %dma_start3A_101 = tpu.memref_slice %arg13[%dma_start3A_99, %dma_start3A_100] : memref<128x16xf32, #tpu.memory_space<vmem>> -> memref<125x16xf32, #tpu.memory_space<vmem>>
      tpu.enqueue_dma source(%dma_start3A_101 : memref<125x16xf32, #tpu.memory_space<vmem>>) target(%dma_start3A_98 : memref<125x16xf32, #tpu.memory_space<hbm>>) target_semaphore(%run_scoped3A : memref<!tpu.dma_semaphore, #tpu.memory_space<semaphore_mem>>)
      %dma_wait3A = arith.constant 0 : i32
      %dma_wait3A_102 = arith.constant 0 : i32
      %dma_wait3A_103 = tpu.memref_slice %arg13[%dma_wait3A, %dma_wait3A_102] : memref<128x16xf32, #tpu.memory_space<vmem>> -> memref<125x16xf32, #tpu.memory_space<vmem>>
      %dma_wait3A_104 = arith.constant 0 : i32
      %dma_wait3A_105 = tpu.memref_slice %arg6[%add3A_77, %dma_wait3A_104] : memref<20000x16xf32, #tpu.memory_space<hbm>> -> memref<125x16xf32, #tpu.memory_space<hbm>>
      %dma_wait3A_106 = arith.constant 0 : i32
      %dma_wait3A_107 = tpu.memref_slice %arg6[%add3A_77, %dma_wait3A_106] : memref<20000x16xf32, #tpu.memory_space<hbm>> -> memref<125x16xf32, #tpu.memory_space<hbm>>
      %dma_wait3A_108 = arith.constant 0 : i32
      %dma_wait3A_109 = arith.constant 0 : i32
      %dma_wait3A_110 = tpu.memref_slice %arg13[%dma_wait3A_108, %dma_wait3A_109] : memref<128x16xf32, #tpu.memory_space<vmem>> -> memref<125x16xf32, #tpu.memory_space<vmem>>
      tpu.wait_dma2 semaphore(%run_scoped3A : memref<!tpu.dma_semaphore, #tpu.memory_space<semaphore_mem>>) src(%dma_wait3A_110 : memref<125x16xf32, #tpu.memory_space<vmem>>) dst(%dma_wait3A_107 : memref<125x16xf32, #tpu.memory_space<hbm>>)
      tpu.yield
    }) : () -> ()
    %mul3A_78 = arith.constant 625 : i32
    %mul3A_79 = arith.muli %arg1, %mul3A_78 : i32
    %add3A_80 = arith.constant 375 : i32
    %add3A_81 = arith.addi %mul3A_79, %add3A_80 : i32
    %mul3A_82 = arith.constant 10000 : i32
    %mul3A_83 = arith.muli %arg0, %mul3A_82 : i32
    %add3A_84 = arith.addi %mul3A_83, %add3A_81 : i32
    "tpu.region"() ({
      %run_scoped3A = tpu.sem_alloc : memref<!tpu.dma_semaphore, #tpu.memory_space<semaphore_mem>>
      %dma_start3A_92 = arith.constant 0 : i32
      %dma_start3A_93 = arith.constant 0 : i32
      %dma_start3A_94 = tpu.memref_slice %arg11[%dma_start3A_92, %dma_start3A_93] : memref<128x128xf32, #tpu.memory_space<vmem>> -> memref<125x128xf32, #tpu.memory_space<vmem>>
      %dma_start3A_95 = arith.constant 0 : i32
      %dma_start3A_96 = tpu.memref_slice %arg14[%add3A_81, %dma_start3A_95] : memref<10000x128xf32, #tpu.memory_space<vmem_shared>> -> memref<125x128xf32, #tpu.memory_space<vmem_shared>>
      %dma_start3A_97 = arith.constant 0 : i32
      %dma_start3A_98 = arith.constant 0 : i32
      %dma_start3A_99 = tpu.memref_slice %arg11[%dma_start3A_97, %dma_start3A_98] : memref<128x128xf32, #tpu.memory_space<vmem>> -> memref<125x128xf32, #tpu.memory_space<vmem>>
      %dma_start3A_100 = arith.constant 0 : i32
      %dma_start3A_101 = tpu.memref_slice %arg14[%add3A_81, %dma_start3A_100] : memref<10000x128xf32, #tpu.memory_space<vmem_shared>> -> memref<125x128xf32, #tpu.memory_space<vmem_shared>>
      tpu.enqueue_dma source(%dma_start3A_101 : memref<125x128xf32, #tpu.memory_space<vmem_shared>>) target(%dma_start3A_99 : memref<125x128xf32, #tpu.memory_space<vmem>>) target_semaphore(%run_scoped3A : memref<!tpu.dma_semaphore, #tpu.memory_space<semaphore_mem>>)
      %dma_wait3A = arith.constant 0 : i32
      %dma_wait3A_102 = arith.constant 0 : i32
      %dma_wait3A_103 = tpu.memref_slice %arg11[%dma_wait3A, %dma_wait3A_102] : memref<128x128xf32, #tpu.memory_space<vmem>> -> memref<125x128xf32, #tpu.memory_space<vmem>>
      %dma_wait3A_104 = arith.constant 0 : i32
      %dma_wait3A_105 = tpu.memref_slice %arg14[%add3A_81, %dma_wait3A_104] : memref<10000x128xf32, #tpu.memory_space<vmem_shared>> -> memref<125x128xf32, #tpu.memory_space<vmem_shared>>
      %dma_wait3A_106 = arith.constant 0 : i32
      %dma_wait3A_107 = arith.constant 0 : i32
      %dma_wait3A_108 = tpu.memref_slice %arg11[%dma_wait3A_106, %dma_wait3A_107] : memref<128x128xf32, #tpu.memory_space<vmem>> -> memref<125x128xf32, #tpu.memory_space<vmem>>
      %dma_wait3A_109 = arith.constant 0 : i32
      %dma_wait3A_110 = tpu.memref_slice %arg14[%add3A_81, %dma_wait3A_109] : memref<10000x128xf32, #tpu.memory_space<vmem_shared>> -> memref<125x128xf32, #tpu.memory_space<vmem_shared>>
      tpu.wait_dma2 semaphore(%run_scoped3A : memref<!tpu.dma_semaphore, #tpu.memory_space<semaphore_mem>>) src(%dma_wait3A_110 : memref<125x128xf32, #tpu.memory_space<vmem_shared>>) dst(%dma_wait3A_108 : memref<125x128xf32, #tpu.memory_space<vmem>>)
      tpu.yield
    }) : () -> ()
    "tpu.region"() ({
      %run_scoped3A = tpu.sem_alloc : memref<!tpu.dma_semaphore, #tpu.memory_space<semaphore_mem>>
      %dma_start3A_92 = arith.constant 0 : i32
      %dma_start3A_93 = arith.constant 0 : i32
      %dma_start3A_94 = tpu.memref_slice %arg11[%dma_start3A_92, %dma_start3A_93] : memref<128x128xf32, #tpu.memory_space<vmem>> -> memref<125x128xf32, #tpu.memory_space<vmem>>
      %dma_start3A_95 = arith.constant 0 : i32
      %dma_start3A_96 = tpu.memref_slice %arg5[%add3A_84, %dma_start3A_95] : memref<20000x128xf32, #tpu.memory_space<hbm>> -> memref<125x128xf32, #tpu.memory_space<hbm>>
      %dma_start3A_97 = arith.constant 0 : i32
      %dma_start3A_98 = tpu.memref_slice %arg5[%add3A_84, %dma_start3A_97] : memref<20000x128xf32, #tpu.memory_space<hbm>> -> memref<125x128xf32, #tpu.memory_space<hbm>>
      %dma_start3A_99 = arith.constant 0 : i32
      %dma_start3A_100 = arith.constant 0 : i32
      %dma_start3A_101 = tpu.memref_slice %arg11[%dma_start3A_99, %dma_start3A_100] : memref<128x128xf32, #tpu.memory_space<vmem>> -> memref<125x128xf32, #tpu.memory_space<vmem>>
      tpu.enqueue_dma source(%dma_start3A_101 : memref<125x128xf32, #tpu.memory_space<vmem>>) target(%dma_start3A_98 : memref<125x128xf32, #tpu.memory_space<hbm>>) target_semaphore(%run_scoped3A : memref<!tpu.dma_semaphore, #tpu.memory_space<semaphore_mem>>)
      %dma_wait3A = arith.constant 0 : i32
      %dma_wait3A_102 = arith.constant 0 : i32
      %dma_wait3A_103 = tpu.memref_slice %arg11[%dma_wait3A, %dma_wait3A_102] : memref<128x128xf32, #tpu.memory_space<vmem>> -> memref<125x128xf32, #tpu.memory_space<vmem>>
      %dma_wait3A_104 = arith.constant 0 : i32
      %dma_wait3A_105 = tpu.memref_slice %arg5[%add3A_84, %dma_wait3A_104] : memref<20000x128xf32, #tpu.memory_space<hbm>> -> memref<125x128xf32, #tpu.memory_space<hbm>>
      %dma_wait3A_106 = arith.constant 0 : i32
      %dma_wait3A_107 = tpu.memref_slice %arg5[%add3A_84, %dma_wait3A_106] : memref<20000x128xf32, #tpu.memory_space<hbm>> -> memref<125x128xf32, #tpu.memory_space<hbm>>
      %dma_wait3A_108 = arith.constant 0 : i32
      %dma_wait3A_109 = arith.constant 0 : i32
      %dma_wait3A_110 = tpu.memref_slice %arg11[%dma_wait3A_108, %dma_wait3A_109] : memref<128x128xf32, #tpu.memory_space<vmem>> -> memref<125x128xf32, #tpu.memory_space<vmem>>
      tpu.wait_dma2 semaphore(%run_scoped3A : memref<!tpu.dma_semaphore, #tpu.memory_space<semaphore_mem>>) src(%dma_wait3A_110 : memref<125x128xf32, #tpu.memory_space<vmem>>) dst(%dma_wait3A_107 : memref<125x128xf32, #tpu.memory_space<hbm>>)
      tpu.yield
    }) : () -> ()
    "tpu.region"() ({
      %run_scoped3A = tpu.sem_alloc : memref<!tpu.dma_semaphore, #tpu.memory_space<semaphore_mem>>
      %dma_start3A_92 = arith.constant 0 : i32
      %dma_start3A_93 = arith.constant 0 : i32
      %dma_start3A_94 = tpu.memref_slice %arg13[%dma_start3A_92, %dma_start3A_93] : memref<128x16xf32, #tpu.memory_space<vmem>> -> memref<125x16xf32, #tpu.memory_space<vmem>>
      %dma_start3A_95 = arith.constant 0 : i32
      %dma_start3A_96 = tpu.memref_slice %arg15[%add3A_81, %dma_start3A_95] : memref<10000x16xf32, #tpu.memory_space<vmem_shared>> -> memref<125x16xf32, #tpu.memory_space<vmem_shared>>
      %dma_start3A_97 = arith.constant 0 : i32
      %dma_start3A_98 = arith.constant 0 : i32
      %dma_start3A_99 = tpu.memref_slice %arg13[%dma_start3A_97, %dma_start3A_98] : memref<128x16xf32, #tpu.memory_space<vmem>> -> memref<125x16xf32, #tpu.memory_space<vmem>>
      %dma_start3A_100 = arith.constant 0 : i32
      %dma_start3A_101 = tpu.memref_slice %arg15[%add3A_81, %dma_start3A_100] : memref<10000x16xf32, #tpu.memory_space<vmem_shared>> -> memref<125x16xf32, #tpu.memory_space<vmem_shared>>
      tpu.enqueue_dma source(%dma_start3A_101 : memref<125x16xf32, #tpu.memory_space<vmem_shared>>) target(%dma_start3A_99 : memref<125x16xf32, #tpu.memory_space<vmem>>) target_semaphore(%run_scoped3A : memref<!tpu.dma_semaphore, #tpu.memory_space<semaphore_mem>>)
      %dma_wait3A = arith.constant 0 : i32
      %dma_wait3A_102 = arith.constant 0 : i32
      %dma_wait3A_103 = tpu.memref_slice %arg13[%dma_wait3A, %dma_wait3A_102] : memref<128x16xf32, #tpu.memory_space<vmem>> -> memref<125x16xf32, #tpu.memory_space<vmem>>
      %dma_wait3A_104 = arith.constant 0 : i32
      %dma_wait3A_105 = tpu.memref_slice %arg15[%add3A_81, %dma_wait3A_104] : memref<10000x16xf32, #tpu.memory_space<vmem_shared>> -> memref<125x16xf32, #tpu.memory_space<vmem_shared>>
      %dma_wait3A_106 = arith.constant 0 : i32
      %dma_wait3A_107 = arith.constant 0 : i32
      %dma_wait3A_108 = tpu.memref_slice %arg13[%dma_wait3A_106, %dma_wait3A_107] : memref<128x16xf32, #tpu.memory_space<vmem>> -> memref<125x16xf32, #tpu.memory_space<vmem>>
      %dma_wait3A_109 = arith.constant 0 : i32
      %dma_wait3A_110 = tpu.memref_slice %arg15[%add3A_81, %dma_wait3A_109] : memref<10000x16xf32, #tpu.memory_space<vmem_shared>> -> memref<125x16xf32, #tpu.memory_space<vmem_shared>>
      tpu.wait_dma2 semaphore(%run_scoped3A : memref<!tpu.dma_semaphore, #tpu.memory_space<semaphore_mem>>) src(%dma_wait3A_110 : memref<125x16xf32, #tpu.memory_space<vmem_shared>>) dst(%dma_wait3A_108 : memref<125x16xf32, #tpu.memory_space<vmem>>)
      tpu.yield
    }) : () -> ()
    "tpu.region"() ({
      %run_scoped3A = tpu.sem_alloc : memref<!tpu.dma_semaphore, #tpu.memory_space<semaphore_mem>>
      %dma_start3A_92 = arith.constant 0 : i32
      %dma_start3A_93 = arith.constant 0 : i32
      %dma_start3A_94 = tpu.memref_slice %arg13[%dma_start3A_92, %dma_start3A_93] : memref<128x16xf32, #tpu.memory_space<vmem>> -> memref<125x16xf32, #tpu.memory_space<vmem>>
      %dma_start3A_95 = arith.constant 0 : i32
      %dma_start3A_96 = tpu.memref_slice %arg6[%add3A_84, %dma_start3A_95] : memref<20000x16xf32, #tpu.memory_space<hbm>> -> memref<125x16xf32, #tpu.memory_space<hbm>>
      %dma_start3A_97 = arith.constant 0 : i32
      %dma_start3A_98 = tpu.memref_slice %arg6[%add3A_84, %dma_start3A_97] : memref<20000x16xf32, #tpu.memory_space<hbm>> -> memref<125x16xf32, #tpu.memory_space<hbm>>
      %dma_start3A_99 = arith.constant 0 : i32
      %dma_start3A_100 = arith.constant 0 : i32
      %dma_start3A_101 = tpu.memref_slice %arg13[%dma_start3A_99, %dma_start3A_100] : memref<128x16xf32, #tpu.memory_space<vmem>> -> memref<125x16xf32, #tpu.memory_space<vmem>>
      tpu.enqueue_dma source(%dma_start3A_101 : memref<125x16xf32, #tpu.memory_space<vmem>>) target(%dma_start3A_98 : memref<125x16xf32, #tpu.memory_space<hbm>>) target_semaphore(%run_scoped3A : memref<!tpu.dma_semaphore, #tpu.memory_space<semaphore_mem>>)
      %dma_wait3A = arith.constant 0 : i32
      %dma_wait3A_102 = arith.constant 0 : i32
      %dma_wait3A_103 = tpu.memref_slice %arg13[%dma_wait3A, %dma_wait3A_102] : memref<128x16xf32, #tpu.memory_space<vmem>> -> memref<125x16xf32, #tpu.memory_space<vmem>>
      %dma_wait3A_104 = arith.constant 0 : i32
      %dma_wait3A_105 = tpu.memref_slice %arg6[%add3A_84, %dma_wait3A_104] : memref<20000x16xf32, #tpu.memory_space<hbm>> -> memref<125x16xf32, #tpu.memory_space<hbm>>
      %dma_wait3A_106 = arith.constant 0 : i32
      %dma_wait3A_107 = tpu.memref_slice %arg6[%add3A_84, %dma_wait3A_106] : memref<20000x16xf32, #tpu.memory_space<hbm>> -> memref<125x16xf32, #tpu.memory_space<hbm>>
      %dma_wait3A_108 = arith.constant 0 : i32
      %dma_wait3A_109 = arith.constant 0 : i32
      %dma_wait3A_110 = tpu.memref_slice %arg13[%dma_wait3A_108, %dma_wait3A_109] : memref<128x16xf32, #tpu.memory_space<vmem>> -> memref<125x16xf32, #tpu.memory_space<vmem>>
      tpu.wait_dma2 semaphore(%run_scoped3A : memref<!tpu.dma_semaphore, #tpu.memory_space<semaphore_mem>>) src(%dma_wait3A_110 : memref<125x16xf32, #tpu.memory_space<vmem>>) dst(%dma_wait3A_107 : memref<125x16xf32, #tpu.memory_space<hbm>>)
      tpu.yield
    }) : () -> ()
    %mul3A_85 = arith.constant 625 : i32
    %mul3A_86 = arith.muli %arg1, %mul3A_85 : i32
    %add3A_87 = arith.constant 500 : i32
    %add3A_88 = arith.addi %mul3A_86, %add3A_87 : i32
    %mul3A_89 = arith.constant 10000 : i32
    %mul3A_90 = arith.muli %arg0, %mul3A_89 : i32
    %add3A_91 = arith.addi %mul3A_90, %add3A_88 : i32
    "tpu.region"() ({
      %run_scoped3A = tpu.sem_alloc : memref<!tpu.dma_semaphore, #tpu.memory_space<semaphore_mem>>
      %dma_start3A_92 = arith.constant 0 : i32
      %dma_start3A_93 = arith.constant 0 : i32
      %dma_start3A_94 = tpu.memref_slice %arg11[%dma_start3A_92, %dma_start3A_93] : memref<128x128xf32, #tpu.memory_space<vmem>> -> memref<125x128xf32, #tpu.memory_space<vmem>>
      %dma_start3A_95 = arith.constant 0 : i32
      %dma_start3A_96 = tpu.memref_slice %arg14[%add3A_88, %dma_start3A_95] : memref<10000x128xf32, #tpu.memory_space<vmem_shared>> -> memref<125x128xf32, #tpu.memory_space<vmem_shared>>
      %dma_start3A_97 = arith.constant 0 : i32
      %dma_start3A_98 = arith.constant 0 : i32
      %dma_start3A_99 = tpu.memref_slice %arg11[%dma_start3A_97, %dma_start3A_98] : memref<128x128xf32, #tpu.memory_space<vmem>> -> memref<125x128xf32, #tpu.memory_space<vmem>>
      %dma_start3A_100 = arith.constant 0 : i32
      %dma_start3A_101 = tpu.memref_slice %arg14[%add3A_88, %dma_start3A_100] : memref<10000x128xf32, #tpu.memory_space<vmem_shared>> -> memref<125x128xf32, #tpu.memory_space<vmem_shared>>
      tpu.enqueue_dma source(%dma_start3A_101 : memref<125x128xf32, #tpu.memory_space<vmem_shared>>) target(%dma_start3A_99 : memref<125x128xf32, #tpu.memory_space<vmem>>) target_semaphore(%run_scoped3A : memref<!tpu.dma_semaphore, #tpu.memory_space<semaphore_mem>>)
      %dma_wait3A = arith.constant 0 : i32
      %dma_wait3A_102 = arith.constant 0 : i32
      %dma_wait3A_103 = tpu.memref_slice %arg11[%dma_wait3A, %dma_wait3A_102] : memref<128x128xf32, #tpu.memory_space<vmem>> -> memref<125x128xf32, #tpu.memory_space<vmem>>
      %dma_wait3A_104 = arith.constant 0 : i32
      %dma_wait3A_105 = tpu.memref_slice %arg14[%add3A_88, %dma_wait3A_104] : memref<10000x128xf32, #tpu.memory_space<vmem_shared>> -> memref<125x128xf32, #tpu.memory_space<vmem_shared>>
      %dma_wait3A_106 = arith.constant 0 : i32
      %dma_wait3A_107 = arith.constant 0 : i32
      %dma_wait3A_108 = tpu.memref_slice %arg11[%dma_wait3A_106, %dma_wait3A_107] : memref<128x128xf32, #tpu.memory_space<vmem>> -> memref<125x128xf32, #tpu.memory_space<vmem>>
      %dma_wait3A_109 = arith.constant 0 : i32
      %dma_wait3A_110 = tpu.memref_slice %arg14[%add3A_88, %dma_wait3A_109] : memref<10000x128xf32, #tpu.memory_space<vmem_shared>> -> memref<125x128xf32, #tpu.memory_space<vmem_shared>>
      tpu.wait_dma2 semaphore(%run_scoped3A : memref<!tpu.dma_semaphore, #tpu.memory_space<semaphore_mem>>) src(%dma_wait3A_110 : memref<125x128xf32, #tpu.memory_space<vmem_shared>>) dst(%dma_wait3A_108 : memref<125x128xf32, #tpu.memory_space<vmem>>)
      tpu.yield
    }) : () -> ()
    "tpu.region"() ({
      %run_scoped3A = tpu.sem_alloc : memref<!tpu.dma_semaphore, #tpu.memory_space<semaphore_mem>>
      %dma_start3A_92 = arith.constant 0 : i32
      %dma_start3A_93 = arith.constant 0 : i32
      %dma_start3A_94 = tpu.memref_slice %arg11[%dma_start3A_92, %dma_start3A_93] : memref<128x128xf32, #tpu.memory_space<vmem>> -> memref<125x128xf32, #tpu.memory_space<vmem>>
      %dma_start3A_95 = arith.constant 0 : i32
      %dma_start3A_96 = tpu.memref_slice %arg5[%add3A_91, %dma_start3A_95] : memref<20000x128xf32, #tpu.memory_space<hbm>> -> memref<125x128xf32, #tpu.memory_space<hbm>>
      %dma_start3A_97 = arith.constant 0 : i32
      %dma_start3A_98 = tpu.memref_slice %arg5[%add3A_91, %dma_start3A_97] : memref<20000x128xf32, #tpu.memory_space<hbm>> -> memref<125x128xf32, #tpu.memory_space<hbm>>
      %dma_start3A_99 = arith.constant 0 : i32
      %dma_start3A_100 = arith.constant 0 : i32
      %dma_start3A_101 = tpu.memref_slice %arg11[%dma_start3A_99, %dma_start3A_100] : memref<128x128xf32, #tpu.memory_space<vmem>> -> memref<125x128xf32, #tpu.memory_space<vmem>>
      tpu.enqueue_dma source(%dma_start3A_101 : memref<125x128xf32, #tpu.memory_space<vmem>>) target(%dma_start3A_98 : memref<125x128xf32, #tpu.memory_space<hbm>>) target_semaphore(%run_scoped3A : memref<!tpu.dma_semaphore, #tpu.memory_space<semaphore_mem>>)
      %dma_wait3A = arith.constant 0 : i32
      %dma_wait3A_102 = arith.constant 0 : i32
      %dma_wait3A_103 = tpu.memref_slice %arg11[%dma_wait3A, %dma_wait3A_102] : memref<128x128xf32, #tpu.memory_space<vmem>> -> memref<125x128xf32, #tpu.memory_space<vmem>>
      %dma_wait3A_104 = arith.constant 0 : i32
      %dma_wait3A_105 = tpu.memref_slice %arg5[%add3A_91, %dma_wait3A_104] : memref<20000x128xf32, #tpu.memory_space<hbm>> -> memref<125x128xf32, #tpu.memory_space<hbm>>
      %dma_wait3A_106 = arith.constant 0 : i32
      %dma_wait3A_107 = tpu.memref_slice %arg5[%add3A_91, %dma_wait3A_106] : memref<20000x128xf32, #tpu.memory_space<hbm>> -> memref<125x128xf32, #tpu.memory_space<hbm>>
      %dma_wait3A_108 = arith.constant 0 : i32
      %dma_wait3A_109 = arith.constant 0 : i32
      %dma_wait3A_110 = tpu.memref_slice %arg11[%dma_wait3A_108, %dma_wait3A_109] : memref<128x128xf32, #tpu.memory_space<vmem>> -> memref<125x128xf32, #tpu.memory_space<vmem>>
      tpu.wait_dma2 semaphore(%run_scoped3A : memref<!tpu.dma_semaphore, #tpu.memory_space<semaphore_mem>>) src(%dma_wait3A_110 : memref<125x128xf32, #tpu.memory_space<vmem>>) dst(%dma_wait3A_107 : memref<125x128xf32, #tpu.memory_space<hbm>>)
      tpu.yield
    }) : () -> ()
    "tpu.region"() ({
      %run_scoped3A = tpu.sem_alloc : memref<!tpu.dma_semaphore, #tpu.memory_space<semaphore_mem>>
      %dma_start3A_92 = arith.constant 0 : i32
      %dma_start3A_93 = arith.constant 0 : i32
      %dma_start3A_94 = tpu.memref_slice %arg13[%dma_start3A_92, %dma_start3A_93] : memref<128x16xf32, #tpu.memory_space<vmem>> -> memref<125x16xf32, #tpu.memory_space<vmem>>
      %dma_start3A_95 = arith.constant 0 : i32
      %dma_start3A_96 = tpu.memref_slice %arg15[%add3A_88, %dma_start3A_95] : memref<10000x16xf32, #tpu.memory_space<vmem_shared>> -> memref<125x16xf32, #tpu.memory_space<vmem_shared>>
      %dma_start3A_97 = arith.constant 0 : i32
      %dma_start3A_98 = arith.constant 0 : i32
      %dma_start3A_99 = tpu.memref_slice %arg13[%dma_start3A_97, %dma_start3A_98] : memref<128x16xf32, #tpu.memory_space<vmem>> -> memref<125x16xf32, #tpu.memory_space<vmem>>
      %dma_start3A_100 = arith.constant 0 : i32
      %dma_start3A_101 = tpu.memref_slice %arg15[%add3A_88, %dma_start3A_100] : memref<10000x16xf32, #tpu.memory_space<vmem_shared>> -> memref<125x16xf32, #tpu.memory_space<vmem_shared>>
      tpu.enqueue_dma source(%dma_start3A_101 : memref<125x16xf32, #tpu.memory_space<vmem_shared>>) target(%dma_start3A_99 : memref<125x16xf32, #tpu.memory_space<vmem>>) target_semaphore(%run_scoped3A : memref<!tpu.dma_semaphore, #tpu.memory_space<semaphore_mem>>)
      %dma_wait3A = arith.constant 0 : i32
      %dma_wait3A_102 = arith.constant 0 : i32
      %dma_wait3A_103 = tpu.memref_slice %arg13[%dma_wait3A, %dma_wait3A_102] : memref<128x16xf32, #tpu.memory_space<vmem>> -> memref<125x16xf32, #tpu.memory_space<vmem>>
      %dma_wait3A_104 = arith.constant 0 : i32
      %dma_wait3A_105 = tpu.memref_slice %arg15[%add3A_88, %dma_wait3A_104] : memref<10000x16xf32, #tpu.memory_space<vmem_shared>> -> memref<125x16xf32, #tpu.memory_space<vmem_shared>>
      %dma_wait3A_106 = arith.constant 0 : i32
      %dma_wait3A_107 = arith.constant 0 : i32
      %dma_wait3A_108 = tpu.memref_slice %arg13[%dma_wait3A_106, %dma_wait3A_107] : memref<128x16xf32, #tpu.memory_space<vmem>> -> memref<125x16xf32, #tpu.memory_space<vmem>>
      %dma_wait3A_109 = arith.constant 0 : i32
      %dma_wait3A_110 = tpu.memref_slice %arg15[%add3A_88, %dma_wait3A_109] : memref<10000x16xf32, #tpu.memory_space<vmem_shared>> -> memref<125x16xf32, #tpu.memory_space<vmem_shared>>
      tpu.wait_dma2 semaphore(%run_scoped3A : memref<!tpu.dma_semaphore, #tpu.memory_space<semaphore_mem>>) src(%dma_wait3A_110 : memref<125x16xf32, #tpu.memory_space<vmem_shared>>) dst(%dma_wait3A_108 : memref<125x16xf32, #tpu.memory_space<vmem>>)
      tpu.yield
    }) : () -> ()
    "tpu.region"() ({
      %run_scoped3A = tpu.sem_alloc : memref<!tpu.dma_semaphore, #tpu.memory_space<semaphore_mem>>
      %dma_start3A_92 = arith.constant 0 : i32
      %dma_start3A_93 = arith.constant 0 : i32
      %dma_start3A_94 = tpu.memref_slice %arg13[%dma_start3A_92, %dma_start3A_93] : memref<128x16xf32, #tpu.memory_space<vmem>> -> memref<125x16xf32, #tpu.memory_space<vmem>>
      %dma_start3A_95 = arith.constant 0 : i32
      %dma_start3A_96 = tpu.memref_slice %arg6[%add3A_91, %dma_start3A_95] : memref<20000x16xf32, #tpu.memory_space<hbm>> -> memref<125x16xf32, #tpu.memory_space<hbm>>
      %dma_start3A_97 = arith.constant 0 : i32
      %dma_start3A_98 = tpu.memref_slice %arg6[%add3A_91, %dma_start3A_97] : memref<20000x16xf32, #tpu.memory_space<hbm>> -> memref<125x16xf32, #tpu.memory_space<hbm>>
      %dma_start3A_99 = arith.constant 0 : i32
      %dma_start3A_100 = arith.constant 0 : i32
      %dma_start3A_101 = tpu.memref_slice %arg13[%dma_start3A_99, %dma_start3A_100] : memref<128x16xf32, #tpu.memory_space<vmem>> -> memref<125x16xf32, #tpu.memory_space<vmem>>
      tpu.enqueue_dma source(%dma_start3A_101 : memref<125x16xf32, #tpu.memory_space<vmem>>) target(%dma_start3A_98 : memref<125x16xf32, #tpu.memory_space<hbm>>) target_semaphore(%run_scoped3A : memref<!tpu.dma_semaphore, #tpu.memory_space<semaphore_mem>>)
      %dma_wait3A = arith.constant 0 : i32
      %dma_wait3A_102 = arith.constant 0 : i32
      %dma_wait3A_103 = tpu.memref_slice %arg13[%dma_wait3A, %dma_wait3A_102] : memref<128x16xf32, #tpu.memory_space<vmem>> -> memref<125x16xf32, #tpu.memory_space<vmem>>
      %dma_wait3A_104 = arith.constant 0 : i32
      %dma_wait3A_105 = tpu.memref_slice %arg6[%add3A_91, %dma_wait3A_104] : memref<20000x16xf32, #tpu.memory_space<hbm>> -> memref<125x16xf32, #tpu.memory_space<hbm>>
      %dma_wait3A_106 = arith.constant 0 : i32
      %dma_wait3A_107 = tpu.memref_slice %arg6[%add3A_91, %dma_wait3A_106] : memref<20000x16xf32, #tpu.memory_space<hbm>> -> memref<125x16xf32, #tpu.memory_space<hbm>>
      %dma_wait3A_108 = arith.constant 0 : i32
      %dma_wait3A_109 = arith.constant 0 : i32
      %dma_wait3A_110 = tpu.memref_slice %arg13[%dma_wait3A_108, %dma_wait3A_109] : memref<128x16xf32, #tpu.memory_space<vmem>> -> memref<125x16xf32, #tpu.memory_space<vmem>>
      tpu.wait_dma2 semaphore(%run_scoped3A : memref<!tpu.dma_semaphore, #tpu.memory_space<semaphore_mem>>) src(%dma_wait3A_110 : memref<125x16xf32, #tpu.memory_space<vmem>>) dst(%dma_wait3A_107 : memref<125x16xf32, #tpu.memory_space<hbm>>)
      tpu.yield
    }) : () -> ()
    return
  }
}

#map = affine_map<(d0, d1) -> (0, 0)>
#map1 = affine_map<(d0, d1) -> (0)>
module attributes {stable_mosaic.version = 14 : i64} {
  func.func @_edge_body(%arg0: i32, %arg1: i32, %arg2: memref<10000x80xf32, #tpu.memory_space<hbm>>, %arg3: memref<10000x80xf32, #tpu.memory_space<hbm>>, %arg4: memref<320000xi32, #tpu.memory_space<hbm>>, %arg5: memref<320000xi32, #tpu.memory_space<hbm>>, %arg6: memref<320000x32xf32, #tpu.memory_space<hbm>>, %arg7: memref<320000x32xf32, #tpu.memory_space<hbm>>, %arg8: memref<320000xf32, #tpu.memory_space<hbm>>, %arg9: memref<10112xi32, #tpu.memory_space<vmem>>, %arg10: memref<10112xi32, #tpu.memory_space<vmem>>, %arg11: memref<128x80xf32, #tpu.memory_space<vmem>>, %arg12: memref<128x80xf32, #tpu.memory_space<vmem>>, %arg13: memref<128x80xf32, #tpu.memory_space<vmem>>, %arg14: memref<128x80xf32, #tpu.memory_space<vmem>>, %arg15: memref<128x32xf32, #tpu.memory_space<vmem>>, %arg16: memref<128x32xf32, #tpu.memory_space<vmem>>, %arg17: memref<128x32xf32, #tpu.memory_space<vmem>>, %arg18: memref<128x32xf32, #tpu.memory_space<vmem>>, %arg19: memref<128xf32, #tpu.memory_space<vmem>>, %arg20: memref<128xf32, #tpu.memory_space<vmem>>, %arg21: memref<!tpu.dma_semaphore, #tpu.memory_space<semaphore_mem>>, %arg22: memref<!tpu.dma_semaphore, #tpu.memory_space<semaphore_mem>>, %arg23: memref<!tpu.dma_semaphore, #tpu.memory_space<semaphore_mem>>, %arg24: memref<!tpu.dma_semaphore, #tpu.memory_space<semaphore_mem>>, %arg25: memref<!tpu.dma_semaphore, #tpu.memory_space<semaphore_mem>>, %arg26: memref<!tpu.dma_semaphore, #tpu.memory_space<semaphore_mem>>) attributes {dimension_semantics = [#tpu.dimension_semantics<core_parallel>, #tpu.dimension_semantics<subcore_parallel>], iteration_bounds = array<i64: 2, 16>, scalar_prefetch = 0 : i64, scratch_operands = 18 : i64, tpu.core_type = #tpu.core_type<sc_vector_subcore>, window_params = [{transform_indices = #map}, {transform_indices = #map}, {transform_indices = #map1}, {transform_indices = #map1}, {transform_indices = #map}, {transform_indices = #map}, {transform_indices = #map1}]} {
    %mul3A = arith.constant 2 : i32
    %mul3A_0 = arith.muli %arg1, %mul3A : i32
    %add3A = arith.addi %mul3A_0, %arg0 : i32
    %mul3A_1 = arith.constant 78 : i32
    %mul3A_2 = arith.muli %add3A, %mul3A_1 : i32
    %min3A = arith.constant 4 : i32
    %min3A_3 = arith.minsi %add3A, %min3A : i32
    %add3A_4 = arith.addi %mul3A_2, %min3A_3 : i32
    %lt3A = arith.constant 4 : i32
    %lt3A_5 = arith.cmpi slt, %add3A, %lt3A : i32
    %jit3A = arith.constant 1 : i32
    %jit3A_6 = arith.constant 0 : i32
    %select_n3A = arith.select %lt3A_5, %jit3A, %jit3A_6 : i32
    %add3A_7 = arith.constant 78 : i32
    %add3A_8 = arith.addi %add3A_7, %select_n3A : i32
    %iota3A = tpu.iota {dimensions = array<i32: 0>} : vector<16xi32>
    %mul3A_9 = arith.constant 128 : i32
    %mul3A_10 = arith.muli %add3A_4, %mul3A_9 : i32
    "tpu.region"() ({
      %run_scoped3A = tpu.sem_alloc : memref<!tpu.dma_semaphore, #tpu.memory_space<semaphore_mem>>
      %dma_start3A_117 = arith.constant 0 : i32
      %dma_start3A_118 = tpu.memref_slice %arg9[%dma_start3A_117] : memref<10112xi32, #tpu.memory_space<vmem>> -> memref<9984xi32, #tpu.memory_space<vmem>>
      %dma_start3A_119 = tpu.memref_slice %arg4[%mul3A_10] : memref<320000xi32, #tpu.memory_space<hbm>> -> memref<9984xi32, #tpu.memory_space<hbm>>
      %dma_start3A_120 = arith.constant 0 : i32
      %dma_start3A_121 = tpu.memref_slice %arg9[%dma_start3A_120] : memref<10112xi32, #tpu.memory_space<vmem>> -> memref<9984xi32, #tpu.memory_space<vmem>>
      %dma_start3A_122 = tpu.memref_slice %arg4[%mul3A_10] : memref<320000xi32, #tpu.memory_space<hbm>> -> memref<9984xi32, #tpu.memory_space<hbm>>
      tpu.enqueue_dma source(%dma_start3A_122 : memref<9984xi32, #tpu.memory_space<hbm>>) target(%dma_start3A_121 : memref<9984xi32, #tpu.memory_space<vmem>>) target_semaphore(%run_scoped3A : memref<!tpu.dma_semaphore, #tpu.memory_space<semaphore_mem>>)
      %dma_wait3A = arith.constant 0 : i32
      %dma_wait3A_123 = tpu.memref_slice %arg9[%dma_wait3A] : memref<10112xi32, #tpu.memory_space<vmem>> -> memref<9984xi32, #tpu.memory_space<vmem>>
      %dma_wait3A_124 = tpu.memref_slice %arg4[%mul3A_10] : memref<320000xi32, #tpu.memory_space<hbm>> -> memref<9984xi32, #tpu.memory_space<hbm>>
      %dma_wait3A_125 = arith.constant 0 : i32
      %dma_wait3A_126 = tpu.memref_slice %arg9[%dma_wait3A_125] : memref<10112xi32, #tpu.memory_space<vmem>> -> memref<9984xi32, #tpu.memory_space<vmem>>
      %dma_wait3A_127 = tpu.memref_slice %arg4[%mul3A_10] : memref<320000xi32, #tpu.memory_space<hbm>> -> memref<9984xi32, #tpu.memory_space<hbm>>
      tpu.wait_dma2 semaphore(%run_scoped3A : memref<!tpu.dma_semaphore, #tpu.memory_space<semaphore_mem>>) src(%dma_wait3A_127 : memref<9984xi32, #tpu.memory_space<hbm>>) dst(%dma_wait3A_126 : memref<9984xi32, #tpu.memory_space<vmem>>)
      tpu.yield
    }) : () -> ()
    %mul3A_11 = arith.constant 128 : i32
    %mul3A_12 = arith.muli %add3A_4, %mul3A_11 : i32
    "tpu.region"() ({
      %run_scoped3A = tpu.sem_alloc : memref<!tpu.dma_semaphore, #tpu.memory_space<semaphore_mem>>
      %dma_start3A_117 = arith.constant 0 : i32
      %dma_start3A_118 = tpu.memref_slice %arg10[%dma_start3A_117] : memref<10112xi32, #tpu.memory_space<vmem>> -> memref<9984xi32, #tpu.memory_space<vmem>>
      %dma_start3A_119 = tpu.memref_slice %arg5[%mul3A_12] : memref<320000xi32, #tpu.memory_space<hbm>> -> memref<9984xi32, #tpu.memory_space<hbm>>
      %dma_start3A_120 = arith.constant 0 : i32
      %dma_start3A_121 = tpu.memref_slice %arg10[%dma_start3A_120] : memref<10112xi32, #tpu.memory_space<vmem>> -> memref<9984xi32, #tpu.memory_space<vmem>>
      %dma_start3A_122 = tpu.memref_slice %arg5[%mul3A_12] : memref<320000xi32, #tpu.memory_space<hbm>> -> memref<9984xi32, #tpu.memory_space<hbm>>
      tpu.enqueue_dma source(%dma_start3A_122 : memref<9984xi32, #tpu.memory_space<hbm>>) target(%dma_start3A_121 : memref<9984xi32, #tpu.memory_space<vmem>>) target_semaphore(%run_scoped3A : memref<!tpu.dma_semaphore, #tpu.memory_space<semaphore_mem>>)
      %dma_wait3A = arith.constant 0 : i32
      %dma_wait3A_123 = tpu.memref_slice %arg10[%dma_wait3A] : memref<10112xi32, #tpu.memory_space<vmem>> -> memref<9984xi32, #tpu.memory_space<vmem>>
      %dma_wait3A_124 = tpu.memref_slice %arg5[%mul3A_12] : memref<320000xi32, #tpu.memory_space<hbm>> -> memref<9984xi32, #tpu.memory_space<hbm>>
      %dma_wait3A_125 = arith.constant 0 : i32
      %dma_wait3A_126 = tpu.memref_slice %arg10[%dma_wait3A_125] : memref<10112xi32, #tpu.memory_space<vmem>> -> memref<9984xi32, #tpu.memory_space<vmem>>
      %dma_wait3A_127 = tpu.memref_slice %arg5[%mul3A_12] : memref<320000xi32, #tpu.memory_space<hbm>> -> memref<9984xi32, #tpu.memory_space<hbm>>
      tpu.wait_dma2 semaphore(%run_scoped3A : memref<!tpu.dma_semaphore, #tpu.memory_space<semaphore_mem>>) src(%dma_wait3A_127 : memref<9984xi32, #tpu.memory_space<hbm>>) dst(%dma_wait3A_126 : memref<9984xi32, #tpu.memory_space<vmem>>)
      tpu.yield
    }) : () -> ()
    %lt3A_13 = arith.constant 4 : i32
    %lt3A_14 = arith.cmpi slt, %add3A, %lt3A_13 : i32
    %convert_element_type3A = arith.extui %lt3A_14 : i1 to i32
    %cond3A = arith.constant 0 : i32
    %cond3A_15 = arith.cmpi ne, %convert_element_type3A, %cond3A : i32
    scf.if %cond3A_15 {
      %mul3A_117 = arith.constant 128 : i32
      %mul3A_118 = arith.muli %add3A_4, %mul3A_117 : i32
      %add3A_119 = arith.constant 9984 : i32
      %add3A_120 = arith.addi %mul3A_118, %add3A_119 : i32
      "tpu.region"() ({
        %run_scoped3A = tpu.sem_alloc : memref<!tpu.dma_semaphore, #tpu.memory_space<semaphore_mem>>
        %dma_start3A_125 = arith.constant 9984 : i32
        %dma_start3A_126 = tpu.memref_slice %arg9[%dma_start3A_125] : memref<10112xi32, #tpu.memory_space<vmem>> -> memref<128xi32, #tpu.memory_space<vmem>>
        %dma_start3A_127 = tpu.memref_slice %arg4[%add3A_120] : memref<320000xi32, #tpu.memory_space<hbm>> -> memref<128xi32, #tpu.memory_space<hbm>>
        %dma_start3A_128 = arith.constant 9984 : i32
        %dma_start3A_129 = tpu.memref_slice %arg9[%dma_start3A_128] : memref<10112xi32, #tpu.memory_space<vmem>> -> memref<128xi32, #tpu.memory_space<vmem>>
        %dma_start3A_130 = tpu.memref_slice %arg4[%add3A_120] : memref<320000xi32, #tpu.memory_space<hbm>> -> memref<128xi32, #tpu.memory_space<hbm>>
        tpu.enqueue_dma source(%dma_start3A_130 : memref<128xi32, #tpu.memory_space<hbm>>) target(%dma_start3A_129 : memref<128xi32, #tpu.memory_space<vmem>>) target_semaphore(%run_scoped3A : memref<!tpu.dma_semaphore, #tpu.memory_space<semaphore_mem>>)
        %dma_wait3A = arith.constant 9984 : i32
        %dma_wait3A_131 = tpu.memref_slice %arg9[%dma_wait3A] : memref<10112xi32, #tpu.memory_space<vmem>> -> memref<128xi32, #tpu.memory_space<vmem>>
        %dma_wait3A_132 = tpu.memref_slice %arg4[%add3A_120] : memref<320000xi32, #tpu.memory_space<hbm>> -> memref<128xi32, #tpu.memory_space<hbm>>
        %dma_wait3A_133 = arith.constant 9984 : i32
        %dma_wait3A_134 = tpu.memref_slice %arg9[%dma_wait3A_133] : memref<10112xi32, #tpu.memory_space<vmem>> -> memref<128xi32, #tpu.memory_space<vmem>>
        %dma_wait3A_135 = tpu.memref_slice %arg4[%add3A_120] : memref<320000xi32, #tpu.memory_space<hbm>> -> memref<128xi32, #tpu.memory_space<hbm>>
        tpu.wait_dma2 semaphore(%run_scoped3A : memref<!tpu.dma_semaphore, #tpu.memory_space<semaphore_mem>>) src(%dma_wait3A_135 : memref<128xi32, #tpu.memory_space<hbm>>) dst(%dma_wait3A_134 : memref<128xi32, #tpu.memory_space<vmem>>)
        tpu.yield
      }) : () -> ()
      %mul3A_121 = arith.constant 128 : i32
      %mul3A_122 = arith.muli %add3A_4, %mul3A_121 : i32
      %add3A_123 = arith.constant 9984 : i32
      %add3A_124 = arith.addi %mul3A_122, %add3A_123 : i32
      "tpu.region"() ({
        %run_scoped3A = tpu.sem_alloc : memref<!tpu.dma_semaphore, #tpu.memory_space<semaphore_mem>>
        %dma_start3A_125 = arith.constant 9984 : i32
        %dma_start3A_126 = tpu.memref_slice %arg10[%dma_start3A_125] : memref<10112xi32, #tpu.memory_space<vmem>> -> memref<128xi32, #tpu.memory_space<vmem>>
        %dma_start3A_127 = tpu.memref_slice %arg5[%add3A_124] : memref<320000xi32, #tpu.memory_space<hbm>> -> memref<128xi32, #tpu.memory_space<hbm>>
        %dma_start3A_128 = arith.constant 9984 : i32
        %dma_start3A_129 = tpu.memref_slice %arg10[%dma_start3A_128] : memref<10112xi32, #tpu.memory_space<vmem>> -> memref<128xi32, #tpu.memory_space<vmem>>
        %dma_start3A_130 = tpu.memref_slice %arg5[%add3A_124] : memref<320000xi32, #tpu.memory_space<hbm>> -> memref<128xi32, #tpu.memory_space<hbm>>
        tpu.enqueue_dma source(%dma_start3A_130 : memref<128xi32, #tpu.memory_space<hbm>>) target(%dma_start3A_129 : memref<128xi32, #tpu.memory_space<vmem>>) target_semaphore(%run_scoped3A : memref<!tpu.dma_semaphore, #tpu.memory_space<semaphore_mem>>)
        %dma_wait3A = arith.constant 9984 : i32
        %dma_wait3A_131 = tpu.memref_slice %arg10[%dma_wait3A] : memref<10112xi32, #tpu.memory_space<vmem>> -> memref<128xi32, #tpu.memory_space<vmem>>
        %dma_wait3A_132 = tpu.memref_slice %arg5[%add3A_124] : memref<320000xi32, #tpu.memory_space<hbm>> -> memref<128xi32, #tpu.memory_space<hbm>>
        %dma_wait3A_133 = arith.constant 9984 : i32
        %dma_wait3A_134 = tpu.memref_slice %arg10[%dma_wait3A_133] : memref<10112xi32, #tpu.memory_space<vmem>> -> memref<128xi32, #tpu.memory_space<vmem>>
        %dma_wait3A_135 = tpu.memref_slice %arg5[%add3A_124] : memref<320000xi32, #tpu.memory_space<hbm>> -> memref<128xi32, #tpu.memory_space<hbm>>
        tpu.wait_dma2 semaphore(%run_scoped3A : memref<!tpu.dma_semaphore, #tpu.memory_space<semaphore_mem>>) src(%dma_wait3A_135 : memref<128xi32, #tpu.memory_space<hbm>>) dst(%dma_wait3A_134 : memref<128xi32, #tpu.memory_space<vmem>>)
        tpu.yield
      }) : () -> ()
    } else {
    }
    %dma_start3A = arith.constant 0 : i32
    %dma_start3A_16 = tpu.memref_slice %arg9[%dma_start3A] : memref<10112xi32, #tpu.memory_space<vmem>> -> memref<128xi32, #tpu.memory_space<vmem>>
    %dma_start3A_17 = arith.constant 0 : i32
    %dma_start3A_18 = arith.constant 0 : i32
    %dma_start3A_19 = tpu.memref_slice %arg2[%dma_start3A_17, %dma_start3A_18] : memref<10000x80xf32, #tpu.memory_space<hbm>> -> memref<10000x80xf32, #tpu.memory_space<hbm>>
    tpu.enqueue_indirect_dma source(%dma_start3A_19 : memref<10000x80xf32, #tpu.memory_space<hbm>>) target(%arg11 : memref<128x80xf32, #tpu.memory_space<vmem>>) offsets(%dma_start3A_16 : memref<128xi32, #tpu.memory_space<vmem>>) semaphore(%arg21 : memref<!tpu.dma_semaphore, #tpu.memory_space<semaphore_mem>>)
    %dma_start3A_20 = arith.constant 0 : i32
    %dma_start3A_21 = tpu.memref_slice %arg10[%dma_start3A_20] : memref<10112xi32, #tpu.memory_space<vmem>> -> memref<128xi32, #tpu.memory_space<vmem>>
    %dma_start3A_22 = arith.constant 0 : i32
    %dma_start3A_23 = arith.constant 0 : i32
    %dma_start3A_24 = tpu.memref_slice %arg3[%dma_start3A_22, %dma_start3A_23] : memref<10000x80xf32, #tpu.memory_space<hbm>> -> memref<10000x80xf32, #tpu.memory_space<hbm>>
    tpu.enqueue_indirect_dma source(%dma_start3A_24 : memref<10000x80xf32, #tpu.memory_space<hbm>>) target(%arg13 : memref<128x80xf32, #tpu.memory_space<vmem>>) offsets(%dma_start3A_21 : memref<128xi32, #tpu.memory_space<vmem>>) semaphore(%arg23 : memref<!tpu.dma_semaphore, #tpu.memory_space<semaphore_mem>>)
    %while3A = arith.constant 0 : i32
    %while3A_25 = arith.constant 0 : i32
    %while3A_26 = arith.subi %add3A_8, %while3A_25 : i32
    %while3A_27 = arith.addi %while3A_25, %while3A_26 : i32
    %while3A_28 = arith.constant 1 : i32
    %while3A_29 = arith.divsi %while3A_26, %while3A_28 : i32
    %while3A_30 = arith.muli %while3A_29, %while3A_28 : i32
    %while3A_31 = arith.addi %while3A_25, %while3A_30 : i32
    %while3A_32 = arith.constant 1 : i32
    scf.for %while3A_117 = %while3A_25 to %while3A_31 step %while3A_32  : i32 {
      %jit3A_118 = arith.constant 2 : i32
      %eq3A_119 = arith.constant 0 : i32
      %eq3A_120 = arith.cmpi eq, %jit3A_118, %eq3A_119 : i32
      %jit3A_121 = arith.constant 1 : i32
      %select_n3A_122 = arith.select %eq3A_120, %jit3A_121, %jit3A_118 : i32
      %rem3A_123 = arith.remsi %while3A_117, %select_n3A_122 : i32
      %ne3A_124 = arith.constant 0 : i32
      %ne3A_125 = arith.cmpi ne, %rem3A_123, %ne3A_124 : i32
      %lt3A_126 = arith.constant 0 : i32
      %lt3A_127 = arith.cmpi slt, %rem3A_123, %lt3A_126 : i32
      %lt3A_128 = arith.constant 0 : i32
      %lt3A_129 = arith.cmpi slt, %select_n3A_122, %lt3A_128 : i32
      %ne3A_130 = arith.xori %lt3A_127, %lt3A_129 : i1
      %and3A_131 = arith.andi %ne3A_130, %ne3A_125 : i1
      %add3A_132 = arith.addi %rem3A_123, %select_n3A_122 : i32
      %select_n3A_133 = arith.select %and3A_131, %add3A_132, %rem3A_123 : i32
      %eq3A_134 = arith.constant 0 : i32
      %eq3A_135 = arith.cmpi eq, %select_n3A_133, %eq3A_134 : i32
      %convert_element_type3A_136 = arith.extui %eq3A_135 : i1 to i32
      %cond3A_137 = arith.constant 0 : i32
      %cond3A_138 = arith.cmpi ne, %convert_element_type3A_136, %cond3A_137 : i32
      scf.if %cond3A_138 {
        %mul3A_160 = arith.constant 128 : i32
        %mul3A_161 = arith.muli %while3A_117, %mul3A_160 : i32
        %dma_wait3A = tpu.memref_slice %arg9[%mul3A_161] : memref<10112xi32, #tpu.memory_space<vmem>> -> memref<128xi32, #tpu.memory_space<vmem>>
        %dma_wait3A_162 = arith.constant 0 : i32
        %dma_wait3A_163 = arith.constant 0 : i32
        %dma_wait3A_164 = tpu.memref_slice %arg2[%dma_wait3A_162, %dma_wait3A_163] : memref<10000x80xf32, #tpu.memory_space<hbm>> -> memref<10000x80xf32, #tpu.memory_space<hbm>>
        tpu.wait_indirect_dma semaphore(%arg21 : memref<!tpu.dma_semaphore, #tpu.memory_space<semaphore_mem>>) src(%dma_wait3A_164 : memref<10000x80xf32, #tpu.memory_space<hbm>>) dst(%arg11 : memref<128x80xf32, #tpu.memory_space<vmem>>)
        %dma_wait3A_165 = tpu.memref_slice %arg10[%mul3A_161] : memref<10112xi32, #tpu.memory_space<vmem>> -> memref<128xi32, #tpu.memory_space<vmem>>
        %dma_wait3A_166 = arith.constant 0 : i32
        %dma_wait3A_167 = arith.constant 0 : i32
        %dma_wait3A_168 = tpu.memref_slice %arg3[%dma_wait3A_166, %dma_wait3A_167] : memref<10000x80xf32, #tpu.memory_space<hbm>> -> memref<10000x80xf32, #tpu.memory_space<hbm>>
        tpu.wait_indirect_dma semaphore(%arg23 : memref<!tpu.dma_semaphore, #tpu.memory_space<semaphore_mem>>) src(%dma_wait3A_168 : memref<10000x80xf32, #tpu.memory_space<hbm>>) dst(%arg13 : memref<128x80xf32, #tpu.memory_space<vmem>>)
        %add3A_169 = arith.constant 1 : i32
        %add3A_170 = arith.addi %while3A_117, %add3A_169 : i32
        %lt3A_171 = arith.cmpi slt, %add3A_170, %add3A_8 : i32
        %convert_element_type3A_172 = arith.extui %lt3A_171 : i1 to i32
        %cond3A_173 = arith.constant 0 : i32
        %cond3A_174 = arith.cmpi ne, %convert_element_type3A_172, %cond3A_173 : i32
        scf.if %cond3A_174 {
          %add3A_196 = arith.constant 1 : i32
          %add3A_197 = arith.addi %while3A_117, %add3A_196 : i32
          %mul3A_198 = arith.constant 128 : i32
          %mul3A_199 = arith.muli %add3A_197, %mul3A_198 : i32
          %dma_start3A_200 = tpu.memref_slice %arg9[%mul3A_199] : memref<10112xi32, #tpu.memory_space<vmem>> -> memref<128xi32, #tpu.memory_space<vmem>>
          %dma_start3A_201 = arith.constant 0 : i32
          %dma_start3A_202 = arith.constant 0 : i32
          %dma_start3A_203 = tpu.memref_slice %arg2[%dma_start3A_201, %dma_start3A_202] : memref<10000x80xf32, #tpu.memory_space<hbm>> -> memref<10000x80xf32, #tpu.memory_space<hbm>>
          tpu.enqueue_indirect_dma source(%dma_start3A_203 : memref<10000x80xf32, #tpu.memory_space<hbm>>) target(%arg12 : memref<128x80xf32, #tpu.memory_space<vmem>>) offsets(%dma_start3A_200 : memref<128xi32, #tpu.memory_space<vmem>>) semaphore(%arg22 : memref<!tpu.dma_semaphore, #tpu.memory_space<semaphore_mem>>)
          %dma_start3A_204 = tpu.memref_slice %arg10[%mul3A_199] : memref<10112xi32, #tpu.memory_space<vmem>> -> memref<128xi32, #tpu.memory_space<vmem>>
          %dma_start3A_205 = arith.constant 0 : i32
          %dma_start3A_206 = arith.constant 0 : i32
          %dma_start3A_207 = tpu.memref_slice %arg3[%dma_start3A_205, %dma_start3A_206] : memref<10000x80xf32, #tpu.memory_space<hbm>> -> memref<10000x80xf32, #tpu.memory_space<hbm>>
          tpu.enqueue_indirect_dma source(%dma_start3A_207 : memref<10000x80xf32, #tpu.memory_space<hbm>>) target(%arg14 : memref<128x80xf32, #tpu.memory_space<vmem>>) offsets(%dma_start3A_204 : memref<128xi32, #tpu.memory_space<vmem>>) semaphore(%arg24 : memref<!tpu.dma_semaphore, #tpu.memory_space<semaphore_mem>>)
        } else {
        }
        %ge3A = arith.constant 2 : i32
        %ge3A_175 = arith.cmpi sge, %while3A_117, %ge3A : i32
        %convert_element_type3A_176 = arith.extui %ge3A_175 : i1 to i32
        %cond3A_177 = arith.constant 0 : i32
        %cond3A_178 = arith.cmpi ne, %convert_element_type3A_176, %cond3A_177 : i32
        scf.if %cond3A_178 {
          %sub3A_196 = arith.constant 2 : i32
          %sub3A_197 = arith.subi %while3A_117, %sub3A_196 : i32
          %add3A_198 = arith.addi %add3A_4, %sub3A_197 : i32
          %mul3A_199 = arith.constant 128 : i32
          %mul3A_200 = arith.muli %add3A_198, %mul3A_199 : i32
          %dma_wait3A_201 = arith.constant 0 : i32
          %dma_wait3A_202 = tpu.memref_slice %arg6[%mul3A_200, %dma_wait3A_201] : memref<320000x32xf32, #tpu.memory_space<hbm>> -> memref<128x32xf32, #tpu.memory_space<hbm>>
          %dma_wait3A_203 = arith.constant 0 : i32
          %dma_wait3A_204 = tpu.memref_slice %arg6[%mul3A_200, %dma_wait3A_203] : memref<320000x32xf32, #tpu.memory_space<hbm>> -> memref<128x32xf32, #tpu.memory_space<hbm>>
          tpu.wait_dma2 semaphore(%arg25 : memref<!tpu.dma_semaphore, #tpu.memory_space<semaphore_mem>>) src(%arg15 : memref<128x32xf32, #tpu.memory_space<vmem>>) dst(%dma_wait3A_204 : memref<128x32xf32, #tpu.memory_space<hbm>>)
          %dma_wait3A_205 = arith.constant 0 : i32
          %dma_wait3A_206 = tpu.memref_slice %arg7[%mul3A_200, %dma_wait3A_205] : memref<320000x32xf32, #tpu.memory_space<hbm>> -> memref<128x32xf32, #tpu.memory_space<hbm>>
          %dma_wait3A_207 = arith.constant 0 : i32
          %dma_wait3A_208 = tpu.memref_slice %arg7[%mul3A_200, %dma_wait3A_207] : memref<320000x32xf32, #tpu.memory_space<hbm>> -> memref<128x32xf32, #tpu.memory_space<hbm>>
          tpu.wait_dma2 semaphore(%arg25 : memref<!tpu.dma_semaphore, #tpu.memory_space<semaphore_mem>>) src(%arg17 : memref<128x32xf32, #tpu.memory_space<vmem>>) dst(%dma_wait3A_208 : memref<128x32xf32, #tpu.memory_space<hbm>>)
          %dma_wait3A_209 = tpu.memref_slice %arg8[%mul3A_200] : memref<320000xf32, #tpu.memory_space<hbm>> -> memref<128xf32, #tpu.memory_space<hbm>>
          %dma_wait3A_210 = tpu.memref_slice %arg8[%mul3A_200] : memref<320000xf32, #tpu.memory_space<hbm>> -> memref<128xf32, #tpu.memory_space<hbm>>
          tpu.wait_dma2 semaphore(%arg25 : memref<!tpu.dma_semaphore, #tpu.memory_space<semaphore_mem>>) src(%arg19 : memref<128xf32, #tpu.memory_space<vmem>>) dst(%dma_wait3A_210 : memref<128xf32, #tpu.memory_space<hbm>>)
        } else {
        }
        %broadcast_in_dim3A = arith.constant 0.000000e+00 : f32
        %broadcast_in_dim3A_179 = vector.broadcast %broadcast_in_dim3A : f32 to vector<16xf32>
        %parallel_loop3A = arith.constant 0 : i32
        %parallel_loop3A_180 = arith.constant 128 : i32
        %parallel_loop3A_181 = arith.constant 1 : i32
        %parallel_loop3A_182 = scf.for %parallel_loop3A_196 = %parallel_loop3A to %parallel_loop3A_180 step %parallel_loop3A_181 iter_args(%parallel_loop3A_197 = %broadcast_in_dim3A_179) -> (vector<16xf32>)  : i32 {
          %parallel_loop3A_198 = arith.index_cast %parallel_loop3A_196 : i32 to index
          %parallel_loop3A_199 = arith.constant 0 : index
          %parallel_loop3A_200 = tpu.vector_load %arg11[%parallel_loop3A_198, %parallel_loop3A_199] {strides = array<i32>} : memref<128x80xf32, #tpu.memory_space<vmem>>, vector<1x16xf32>,
          %parallel_loop3A_201 = vector.shape_cast %parallel_loop3A_200 : vector<1x16xf32> to vector<16xf32>
          %parallel_loop3A_202 = arith.index_cast %parallel_loop3A_196 : i32 to index
          %parallel_loop3A_203 = arith.constant 0 : index
          %parallel_loop3A_204 = tpu.vector_load %arg13[%parallel_loop3A_202, %parallel_loop3A_203] {strides = array<i32>} : memref<128x80xf32, #tpu.memory_space<vmem>>, vector<1x16xf32>,
          %parallel_loop3A_205 = vector.shape_cast %parallel_loop3A_204 : vector<1x16xf32> to vector<16xf32>
          %parallel_loop3A_206 = arith.addf %parallel_loop3A_201, %parallel_loop3A_205 : vector<16xf32>
          %parallel_loop3A_207 = arith.index_cast %parallel_loop3A_196 : i32 to index
          %parallel_loop3A_208 = arith.constant 16 : index
          %parallel_loop3A_209 = tpu.vector_load %arg11[%parallel_loop3A_207, %parallel_loop3A_208] {strides = array<i32>} : memref<128x80xf32, #tpu.memory_space<vmem>>, vector<1x16xf32>,
          %parallel_loop3A_210 = vector.shape_cast %parallel_loop3A_209 : vector<1x16xf32> to vector<16xf32>
          %parallel_loop3A_211 = arith.index_cast %parallel_loop3A_196 : i32 to index
          %parallel_loop3A_212 = arith.constant 16 : index
          %parallel_loop3A_213 = tpu.vector_load %arg13[%parallel_loop3A_211, %parallel_loop3A_212] {strides = array<i32>} : memref<128x80xf32, #tpu.memory_space<vmem>>, vector<1x16xf32>,
          %parallel_loop3A_214 = vector.shape_cast %parallel_loop3A_213 : vector<1x16xf32> to vector<16xf32>
          %parallel_loop3A_215 = arith.addf %parallel_loop3A_210, %parallel_loop3A_214 : vector<16xf32>
          %parallel_loop3A_216 = arith.index_cast %parallel_loop3A_196 : i32 to index
          %parallel_loop3A_217 = arith.constant 0 : index
          %parallel_loop3A_218 = tpu.vector_load %arg15[%parallel_loop3A_216, %parallel_loop3A_217] {strides = array<i32>} : memref<128x32xf32, #tpu.memory_space<vmem>>, vector<1x16xf32>,
          %parallel_loop3A_219 = vector.shape_cast %parallel_loop3A_218 : vector<1x16xf32> to vector<16xf32>
          %parallel_loop3A_220 = vector.shape_cast %parallel_loop3A_206 : vector<16xf32> to vector<1x16xf32>
          tpu.vector_store %arg15[%parallel_loop3A_216, %parallel_loop3A_217], %parallel_loop3A_220 {strides = array<i32>} : memref<128x32xf32, #tpu.memory_space<vmem>>, vector<1x16xf32>,
          %parallel_loop3A_221 = arith.index_cast %parallel_loop3A_196 : i32 to index
          %parallel_loop3A_222 = arith.constant 16 : index
          %parallel_loop3A_223 = tpu.vector_load %arg15[%parallel_loop3A_221, %parallel_loop3A_222] {strides = array<i32>} : memref<128x32xf32, #tpu.memory_space<vmem>>, vector<1x16xf32>,
          %parallel_loop3A_224 = vector.shape_cast %parallel_loop3A_223 : vector<1x16xf32> to vector<16xf32>
          %parallel_loop3A_225 = vector.shape_cast %parallel_loop3A_215 : vector<16xf32> to vector<1x16xf32>
          tpu.vector_store %arg15[%parallel_loop3A_221, %parallel_loop3A_222], %parallel_loop3A_225 {strides = array<i32>} : memref<128x32xf32, #tpu.memory_space<vmem>>, vector<1x16xf32>,
          %parallel_loop3A_226 = arith.index_cast %parallel_loop3A_196 : i32 to index
          %parallel_loop3A_227 = arith.constant 32 : index
          %parallel_loop3A_228 = tpu.vector_load %arg11[%parallel_loop3A_226, %parallel_loop3A_227] {strides = array<i32>} : memref<128x80xf32, #tpu.memory_space<vmem>>, vector<1x16xf32>,
          %parallel_loop3A_229 = vector.shape_cast %parallel_loop3A_228 : vector<1x16xf32> to vector<16xf32>
          %parallel_loop3A_230 = arith.index_cast %parallel_loop3A_196 : i32 to index
          %parallel_loop3A_231 = arith.constant 32 : index
          %parallel_loop3A_232 = tpu.vector_load %arg13[%parallel_loop3A_230, %parallel_loop3A_231] {strides = array<i32>} : memref<128x80xf32, #tpu.memory_space<vmem>>, vector<1x16xf32>,
          %parallel_loop3A_233 = vector.shape_cast %parallel_loop3A_232 : vector<1x16xf32> to vector<16xf32>
          %parallel_loop3A_234 = arith.addf %parallel_loop3A_229, %parallel_loop3A_233 : vector<16xf32>
          %parallel_loop3A_235 = arith.index_cast %parallel_loop3A_196 : i32 to index
          %parallel_loop3A_236 = arith.constant 48 : index
          %parallel_loop3A_237 = tpu.vector_load %arg11[%parallel_loop3A_235, %parallel_loop3A_236] {strides = array<i32>} : memref<128x80xf32, #tpu.memory_space<vmem>>, vector<1x16xf32>,
          %parallel_loop3A_238 = vector.shape_cast %parallel_loop3A_237 : vector<1x16xf32> to vector<16xf32>
          %parallel_loop3A_239 = arith.index_cast %parallel_loop3A_196 : i32 to index
          %parallel_loop3A_240 = arith.constant 48 : index
          %parallel_loop3A_241 = tpu.vector_load %arg13[%parallel_loop3A_239, %parallel_loop3A_240] {strides = array<i32>} : memref<128x80xf32, #tpu.memory_space<vmem>>, vector<1x16xf32>,
          %parallel_loop3A_242 = vector.shape_cast %parallel_loop3A_241 : vector<1x16xf32> to vector<16xf32>
          %parallel_loop3A_243 = arith.addf %parallel_loop3A_238, %parallel_loop3A_242 : vector<16xf32>
          %parallel_loop3A_244 = math.absf %parallel_loop3A_234 : vector<16xf32>
          %parallel_loop3A_245 = arith.constant 0.000000e+00 : f32
          %parallel_loop3A_246 = vector.broadcast %parallel_loop3A_245 : f32 to vector<16xf32>
          %parallel_loop3A_247 = arith.subf %parallel_loop3A_246, %parallel_loop3A_244 : vector<16xf32>
          %parallel_loop3A_248 = math.exp %parallel_loop3A_247 : vector<16xf32>
          %parallel_loop3A_249 = arith.constant -0.0174140781 : f32
          %parallel_loop3A_250 = vector.broadcast %parallel_loop3A_249 : f32 to vector<16xf32>
          %parallel_loop3A_251 = arith.mulf %parallel_loop3A_250, %parallel_loop3A_248 : vector<16xf32>
          %parallel_loop3A_252 = arith.constant 0.0826912373 : f32
          %parallel_loop3A_253 = vector.broadcast %parallel_loop3A_252 : f32 to vector<16xf32>
          %parallel_loop3A_254 = arith.addf %parallel_loop3A_251, %parallel_loop3A_253 : vector<16xf32>
          %parallel_loop3A_255 = arith.mulf %parallel_loop3A_254, %parallel_loop3A_248 : vector<16xf32>
          %parallel_loop3A_256 = arith.constant -0.190354332 : f32
          %parallel_loop3A_257 = vector.broadcast %parallel_loop3A_256 : f32 to vector<16xf32>
          %parallel_loop3A_258 = arith.addf %parallel_loop3A_255, %parallel_loop3A_257 : vector<16xf32>
          %parallel_loop3A_259 = arith.mulf %parallel_loop3A_258, %parallel_loop3A_248 : vector<16xf32>
          %parallel_loop3A_260 = arith.constant 0.315747321 : f32
          %parallel_loop3A_261 = vector.broadcast %parallel_loop3A_260 : f32 to vector<16xf32>
          %parallel_loop3A_262 = arith.addf %parallel_loop3A_259, %parallel_loop3A_261 : vector<16xf32>
          %parallel_loop3A_263 = arith.mulf %parallel_loop3A_262, %parallel_loop3A_248 : vector<16xf32>
          %parallel_loop3A_264 = arith.constant -0.497373223 : f32
          %parallel_loop3A_265 = vector.broadcast %parallel_loop3A_264 : f32 to vector<16xf32>
          %parallel_loop3A_266 = arith.addf %parallel_loop3A_263, %parallel_loop3A_265 : vector<16xf32>
          %parallel_loop3A_267 = arith.mulf %parallel_loop3A_266, %parallel_loop3A_248 : vector<16xf32>
          %parallel_loop3A_268 = arith.constant 0.99984771 : f32
          %parallel_loop3A_269 = vector.broadcast %parallel_loop3A_268 : f32 to vector<16xf32>
          %parallel_loop3A_270 = arith.addf %parallel_loop3A_267, %parallel_loop3A_269 : vector<16xf32>
          %parallel_loop3A_271 = arith.mulf %parallel_loop3A_270, %parallel_loop3A_248 : vector<16xf32>
          %parallel_loop3A_272 = arith.constant 1.47206504E-6 : f32
          %parallel_loop3A_273 = vector.broadcast %parallel_loop3A_272 : f32 to vector<16xf32>
          %parallel_loop3A_274 = arith.addf %parallel_loop3A_271, %parallel_loop3A_273 : vector<16xf32>
          %parallel_loop3A_275 = arith.constant 0.000000e+00 : f32
          %parallel_loop3A_276 = vector.broadcast %parallel_loop3A_275 : f32 to vector<16xf32>
          %parallel_loop3A_277 = arith.maximumf %parallel_loop3A_234, %parallel_loop3A_276 : vector<16xf32>
          %parallel_loop3A_278 = arith.addf %parallel_loop3A_277, %parallel_loop3A_274 : vector<16xf32>
          %parallel_loop3A_279 = arith.constant 9.99999997E-7 : f32
          %parallel_loop3A_280 = vector.broadcast %parallel_loop3A_279 : f32 to vector<16xf32>
          %parallel_loop3A_281 = arith.addf %parallel_loop3A_278, %parallel_loop3A_280 : vector<16xf32>
          %parallel_loop3A_282 = arith.index_cast %parallel_loop3A_196 : i32 to index
          %parallel_loop3A_283 = arith.constant 0 : index
          %parallel_loop3A_284 = tpu.vector_load %arg17[%parallel_loop3A_282, %parallel_loop3A_283] {strides = array<i32>} : memref<128x32xf32, #tpu.memory_space<vmem>>, vector<1x16xf32>,
          %parallel_loop3A_285 = vector.shape_cast %parallel_loop3A_284 : vector<1x16xf32> to vector<16xf32>
          %parallel_loop3A_286 = vector.shape_cast %parallel_loop3A_281 : vector<16xf32> to vector<1x16xf32>
          tpu.vector_store %arg17[%parallel_loop3A_282, %parallel_loop3A_283], %parallel_loop3A_286 {strides = array<i32>} : memref<128x32xf32, #tpu.memory_space<vmem>>, vector<1x16xf32>,
          %parallel_loop3A_287 = math.absf %parallel_loop3A_243 : vector<16xf32>
          %parallel_loop3A_288 = arith.constant 0.000000e+00 : f32
          %parallel_loop3A_289 = vector.broadcast %parallel_loop3A_288 : f32 to vector<16xf32>
          %parallel_loop3A_290 = arith.subf %parallel_loop3A_289, %parallel_loop3A_287 : vector<16xf32>
          %parallel_loop3A_291 = math.exp %parallel_loop3A_290 : vector<16xf32>
          %parallel_loop3A_292 = arith.constant -0.0174140781 : f32
          %parallel_loop3A_293 = vector.broadcast %parallel_loop3A_292 : f32 to vector<16xf32>
          %parallel_loop3A_294 = arith.mulf %parallel_loop3A_293, %parallel_loop3A_291 : vector<16xf32>
          %parallel_loop3A_295 = arith.constant 0.0826912373 : f32
          %parallel_loop3A_296 = vector.broadcast %parallel_loop3A_295 : f32 to vector<16xf32>
          %parallel_loop3A_297 = arith.addf %parallel_loop3A_294, %parallel_loop3A_296 : vector<16xf32>
          %parallel_loop3A_298 = arith.mulf %parallel_loop3A_297, %parallel_loop3A_291 : vector<16xf32>
          %parallel_loop3A_299 = arith.constant -0.190354332 : f32
          %parallel_loop3A_300 = vector.broadcast %parallel_loop3A_299 : f32 to vector<16xf32>
          %parallel_loop3A_301 = arith.addf %parallel_loop3A_298, %parallel_loop3A_300 : vector<16xf32>
          %parallel_loop3A_302 = arith.mulf %parallel_loop3A_301, %parallel_loop3A_291 : vector<16xf32>
          %parallel_loop3A_303 = arith.constant 0.315747321 : f32
          %parallel_loop3A_304 = vector.broadcast %parallel_loop3A_303 : f32 to vector<16xf32>
          %parallel_loop3A_305 = arith.addf %parallel_loop3A_302, %parallel_loop3A_304 : vector<16xf32>
          %parallel_loop3A_306 = arith.mulf %parallel_loop3A_305, %parallel_loop3A_291 : vector<16xf32>
          %parallel_loop3A_307 = arith.constant -0.497373223 : f32
          %parallel_loop3A_308 = vector.broadcast %parallel_loop3A_307 : f32 to vector<16xf32>
          %parallel_loop3A_309 = arith.addf %parallel_loop3A_306, %parallel_loop3A_308 : vector<16xf32>
          %parallel_loop3A_310 = arith.mulf %parallel_loop3A_309, %parallel_loop3A_291 : vector<16xf32>
          %parallel_loop3A_311 = arith.constant 0.99984771 : f32
          %parallel_loop3A_312 = vector.broadcast %parallel_loop3A_311 : f32 to vector<16xf32>
          %parallel_loop3A_313 = arith.addf %parallel_loop3A_310, %parallel_loop3A_312 : vector<16xf32>
          %parallel_loop3A_314 = arith.mulf %parallel_loop3A_313, %parallel_loop3A_291 : vector<16xf32>
          %parallel_loop3A_315 = arith.constant 1.47206504E-6 : f32
          %parallel_loop3A_316 = vector.broadcast %parallel_loop3A_315 : f32 to vector<16xf32>
          %parallel_loop3A_317 = arith.addf %parallel_loop3A_314, %parallel_loop3A_316 : vector<16xf32>
          %parallel_loop3A_318 = arith.constant 0.000000e+00 : f32
          %parallel_loop3A_319 = vector.broadcast %parallel_loop3A_318 : f32 to vector<16xf32>
          %parallel_loop3A_320 = arith.maximumf %parallel_loop3A_243, %parallel_loop3A_319 : vector<16xf32>
          %parallel_loop3A_321 = arith.addf %parallel_loop3A_320, %parallel_loop3A_317 : vector<16xf32>
          %parallel_loop3A_322 = arith.constant 9.99999997E-7 : f32
          %parallel_loop3A_323 = vector.broadcast %parallel_loop3A_322 : f32 to vector<16xf32>
          %parallel_loop3A_324 = arith.addf %parallel_loop3A_321, %parallel_loop3A_323 : vector<16xf32>
          %parallel_loop3A_325 = arith.index_cast %parallel_loop3A_196 : i32 to index
          %parallel_loop3A_326 = arith.constant 16 : index
          %parallel_loop3A_327 = tpu.vector_load %arg17[%parallel_loop3A_325, %parallel_loop3A_326] {strides = array<i32>} : memref<128x32xf32, #tpu.memory_space<vmem>>, vector<1x16xf32>,
          %parallel_loop3A_328 = vector.shape_cast %parallel_loop3A_327 : vector<1x16xf32> to vector<16xf32>
          %parallel_loop3A_329 = vector.shape_cast %parallel_loop3A_324 : vector<16xf32> to vector<1x16xf32>
          tpu.vector_store %arg17[%parallel_loop3A_325, %parallel_loop3A_326], %parallel_loop3A_329 {strides = array<i32>} : memref<128x32xf32, #tpu.memory_space<vmem>>, vector<1x16xf32>,
          %parallel_loop3A_330 = arith.index_cast %parallel_loop3A_196 : i32 to index
          %parallel_loop3A_331 = arith.constant 64 : index
          %parallel_loop3A_332 = tpu.vector_load %arg11[%parallel_loop3A_330, %parallel_loop3A_331] {strides = array<i32>} : memref<128x80xf32, #tpu.memory_space<vmem>>, vector<1x16xf32>,
          %parallel_loop3A_333 = vector.shape_cast %parallel_loop3A_332 : vector<1x16xf32> to vector<16xf32>
          %parallel_loop3A_334 = arith.index_cast %parallel_loop3A_196 : i32 to index
          %parallel_loop3A_335 = arith.constant 64 : index
          %parallel_loop3A_336 = tpu.vector_load %arg13[%parallel_loop3A_334, %parallel_loop3A_335] {strides = array<i32>} : memref<128x80xf32, #tpu.memory_space<vmem>>, vector<1x16xf32>,
          %parallel_loop3A_337 = vector.shape_cast %parallel_loop3A_336 : vector<1x16xf32> to vector<16xf32>
          %parallel_loop3A_338 = arith.addf %parallel_loop3A_333, %parallel_loop3A_337 : vector<16xf32>
          %parallel_loop3A_339 = arith.constant 0.000000e+00 : f32
          %parallel_loop3A_340 = vector.broadcast %parallel_loop3A_339 : f32 to vector<16xf32>
          %parallel_loop3A_341 = arith.subf %parallel_loop3A_340, %parallel_loop3A_338 : vector<16xf32>
          %parallel_loop3A_342 = math.exp %parallel_loop3A_341 : vector<16xf32>
          %parallel_loop3A_343 = arith.constant 1.000000e+00 : f32
          %parallel_loop3A_344 = vector.broadcast %parallel_loop3A_343 : f32 to vector<16xf32>
          %parallel_loop3A_345 = arith.addf %parallel_loop3A_344, %parallel_loop3A_342 : vector<16xf32>
          %parallel_loop3A_346 = arith.constant 1.000000e+00 : f32
          %parallel_loop3A_347 = vector.broadcast %parallel_loop3A_346 : f32 to vector<16xf32>
          %parallel_loop3A_348 = arith.divf %parallel_loop3A_347, %parallel_loop3A_345 : vector<16xf32>
          %parallel_loop3A_349 = arith.constant 16 : i32
          %parallel_loop3A_350 = arith.constant 0 : i32
          %parallel_loop3A_351 = arith.cmpi eq, %parallel_loop3A_349, %parallel_loop3A_350 : i32
          %parallel_loop3A_352 = arith.constant 1 : i32
          %parallel_loop3A_353 = arith.select %parallel_loop3A_351, %parallel_loop3A_352, %parallel_loop3A_349 : i32
          %parallel_loop3A_354 = arith.remsi %parallel_loop3A_196, %parallel_loop3A_353 : i32
          %parallel_loop3A_355 = arith.constant 0 : i32
          %parallel_loop3A_356 = arith.cmpi ne, %parallel_loop3A_354, %parallel_loop3A_355 : i32
          %parallel_loop3A_357 = arith.constant 0 : i32
          %parallel_loop3A_358 = arith.cmpi slt, %parallel_loop3A_354, %parallel_loop3A_357 : i32
          %parallel_loop3A_359 = arith.constant 0 : i32
          %parallel_loop3A_360 = arith.cmpi slt, %parallel_loop3A_353, %parallel_loop3A_359 : i32
          %parallel_loop3A_361 = arith.xori %parallel_loop3A_358, %parallel_loop3A_360 : i1
          %parallel_loop3A_362 = arith.andi %parallel_loop3A_361, %parallel_loop3A_356 : i1
          %parallel_loop3A_363 = arith.addi %parallel_loop3A_354, %parallel_loop3A_353 : i32
          %parallel_loop3A_364 = arith.select %parallel_loop3A_362, %parallel_loop3A_363, %parallel_loop3A_354 : i32
          %parallel_loop3A_365 = vector.broadcast %parallel_loop3A_364 : i32 to vector<16xi32>
          %parallel_loop3A_366 = arith.cmpi eq, %iota3A, %parallel_loop3A_365 : vector<16xi32>
          %parallel_loop3A_367 = arith.select %parallel_loop3A_366, %parallel_loop3A_348, %parallel_loop3A_197 : vector<16xi1>, vector<16xf32>
          %parallel_loop3A_368 = arith.constant 15 : i32
          %parallel_loop3A_369 = arith.cmpi eq, %parallel_loop3A_364, %parallel_loop3A_368 : i32
          %parallel_loop3A_370 = arith.extui %parallel_loop3A_369 : i1 to i32
          %parallel_loop3A_371 = arith.constant 0 : i32
          %parallel_loop3A_372 = arith.cmpi ne, %parallel_loop3A_370, %parallel_loop3A_371 : i32
          scf.if %parallel_loop3A_372 {
            %parallel_loop3A_373 = arith.constant 15 : i32
            %parallel_loop3A_374 = arith.subi %parallel_loop3A_196, %parallel_loop3A_373 : i32
            %parallel_loop3A_375 = arith.index_cast %parallel_loop3A_374 : i32 to index
            %parallel_loop3A_376 = tpu.vector_load %arg19[%parallel_loop3A_375] {strides = array<i32>} : memref<128xf32, #tpu.memory_space<vmem>>, vector<16xf32>,
            %parallel_loop3A_377 = vector.shape_cast %parallel_loop3A_376 : vector<16xf32> to vector<16xf32>
            %parallel_loop3A_378 = vector.shape_cast %parallel_loop3A_367 : vector<16xf32> to vector<16xf32>
            tpu.vector_store %arg19[%parallel_loop3A_375], %parallel_loop3A_378 {strides = array<i32>} : memref<128xf32, #tpu.memory_space<vmem>>, vector<16xf32>,
          } else {
          }
          scf.yield %parallel_loop3A_367 : vector<16xf32>
        } {sc.loop_unroll_factor = 2 : i64, sc.parallel_access}
        %add3A_183 = arith.addi %add3A_4, %while3A_117 : i32
        %mul3A_184 = arith.constant 128 : i32
        %mul3A_185 = arith.muli %add3A_183, %mul3A_184 : i32
        %dma_start3A_186 = arith.constant 0 : i32
        %dma_start3A_187 = tpu.memref_slice %arg6[%mul3A_185, %dma_start3A_186] : memref<320000x32xf32, #tpu.memory_space<hbm>> -> memref<128x32xf32, #tpu.memory_space<hbm>>
        %dma_start3A_188 = arith.constant 0 : i32
        %dma_start3A_189 = tpu.memref_slice %arg6[%mul3A_185, %dma_start3A_188] : memref<320000x32xf32, #tpu.memory_space<hbm>> -> memref<128x32xf32, #tpu.memory_space<hbm>>
        tpu.enqueue_dma source(%arg15 : memref<128x32xf32, #tpu.memory_space<vmem>>) target(%dma_start3A_189 : memref<128x32xf32, #tpu.memory_space<hbm>>) target_semaphore(%arg25 : memref<!tpu.dma_semaphore, #tpu.memory_space<semaphore_mem>>)
        %dma_start3A_190 = arith.constant 0 : i32
        %dma_start3A_191 = tpu.memref_slice %arg7[%mul3A_185, %dma_start3A_190] : memref<320000x32xf32, #tpu.memory_space<hbm>> -> memref<128x32xf32, #tpu.memory_space<hbm>>
        %dma_start3A_192 = arith.constant 0 : i32
        %dma_start3A_193 = tpu.memref_slice %arg7[%mul3A_185, %dma_start3A_192] : memref<320000x32xf32, #tpu.memory_space<hbm>> -> memref<128x32xf32, #tpu.memory_space<hbm>>
        tpu.enqueue_dma source(%arg17 : memref<128x32xf32, #tpu.memory_space<vmem>>) target(%dma_start3A_193 : memref<128x32xf32, #tpu.memory_space<hbm>>) target_semaphore(%arg25 : memref<!tpu.dma_semaphore, #tpu.memory_space<semaphore_mem>>)
        %dma_start3A_194 = tpu.memref_slice %arg8[%mul3A_185] : memref<320000xf32, #tpu.memory_space<hbm>> -> memref<128xf32, #tpu.memory_space<hbm>>
        %dma_start3A_195 = tpu.memref_slice %arg8[%mul3A_185] : memref<320000xf32, #tpu.memory_space<hbm>> -> memref<128xf32, #tpu.memory_space<hbm>>
        tpu.enqueue_dma source(%arg19 : memref<128xf32, #tpu.memory_space<vmem>>) target(%dma_start3A_195 : memref<128xf32, #tpu.memory_space<hbm>>) target_semaphore(%arg25 : memref<!tpu.dma_semaphore, #tpu.memory_space<semaphore_mem>>)
      } else {
      }
      %jit3A_139 = arith.constant 2 : i32
      %eq3A_140 = arith.constant 0 : i32
      %eq3A_141 = arith.cmpi eq, %jit3A_139, %eq3A_140 : i32
      %jit3A_142 = arith.constant 1 : i32
      %select_n3A_143 = arith.select %eq3A_141, %jit3A_142, %jit3A_139 : i32
      %rem3A_144 = arith.remsi %while3A_117, %select_n3A_143 : i32
      %ne3A_145 = arith.constant 0 : i32
      %ne3A_146 = arith.cmpi ne, %rem3A_144, %ne3A_145 : i32
      %lt3A_147 = arith.constant 0 : i32
      %lt3A_148 = arith.cmpi slt, %rem3A_144, %lt3A_147 : i32
      %lt3A_149 = arith.constant 0 : i32
      %lt3A_150 = arith.cmpi slt, %select_n3A_143, %lt3A_149 : i32
      %ne3A_151 = arith.xori %lt3A_148, %lt3A_150 : i1
      %and3A_152 = arith.andi %ne3A_151, %ne3A_146 : i1
      %add3A_153 = arith.addi %rem3A_144, %select_n3A_143 : i32
      %select_n3A_154 = arith.select %and3A_152, %add3A_153, %rem3A_144 : i32
      %eq3A_155 = arith.constant 1 : i32
      %eq3A_156 = arith.cmpi eq, %select_n3A_154, %eq3A_155 : i32
      %convert_element_type3A_157 = arith.extui %eq3A_156 : i1 to i32
      %cond3A_158 = arith.constant 0 : i32
      %cond3A_159 = arith.cmpi ne, %convert_element_type3A_157, %cond3A_158 : i32
      scf.if %cond3A_159 {
        %mul3A_160 = arith.constant 128 : i32
        %mul3A_161 = arith.muli %while3A_117, %mul3A_160 : i32
        %dma_wait3A = tpu.memref_slice %arg9[%mul3A_161] : memref<10112xi32, #tpu.memory_space<vmem>> -> memref<128xi32, #tpu.memory_space<vmem>>
        %dma_wait3A_162 = arith.constant 0 : i32
        %dma_wait3A_163 = arith.constant 0 : i32
        %dma_wait3A_164 = tpu.memref_slice %arg2[%dma_wait3A_162, %dma_wait3A_163] : memref<10000x80xf32, #tpu.memory_space<hbm>> -> memref<10000x80xf32, #tpu.memory_space<hbm>>
        tpu.wait_indirect_dma semaphore(%arg22 : memref<!tpu.dma_semaphore, #tpu.memory_space<semaphore_mem>>) src(%dma_wait3A_164 : memref<10000x80xf32, #tpu.memory_space<hbm>>) dst(%arg12 : memref<128x80xf32, #tpu.memory_space<vmem>>)
        %dma_wait3A_165 = tpu.memref_slice %arg10[%mul3A_161] : memref<10112xi32, #tpu.memory_space<vmem>> -> memref<128xi32, #tpu.memory_space<vmem>>
        %dma_wait3A_166 = arith.constant 0 : i32
        %dma_wait3A_167 = arith.constant 0 : i32
        %dma_wait3A_168 = tpu.memref_slice %arg3[%dma_wait3A_166, %dma_wait3A_167] : memref<10000x80xf32, #tpu.memory_space<hbm>> -> memref<10000x80xf32, #tpu.memory_space<hbm>>
        tpu.wait_indirect_dma semaphore(%arg24 : memref<!tpu.dma_semaphore, #tpu.memory_space<semaphore_mem>>) src(%dma_wait3A_168 : memref<10000x80xf32, #tpu.memory_space<hbm>>) dst(%arg14 : memref<128x80xf32, #tpu.memory_space<vmem>>)
        %add3A_169 = arith.constant 1 : i32
        %add3A_170 = arith.addi %while3A_117, %add3A_169 : i32
        %lt3A_171 = arith.cmpi slt, %add3A_170, %add3A_8 : i32
        %convert_element_type3A_172 = arith.extui %lt3A_171 : i1 to i32
        %cond3A_173 = arith.constant 0 : i32
        %cond3A_174 = arith.cmpi ne, %convert_element_type3A_172, %cond3A_173 : i32
        scf.if %cond3A_174 {
          %add3A_196 = arith.constant 1 : i32
          %add3A_197 = arith.addi %while3A_117, %add3A_196 : i32
          %mul3A_198 = arith.constant 128 : i32
          %mul3A_199 = arith.muli %add3A_197, %mul3A_198 : i32
          %dma_start3A_200 = tpu.memref_slice %arg9[%mul3A_199] : memref<10112xi32, #tpu.memory_space<vmem>> -> memref<128xi32, #tpu.memory_space<vmem>>
          %dma_start3A_201 = arith.constant 0 : i32
          %dma_start3A_202 = arith.constant 0 : i32
          %dma_start3A_203 = tpu.memref_slice %arg2[%dma_start3A_201, %dma_start3A_202] : memref<10000x80xf32, #tpu.memory_space<hbm>> -> memref<10000x80xf32, #tpu.memory_space<hbm>>
          tpu.enqueue_indirect_dma source(%dma_start3A_203 : memref<10000x80xf32, #tpu.memory_space<hbm>>) target(%arg11 : memref<128x80xf32, #tpu.memory_space<vmem>>) offsets(%dma_start3A_200 : memref<128xi32, #tpu.memory_space<vmem>>) semaphore(%arg21 : memref<!tpu.dma_semaphore, #tpu.memory_space<semaphore_mem>>)
          %dma_start3A_204 = tpu.memref_slice %arg10[%mul3A_199] : memref<10112xi32, #tpu.memory_space<vmem>> -> memref<128xi32, #tpu.memory_space<vmem>>
          %dma_start3A_205 = arith.constant 0 : i32
          %dma_start3A_206 = arith.constant 0 : i32
          %dma_start3A_207 = tpu.memref_slice %arg3[%dma_start3A_205, %dma_start3A_206] : memref<10000x80xf32, #tpu.memory_space<hbm>> -> memref<10000x80xf32, #tpu.memory_space<hbm>>
          tpu.enqueue_indirect_dma source(%dma_start3A_207 : memref<10000x80xf32, #tpu.memory_space<hbm>>) target(%arg13 : memref<128x80xf32, #tpu.memory_space<vmem>>) offsets(%dma_start3A_204 : memref<128xi32, #tpu.memory_space<vmem>>) semaphore(%arg23 : memref<!tpu.dma_semaphore, #tpu.memory_space<semaphore_mem>>)
        } else {
        }
        %ge3A = arith.constant 2 : i32
        %ge3A_175 = arith.cmpi sge, %while3A_117, %ge3A : i32
        %convert_element_type3A_176 = arith.extui %ge3A_175 : i1 to i32
        %cond3A_177 = arith.constant 0 : i32
        %cond3A_178 = arith.cmpi ne, %convert_element_type3A_176, %cond3A_177 : i32
        scf.if %cond3A_178 {
          %sub3A_196 = arith.constant 2 : i32
          %sub3A_197 = arith.subi %while3A_117, %sub3A_196 : i32
          %add3A_198 = arith.addi %add3A_4, %sub3A_197 : i32
          %mul3A_199 = arith.constant 128 : i32
          %mul3A_200 = arith.muli %add3A_198, %mul3A_199 : i32
          %dma_wait3A_201 = arith.constant 0 : i32
          %dma_wait3A_202 = tpu.memref_slice %arg6[%mul3A_200, %dma_wait3A_201] : memref<320000x32xf32, #tpu.memory_space<hbm>> -> memref<128x32xf32, #tpu.memory_space<hbm>>
          %dma_wait3A_203 = arith.constant 0 : i32
          %dma_wait3A_204 = tpu.memref_slice %arg6[%mul3A_200, %dma_wait3A_203] : memref<320000x32xf32, #tpu.memory_space<hbm>> -> memref<128x32xf32, #tpu.memory_space<hbm>>
          tpu.wait_dma2 semaphore(%arg26 : memref<!tpu.dma_semaphore, #tpu.memory_space<semaphore_mem>>) src(%arg16 : memref<128x32xf32, #tpu.memory_space<vmem>>) dst(%dma_wait3A_204 : memref<128x32xf32, #tpu.memory_space<hbm>>)
          %dma_wait3A_205 = arith.constant 0 : i32
          %dma_wait3A_206 = tpu.memref_slice %arg7[%mul3A_200, %dma_wait3A_205] : memref<320000x32xf32, #tpu.memory_space<hbm>> -> memref<128x32xf32, #tpu.memory_space<hbm>>
          %dma_wait3A_207 = arith.constant 0 : i32
          %dma_wait3A_208 = tpu.memref_slice %arg7[%mul3A_200, %dma_wait3A_207] : memref<320000x32xf32, #tpu.memory_space<hbm>> -> memref<128x32xf32, #tpu.memory_space<hbm>>
          tpu.wait_dma2 semaphore(%arg26 : memref<!tpu.dma_semaphore, #tpu.memory_space<semaphore_mem>>) src(%arg18 : memref<128x32xf32, #tpu.memory_space<vmem>>) dst(%dma_wait3A_208 : memref<128x32xf32, #tpu.memory_space<hbm>>)
          %dma_wait3A_209 = tpu.memref_slice %arg8[%mul3A_200] : memref<320000xf32, #tpu.memory_space<hbm>> -> memref<128xf32, #tpu.memory_space<hbm>>
          %dma_wait3A_210 = tpu.memref_slice %arg8[%mul3A_200] : memref<320000xf32, #tpu.memory_space<hbm>> -> memref<128xf32, #tpu.memory_space<hbm>>
          tpu.wait_dma2 semaphore(%arg26 : memref<!tpu.dma_semaphore, #tpu.memory_space<semaphore_mem>>) src(%arg20 : memref<128xf32, #tpu.memory_space<vmem>>) dst(%dma_wait3A_210 : memref<128xf32, #tpu.memory_space<hbm>>)
        } else {
        }
        %broadcast_in_dim3A = arith.constant 0.000000e+00 : f32
        %broadcast_in_dim3A_179 = vector.broadcast %broadcast_in_dim3A : f32 to vector<16xf32>
        %parallel_loop3A = arith.constant 0 : i32
        %parallel_loop3A_180 = arith.constant 128 : i32
        %parallel_loop3A_181 = arith.constant 1 : i32
        %parallel_loop3A_182 = scf.for %parallel_loop3A_196 = %parallel_loop3A to %parallel_loop3A_180 step %parallel_loop3A_181 iter_args(%parallel_loop3A_197 = %broadcast_in_dim3A_179) -> (vector<16xf32>)  : i32 {
          %parallel_loop3A_198 = arith.index_cast %parallel_loop3A_196 : i32 to index
          %parallel_loop3A_199 = arith.constant 0 : index
          %parallel_loop3A_200 = tpu.vector_load %arg12[%parallel_loop3A_198, %parallel_loop3A_199] {strides = array<i32>} : memref<128x80xf32, #tpu.memory_space<vmem>>, vector<1x16xf32>,
          %parallel_loop3A_201 = vector.shape_cast %parallel_loop3A_200 : vector<1x16xf32> to vector<16xf32>
          %parallel_loop3A_202 = arith.index_cast %parallel_loop3A_196 : i32 to index
          %parallel_loop3A_203 = arith.constant 0 : index
          %parallel_loop3A_204 = tpu.vector_load %arg14[%parallel_loop3A_202, %parallel_loop3A_203] {strides = array<i32>} : memref<128x80xf32, #tpu.memory_space<vmem>>, vector<1x16xf32>,
          %parallel_loop3A_205 = vector.shape_cast %parallel_loop3A_204 : vector<1x16xf32> to vector<16xf32>
          %parallel_loop3A_206 = arith.addf %parallel_loop3A_201, %parallel_loop3A_205 : vector<16xf32>
          %parallel_loop3A_207 = arith.index_cast %parallel_loop3A_196 : i32 to index
          %parallel_loop3A_208 = arith.constant 16 : index
          %parallel_loop3A_209 = tpu.vector_load %arg12[%parallel_loop3A_207, %parallel_loop3A_208] {strides = array<i32>} : memref<128x80xf32, #tpu.memory_space<vmem>>, vector<1x16xf32>,
          %parallel_loop3A_210 = vector.shape_cast %parallel_loop3A_209 : vector<1x16xf32> to vector<16xf32>
          %parallel_loop3A_211 = arith.index_cast %parallel_loop3A_196 : i32 to index
          %parallel_loop3A_212 = arith.constant 16 : index
          %parallel_loop3A_213 = tpu.vector_load %arg14[%parallel_loop3A_211, %parallel_loop3A_212] {strides = array<i32>} : memref<128x80xf32, #tpu.memory_space<vmem>>, vector<1x16xf32>,
          %parallel_loop3A_214 = vector.shape_cast %parallel_loop3A_213 : vector<1x16xf32> to vector<16xf32>
          %parallel_loop3A_215 = arith.addf %parallel_loop3A_210, %parallel_loop3A_214 : vector<16xf32>
          %parallel_loop3A_216 = arith.index_cast %parallel_loop3A_196 : i32 to index
          %parallel_loop3A_217 = arith.constant 0 : index
          %parallel_loop3A_218 = tpu.vector_load %arg16[%parallel_loop3A_216, %parallel_loop3A_217] {strides = array<i32>} : memref<128x32xf32, #tpu.memory_space<vmem>>, vector<1x16xf32>,
          %parallel_loop3A_219 = vector.shape_cast %parallel_loop3A_218 : vector<1x16xf32> to vector<16xf32>
          %parallel_loop3A_220 = vector.shape_cast %parallel_loop3A_206 : vector<16xf32> to vector<1x16xf32>
          tpu.vector_store %arg16[%parallel_loop3A_216, %parallel_loop3A_217], %parallel_loop3A_220 {strides = array<i32>} : memref<128x32xf32, #tpu.memory_space<vmem>>, vector<1x16xf32>,
          %parallel_loop3A_221 = arith.index_cast %parallel_loop3A_196 : i32 to index
          %parallel_loop3A_222 = arith.constant 16 : index
          %parallel_loop3A_223 = tpu.vector_load %arg16[%parallel_loop3A_221, %parallel_loop3A_222] {strides = array<i32>} : memref<128x32xf32, #tpu.memory_space<vmem>>, vector<1x16xf32>,
          %parallel_loop3A_224 = vector.shape_cast %parallel_loop3A_223 : vector<1x16xf32> to vector<16xf32>
          %parallel_loop3A_225 = vector.shape_cast %parallel_loop3A_215 : vector<16xf32> to vector<1x16xf32>
          tpu.vector_store %arg16[%parallel_loop3A_221, %parallel_loop3A_222], %parallel_loop3A_225 {strides = array<i32>} : memref<128x32xf32, #tpu.memory_space<vmem>>, vector<1x16xf32>,
          %parallel_loop3A_226 = arith.index_cast %parallel_loop3A_196 : i32 to index
          %parallel_loop3A_227 = arith.constant 32 : index
          %parallel_loop3A_228 = tpu.vector_load %arg12[%parallel_loop3A_226, %parallel_loop3A_227] {strides = array<i32>} : memref<128x80xf32, #tpu.memory_space<vmem>>, vector<1x16xf32>,
          %parallel_loop3A_229 = vector.shape_cast %parallel_loop3A_228 : vector<1x16xf32> to vector<16xf32>
          %parallel_loop3A_230 = arith.index_cast %parallel_loop3A_196 : i32 to index
          %parallel_loop3A_231 = arith.constant 32 : index
          %parallel_loop3A_232 = tpu.vector_load %arg14[%parallel_loop3A_230, %parallel_loop3A_231] {strides = array<i32>} : memref<128x80xf32, #tpu.memory_space<vmem>>, vector<1x16xf32>,
          %parallel_loop3A_233 = vector.shape_cast %parallel_loop3A_232 : vector<1x16xf32> to vector<16xf32>
          %parallel_loop3A_234 = arith.addf %parallel_loop3A_229, %parallel_loop3A_233 : vector<16xf32>
          %parallel_loop3A_235 = arith.index_cast %parallel_loop3A_196 : i32 to index
          %parallel_loop3A_236 = arith.constant 48 : index
          %parallel_loop3A_237 = tpu.vector_load %arg12[%parallel_loop3A_235, %parallel_loop3A_236] {strides = array<i32>} : memref<128x80xf32, #tpu.memory_space<vmem>>, vector<1x16xf32>,
          %parallel_loop3A_238 = vector.shape_cast %parallel_loop3A_237 : vector<1x16xf32> to vector<16xf32>
          %parallel_loop3A_239 = arith.index_cast %parallel_loop3A_196 : i32 to index
          %parallel_loop3A_240 = arith.constant 48 : index
          %parallel_loop3A_241 = tpu.vector_load %arg14[%parallel_loop3A_239, %parallel_loop3A_240] {strides = array<i32>} : memref<128x80xf32, #tpu.memory_space<vmem>>, vector<1x16xf32>,
          %parallel_loop3A_242 = vector.shape_cast %parallel_loop3A_241 : vector<1x16xf32> to vector<16xf32>
          %parallel_loop3A_243 = arith.addf %parallel_loop3A_238, %parallel_loop3A_242 : vector<16xf32>
          %parallel_loop3A_244 = math.absf %parallel_loop3A_234 : vector<16xf32>
          %parallel_loop3A_245 = arith.constant 0.000000e+00 : f32
          %parallel_loop3A_246 = vector.broadcast %parallel_loop3A_245 : f32 to vector<16xf32>
          %parallel_loop3A_247 = arith.subf %parallel_loop3A_246, %parallel_loop3A_244 : vector<16xf32>
          %parallel_loop3A_248 = math.exp %parallel_loop3A_247 : vector<16xf32>
          %parallel_loop3A_249 = arith.constant -0.0174140781 : f32
          %parallel_loop3A_250 = vector.broadcast %parallel_loop3A_249 : f32 to vector<16xf32>
          %parallel_loop3A_251 = arith.mulf %parallel_loop3A_250, %parallel_loop3A_248 : vector<16xf32>
          %parallel_loop3A_252 = arith.constant 0.0826912373 : f32
          %parallel_loop3A_253 = vector.broadcast %parallel_loop3A_252 : f32 to vector<16xf32>
          %parallel_loop3A_254 = arith.addf %parallel_loop3A_251, %parallel_loop3A_253 : vector<16xf32>
          %parallel_loop3A_255 = arith.mulf %parallel_loop3A_254, %parallel_loop3A_248 : vector<16xf32>
          %parallel_loop3A_256 = arith.constant -0.190354332 : f32
          %parallel_loop3A_257 = vector.broadcast %parallel_loop3A_256 : f32 to vector<16xf32>
          %parallel_loop3A_258 = arith.addf %parallel_loop3A_255, %parallel_loop3A_257 : vector<16xf32>
          %parallel_loop3A_259 = arith.mulf %parallel_loop3A_258, %parallel_loop3A_248 : vector<16xf32>
          %parallel_loop3A_260 = arith.constant 0.315747321 : f32
          %parallel_loop3A_261 = vector.broadcast %parallel_loop3A_260 : f32 to vector<16xf32>
          %parallel_loop3A_262 = arith.addf %parallel_loop3A_259, %parallel_loop3A_261 : vector<16xf32>
          %parallel_loop3A_263 = arith.mulf %parallel_loop3A_262, %parallel_loop3A_248 : vector<16xf32>
          %parallel_loop3A_264 = arith.constant -0.497373223 : f32
          %parallel_loop3A_265 = vector.broadcast %parallel_loop3A_264 : f32 to vector<16xf32>
          %parallel_loop3A_266 = arith.addf %parallel_loop3A_263, %parallel_loop3A_265 : vector<16xf32>
          %parallel_loop3A_267 = arith.mulf %parallel_loop3A_266, %parallel_loop3A_248 : vector<16xf32>
          %parallel_loop3A_268 = arith.constant 0.99984771 : f32
          %parallel_loop3A_269 = vector.broadcast %parallel_loop3A_268 : f32 to vector<16xf32>
          %parallel_loop3A_270 = arith.addf %parallel_loop3A_267, %parallel_loop3A_269 : vector<16xf32>
          %parallel_loop3A_271 = arith.mulf %parallel_loop3A_270, %parallel_loop3A_248 : vector<16xf32>
          %parallel_loop3A_272 = arith.constant 1.47206504E-6 : f32
          %parallel_loop3A_273 = vector.broadcast %parallel_loop3A_272 : f32 to vector<16xf32>
          %parallel_loop3A_274 = arith.addf %parallel_loop3A_271, %parallel_loop3A_273 : vector<16xf32>
          %parallel_loop3A_275 = arith.constant 0.000000e+00 : f32
          %parallel_loop3A_276 = vector.broadcast %parallel_loop3A_275 : f32 to vector<16xf32>
          %parallel_loop3A_277 = arith.maximumf %parallel_loop3A_234, %parallel_loop3A_276 : vector<16xf32>
          %parallel_loop3A_278 = arith.addf %parallel_loop3A_277, %parallel_loop3A_274 : vector<16xf32>
          %parallel_loop3A_279 = arith.constant 9.99999997E-7 : f32
          %parallel_loop3A_280 = vector.broadcast %parallel_loop3A_279 : f32 to vector<16xf32>
          %parallel_loop3A_281 = arith.addf %parallel_loop3A_278, %parallel_loop3A_280 : vector<16xf32>
          %parallel_loop3A_282 = arith.index_cast %parallel_loop3A_196 : i32 to index
          %parallel_loop3A_283 = arith.constant 0 : index
          %parallel_loop3A_284 = tpu.vector_load %arg18[%parallel_loop3A_282, %parallel_loop3A_283] {strides = array<i32>} : memref<128x32xf32, #tpu.memory_space<vmem>>, vector<1x16xf32>,
          %parallel_loop3A_285 = vector.shape_cast %parallel_loop3A_284 : vector<1x16xf32> to vector<16xf32>
          %parallel_loop3A_286 = vector.shape_cast %parallel_loop3A_281 : vector<16xf32> to vector<1x16xf32>
          tpu.vector_store %arg18[%parallel_loop3A_282, %parallel_loop3A_283], %parallel_loop3A_286 {strides = array<i32>} : memref<128x32xf32, #tpu.memory_space<vmem>>, vector<1x16xf32>,
          %parallel_loop3A_287 = math.absf %parallel_loop3A_243 : vector<16xf32>
          %parallel_loop3A_288 = arith.constant 0.000000e+00 : f32
          %parallel_loop3A_289 = vector.broadcast %parallel_loop3A_288 : f32 to vector<16xf32>
          %parallel_loop3A_290 = arith.subf %parallel_loop3A_289, %parallel_loop3A_287 : vector<16xf32>
          %parallel_loop3A_291 = math.exp %parallel_loop3A_290 : vector<16xf32>
          %parallel_loop3A_292 = arith.constant -0.0174140781 : f32
          %parallel_loop3A_293 = vector.broadcast %parallel_loop3A_292 : f32 to vector<16xf32>
          %parallel_loop3A_294 = arith.mulf %parallel_loop3A_293, %parallel_loop3A_291 : vector<16xf32>
          %parallel_loop3A_295 = arith.constant 0.0826912373 : f32
          %parallel_loop3A_296 = vector.broadcast %parallel_loop3A_295 : f32 to vector<16xf32>
          %parallel_loop3A_297 = arith.addf %parallel_loop3A_294, %parallel_loop3A_296 : vector<16xf32>
          %parallel_loop3A_298 = arith.mulf %parallel_loop3A_297, %parallel_loop3A_291 : vector<16xf32>
          %parallel_loop3A_299 = arith.constant -0.190354332 : f32
          %parallel_loop3A_300 = vector.broadcast %parallel_loop3A_299 : f32 to vector<16xf32>
          %parallel_loop3A_301 = arith.addf %parallel_loop3A_298, %parallel_loop3A_300 : vector<16xf32>
          %parallel_loop3A_302 = arith.mulf %parallel_loop3A_301, %parallel_loop3A_291 : vector<16xf32>
          %parallel_loop3A_303 = arith.constant 0.315747321 : f32
          %parallel_loop3A_304 = vector.broadcast %parallel_loop3A_303 : f32 to vector<16xf32>
          %parallel_loop3A_305 = arith.addf %parallel_loop3A_302, %parallel_loop3A_304 : vector<16xf32>
          %parallel_loop3A_306 = arith.mulf %parallel_loop3A_305, %parallel_loop3A_291 : vector<16xf32>
          %parallel_loop3A_307 = arith.constant -0.497373223 : f32
          %parallel_loop3A_308 = vector.broadcast %parallel_loop3A_307 : f32 to vector<16xf32>
          %parallel_loop3A_309 = arith.addf %parallel_loop3A_306, %parallel_loop3A_308 : vector<16xf32>
          %parallel_loop3A_310 = arith.mulf %parallel_loop3A_309, %parallel_loop3A_291 : vector<16xf32>
          %parallel_loop3A_311 = arith.constant 0.99984771 : f32
          %parallel_loop3A_312 = vector.broadcast %parallel_loop3A_311 : f32 to vector<16xf32>
          %parallel_loop3A_313 = arith.addf %parallel_loop3A_310, %parallel_loop3A_312 : vector<16xf32>
          %parallel_loop3A_314 = arith.mulf %parallel_loop3A_313, %parallel_loop3A_291 : vector<16xf32>
          %parallel_loop3A_315 = arith.constant 1.47206504E-6 : f32
          %parallel_loop3A_316 = vector.broadcast %parallel_loop3A_315 : f32 to vector<16xf32>
          %parallel_loop3A_317 = arith.addf %parallel_loop3A_314, %parallel_loop3A_316 : vector<16xf32>
          %parallel_loop3A_318 = arith.constant 0.000000e+00 : f32
          %parallel_loop3A_319 = vector.broadcast %parallel_loop3A_318 : f32 to vector<16xf32>
          %parallel_loop3A_320 = arith.maximumf %parallel_loop3A_243, %parallel_loop3A_319 : vector<16xf32>
          %parallel_loop3A_321 = arith.addf %parallel_loop3A_320, %parallel_loop3A_317 : vector<16xf32>
          %parallel_loop3A_322 = arith.constant 9.99999997E-7 : f32
          %parallel_loop3A_323 = vector.broadcast %parallel_loop3A_322 : f32 to vector<16xf32>
          %parallel_loop3A_324 = arith.addf %parallel_loop3A_321, %parallel_loop3A_323 : vector<16xf32>
          %parallel_loop3A_325 = arith.index_cast %parallel_loop3A_196 : i32 to index
          %parallel_loop3A_326 = arith.constant 16 : index
          %parallel_loop3A_327 = tpu.vector_load %arg18[%parallel_loop3A_325, %parallel_loop3A_326] {strides = array<i32>} : memref<128x32xf32, #tpu.memory_space<vmem>>, vector<1x16xf32>,
          %parallel_loop3A_328 = vector.shape_cast %parallel_loop3A_327 : vector<1x16xf32> to vector<16xf32>
          %parallel_loop3A_329 = vector.shape_cast %parallel_loop3A_324 : vector<16xf32> to vector<1x16xf32>
          tpu.vector_store %arg18[%parallel_loop3A_325, %parallel_loop3A_326], %parallel_loop3A_329 {strides = array<i32>} : memref<128x32xf32, #tpu.memory_space<vmem>>, vector<1x16xf32>,
          %parallel_loop3A_330 = arith.index_cast %parallel_loop3A_196 : i32 to index
          %parallel_loop3A_331 = arith.constant 64 : index
          %parallel_loop3A_332 = tpu.vector_load %arg12[%parallel_loop3A_330, %parallel_loop3A_331] {strides = array<i32>} : memref<128x80xf32, #tpu.memory_space<vmem>>, vector<1x16xf32>,
          %parallel_loop3A_333 = vector.shape_cast %parallel_loop3A_332 : vector<1x16xf32> to vector<16xf32>
          %parallel_loop3A_334 = arith.index_cast %parallel_loop3A_196 : i32 to index
          %parallel_loop3A_335 = arith.constant 64 : index
          %parallel_loop3A_336 = tpu.vector_load %arg14[%parallel_loop3A_334, %parallel_loop3A_335] {strides = array<i32>} : memref<128x80xf32, #tpu.memory_space<vmem>>, vector<1x16xf32>,
          %parallel_loop3A_337 = vector.shape_cast %parallel_loop3A_336 : vector<1x16xf32> to vector<16xf32>
          %parallel_loop3A_338 = arith.addf %parallel_loop3A_333, %parallel_loop3A_337 : vector<16xf32>
          %parallel_loop3A_339 = arith.constant 0.000000e+00 : f32
          %parallel_loop3A_340 = vector.broadcast %parallel_loop3A_339 : f32 to vector<16xf32>
          %parallel_loop3A_341 = arith.subf %parallel_loop3A_340, %parallel_loop3A_338 : vector<16xf32>
          %parallel_loop3A_342 = math.exp %parallel_loop3A_341 : vector<16xf32>
          %parallel_loop3A_343 = arith.constant 1.000000e+00 : f32
          %parallel_loop3A_344 = vector.broadcast %parallel_loop3A_343 : f32 to vector<16xf32>
          %parallel_loop3A_345 = arith.addf %parallel_loop3A_344, %parallel_loop3A_342 : vector<16xf32>
          %parallel_loop3A_346 = arith.constant 1.000000e+00 : f32
          %parallel_loop3A_347 = vector.broadcast %parallel_loop3A_346 : f32 to vector<16xf32>
          %parallel_loop3A_348 = arith.divf %parallel_loop3A_347, %parallel_loop3A_345 : vector<16xf32>
          %parallel_loop3A_349 = arith.constant 16 : i32
          %parallel_loop3A_350 = arith.constant 0 : i32
          %parallel_loop3A_351 = arith.cmpi eq, %parallel_loop3A_349, %parallel_loop3A_350 : i32
          %parallel_loop3A_352 = arith.constant 1 : i32
          %parallel_loop3A_353 = arith.select %parallel_loop3A_351, %parallel_loop3A_352, %parallel_loop3A_349 : i32
          %parallel_loop3A_354 = arith.remsi %parallel_loop3A_196, %parallel_loop3A_353 : i32
          %parallel_loop3A_355 = arith.constant 0 : i32
          %parallel_loop3A_356 = arith.cmpi ne, %parallel_loop3A_354, %parallel_loop3A_355 : i32
          %parallel_loop3A_357 = arith.constant 0 : i32
          %parallel_loop3A_358 = arith.cmpi slt, %parallel_loop3A_354, %parallel_loop3A_357 : i32
          %parallel_loop3A_359 = arith.constant 0 : i32
          %parallel_loop3A_360 = arith.cmpi slt, %parallel_loop3A_353, %parallel_loop3A_359 : i32
          %parallel_loop3A_361 = arith.xori %parallel_loop3A_358, %parallel_loop3A_360 : i1
          %parallel_loop3A_362 = arith.andi %parallel_loop3A_361, %parallel_loop3A_356 : i1
          %parallel_loop3A_363 = arith.addi %parallel_loop3A_354, %parallel_loop3A_353 : i32
          %parallel_loop3A_364 = arith.select %parallel_loop3A_362, %parallel_loop3A_363, %parallel_loop3A_354 : i32
          %parallel_loop3A_365 = vector.broadcast %parallel_loop3A_364 : i32 to vector<16xi32>
          %parallel_loop3A_366 = arith.cmpi eq, %iota3A, %parallel_loop3A_365 : vector<16xi32>
          %parallel_loop3A_367 = arith.select %parallel_loop3A_366, %parallel_loop3A_348, %parallel_loop3A_197 : vector<16xi1>, vector<16xf32>
          %parallel_loop3A_368 = arith.constant 15 : i32
          %parallel_loop3A_369 = arith.cmpi eq, %parallel_loop3A_364, %parallel_loop3A_368 : i32
          %parallel_loop3A_370 = arith.extui %parallel_loop3A_369 : i1 to i32
          %parallel_loop3A_371 = arith.constant 0 : i32
          %parallel_loop3A_372 = arith.cmpi ne, %parallel_loop3A_370, %parallel_loop3A_371 : i32
          scf.if %parallel_loop3A_372 {
            %parallel_loop3A_373 = arith.constant 15 : i32
            %parallel_loop3A_374 = arith.subi %parallel_loop3A_196, %parallel_loop3A_373 : i32
            %parallel_loop3A_375 = arith.index_cast %parallel_loop3A_374 : i32 to index
            %parallel_loop3A_376 = tpu.vector_load %arg20[%parallel_loop3A_375] {strides = array<i32>} : memref<128xf32, #tpu.memory_space<vmem>>, vector<16xf32>,
            %parallel_loop3A_377 = vector.shape_cast %parallel_loop3A_376 : vector<16xf32> to vector<16xf32>
            %parallel_loop3A_378 = vector.shape_cast %parallel_loop3A_367 : vector<16xf32> to vector<16xf32>
            tpu.vector_store %arg20[%parallel_loop3A_375], %parallel_loop3A_378 {strides = array<i32>} : memref<128xf32, #tpu.memory_space<vmem>>, vector<16xf32>,
          } else {
          }
          scf.yield %parallel_loop3A_367 : vector<16xf32>
        } {sc.loop_unroll_factor = 2 : i64, sc.parallel_access}
        %add3A_183 = arith.addi %add3A_4, %while3A_117 : i32
        %mul3A_184 = arith.constant 128 : i32
        %mul3A_185 = arith.muli %add3A_183, %mul3A_184 : i32
        %dma_start3A_186 = arith.constant 0 : i32
        %dma_start3A_187 = tpu.memref_slice %arg6[%mul3A_185, %dma_start3A_186] : memref<320000x32xf32, #tpu.memory_space<hbm>> -> memref<128x32xf32, #tpu.memory_space<hbm>>
        %dma_start3A_188 = arith.constant 0 : i32
        %dma_start3A_189 = tpu.memref_slice %arg6[%mul3A_185, %dma_start3A_188] : memref<320000x32xf32, #tpu.memory_space<hbm>> -> memref<128x32xf32, #tpu.memory_space<hbm>>
        tpu.enqueue_dma source(%arg16 : memref<128x32xf32, #tpu.memory_space<vmem>>) target(%dma_start3A_189 : memref<128x32xf32, #tpu.memory_space<hbm>>) target_semaphore(%arg26 : memref<!tpu.dma_semaphore, #tpu.memory_space<semaphore_mem>>)
        %dma_start3A_190 = arith.constant 0 : i32
        %dma_start3A_191 = tpu.memref_slice %arg7[%mul3A_185, %dma_start3A_190] : memref<320000x32xf32, #tpu.memory_space<hbm>> -> memref<128x32xf32, #tpu.memory_space<hbm>>
        %dma_start3A_192 = arith.constant 0 : i32
        %dma_start3A_193 = tpu.memref_slice %arg7[%mul3A_185, %dma_start3A_192] : memref<320000x32xf32, #tpu.memory_space<hbm>> -> memref<128x32xf32, #tpu.memory_space<hbm>>
        tpu.enqueue_dma source(%arg18 : memref<128x32xf32, #tpu.memory_space<vmem>>) target(%dma_start3A_193 : memref<128x32xf32, #tpu.memory_space<hbm>>) target_semaphore(%arg26 : memref<!tpu.dma_semaphore, #tpu.memory_space<semaphore_mem>>)
        %dma_start3A_194 = tpu.memref_slice %arg8[%mul3A_185] : memref<320000xf32, #tpu.memory_space<hbm>> -> memref<128xf32, #tpu.memory_space<hbm>>
        %dma_start3A_195 = tpu.memref_slice %arg8[%mul3A_185] : memref<320000xf32, #tpu.memory_space<hbm>> -> memref<128xf32, #tpu.memory_space<hbm>>
        tpu.enqueue_dma source(%arg20 : memref<128xf32, #tpu.memory_space<vmem>>) target(%dma_start3A_195 : memref<128xf32, #tpu.memory_space<hbm>>) target_semaphore(%arg26 : memref<!tpu.dma_semaphore, #tpu.memory_space<semaphore_mem>>)
      } else {
      }
    }
    %while3A_33 = arith.constant 1 : i32
    scf.for %while3A_117 = %while3A_31 to %while3A_27 step %while3A_33  : i32 {
      %jit3A_118 = arith.constant 2 : i32
      %eq3A_119 = arith.constant 0 : i32
      %eq3A_120 = arith.cmpi eq, %jit3A_118, %eq3A_119 : i32
      %jit3A_121 = arith.constant 1 : i32
      %select_n3A_122 = arith.select %eq3A_120, %jit3A_121, %jit3A_118 : i32
      %rem3A_123 = arith.remsi %while3A_117, %select_n3A_122 : i32
      %ne3A_124 = arith.constant 0 : i32
      %ne3A_125 = arith.cmpi ne, %rem3A_123, %ne3A_124 : i32
      %lt3A_126 = arith.constant 0 : i32
      %lt3A_127 = arith.cmpi slt, %rem3A_123, %lt3A_126 : i32
      %lt3A_128 = arith.constant 0 : i32
      %lt3A_129 = arith.cmpi slt, %select_n3A_122, %lt3A_128 : i32
      %ne3A_130 = arith.xori %lt3A_127, %lt3A_129 : i1
      %and3A_131 = arith.andi %ne3A_130, %ne3A_125 : i1
      %add3A_132 = arith.addi %rem3A_123, %select_n3A_122 : i32
      %select_n3A_133 = arith.select %and3A_131, %add3A_132, %rem3A_123 : i32
      %eq3A_134 = arith.constant 0 : i32
      %eq3A_135 = arith.cmpi eq, %select_n3A_133, %eq3A_134 : i32
      %convert_element_type3A_136 = arith.extui %eq3A_135 : i1 to i32
      %cond3A_137 = arith.constant 0 : i32
      %cond3A_138 = arith.cmpi ne, %convert_element_type3A_136, %cond3A_137 : i32
      scf.if %cond3A_138 {
        %mul3A_160 = arith.constant 128 : i32
        %mul3A_161 = arith.muli %while3A_117, %mul3A_160 : i32
        %dma_wait3A = tpu.memref_slice %arg9[%mul3A_161] : memref<10112xi32, #tpu.memory_space<vmem>> -> memref<128xi32, #tpu.memory_space<vmem>>
        %dma_wait3A_162 = arith.constant 0 : i32
        %dma_wait3A_163 = arith.constant 0 : i32
        %dma_wait3A_164 = tpu.memref_slice %arg2[%dma_wait3A_162, %dma_wait3A_163] : memref<10000x80xf32, #tpu.memory_space<hbm>> -> memref<10000x80xf32, #tpu.memory_space<hbm>>
        tpu.wait_indirect_dma semaphore(%arg21 : memref<!tpu.dma_semaphore, #tpu.memory_space<semaphore_mem>>) src(%dma_wait3A_164 : memref<10000x80xf32, #tpu.memory_space<hbm>>) dst(%arg11 : memref<128x80xf32, #tpu.memory_space<vmem>>)
        %dma_wait3A_165 = tpu.memref_slice %arg10[%mul3A_161] : memref<10112xi32, #tpu.memory_space<vmem>> -> memref<128xi32, #tpu.memory_space<vmem>>
        %dma_wait3A_166 = arith.constant 0 : i32
        %dma_wait3A_167 = arith.constant 0 : i32
        %dma_wait3A_168 = tpu.memref_slice %arg3[%dma_wait3A_166, %dma_wait3A_167] : memref<10000x80xf32, #tpu.memory_space<hbm>> -> memref<10000x80xf32, #tpu.memory_space<hbm>>
        tpu.wait_indirect_dma semaphore(%arg23 : memref<!tpu.dma_semaphore, #tpu.memory_space<semaphore_mem>>) src(%dma_wait3A_168 : memref<10000x80xf32, #tpu.memory_space<hbm>>) dst(%arg13 : memref<128x80xf32, #tpu.memory_space<vmem>>)
        %add3A_169 = arith.constant 1 : i32
        %add3A_170 = arith.addi %while3A_117, %add3A_169 : i32
        %lt3A_171 = arith.cmpi slt, %add3A_170, %add3A_8 : i32
        %convert_element_type3A_172 = arith.extui %lt3A_171 : i1 to i32
        %cond3A_173 = arith.constant 0 : i32
        %cond3A_174 = arith.cmpi ne, %convert_element_type3A_172, %cond3A_173 : i32
        scf.if %cond3A_174 {
          %add3A_196 = arith.constant 1 : i32
          %add3A_197 = arith.addi %while3A_117, %add3A_196 : i32
          %mul3A_198 = arith.constant 128 : i32
          %mul3A_199 = arith.muli %add3A_197, %mul3A_198 : i32
          %dma_start3A_200 = tpu.memref_slice %arg9[%mul3A_199] : memref<10112xi32, #tpu.memory_space<vmem>> -> memref<128xi32, #tpu.memory_space<vmem>>
          %dma_start3A_201 = arith.constant 0 : i32
          %dma_start3A_202 = arith.constant 0 : i32
          %dma_start3A_203 = tpu.memref_slice %arg2[%dma_start3A_201, %dma_start3A_202] : memref<10000x80xf32, #tpu.memory_space<hbm>> -> memref<10000x80xf32, #tpu.memory_space<hbm>>
          tpu.enqueue_indirect_dma source(%dma_start3A_203 : memref<10000x80xf32, #tpu.memory_space<hbm>>) target(%arg12 : memref<128x80xf32, #tpu.memory_space<vmem>>) offsets(%dma_start3A_200 : memref<128xi32, #tpu.memory_space<vmem>>) semaphore(%arg22 : memref<!tpu.dma_semaphore, #tpu.memory_space<semaphore_mem>>)
          %dma_start3A_204 = tpu.memref_slice %arg10[%mul3A_199] : memref<10112xi32, #tpu.memory_space<vmem>> -> memref<128xi32, #tpu.memory_space<vmem>>
          %dma_start3A_205 = arith.constant 0 : i32
          %dma_start3A_206 = arith.constant 0 : i32
          %dma_start3A_207 = tpu.memref_slice %arg3[%dma_start3A_205, %dma_start3A_206] : memref<10000x80xf32, #tpu.memory_space<hbm>> -> memref<10000x80xf32, #tpu.memory_space<hbm>>
          tpu.enqueue_indirect_dma source(%dma_start3A_207 : memref<10000x80xf32, #tpu.memory_space<hbm>>) target(%arg14 : memref<128x80xf32, #tpu.memory_space<vmem>>) offsets(%dma_start3A_204 : memref<128xi32, #tpu.memory_space<vmem>>) semaphore(%arg24 : memref<!tpu.dma_semaphore, #tpu.memory_space<semaphore_mem>>)
        } else {
        }
        %ge3A = arith.constant 2 : i32
        %ge3A_175 = arith.cmpi sge, %while3A_117, %ge3A : i32
        %convert_element_type3A_176 = arith.extui %ge3A_175 : i1 to i32
        %cond3A_177 = arith.constant 0 : i32
        %cond3A_178 = arith.cmpi ne, %convert_element_type3A_176, %cond3A_177 : i32
        scf.if %cond3A_178 {
          %sub3A_196 = arith.constant 2 : i32
          %sub3A_197 = arith.subi %while3A_117, %sub3A_196 : i32
          %add3A_198 = arith.addi %add3A_4, %sub3A_197 : i32
          %mul3A_199 = arith.constant 128 : i32
          %mul3A_200 = arith.muli %add3A_198, %mul3A_199 : i32
          %dma_wait3A_201 = arith.constant 0 : i32
          %dma_wait3A_202 = tpu.memref_slice %arg6[%mul3A_200, %dma_wait3A_201] : memref<320000x32xf32, #tpu.memory_space<hbm>> -> memref<128x32xf32, #tpu.memory_space<hbm>>
          %dma_wait3A_203 = arith.constant 0 : i32
          %dma_wait3A_204 = tpu.memref_slice %arg6[%mul3A_200, %dma_wait3A_203] : memref<320000x32xf32, #tpu.memory_space<hbm>> -> memref<128x32xf32, #tpu.memory_space<hbm>>
          tpu.wait_dma2 semaphore(%arg25 : memref<!tpu.dma_semaphore, #tpu.memory_space<semaphore_mem>>) src(%arg15 : memref<128x32xf32, #tpu.memory_space<vmem>>) dst(%dma_wait3A_204 : memref<128x32xf32, #tpu.memory_space<hbm>>)
          %dma_wait3A_205 = arith.constant 0 : i32
          %dma_wait3A_206 = tpu.memref_slice %arg7[%mul3A_200, %dma_wait3A_205] : memref<320000x32xf32, #tpu.memory_space<hbm>> -> memref<128x32xf32, #tpu.memory_space<hbm>>
          %dma_wait3A_207 = arith.constant 0 : i32
          %dma_wait3A_208 = tpu.memref_slice %arg7[%mul3A_200, %dma_wait3A_207] : memref<320000x32xf32, #tpu.memory_space<hbm>> -> memref<128x32xf32, #tpu.memory_space<hbm>>
          tpu.wait_dma2 semaphore(%arg25 : memref<!tpu.dma_semaphore, #tpu.memory_space<semaphore_mem>>) src(%arg17 : memref<128x32xf32, #tpu.memory_space<vmem>>) dst(%dma_wait3A_208 : memref<128x32xf32, #tpu.memory_space<hbm>>)
          %dma_wait3A_209 = tpu.memref_slice %arg8[%mul3A_200] : memref<320000xf32, #tpu.memory_space<hbm>> -> memref<128xf32, #tpu.memory_space<hbm>>
          %dma_wait3A_210 = tpu.memref_slice %arg8[%mul3A_200] : memref<320000xf32, #tpu.memory_space<hbm>> -> memref<128xf32, #tpu.memory_space<hbm>>
          tpu.wait_dma2 semaphore(%arg25 : memref<!tpu.dma_semaphore, #tpu.memory_space<semaphore_mem>>) src(%arg19 : memref<128xf32, #tpu.memory_space<vmem>>) dst(%dma_wait3A_210 : memref<128xf32, #tpu.memory_space<hbm>>)
        } else {
        }
        %broadcast_in_dim3A = arith.constant 0.000000e+00 : f32
        %broadcast_in_dim3A_179 = vector.broadcast %broadcast_in_dim3A : f32 to vector<16xf32>
        %parallel_loop3A = arith.constant 0 : i32
        %parallel_loop3A_180 = arith.constant 128 : i32
        %parallel_loop3A_181 = arith.constant 1 : i32
        %parallel_loop3A_182 = scf.for %parallel_loop3A_196 = %parallel_loop3A to %parallel_loop3A_180 step %parallel_loop3A_181 iter_args(%parallel_loop3A_197 = %broadcast_in_dim3A_179) -> (vector<16xf32>)  : i32 {
          %parallel_loop3A_198 = arith.index_cast %parallel_loop3A_196 : i32 to index
          %parallel_loop3A_199 = arith.constant 0 : index
          %parallel_loop3A_200 = tpu.vector_load %arg11[%parallel_loop3A_198, %parallel_loop3A_199] {strides = array<i32>} : memref<128x80xf32, #tpu.memory_space<vmem>>, vector<1x16xf32>,
          %parallel_loop3A_201 = vector.shape_cast %parallel_loop3A_200 : vector<1x16xf32> to vector<16xf32>
          %parallel_loop3A_202 = arith.index_cast %parallel_loop3A_196 : i32 to index
          %parallel_loop3A_203 = arith.constant 0 : index
          %parallel_loop3A_204 = tpu.vector_load %arg13[%parallel_loop3A_202, %parallel_loop3A_203] {strides = array<i32>} : memref<128x80xf32, #tpu.memory_space<vmem>>, vector<1x16xf32>,
          %parallel_loop3A_205 = vector.shape_cast %parallel_loop3A_204 : vector<1x16xf32> to vector<16xf32>
          %parallel_loop3A_206 = arith.addf %parallel_loop3A_201, %parallel_loop3A_205 : vector<16xf32>
          %parallel_loop3A_207 = arith.index_cast %parallel_loop3A_196 : i32 to index
          %parallel_loop3A_208 = arith.constant 16 : index
          %parallel_loop3A_209 = tpu.vector_load %arg11[%parallel_loop3A_207, %parallel_loop3A_208] {strides = array<i32>} : memref<128x80xf32, #tpu.memory_space<vmem>>, vector<1x16xf32>,
          %parallel_loop3A_210 = vector.shape_cast %parallel_loop3A_209 : vector<1x16xf32> to vector<16xf32>
          %parallel_loop3A_211 = arith.index_cast %parallel_loop3A_196 : i32 to index
          %parallel_loop3A_212 = arith.constant 16 : index
          %parallel_loop3A_213 = tpu.vector_load %arg13[%parallel_loop3A_211, %parallel_loop3A_212] {strides = array<i32>} : memref<128x80xf32, #tpu.memory_space<vmem>>, vector<1x16xf32>,
          %parallel_loop3A_214 = vector.shape_cast %parallel_loop3A_213 : vector<1x16xf32> to vector<16xf32>
          %parallel_loop3A_215 = arith.addf %parallel_loop3A_210, %parallel_loop3A_214 : vector<16xf32>
          %parallel_loop3A_216 = arith.index_cast %parallel_loop3A_196 : i32 to index
          %parallel_loop3A_217 = arith.constant 0 : index
          %parallel_loop3A_218 = tpu.vector_load %arg15[%parallel_loop3A_216, %parallel_loop3A_217] {strides = array<i32>} : memref<128x32xf32, #tpu.memory_space<vmem>>, vector<1x16xf32>,
          %parallel_loop3A_219 = vector.shape_cast %parallel_loop3A_218 : vector<1x16xf32> to vector<16xf32>
          %parallel_loop3A_220 = vector.shape_cast %parallel_loop3A_206 : vector<16xf32> to vector<1x16xf32>
          tpu.vector_store %arg15[%parallel_loop3A_216, %parallel_loop3A_217], %parallel_loop3A_220 {strides = array<i32>} : memref<128x32xf32, #tpu.memory_space<vmem>>, vector<1x16xf32>,
          %parallel_loop3A_221 = arith.index_cast %parallel_loop3A_196 : i32 to index
          %parallel_loop3A_222 = arith.constant 16 : index
          %parallel_loop3A_223 = tpu.vector_load %arg15[%parallel_loop3A_221, %parallel_loop3A_222] {strides = array<i32>} : memref<128x32xf32, #tpu.memory_space<vmem>>, vector<1x16xf32>,
          %parallel_loop3A_224 = vector.shape_cast %parallel_loop3A_223 : vector<1x16xf32> to vector<16xf32>
          %parallel_loop3A_225 = vector.shape_cast %parallel_loop3A_215 : vector<16xf32> to vector<1x16xf32>
          tpu.vector_store %arg15[%parallel_loop3A_221, %parallel_loop3A_222], %parallel_loop3A_225 {strides = array<i32>} : memref<128x32xf32, #tpu.memory_space<vmem>>, vector<1x16xf32>,
          %parallel_loop3A_226 = arith.index_cast %parallel_loop3A_196 : i32 to index
          %parallel_loop3A_227 = arith.constant 32 : index
          %parallel_loop3A_228 = tpu.vector_load %arg11[%parallel_loop3A_226, %parallel_loop3A_227] {strides = array<i32>} : memref<128x80xf32, #tpu.memory_space<vmem>>, vector<1x16xf32>,
          %parallel_loop3A_229 = vector.shape_cast %parallel_loop3A_228 : vector<1x16xf32> to vector<16xf32>
          %parallel_loop3A_230 = arith.index_cast %parallel_loop3A_196 : i32 to index
          %parallel_loop3A_231 = arith.constant 32 : index
          %parallel_loop3A_232 = tpu.vector_load %arg13[%parallel_loop3A_230, %parallel_loop3A_231] {strides = array<i32>} : memref<128x80xf32, #tpu.memory_space<vmem>>, vector<1x16xf32>,
          %parallel_loop3A_233 = vector.shape_cast %parallel_loop3A_232 : vector<1x16xf32> to vector<16xf32>
          %parallel_loop3A_234 = arith.addf %parallel_loop3A_229, %parallel_loop3A_233 : vector<16xf32>
          %parallel_loop3A_235 = arith.index_cast %parallel_loop3A_196 : i32 to index
          %parallel_loop3A_236 = arith.constant 48 : index
          %parallel_loop3A_237 = tpu.vector_load %arg11[%parallel_loop3A_235, %parallel_loop3A_236] {strides = array<i32>} : memref<128x80xf32, #tpu.memory_space<vmem>>, vector<1x16xf32>,
          %parallel_loop3A_238 = vector.shape_cast %parallel_loop3A_237 : vector<1x16xf32> to vector<16xf32>
          %parallel_loop3A_239 = arith.index_cast %parallel_loop3A_196 : i32 to index
          %parallel_loop3A_240 = arith.constant 48 : index
          %parallel_loop3A_241 = tpu.vector_load %arg13[%parallel_loop3A_239, %parallel_loop3A_240] {strides = array<i32>} : memref<128x80xf32, #tpu.memory_space<vmem>>, vector<1x16xf32>,
          %parallel_loop3A_242 = vector.shape_cast %parallel_loop3A_241 : vector<1x16xf32> to vector<16xf32>
          %parallel_loop3A_243 = arith.addf %parallel_loop3A_238, %parallel_loop3A_242 : vector<16xf32>
          %parallel_loop3A_244 = math.absf %parallel_loop3A_234 : vector<16xf32>
          %parallel_loop3A_245 = arith.constant 0.000000e+00 : f32
          %parallel_loop3A_246 = vector.broadcast %parallel_loop3A_245 : f32 to vector<16xf32>
          %parallel_loop3A_247 = arith.subf %parallel_loop3A_246, %parallel_loop3A_244 : vector<16xf32>
          %parallel_loop3A_248 = math.exp %parallel_loop3A_247 : vector<16xf32>
          %parallel_loop3A_249 = arith.constant -0.0174140781 : f32
          %parallel_loop3A_250 = vector.broadcast %parallel_loop3A_249 : f32 to vector<16xf32>
          %parallel_loop3A_251 = arith.mulf %parallel_loop3A_250, %parallel_loop3A_248 : vector<16xf32>
          %parallel_loop3A_252 = arith.constant 0.0826912373 : f32
          %parallel_loop3A_253 = vector.broadcast %parallel_loop3A_252 : f32 to vector<16xf32>
          %parallel_loop3A_254 = arith.addf %parallel_loop3A_251, %parallel_loop3A_253 : vector<16xf32>
          %parallel_loop3A_255 = arith.mulf %parallel_loop3A_254, %parallel_loop3A_248 : vector<16xf32>
          %parallel_loop3A_256 = arith.constant -0.190354332 : f32
          %parallel_loop3A_257 = vector.broadcast %parallel_loop3A_256 : f32 to vector<16xf32>
          %parallel_loop3A_258 = arith.addf %parallel_loop3A_255, %parallel_loop3A_257 : vector<16xf32>
          %parallel_loop3A_259 = arith.mulf %parallel_loop3A_258, %parallel_loop3A_248 : vector<16xf32>
          %parallel_loop3A_260 = arith.constant 0.315747321 : f32
          %parallel_loop3A_261 = vector.broadcast %parallel_loop3A_260 : f32 to vector<16xf32>
          %parallel_loop3A_262 = arith.addf %parallel_loop3A_259, %parallel_loop3A_261 : vector<16xf32>
          %parallel_loop3A_263 = arith.mulf %parallel_loop3A_262, %parallel_loop3A_248 : vector<16xf32>
          %parallel_loop3A_264 = arith.constant -0.497373223 : f32
          %parallel_loop3A_265 = vector.broadcast %parallel_loop3A_264 : f32 to vector<16xf32>
          %parallel_loop3A_266 = arith.addf %parallel_loop3A_263, %parallel_loop3A_265 : vector<16xf32>
          %parallel_loop3A_267 = arith.mulf %parallel_loop3A_266, %parallel_loop3A_248 : vector<16xf32>
          %parallel_loop3A_268 = arith.constant 0.99984771 : f32
          %parallel_loop3A_269 = vector.broadcast %parallel_loop3A_268 : f32 to vector<16xf32>
          %parallel_loop3A_270 = arith.addf %parallel_loop3A_267, %parallel_loop3A_269 : vector<16xf32>
          %parallel_loop3A_271 = arith.mulf %parallel_loop3A_270, %parallel_loop3A_248 : vector<16xf32>
          %parallel_loop3A_272 = arith.constant 1.47206504E-6 : f32
          %parallel_loop3A_273 = vector.broadcast %parallel_loop3A_272 : f32 to vector<16xf32>
          %parallel_loop3A_274 = arith.addf %parallel_loop3A_271, %parallel_loop3A_273 : vector<16xf32>
          %parallel_loop3A_275 = arith.constant 0.000000e+00 : f32
          %parallel_loop3A_276 = vector.broadcast %parallel_loop3A_275 : f32 to vector<16xf32>
          %parallel_loop3A_277 = arith.maximumf %parallel_loop3A_234, %parallel_loop3A_276 : vector<16xf32>
          %parallel_loop3A_278 = arith.addf %parallel_loop3A_277, %parallel_loop3A_274 : vector<16xf32>
          %parallel_loop3A_279 = arith.constant 9.99999997E-7 : f32
          %parallel_loop3A_280 = vector.broadcast %parallel_loop3A_279 : f32 to vector<16xf32>
          %parallel_loop3A_281 = arith.addf %parallel_loop3A_278, %parallel_loop3A_280 : vector<16xf32>
          %parallel_loop3A_282 = arith.index_cast %parallel_loop3A_196 : i32 to index
          %parallel_loop3A_283 = arith.constant 0 : index
          %parallel_loop3A_284 = tpu.vector_load %arg17[%parallel_loop3A_282, %parallel_loop3A_283] {strides = array<i32>} : memref<128x32xf32, #tpu.memory_space<vmem>>, vector<1x16xf32>,
          %parallel_loop3A_285 = vector.shape_cast %parallel_loop3A_284 : vector<1x16xf32> to vector<16xf32>
          %parallel_loop3A_286 = vector.shape_cast %parallel_loop3A_281 : vector<16xf32> to vector<1x16xf32>
          tpu.vector_store %arg17[%parallel_loop3A_282, %parallel_loop3A_283], %parallel_loop3A_286 {strides = array<i32>} : memref<128x32xf32, #tpu.memory_space<vmem>>, vector<1x16xf32>,
          %parallel_loop3A_287 = math.absf %parallel_loop3A_243 : vector<16xf32>
          %parallel_loop3A_288 = arith.constant 0.000000e+00 : f32
          %parallel_loop3A_289 = vector.broadcast %parallel_loop3A_288 : f32 to vector<16xf32>
          %parallel_loop3A_290 = arith.subf %parallel_loop3A_289, %parallel_loop3A_287 : vector<16xf32>
          %parallel_loop3A_291 = math.exp %parallel_loop3A_290 : vector<16xf32>
          %parallel_loop3A_292 = arith.constant -0.0174140781 : f32
          %parallel_loop3A_293 = vector.broadcast %parallel_loop3A_292 : f32 to vector<16xf32>
          %parallel_loop3A_294 = arith.mulf %parallel_loop3A_293, %parallel_loop3A_291 : vector<16xf32>
          %parallel_loop3A_295 = arith.constant 0.0826912373 : f32
          %parallel_loop3A_296 = vector.broadcast %parallel_loop3A_295 : f32 to vector<16xf32>
          %parallel_loop3A_297 = arith.addf %parallel_loop3A_294, %parallel_loop3A_296 : vector<16xf32>
          %parallel_loop3A_298 = arith.mulf %parallel_loop3A_297, %parallel_loop3A_291 : vector<16xf32>
          %parallel_loop3A_299 = arith.constant -0.190354332 : f32
          %parallel_loop3A_300 = vector.broadcast %parallel_loop3A_299 : f32 to vector<16xf32>
          %parallel_loop3A_301 = arith.addf %parallel_loop3A_298, %parallel_loop3A_300 : vector<16xf32>
          %parallel_loop3A_302 = arith.mulf %parallel_loop3A_301, %parallel_loop3A_291 : vector<16xf32>
          %parallel_loop3A_303 = arith.constant 0.315747321 : f32
          %parallel_loop3A_304 = vector.broadcast %parallel_loop3A_303 : f32 to vector<16xf32>
          %parallel_loop3A_305 = arith.addf %parallel_loop3A_302, %parallel_loop3A_304 : vector<16xf32>
          %parallel_loop3A_306 = arith.mulf %parallel_loop3A_305, %parallel_loop3A_291 : vector<16xf32>
          %parallel_loop3A_307 = arith.constant -0.497373223 : f32
          %parallel_loop3A_308 = vector.broadcast %parallel_loop3A_307 : f32 to vector<16xf32>
          %parallel_loop3A_309 = arith.addf %parallel_loop3A_306, %parallel_loop3A_308 : vector<16xf32>
          %parallel_loop3A_310 = arith.mulf %parallel_loop3A_309, %parallel_loop3A_291 : vector<16xf32>
          %parallel_loop3A_311 = arith.constant 0.99984771 : f32
          %parallel_loop3A_312 = vector.broadcast %parallel_loop3A_311 : f32 to vector<16xf32>
          %parallel_loop3A_313 = arith.addf %parallel_loop3A_310, %parallel_loop3A_312 : vector<16xf32>
          %parallel_loop3A_314 = arith.mulf %parallel_loop3A_313, %parallel_loop3A_291 : vector<16xf32>
          %parallel_loop3A_315 = arith.constant 1.47206504E-6 : f32
          %parallel_loop3A_316 = vector.broadcast %parallel_loop3A_315 : f32 to vector<16xf32>
          %parallel_loop3A_317 = arith.addf %parallel_loop3A_314, %parallel_loop3A_316 : vector<16xf32>
          %parallel_loop3A_318 = arith.constant 0.000000e+00 : f32
          %parallel_loop3A_319 = vector.broadcast %parallel_loop3A_318 : f32 to vector<16xf32>
          %parallel_loop3A_320 = arith.maximumf %parallel_loop3A_243, %parallel_loop3A_319 : vector<16xf32>
          %parallel_loop3A_321 = arith.addf %parallel_loop3A_320, %parallel_loop3A_317 : vector<16xf32>
          %parallel_loop3A_322 = arith.constant 9.99999997E-7 : f32
          %parallel_loop3A_323 = vector.broadcast %parallel_loop3A_322 : f32 to vector<16xf32>
          %parallel_loop3A_324 = arith.addf %parallel_loop3A_321, %parallel_loop3A_323 : vector<16xf32>
          %parallel_loop3A_325 = arith.index_cast %parallel_loop3A_196 : i32 to index
          %parallel_loop3A_326 = arith.constant 16 : index
          %parallel_loop3A_327 = tpu.vector_load %arg17[%parallel_loop3A_325, %parallel_loop3A_326] {strides = array<i32>} : memref<128x32xf32, #tpu.memory_space<vmem>>, vector<1x16xf32>,
          %parallel_loop3A_328 = vector.shape_cast %parallel_loop3A_327 : vector<1x16xf32> to vector<16xf32>
          %parallel_loop3A_329 = vector.shape_cast %parallel_loop3A_324 : vector<16xf32> to vector<1x16xf32>
          tpu.vector_store %arg17[%parallel_loop3A_325, %parallel_loop3A_326], %parallel_loop3A_329 {strides = array<i32>} : memref<128x32xf32, #tpu.memory_space<vmem>>, vector<1x16xf32>,
          %parallel_loop3A_330 = arith.index_cast %parallel_loop3A_196 : i32 to index
          %parallel_loop3A_331 = arith.constant 64 : index
          %parallel_loop3A_332 = tpu.vector_load %arg11[%parallel_loop3A_330, %parallel_loop3A_331] {strides = array<i32>} : memref<128x80xf32, #tpu.memory_space<vmem>>, vector<1x16xf32>,
          %parallel_loop3A_333 = vector.shape_cast %parallel_loop3A_332 : vector<1x16xf32> to vector<16xf32>
          %parallel_loop3A_334 = arith.index_cast %parallel_loop3A_196 : i32 to index
          %parallel_loop3A_335 = arith.constant 64 : index
          %parallel_loop3A_336 = tpu.vector_load %arg13[%parallel_loop3A_334, %parallel_loop3A_335] {strides = array<i32>} : memref<128x80xf32, #tpu.memory_space<vmem>>, vector<1x16xf32>,
          %parallel_loop3A_337 = vector.shape_cast %parallel_loop3A_336 : vector<1x16xf32> to vector<16xf32>
          %parallel_loop3A_338 = arith.addf %parallel_loop3A_333, %parallel_loop3A_337 : vector<16xf32>
          %parallel_loop3A_339 = arith.constant 0.000000e+00 : f32
          %parallel_loop3A_340 = vector.broadcast %parallel_loop3A_339 : f32 to vector<16xf32>
          %parallel_loop3A_341 = arith.subf %parallel_loop3A_340, %parallel_loop3A_338 : vector<16xf32>
          %parallel_loop3A_342 = math.exp %parallel_loop3A_341 : vector<16xf32>
          %parallel_loop3A_343 = arith.constant 1.000000e+00 : f32
          %parallel_loop3A_344 = vector.broadcast %parallel_loop3A_343 : f32 to vector<16xf32>
          %parallel_loop3A_345 = arith.addf %parallel_loop3A_344, %parallel_loop3A_342 : vector<16xf32>
          %parallel_loop3A_346 = arith.constant 1.000000e+00 : f32
          %parallel_loop3A_347 = vector.broadcast %parallel_loop3A_346 : f32 to vector<16xf32>
          %parallel_loop3A_348 = arith.divf %parallel_loop3A_347, %parallel_loop3A_345 : vector<16xf32>
          %parallel_loop3A_349 = arith.constant 16 : i32
          %parallel_loop3A_350 = arith.constant 0 : i32
          %parallel_loop3A_351 = arith.cmpi eq, %parallel_loop3A_349, %parallel_loop3A_350 : i32
          %parallel_loop3A_352 = arith.constant 1 : i32
          %parallel_loop3A_353 = arith.select %parallel_loop3A_351, %parallel_loop3A_352, %parallel_loop3A_349 : i32
          %parallel_loop3A_354 = arith.remsi %parallel_loop3A_196, %parallel_loop3A_353 : i32
          %parallel_loop3A_355 = arith.constant 0 : i32
          %parallel_loop3A_356 = arith.cmpi ne, %parallel_loop3A_354, %parallel_loop3A_355 : i32
          %parallel_loop3A_357 = arith.constant 0 : i32
          %parallel_loop3A_358 = arith.cmpi slt, %parallel_loop3A_354, %parallel_loop3A_357 : i32
          %parallel_loop3A_359 = arith.constant 0 : i32
          %parallel_loop3A_360 = arith.cmpi slt, %parallel_loop3A_353, %parallel_loop3A_359 : i32
          %parallel_loop3A_361 = arith.xori %parallel_loop3A_358, %parallel_loop3A_360 : i1
          %parallel_loop3A_362 = arith.andi %parallel_loop3A_361, %parallel_loop3A_356 : i1
          %parallel_loop3A_363 = arith.addi %parallel_loop3A_354, %parallel_loop3A_353 : i32
          %parallel_loop3A_364 = arith.select %parallel_loop3A_362, %parallel_loop3A_363, %parallel_loop3A_354 : i32
          %parallel_loop3A_365 = vector.broadcast %parallel_loop3A_364 : i32 to vector<16xi32>
          %parallel_loop3A_366 = arith.cmpi eq, %iota3A, %parallel_loop3A_365 : vector<16xi32>
          %parallel_loop3A_367 = arith.select %parallel_loop3A_366, %parallel_loop3A_348, %parallel_loop3A_197 : vector<16xi1>, vector<16xf32>
          %parallel_loop3A_368 = arith.constant 15 : i32
          %parallel_loop3A_369 = arith.cmpi eq, %parallel_loop3A_364, %parallel_loop3A_368 : i32
          %parallel_loop3A_370 = arith.extui %parallel_loop3A_369 : i1 to i32
          %parallel_loop3A_371 = arith.constant 0 : i32
          %parallel_loop3A_372 = arith.cmpi ne, %parallel_loop3A_370, %parallel_loop3A_371 : i32
          scf.if %parallel_loop3A_372 {
            %parallel_loop3A_373 = arith.constant 15 : i32
            %parallel_loop3A_374 = arith.subi %parallel_loop3A_196, %parallel_loop3A_373 : i32
            %parallel_loop3A_375 = arith.index_cast %parallel_loop3A_374 : i32 to index
            %parallel_loop3A_376 = tpu.vector_load %arg19[%parallel_loop3A_375] {strides = array<i32>} : memref<128xf32, #tpu.memory_space<vmem>>, vector<16xf32>,
            %parallel_loop3A_377 = vector.shape_cast %parallel_loop3A_376 : vector<16xf32> to vector<16xf32>
            %parallel_loop3A_378 = vector.shape_cast %parallel_loop3A_367 : vector<16xf32> to vector<16xf32>
            tpu.vector_store %arg19[%parallel_loop3A_375], %parallel_loop3A_378 {strides = array<i32>} : memref<128xf32, #tpu.memory_space<vmem>>, vector<16xf32>,
          } else {
          }
          scf.yield %parallel_loop3A_367 : vector<16xf32>
        } {sc.loop_unroll_factor = 2 : i64, sc.parallel_access}
        %add3A_183 = arith.addi %add3A_4, %while3A_117 : i32
        %mul3A_184 = arith.constant 128 : i32
        %mul3A_185 = arith.muli %add3A_183, %mul3A_184 : i32
        %dma_start3A_186 = arith.constant 0 : i32
        %dma_start3A_187 = tpu.memref_slice %arg6[%mul3A_185, %dma_start3A_186] : memref<320000x32xf32, #tpu.memory_space<hbm>> -> memref<128x32xf32, #tpu.memory_space<hbm>>
        %dma_start3A_188 = arith.constant 0 : i32
        %dma_start3A_189 = tpu.memref_slice %arg6[%mul3A_185, %dma_start3A_188] : memref<320000x32xf32, #tpu.memory_space<hbm>> -> memref<128x32xf32, #tpu.memory_space<hbm>>
        tpu.enqueue_dma source(%arg15 : memref<128x32xf32, #tpu.memory_space<vmem>>) target(%dma_start3A_189 : memref<128x32xf32, #tpu.memory_space<hbm>>) target_semaphore(%arg25 : memref<!tpu.dma_semaphore, #tpu.memory_space<semaphore_mem>>)
        %dma_start3A_190 = arith.constant 0 : i32
        %dma_start3A_191 = tpu.memref_slice %arg7[%mul3A_185, %dma_start3A_190] : memref<320000x32xf32, #tpu.memory_space<hbm>> -> memref<128x32xf32, #tpu.memory_space<hbm>>
        %dma_start3A_192 = arith.constant 0 : i32
        %dma_start3A_193 = tpu.memref_slice %arg7[%mul3A_185, %dma_start3A_192] : memref<320000x32xf32, #tpu.memory_space<hbm>> -> memref<128x32xf32, #tpu.memory_space<hbm>>
        tpu.enqueue_dma source(%arg17 : memref<128x32xf32, #tpu.memory_space<vmem>>) target(%dma_start3A_193 : memref<128x32xf32, #tpu.memory_space<hbm>>) target_semaphore(%arg25 : memref<!tpu.dma_semaphore, #tpu.memory_space<semaphore_mem>>)
        %dma_start3A_194 = tpu.memref_slice %arg8[%mul3A_185] : memref<320000xf32, #tpu.memory_space<hbm>> -> memref<128xf32, #tpu.memory_space<hbm>>
        %dma_start3A_195 = tpu.memref_slice %arg8[%mul3A_185] : memref<320000xf32, #tpu.memory_space<hbm>> -> memref<128xf32, #tpu.memory_space<hbm>>
        tpu.enqueue_dma source(%arg19 : memref<128xf32, #tpu.memory_space<vmem>>) target(%dma_start3A_195 : memref<128xf32, #tpu.memory_space<hbm>>) target_semaphore(%arg25 : memref<!tpu.dma_semaphore, #tpu.memory_space<semaphore_mem>>)
      } else {
      }
      %jit3A_139 = arith.constant 2 : i32
      %eq3A_140 = arith.constant 0 : i32
      %eq3A_141 = arith.cmpi eq, %jit3A_139, %eq3A_140 : i32
      %jit3A_142 = arith.constant 1 : i32
      %select_n3A_143 = arith.select %eq3A_141, %jit3A_142, %jit3A_139 : i32
      %rem3A_144 = arith.remsi %while3A_117, %select_n3A_143 : i32
      %ne3A_145 = arith.constant 0 : i32
      %ne3A_146 = arith.cmpi ne, %rem3A_144, %ne3A_145 : i32
      %lt3A_147 = arith.constant 0 : i32
      %lt3A_148 = arith.cmpi slt, %rem3A_144, %lt3A_147 : i32
      %lt3A_149 = arith.constant 0 : i32
      %lt3A_150 = arith.cmpi slt, %select_n3A_143, %lt3A_149 : i32
      %ne3A_151 = arith.xori %lt3A_148, %lt3A_150 : i1
      %and3A_152 = arith.andi %ne3A_151, %ne3A_146 : i1
      %add3A_153 = arith.addi %rem3A_144, %select_n3A_143 : i32
      %select_n3A_154 = arith.select %and3A_152, %add3A_153, %rem3A_144 : i32
      %eq3A_155 = arith.constant 1 : i32
      %eq3A_156 = arith.cmpi eq, %select_n3A_154, %eq3A_155 : i32
      %convert_element_type3A_157 = arith.extui %eq3A_156 : i1 to i32
      %cond3A_158 = arith.constant 0 : i32
      %cond3A_159 = arith.cmpi ne, %convert_element_type3A_157, %cond3A_158 : i32
      scf.if %cond3A_159 {
        %mul3A_160 = arith.constant 128 : i32
        %mul3A_161 = arith.muli %while3A_117, %mul3A_160 : i32
        %dma_wait3A = tpu.memref_slice %arg9[%mul3A_161] : memref<10112xi32, #tpu.memory_space<vmem>> -> memref<128xi32, #tpu.memory_space<vmem>>
        %dma_wait3A_162 = arith.constant 0 : i32
        %dma_wait3A_163 = arith.constant 0 : i32
        %dma_wait3A_164 = tpu.memref_slice %arg2[%dma_wait3A_162, %dma_wait3A_163] : memref<10000x80xf32, #tpu.memory_space<hbm>> -> memref<10000x80xf32, #tpu.memory_space<hbm>>
        tpu.wait_indirect_dma semaphore(%arg22 : memref<!tpu.dma_semaphore, #tpu.memory_space<semaphore_mem>>) src(%dma_wait3A_164 : memref<10000x80xf32, #tpu.memory_space<hbm>>) dst(%arg12 : memref<128x80xf32, #tpu.memory_space<vmem>>)
        %dma_wait3A_165 = tpu.memref_slice %arg10[%mul3A_161] : memref<10112xi32, #tpu.memory_space<vmem>> -> memref<128xi32, #tpu.memory_space<vmem>>
        %dma_wait3A_166 = arith.constant 0 : i32
        %dma_wait3A_167 = arith.constant 0 : i32
        %dma_wait3A_168 = tpu.memref_slice %arg3[%dma_wait3A_166, %dma_wait3A_167] : memref<10000x80xf32, #tpu.memory_space<hbm>> -> memref<10000x80xf32, #tpu.memory_space<hbm>>
        tpu.wait_indirect_dma semaphore(%arg24 : memref<!tpu.dma_semaphore, #tpu.memory_space<semaphore_mem>>) src(%dma_wait3A_168 : memref<10000x80xf32, #tpu.memory_space<hbm>>) dst(%arg14 : memref<128x80xf32, #tpu.memory_space<vmem>>)
        %add3A_169 = arith.constant 1 : i32
        %add3A_170 = arith.addi %while3A_117, %add3A_169 : i32
        %lt3A_171 = arith.cmpi slt, %add3A_170, %add3A_8 : i32
        %convert_element_type3A_172 = arith.extui %lt3A_171 : i1 to i32
        %cond3A_173 = arith.constant 0 : i32
        %cond3A_174 = arith.cmpi ne, %convert_element_type3A_172, %cond3A_173 : i32
        scf.if %cond3A_174 {
          %add3A_196 = arith.constant 1 : i32
          %add3A_197 = arith.addi %while3A_117, %add3A_196 : i32
          %mul3A_198 = arith.constant 128 : i32
          %mul3A_199 = arith.muli %add3A_197, %mul3A_198 : i32
          %dma_start3A_200 = tpu.memref_slice %arg9[%mul3A_199] : memref<10112xi32, #tpu.memory_space<vmem>> -> memref<128xi32, #tpu.memory_space<vmem>>
          %dma_start3A_201 = arith.constant 0 : i32
          %dma_start3A_202 = arith.constant 0 : i32
          %dma_start3A_203 = tpu.memref_slice %arg2[%dma_start3A_201, %dma_start3A_202] : memref<10000x80xf32, #tpu.memory_space<hbm>> -> memref<10000x80xf32, #tpu.memory_space<hbm>>
          tpu.enqueue_indirect_dma source(%dma_start3A_203 : memref<10000x80xf32, #tpu.memory_space<hbm>>) target(%arg11 : memref<128x80xf32, #tpu.memory_space<vmem>>) offsets(%dma_start3A_200 : memref<128xi32, #tpu.memory_space<vmem>>) semaphore(%arg21 : memref<!tpu.dma_semaphore, #tpu.memory_space<semaphore_mem>>)
          %dma_start3A_204 = tpu.memref_slice %arg10[%mul3A_199] : memref<10112xi32, #tpu.memory_space<vmem>> -> memref<128xi32, #tpu.memory_space<vmem>>
          %dma_start3A_205 = arith.constant 0 : i32
          %dma_start3A_206 = arith.constant 0 : i32
          %dma_start3A_207 = tpu.memref_slice %arg3[%dma_start3A_205, %dma_start3A_206] : memref<10000x80xf32, #tpu.memory_space<hbm>> -> memref<10000x80xf32, #tpu.memory_space<hbm>>
          tpu.enqueue_indirect_dma source(%dma_start3A_207 : memref<10000x80xf32, #tpu.memory_space<hbm>>) target(%arg13 : memref<128x80xf32, #tpu.memory_space<vmem>>) offsets(%dma_start3A_204 : memref<128xi32, #tpu.memory_space<vmem>>) semaphore(%arg23 : memref<!tpu.dma_semaphore, #tpu.memory_space<semaphore_mem>>)
        } else {
        }
        %ge3A = arith.constant 2 : i32
        %ge3A_175 = arith.cmpi sge, %while3A_117, %ge3A : i32
        %convert_element_type3A_176 = arith.extui %ge3A_175 : i1 to i32
        %cond3A_177 = arith.constant 0 : i32
        %cond3A_178 = arith.cmpi ne, %convert_element_type3A_176, %cond3A_177 : i32
        scf.if %cond3A_178 {
          %sub3A_196 = arith.constant 2 : i32
          %sub3A_197 = arith.subi %while3A_117, %sub3A_196 : i32
          %add3A_198 = arith.addi %add3A_4, %sub3A_197 : i32
          %mul3A_199 = arith.constant 128 : i32
          %mul3A_200 = arith.muli %add3A_198, %mul3A_199 : i32
          %dma_wait3A_201 = arith.constant 0 : i32
          %dma_wait3A_202 = tpu.memref_slice %arg6[%mul3A_200, %dma_wait3A_201] : memref<320000x32xf32, #tpu.memory_space<hbm>> -> memref<128x32xf32, #tpu.memory_space<hbm>>
          %dma_wait3A_203 = arith.constant 0 : i32
          %dma_wait3A_204 = tpu.memref_slice %arg6[%mul3A_200, %dma_wait3A_203] : memref<320000x32xf32, #tpu.memory_space<hbm>> -> memref<128x32xf32, #tpu.memory_space<hbm>>
          tpu.wait_dma2 semaphore(%arg26 : memref<!tpu.dma_semaphore, #tpu.memory_space<semaphore_mem>>) src(%arg16 : memref<128x32xf32, #tpu.memory_space<vmem>>) dst(%dma_wait3A_204 : memref<128x32xf32, #tpu.memory_space<hbm>>)
          %dma_wait3A_205 = arith.constant 0 : i32
          %dma_wait3A_206 = tpu.memref_slice %arg7[%mul3A_200, %dma_wait3A_205] : memref<320000x32xf32, #tpu.memory_space<hbm>> -> memref<128x32xf32, #tpu.memory_space<hbm>>
          %dma_wait3A_207 = arith.constant 0 : i32
          %dma_wait3A_208 = tpu.memref_slice %arg7[%mul3A_200, %dma_wait3A_207] : memref<320000x32xf32, #tpu.memory_space<hbm>> -> memref<128x32xf32, #tpu.memory_space<hbm>>
          tpu.wait_dma2 semaphore(%arg26 : memref<!tpu.dma_semaphore, #tpu.memory_space<semaphore_mem>>) src(%arg18 : memref<128x32xf32, #tpu.memory_space<vmem>>) dst(%dma_wait3A_208 : memref<128x32xf32, #tpu.memory_space<hbm>>)
          %dma_wait3A_209 = tpu.memref_slice %arg8[%mul3A_200] : memref<320000xf32, #tpu.memory_space<hbm>> -> memref<128xf32, #tpu.memory_space<hbm>>
          %dma_wait3A_210 = tpu.memref_slice %arg8[%mul3A_200] : memref<320000xf32, #tpu.memory_space<hbm>> -> memref<128xf32, #tpu.memory_space<hbm>>
          tpu.wait_dma2 semaphore(%arg26 : memref<!tpu.dma_semaphore, #tpu.memory_space<semaphore_mem>>) src(%arg20 : memref<128xf32, #tpu.memory_space<vmem>>) dst(%dma_wait3A_210 : memref<128xf32, #tpu.memory_space<hbm>>)
        } else {
        }
        %broadcast_in_dim3A = arith.constant 0.000000e+00 : f32
        %broadcast_in_dim3A_179 = vector.broadcast %broadcast_in_dim3A : f32 to vector<16xf32>
        %parallel_loop3A = arith.constant 0 : i32
        %parallel_loop3A_180 = arith.constant 128 : i32
        %parallel_loop3A_181 = arith.constant 1 : i32
        %parallel_loop3A_182 = scf.for %parallel_loop3A_196 = %parallel_loop3A to %parallel_loop3A_180 step %parallel_loop3A_181 iter_args(%parallel_loop3A_197 = %broadcast_in_dim3A_179) -> (vector<16xf32>)  : i32 {
          %parallel_loop3A_198 = arith.index_cast %parallel_loop3A_196 : i32 to index
          %parallel_loop3A_199 = arith.constant 0 : index
          %parallel_loop3A_200 = tpu.vector_load %arg12[%parallel_loop3A_198, %parallel_loop3A_199] {strides = array<i32>} : memref<128x80xf32, #tpu.memory_space<vmem>>, vector<1x16xf32>,
          %parallel_loop3A_201 = vector.shape_cast %parallel_loop3A_200 : vector<1x16xf32> to vector<16xf32>
          %parallel_loop3A_202 = arith.index_cast %parallel_loop3A_196 : i32 to index
          %parallel_loop3A_203 = arith.constant 0 : index
          %parallel_loop3A_204 = tpu.vector_load %arg14[%parallel_loop3A_202, %parallel_loop3A_203] {strides = array<i32>} : memref<128x80xf32, #tpu.memory_space<vmem>>, vector<1x16xf32>,
          %parallel_loop3A_205 = vector.shape_cast %parallel_loop3A_204 : vector<1x16xf32> to vector<16xf32>
          %parallel_loop3A_206 = arith.addf %parallel_loop3A_201, %parallel_loop3A_205 : vector<16xf32>
          %parallel_loop3A_207 = arith.index_cast %parallel_loop3A_196 : i32 to index
          %parallel_loop3A_208 = arith.constant 16 : index
          %parallel_loop3A_209 = tpu.vector_load %arg12[%parallel_loop3A_207, %parallel_loop3A_208] {strides = array<i32>} : memref<128x80xf32, #tpu.memory_space<vmem>>, vector<1x16xf32>,
          %parallel_loop3A_210 = vector.shape_cast %parallel_loop3A_209 : vector<1x16xf32> to vector<16xf32>
          %parallel_loop3A_211 = arith.index_cast %parallel_loop3A_196 : i32 to index
          %parallel_loop3A_212 = arith.constant 16 : index
          %parallel_loop3A_213 = tpu.vector_load %arg14[%parallel_loop3A_211, %parallel_loop3A_212] {strides = array<i32>} : memref<128x80xf32, #tpu.memory_space<vmem>>, vector<1x16xf32>,
          %parallel_loop3A_214 = vector.shape_cast %parallel_loop3A_213 : vector<1x16xf32> to vector<16xf32>
          %parallel_loop3A_215 = arith.addf %parallel_loop3A_210, %parallel_loop3A_214 : vector<16xf32>
          %parallel_loop3A_216 = arith.index_cast %parallel_loop3A_196 : i32 to index
          %parallel_loop3A_217 = arith.constant 0 : index
          %parallel_loop3A_218 = tpu.vector_load %arg16[%parallel_loop3A_216, %parallel_loop3A_217] {strides = array<i32>} : memref<128x32xf32, #tpu.memory_space<vmem>>, vector<1x16xf32>,
          %parallel_loop3A_219 = vector.shape_cast %parallel_loop3A_218 : vector<1x16xf32> to vector<16xf32>
          %parallel_loop3A_220 = vector.shape_cast %parallel_loop3A_206 : vector<16xf32> to vector<1x16xf32>
          tpu.vector_store %arg16[%parallel_loop3A_216, %parallel_loop3A_217], %parallel_loop3A_220 {strides = array<i32>} : memref<128x32xf32, #tpu.memory_space<vmem>>, vector<1x16xf32>,
          %parallel_loop3A_221 = arith.index_cast %parallel_loop3A_196 : i32 to index
          %parallel_loop3A_222 = arith.constant 16 : index
          %parallel_loop3A_223 = tpu.vector_load %arg16[%parallel_loop3A_221, %parallel_loop3A_222] {strides = array<i32>} : memref<128x32xf32, #tpu.memory_space<vmem>>, vector<1x16xf32>,
          %parallel_loop3A_224 = vector.shape_cast %parallel_loop3A_223 : vector<1x16xf32> to vector<16xf32>
          %parallel_loop3A_225 = vector.shape_cast %parallel_loop3A_215 : vector<16xf32> to vector<1x16xf32>
          tpu.vector_store %arg16[%parallel_loop3A_221, %parallel_loop3A_222], %parallel_loop3A_225 {strides = array<i32>} : memref<128x32xf32, #tpu.memory_space<vmem>>, vector<1x16xf32>,
          %parallel_loop3A_226 = arith.index_cast %parallel_loop3A_196 : i32 to index
          %parallel_loop3A_227 = arith.constant 32 : index
          %parallel_loop3A_228 = tpu.vector_load %arg12[%parallel_loop3A_226, %parallel_loop3A_227] {strides = array<i32>} : memref<128x80xf32, #tpu.memory_space<vmem>>, vector<1x16xf32>,
          %parallel_loop3A_229 = vector.shape_cast %parallel_loop3A_228 : vector<1x16xf32> to vector<16xf32>
          %parallel_loop3A_230 = arith.index_cast %parallel_loop3A_196 : i32 to index
          %parallel_loop3A_231 = arith.constant 32 : index
          %parallel_loop3A_232 = tpu.vector_load %arg14[%parallel_loop3A_230, %parallel_loop3A_231] {strides = array<i32>} : memref<128x80xf32, #tpu.memory_space<vmem>>, vector<1x16xf32>,
          %parallel_loop3A_233 = vector.shape_cast %parallel_loop3A_232 : vector<1x16xf32> to vector<16xf32>
          %parallel_loop3A_234 = arith.addf %parallel_loop3A_229, %parallel_loop3A_233 : vector<16xf32>
          %parallel_loop3A_235 = arith.index_cast %parallel_loop3A_196 : i32 to index
          %parallel_loop3A_236 = arith.constant 48 : index
          %parallel_loop3A_237 = tpu.vector_load %arg12[%parallel_loop3A_235, %parallel_loop3A_236] {strides = array<i32>} : memref<128x80xf32, #tpu.memory_space<vmem>>, vector<1x16xf32>,
          %parallel_loop3A_238 = vector.shape_cast %parallel_loop3A_237 : vector<1x16xf32> to vector<16xf32>
          %parallel_loop3A_239 = arith.index_cast %parallel_loop3A_196 : i32 to index
          %parallel_loop3A_240 = arith.constant 48 : index
          %parallel_loop3A_241 = tpu.vector_load %arg14[%parallel_loop3A_239, %parallel_loop3A_240] {strides = array<i32>} : memref<128x80xf32, #tpu.memory_space<vmem>>, vector<1x16xf32>,
          %parallel_loop3A_242 = vector.shape_cast %parallel_loop3A_241 : vector<1x16xf32> to vector<16xf32>
          %parallel_loop3A_243 = arith.addf %parallel_loop3A_238, %parallel_loop3A_242 : vector<16xf32>
          %parallel_loop3A_244 = math.absf %parallel_loop3A_234 : vector<16xf32>
          %parallel_loop3A_245 = arith.constant 0.000000e+00 : f32
          %parallel_loop3A_246 = vector.broadcast %parallel_loop3A_245 : f32 to vector<16xf32>
          %parallel_loop3A_247 = arith.subf %parallel_loop3A_246, %parallel_loop3A_244 : vector<16xf32>
          %parallel_loop3A_248 = math.exp %parallel_loop3A_247 : vector<16xf32>
          %parallel_loop3A_249 = arith.constant -0.0174140781 : f32
          %parallel_loop3A_250 = vector.broadcast %parallel_loop3A_249 : f32 to vector<16xf32>
          %parallel_loop3A_251 = arith.mulf %parallel_loop3A_250, %parallel_loop3A_248 : vector<16xf32>
          %parallel_loop3A_252 = arith.constant 0.0826912373 : f32
          %parallel_loop3A_253 = vector.broadcast %parallel_loop3A_252 : f32 to vector<16xf32>
          %parallel_loop3A_254 = arith.addf %parallel_loop3A_251, %parallel_loop3A_253 : vector<16xf32>
          %parallel_loop3A_255 = arith.mulf %parallel_loop3A_254, %parallel_loop3A_248 : vector<16xf32>
          %parallel_loop3A_256 = arith.constant -0.190354332 : f32
          %parallel_loop3A_257 = vector.broadcast %parallel_loop3A_256 : f32 to vector<16xf32>
          %parallel_loop3A_258 = arith.addf %parallel_loop3A_255, %parallel_loop3A_257 : vector<16xf32>
          %parallel_loop3A_259 = arith.mulf %parallel_loop3A_258, %parallel_loop3A_248 : vector<16xf32>
          %parallel_loop3A_260 = arith.constant 0.315747321 : f32
          %parallel_loop3A_261 = vector.broadcast %parallel_loop3A_260 : f32 to vector<16xf32>
          %parallel_loop3A_262 = arith.addf %parallel_loop3A_259, %parallel_loop3A_261 : vector<16xf32>
          %parallel_loop3A_263 = arith.mulf %parallel_loop3A_262, %parallel_loop3A_248 : vector<16xf32>
          %parallel_loop3A_264 = arith.constant -0.497373223 : f32
          %parallel_loop3A_265 = vector.broadcast %parallel_loop3A_264 : f32 to vector<16xf32>
          %parallel_loop3A_266 = arith.addf %parallel_loop3A_263, %parallel_loop3A_265 : vector<16xf32>
          %parallel_loop3A_267 = arith.mulf %parallel_loop3A_266, %parallel_loop3A_248 : vector<16xf32>
          %parallel_loop3A_268 = arith.constant 0.99984771 : f32
          %parallel_loop3A_269 = vector.broadcast %parallel_loop3A_268 : f32 to vector<16xf32>
          %parallel_loop3A_270 = arith.addf %parallel_loop3A_267, %parallel_loop3A_269 : vector<16xf32>
          %parallel_loop3A_271 = arith.mulf %parallel_loop3A_270, %parallel_loop3A_248 : vector<16xf32>
          %parallel_loop3A_272 = arith.constant 1.47206504E-6 : f32
          %parallel_loop3A_273 = vector.broadcast %parallel_loop3A_272 : f32 to vector<16xf32>
          %parallel_loop3A_274 = arith.addf %parallel_loop3A_271, %parallel_loop3A_273 : vector<16xf32>
          %parallel_loop3A_275 = arith.constant 0.000000e+00 : f32
          %parallel_loop3A_276 = vector.broadcast %parallel_loop3A_275 : f32 to vector<16xf32>
          %parallel_loop3A_277 = arith.maximumf %parallel_loop3A_234, %parallel_loop3A_276 : vector<16xf32>
          %parallel_loop3A_278 = arith.addf %parallel_loop3A_277, %parallel_loop3A_274 : vector<16xf32>
          %parallel_loop3A_279 = arith.constant 9.99999997E-7 : f32
          %parallel_loop3A_280 = vector.broadcast %parallel_loop3A_279 : f32 to vector<16xf32>
          %parallel_loop3A_281 = arith.addf %parallel_loop3A_278, %parallel_loop3A_280 : vector<16xf32>
          %parallel_loop3A_282 = arith.index_cast %parallel_loop3A_196 : i32 to index
          %parallel_loop3A_283 = arith.constant 0 : index
          %parallel_loop3A_284 = tpu.vector_load %arg18[%parallel_loop3A_282, %parallel_loop3A_283] {strides = array<i32>} : memref<128x32xf32, #tpu.memory_space<vmem>>, vector<1x16xf32>,
          %parallel_loop3A_285 = vector.shape_cast %parallel_loop3A_284 : vector<1x16xf32> to vector<16xf32>
          %parallel_loop3A_286 = vector.shape_cast %parallel_loop3A_281 : vector<16xf32> to vector<1x16xf32>
          tpu.vector_store %arg18[%parallel_loop3A_282, %parallel_loop3A_283], %parallel_loop3A_286 {strides = array<i32>} : memref<128x32xf32, #tpu.memory_space<vmem>>, vector<1x16xf32>,
          %parallel_loop3A_287 = math.absf %parallel_loop3A_243 : vector<16xf32>
          %parallel_loop3A_288 = arith.constant 0.000000e+00 : f32
          %parallel_loop3A_289 = vector.broadcast %parallel_loop3A_288 : f32 to vector<16xf32>
          %parallel_loop3A_290 = arith.subf %parallel_loop3A_289, %parallel_loop3A_287 : vector<16xf32>
          %parallel_loop3A_291 = math.exp %parallel_loop3A_290 : vector<16xf32>
          %parallel_loop3A_292 = arith.constant -0.0174140781 : f32
          %parallel_loop3A_293 = vector.broadcast %parallel_loop3A_292 : f32 to vector<16xf32>
          %parallel_loop3A_294 = arith.mulf %parallel_loop3A_293, %parallel_loop3A_291 : vector<16xf32>
          %parallel_loop3A_295 = arith.constant 0.0826912373 : f32
          %parallel_loop3A_296 = vector.broadcast %parallel_loop3A_295 : f32 to vector<16xf32>
          %parallel_loop3A_297 = arith.addf %parallel_loop3A_294, %parallel_loop3A_296 : vector<16xf32>
          %parallel_loop3A_298 = arith.mulf %parallel_loop3A_297, %parallel_loop3A_291 : vector<16xf32>
          %parallel_loop3A_299 = arith.constant -0.190354332 : f32
          %parallel_loop3A_300 = vector.broadcast %parallel_loop3A_299 : f32 to vector<16xf32>
          %parallel_loop3A_301 = arith.addf %parallel_loop3A_298, %parallel_loop3A_300 : vector<16xf32>
          %parallel_loop3A_302 = arith.mulf %parallel_loop3A_301, %parallel_loop3A_291 : vector<16xf32>
          %parallel_loop3A_303 = arith.constant 0.315747321 : f32
          %parallel_loop3A_304 = vector.broadcast %parallel_loop3A_303 : f32 to vector<16xf32>
          %parallel_loop3A_305 = arith.addf %parallel_loop3A_302, %parallel_loop3A_304 : vector<16xf32>
          %parallel_loop3A_306 = arith.mulf %parallel_loop3A_305, %parallel_loop3A_291 : vector<16xf32>
          %parallel_loop3A_307 = arith.constant -0.497373223 : f32
          %parallel_loop3A_308 = vector.broadcast %parallel_loop3A_307 : f32 to vector<16xf32>
          %parallel_loop3A_309 = arith.addf %parallel_loop3A_306, %parallel_loop3A_308 : vector<16xf32>
          %parallel_loop3A_310 = arith.mulf %parallel_loop3A_309, %parallel_loop3A_291 : vector<16xf32>
          %parallel_loop3A_311 = arith.constant 0.99984771 : f32
          %parallel_loop3A_312 = vector.broadcast %parallel_loop3A_311 : f32 to vector<16xf32>
          %parallel_loop3A_313 = arith.addf %parallel_loop3A_310, %parallel_loop3A_312 : vector<16xf32>
          %parallel_loop3A_314 = arith.mulf %parallel_loop3A_313, %parallel_loop3A_291 : vector<16xf32>
          %parallel_loop3A_315 = arith.constant 1.47206504E-6 : f32
          %parallel_loop3A_316 = vector.broadcast %parallel_loop3A_315 : f32 to vector<16xf32>
          %parallel_loop3A_317 = arith.addf %parallel_loop3A_314, %parallel_loop3A_316 : vector<16xf32>
          %parallel_loop3A_318 = arith.constant 0.000000e+00 : f32
          %parallel_loop3A_319 = vector.broadcast %parallel_loop3A_318 : f32 to vector<16xf32>
          %parallel_loop3A_320 = arith.maximumf %parallel_loop3A_243, %parallel_loop3A_319 : vector<16xf32>
          %parallel_loop3A_321 = arith.addf %parallel_loop3A_320, %parallel_loop3A_317 : vector<16xf32>
          %parallel_loop3A_322 = arith.constant 9.99999997E-7 : f32
          %parallel_loop3A_323 = vector.broadcast %parallel_loop3A_322 : f32 to vector<16xf32>
          %parallel_loop3A_324 = arith.addf %parallel_loop3A_321, %parallel_loop3A_323 : vector<16xf32>
          %parallel_loop3A_325 = arith.index_cast %parallel_loop3A_196 : i32 to index
          %parallel_loop3A_326 = arith.constant 16 : index
          %parallel_loop3A_327 = tpu.vector_load %arg18[%parallel_loop3A_325, %parallel_loop3A_326] {strides = array<i32>} : memref<128x32xf32, #tpu.memory_space<vmem>>, vector<1x16xf32>,
          %parallel_loop3A_328 = vector.shape_cast %parallel_loop3A_327 : vector<1x16xf32> to vector<16xf32>
          %parallel_loop3A_329 = vector.shape_cast %parallel_loop3A_324 : vector<16xf32> to vector<1x16xf32>
          tpu.vector_store %arg18[%parallel_loop3A_325, %parallel_loop3A_326], %parallel_loop3A_329 {strides = array<i32>} : memref<128x32xf32, #tpu.memory_space<vmem>>, vector<1x16xf32>,
          %parallel_loop3A_330 = arith.index_cast %parallel_loop3A_196 : i32 to index
          %parallel_loop3A_331 = arith.constant 64 : index
          %parallel_loop3A_332 = tpu.vector_load %arg12[%parallel_loop3A_330, %parallel_loop3A_331] {strides = array<i32>} : memref<128x80xf32, #tpu.memory_space<vmem>>, vector<1x16xf32>,
          %parallel_loop3A_333 = vector.shape_cast %parallel_loop3A_332 : vector<1x16xf32> to vector<16xf32>
          %parallel_loop3A_334 = arith.index_cast %parallel_loop3A_196 : i32 to index
          %parallel_loop3A_335 = arith.constant 64 : index
          %parallel_loop3A_336 = tpu.vector_load %arg14[%parallel_loop3A_334, %parallel_loop3A_335] {strides = array<i32>} : memref<128x80xf32, #tpu.memory_space<vmem>>, vector<1x16xf32>,
          %parallel_loop3A_337 = vector.shape_cast %parallel_loop3A_336 : vector<1x16xf32> to vector<16xf32>
          %parallel_loop3A_338 = arith.addf %parallel_loop3A_333, %parallel_loop3A_337 : vector<16xf32>
          %parallel_loop3A_339 = arith.constant 0.000000e+00 : f32
          %parallel_loop3A_340 = vector.broadcast %parallel_loop3A_339 : f32 to vector<16xf32>
          %parallel_loop3A_341 = arith.subf %parallel_loop3A_340, %parallel_loop3A_338 : vector<16xf32>
          %parallel_loop3A_342 = math.exp %parallel_loop3A_341 : vector<16xf32>
          %parallel_loop3A_343 = arith.constant 1.000000e+00 : f32
          %parallel_loop3A_344 = vector.broadcast %parallel_loop3A_343 : f32 to vector<16xf32>
          %parallel_loop3A_345 = arith.addf %parallel_loop3A_344, %parallel_loop3A_342 : vector<16xf32>
          %parallel_loop3A_346 = arith.constant 1.000000e+00 : f32
          %parallel_loop3A_347 = vector.broadcast %parallel_loop3A_346 : f32 to vector<16xf32>
          %parallel_loop3A_348 = arith.divf %parallel_loop3A_347, %parallel_loop3A_345 : vector<16xf32>
          %parallel_loop3A_349 = arith.constant 16 : i32
          %parallel_loop3A_350 = arith.constant 0 : i32
          %parallel_loop3A_351 = arith.cmpi eq, %parallel_loop3A_349, %parallel_loop3A_350 : i32
          %parallel_loop3A_352 = arith.constant 1 : i32
          %parallel_loop3A_353 = arith.select %parallel_loop3A_351, %parallel_loop3A_352, %parallel_loop3A_349 : i32
          %parallel_loop3A_354 = arith.remsi %parallel_loop3A_196, %parallel_loop3A_353 : i32
          %parallel_loop3A_355 = arith.constant 0 : i32
          %parallel_loop3A_356 = arith.cmpi ne, %parallel_loop3A_354, %parallel_loop3A_355 : i32
          %parallel_loop3A_357 = arith.constant 0 : i32
          %parallel_loop3A_358 = arith.cmpi slt, %parallel_loop3A_354, %parallel_loop3A_357 : i32
          %parallel_loop3A_359 = arith.constant 0 : i32
          %parallel_loop3A_360 = arith.cmpi slt, %parallel_loop3A_353, %parallel_loop3A_359 : i32
          %parallel_loop3A_361 = arith.xori %parallel_loop3A_358, %parallel_loop3A_360 : i1
          %parallel_loop3A_362 = arith.andi %parallel_loop3A_361, %parallel_loop3A_356 : i1
          %parallel_loop3A_363 = arith.addi %parallel_loop3A_354, %parallel_loop3A_353 : i32
          %parallel_loop3A_364 = arith.select %parallel_loop3A_362, %parallel_loop3A_363, %parallel_loop3A_354 : i32
          %parallel_loop3A_365 = vector.broadcast %parallel_loop3A_364 : i32 to vector<16xi32>
          %parallel_loop3A_366 = arith.cmpi eq, %iota3A, %parallel_loop3A_365 : vector<16xi32>
          %parallel_loop3A_367 = arith.select %parallel_loop3A_366, %parallel_loop3A_348, %parallel_loop3A_197 : vector<16xi1>, vector<16xf32>
          %parallel_loop3A_368 = arith.constant 15 : i32
          %parallel_loop3A_369 = arith.cmpi eq, %parallel_loop3A_364, %parallel_loop3A_368 : i32
          %parallel_loop3A_370 = arith.extui %parallel_loop3A_369 : i1 to i32
          %parallel_loop3A_371 = arith.constant 0 : i32
          %parallel_loop3A_372 = arith.cmpi ne, %parallel_loop3A_370, %parallel_loop3A_371 : i32
          scf.if %parallel_loop3A_372 {
            %parallel_loop3A_373 = arith.constant 15 : i32
            %parallel_loop3A_374 = arith.subi %parallel_loop3A_196, %parallel_loop3A_373 : i32
            %parallel_loop3A_375 = arith.index_cast %parallel_loop3A_374 : i32 to index
            %parallel_loop3A_376 = tpu.vector_load %arg20[%parallel_loop3A_375] {strides = array<i32>} : memref<128xf32, #tpu.memory_space<vmem>>, vector<16xf32>,
            %parallel_loop3A_377 = vector.shape_cast %parallel_loop3A_376 : vector<16xf32> to vector<16xf32>
            %parallel_loop3A_378 = vector.shape_cast %parallel_loop3A_367 : vector<16xf32> to vector<16xf32>
            tpu.vector_store %arg20[%parallel_loop3A_375], %parallel_loop3A_378 {strides = array<i32>} : memref<128xf32, #tpu.memory_space<vmem>>, vector<16xf32>,
          } else {
          }
          scf.yield %parallel_loop3A_367 : vector<16xf32>
        } {sc.loop_unroll_factor = 2 : i64, sc.parallel_access}
        %add3A_183 = arith.addi %add3A_4, %while3A_117 : i32
        %mul3A_184 = arith.constant 128 : i32
        %mul3A_185 = arith.muli %add3A_183, %mul3A_184 : i32
        %dma_start3A_186 = arith.constant 0 : i32
        %dma_start3A_187 = tpu.memref_slice %arg6[%mul3A_185, %dma_start3A_186] : memref<320000x32xf32, #tpu.memory_space<hbm>> -> memref<128x32xf32, #tpu.memory_space<hbm>>
        %dma_start3A_188 = arith.constant 0 : i32
        %dma_start3A_189 = tpu.memref_slice %arg6[%mul3A_185, %dma_start3A_188] : memref<320000x32xf32, #tpu.memory_space<hbm>> -> memref<128x32xf32, #tpu.memory_space<hbm>>
        tpu.enqueue_dma source(%arg16 : memref<128x32xf32, #tpu.memory_space<vmem>>) target(%dma_start3A_189 : memref<128x32xf32, #tpu.memory_space<hbm>>) target_semaphore(%arg26 : memref<!tpu.dma_semaphore, #tpu.memory_space<semaphore_mem>>)
        %dma_start3A_190 = arith.constant 0 : i32
        %dma_start3A_191 = tpu.memref_slice %arg7[%mul3A_185, %dma_start3A_190] : memref<320000x32xf32, #tpu.memory_space<hbm>> -> memref<128x32xf32, #tpu.memory_space<hbm>>
        %dma_start3A_192 = arith.constant 0 : i32
        %dma_start3A_193 = tpu.memref_slice %arg7[%mul3A_185, %dma_start3A_192] : memref<320000x32xf32, #tpu.memory_space<hbm>> -> memref<128x32xf32, #tpu.memory_space<hbm>>
        tpu.enqueue_dma source(%arg18 : memref<128x32xf32, #tpu.memory_space<vmem>>) target(%dma_start3A_193 : memref<128x32xf32, #tpu.memory_space<hbm>>) target_semaphore(%arg26 : memref<!tpu.dma_semaphore, #tpu.memory_space<semaphore_mem>>)
        %dma_start3A_194 = tpu.memref_slice %arg8[%mul3A_185] : memref<320000xf32, #tpu.memory_space<hbm>> -> memref<128xf32, #tpu.memory_space<hbm>>
        %dma_start3A_195 = tpu.memref_slice %arg8[%mul3A_185] : memref<320000xf32, #tpu.memory_space<hbm>> -> memref<128xf32, #tpu.memory_space<hbm>>
        tpu.enqueue_dma source(%arg20 : memref<128xf32, #tpu.memory_space<vmem>>) target(%dma_start3A_195 : memref<128xf32, #tpu.memory_space<hbm>>) target_semaphore(%arg26 : memref<!tpu.dma_semaphore, #tpu.memory_space<semaphore_mem>>)
      } else {
      }
    }
    %sub3A = arith.constant 2 : i32
    %sub3A_34 = arith.subi %add3A_8, %sub3A : i32
    %jit3A_35 = arith.constant 2 : i32
    %eq3A = arith.constant 0 : i32
    %eq3A_36 = arith.cmpi eq, %jit3A_35, %eq3A : i32
    %jit3A_37 = arith.constant 1 : i32
    %select_n3A_38 = arith.select %eq3A_36, %jit3A_37, %jit3A_35 : i32
    %rem3A = arith.remsi %sub3A_34, %select_n3A_38 : i32
    %ne3A = arith.constant 0 : i32
    %ne3A_39 = arith.cmpi ne, %rem3A, %ne3A : i32
    %lt3A_40 = arith.constant 0 : i32
    %lt3A_41 = arith.cmpi slt, %rem3A, %lt3A_40 : i32
    %lt3A_42 = arith.constant 0 : i32
    %lt3A_43 = arith.cmpi slt, %select_n3A_38, %lt3A_42 : i32
    %ne3A_44 = arith.xori %lt3A_41, %lt3A_43 : i1
    %and3A = arith.andi %ne3A_44, %ne3A_39 : i1
    %add3A_45 = arith.addi %rem3A, %select_n3A_38 : i32
    %select_n3A_46 = arith.select %and3A, %add3A_45, %rem3A : i32
    %eq3A_47 = arith.constant 0 : i32
    %eq3A_48 = arith.cmpi eq, %select_n3A_46, %eq3A_47 : i32
    %convert_element_type3A_49 = arith.extui %eq3A_48 : i1 to i32
    %cond3A_50 = arith.constant 0 : i32
    %cond3A_51 = arith.cmpi ne, %convert_element_type3A_49, %cond3A_50 : i32
    scf.if %cond3A_51 {
      %add3A_117 = arith.addi %add3A_4, %sub3A_34 : i32
      %mul3A_118 = arith.constant 128 : i32
      %mul3A_119 = arith.muli %add3A_117, %mul3A_118 : i32
      %dma_wait3A = arith.constant 0 : i32
      %dma_wait3A_120 = tpu.memref_slice %arg6[%mul3A_119, %dma_wait3A] : memref<320000x32xf32, #tpu.memory_space<hbm>> -> memref<128x32xf32, #tpu.memory_space<hbm>>
      %dma_wait3A_121 = arith.constant 0 : i32
      %dma_wait3A_122 = tpu.memref_slice %arg6[%mul3A_119, %dma_wait3A_121] : memref<320000x32xf32, #tpu.memory_space<hbm>> -> memref<128x32xf32, #tpu.memory_space<hbm>>
      tpu.wait_dma2 semaphore(%arg25 : memref<!tpu.dma_semaphore, #tpu.memory_space<semaphore_mem>>) src(%arg15 : memref<128x32xf32, #tpu.memory_space<vmem>>) dst(%dma_wait3A_122 : memref<128x32xf32, #tpu.memory_space<hbm>>)
      %dma_wait3A_123 = arith.constant 0 : i32
      %dma_wait3A_124 = tpu.memref_slice %arg7[%mul3A_119, %dma_wait3A_123] : memref<320000x32xf32, #tpu.memory_space<hbm>> -> memref<128x32xf32, #tpu.memory_space<hbm>>
      %dma_wait3A_125 = arith.constant 0 : i32
      %dma_wait3A_126 = tpu.memref_slice %arg7[%mul3A_119, %dma_wait3A_125] : memref<320000x32xf32, #tpu.memory_space<hbm>> -> memref<128x32xf32, #tpu.memory_space<hbm>>
      tpu.wait_dma2 semaphore(%arg25 : memref<!tpu.dma_semaphore, #tpu.memory_space<semaphore_mem>>) src(%arg17 : memref<128x32xf32, #tpu.memory_space<vmem>>) dst(%dma_wait3A_126 : memref<128x32xf32, #tpu.memory_space<hbm>>)
      %dma_wait3A_127 = tpu.memref_slice %arg8[%mul3A_119] : memref<320000xf32, #tpu.memory_space<hbm>> -> memref<128xf32, #tpu.memory_space<hbm>>
      %dma_wait3A_128 = tpu.memref_slice %arg8[%mul3A_119] : memref<320000xf32, #tpu.memory_space<hbm>> -> memref<128xf32, #tpu.memory_space<hbm>>
      tpu.wait_dma2 semaphore(%arg25 : memref<!tpu.dma_semaphore, #tpu.memory_space<semaphore_mem>>) src(%arg19 : memref<128xf32, #tpu.memory_space<vmem>>) dst(%dma_wait3A_128 : memref<128xf32, #tpu.memory_space<hbm>>)
    } else {
    }
    %jit3A_52 = arith.constant 2 : i32
    %eq3A_53 = arith.constant 0 : i32
    %eq3A_54 = arith.cmpi eq, %jit3A_52, %eq3A_53 : i32
    %jit3A_55 = arith.constant 1 : i32
    %select_n3A_56 = arith.select %eq3A_54, %jit3A_55, %jit3A_52 : i32
    %rem3A_57 = arith.remsi %sub3A_34, %select_n3A_56 : i32
    %ne3A_58 = arith.constant 0 : i32
    %ne3A_59 = arith.cmpi ne, %rem3A_57, %ne3A_58 : i32
    %lt3A_60 = arith.constant 0 : i32
    %lt3A_61 = arith.cmpi slt, %rem3A_57, %lt3A_60 : i32
    %lt3A_62 = arith.constant 0 : i32
    %lt3A_63 = arith.cmpi slt, %select_n3A_56, %lt3A_62 : i32
    %ne3A_64 = arith.xori %lt3A_61, %lt3A_63 : i1
    %and3A_65 = arith.andi %ne3A_64, %ne3A_59 : i1
    %add3A_66 = arith.addi %rem3A_57, %select_n3A_56 : i32
    %select_n3A_67 = arith.select %and3A_65, %add3A_66, %rem3A_57 : i32
    %eq3A_68 = arith.constant 1 : i32
    %eq3A_69 = arith.cmpi eq, %select_n3A_67, %eq3A_68 : i32
    %convert_element_type3A_70 = arith.extui %eq3A_69 : i1 to i32
    %cond3A_71 = arith.constant 0 : i32
    %cond3A_72 = arith.cmpi ne, %convert_element_type3A_70, %cond3A_71 : i32
    scf.if %cond3A_72 {
      %add3A_117 = arith.addi %add3A_4, %sub3A_34 : i32
      %mul3A_118 = arith.constant 128 : i32
      %mul3A_119 = arith.muli %add3A_117, %mul3A_118 : i32
      %dma_wait3A = arith.constant 0 : i32
      %dma_wait3A_120 = tpu.memref_slice %arg6[%mul3A_119, %dma_wait3A] : memref<320000x32xf32, #tpu.memory_space<hbm>> -> memref<128x32xf32, #tpu.memory_space<hbm>>
      %dma_wait3A_121 = arith.constant 0 : i32
      %dma_wait3A_122 = tpu.memref_slice %arg6[%mul3A_119, %dma_wait3A_121] : memref<320000x32xf32, #tpu.memory_space<hbm>> -> memref<128x32xf32, #tpu.memory_space<hbm>>
      tpu.wait_dma2 semaphore(%arg26 : memref<!tpu.dma_semaphore, #tpu.memory_space<semaphore_mem>>) src(%arg16 : memref<128x32xf32, #tpu.memory_space<vmem>>) dst(%dma_wait3A_122 : memref<128x32xf32, #tpu.memory_space<hbm>>)
      %dma_wait3A_123 = arith.constant 0 : i32
      %dma_wait3A_124 = tpu.memref_slice %arg7[%mul3A_119, %dma_wait3A_123] : memref<320000x32xf32, #tpu.memory_space<hbm>> -> memref<128x32xf32, #tpu.memory_space<hbm>>
      %dma_wait3A_125 = arith.constant 0 : i32
      %dma_wait3A_126 = tpu.memref_slice %arg7[%mul3A_119, %dma_wait3A_125] : memref<320000x32xf32, #tpu.memory_space<hbm>> -> memref<128x32xf32, #tpu.memory_space<hbm>>
      tpu.wait_dma2 semaphore(%arg26 : memref<!tpu.dma_semaphore, #tpu.memory_space<semaphore_mem>>) src(%arg18 : memref<128x32xf32, #tpu.memory_space<vmem>>) dst(%dma_wait3A_126 : memref<128x32xf32, #tpu.memory_space<hbm>>)
      %dma_wait3A_127 = tpu.memref_slice %arg8[%mul3A_119] : memref<320000xf32, #tpu.memory_space<hbm>> -> memref<128xf32, #tpu.memory_space<hbm>>
      %dma_wait3A_128 = tpu.memref_slice %arg8[%mul3A_119] : memref<320000xf32, #tpu.memory_space<hbm>> -> memref<128xf32, #tpu.memory_space<hbm>>
      tpu.wait_dma2 semaphore(%arg26 : memref<!tpu.dma_semaphore, #tpu.memory_space<semaphore_mem>>) src(%arg20 : memref<128xf32, #tpu.memory_space<vmem>>) dst(%dma_wait3A_128 : memref<128xf32, #tpu.memory_space<hbm>>)
    } else {
    }
    %sub3A_73 = arith.constant 1 : i32
    %sub3A_74 = arith.subi %add3A_8, %sub3A_73 : i32
    %jit3A_75 = arith.constant 2 : i32
    %eq3A_76 = arith.constant 0 : i32
    %eq3A_77 = arith.cmpi eq, %jit3A_75, %eq3A_76 : i32
    %jit3A_78 = arith.constant 1 : i32
    %select_n3A_79 = arith.select %eq3A_77, %jit3A_78, %jit3A_75 : i32
    %rem3A_80 = arith.remsi %sub3A_74, %select_n3A_79 : i32
    %ne3A_81 = arith.constant 0 : i32
    %ne3A_82 = arith.cmpi ne, %rem3A_80, %ne3A_81 : i32
    %lt3A_83 = arith.constant 0 : i32
    %lt3A_84 = arith.cmpi slt, %rem3A_80, %lt3A_83 : i32
    %lt3A_85 = arith.constant 0 : i32
    %lt3A_86 = arith.cmpi slt, %select_n3A_79, %lt3A_85 : i32
    %ne3A_87 = arith.xori %lt3A_84, %lt3A_86 : i1
    %and3A_88 = arith.andi %ne3A_87, %ne3A_82 : i1
    %add3A_89 = arith.addi %rem3A_80, %select_n3A_79 : i32
    %select_n3A_90 = arith.select %and3A_88, %add3A_89, %rem3A_80 : i32
    %eq3A_91 = arith.constant 0 : i32
    %eq3A_92 = arith.cmpi eq, %select_n3A_90, %eq3A_91 : i32
    %convert_element_type3A_93 = arith.extui %eq3A_92 : i1 to i32
    %cond3A_94 = arith.constant 0 : i32
    %cond3A_95 = arith.cmpi ne, %convert_element_type3A_93, %cond3A_94 : i32
    scf.if %cond3A_95 {
      %add3A_117 = arith.addi %add3A_4, %sub3A_74 : i32
      %mul3A_118 = arith.constant 128 : i32
      %mul3A_119 = arith.muli %add3A_117, %mul3A_118 : i32
      %dma_wait3A = arith.constant 0 : i32
      %dma_wait3A_120 = tpu.memref_slice %arg6[%mul3A_119, %dma_wait3A] : memref<320000x32xf32, #tpu.memory_space<hbm>> -> memref<128x32xf32, #tpu.memory_space<hbm>>
      %dma_wait3A_121 = arith.constant 0 : i32
      %dma_wait3A_122 = tpu.memref_slice %arg6[%mul3A_119, %dma_wait3A_121] : memref<320000x32xf32, #tpu.memory_space<hbm>> -> memref<128x32xf32, #tpu.memory_space<hbm>>
      tpu.wait_dma2 semaphore(%arg25 : memref<!tpu.dma_semaphore, #tpu.memory_space<semaphore_mem>>) src(%arg15 : memref<128x32xf32, #tpu.memory_space<vmem>>) dst(%dma_wait3A_122 : memref<128x32xf32, #tpu.memory_space<hbm>>)
      %dma_wait3A_123 = arith.constant 0 : i32
      %dma_wait3A_124 = tpu.memref_slice %arg7[%mul3A_119, %dma_wait3A_123] : memref<320000x32xf32, #tpu.memory_space<hbm>> -> memref<128x32xf32, #tpu.memory_space<hbm>>
      %dma_wait3A_125 = arith.constant 0 : i32
      %dma_wait3A_126 = tpu.memref_slice %arg7[%mul3A_119, %dma_wait3A_125] : memref<320000x32xf32, #tpu.memory_space<hbm>> -> memref<128x32xf32, #tpu.memory_space<hbm>>
      tpu.wait_dma2 semaphore(%arg25 : memref<!tpu.dma_semaphore, #tpu.memory_space<semaphore_mem>>) src(%arg17 : memref<128x32xf32, #tpu.memory_space<vmem>>) dst(%dma_wait3A_126 : memref<128x32xf32, #tpu.memory_space<hbm>>)
      %dma_wait3A_127 = tpu.memref_slice %arg8[%mul3A_119] : memref<320000xf32, #tpu.memory_space<hbm>> -> memref<128xf32, #tpu.memory_space<hbm>>
      %dma_wait3A_128 = tpu.memref_slice %arg8[%mul3A_119] : memref<320000xf32, #tpu.memory_space<hbm>> -> memref<128xf32, #tpu.memory_space<hbm>>
      tpu.wait_dma2 semaphore(%arg25 : memref<!tpu.dma_semaphore, #tpu.memory_space<semaphore_mem>>) src(%arg19 : memref<128xf32, #tpu.memory_space<vmem>>) dst(%dma_wait3A_128 : memref<128xf32, #tpu.memory_space<hbm>>)
    } else {
    }
    %jit3A_96 = arith.constant 2 : i32
    %eq3A_97 = arith.constant 0 : i32
    %eq3A_98 = arith.cmpi eq, %jit3A_96, %eq3A_97 : i32
    %jit3A_99 = arith.constant 1 : i32
    %select_n3A_100 = arith.select %eq3A_98, %jit3A_99, %jit3A_96 : i32
    %rem3A_101 = arith.remsi %sub3A_74, %select_n3A_100 : i32
    %ne3A_102 = arith.constant 0 : i32
    %ne3A_103 = arith.cmpi ne, %rem3A_101, %ne3A_102 : i32
    %lt3A_104 = arith.constant 0 : i32
    %lt3A_105 = arith.cmpi slt, %rem3A_101, %lt3A_104 : i32
    %lt3A_106 = arith.constant 0 : i32
    %lt3A_107 = arith.cmpi slt, %select_n3A_100, %lt3A_106 : i32
    %ne3A_108 = arith.xori %lt3A_105, %lt3A_107 : i1
    %and3A_109 = arith.andi %ne3A_108, %ne3A_103 : i1
    %add3A_110 = arith.addi %rem3A_101, %select_n3A_100 : i32
    %select_n3A_111 = arith.select %and3A_109, %add3A_110, %rem3A_101 : i32
    %eq3A_112 = arith.constant 1 : i32
    %eq3A_113 = arith.cmpi eq, %select_n3A_111, %eq3A_112 : i32
    %convert_element_type3A_114 = arith.extui %eq3A_113 : i1 to i32
    %cond3A_115 = arith.constant 0 : i32
    %cond3A_116 = arith.cmpi ne, %convert_element_type3A_114, %cond3A_115 : i32
    scf.if %cond3A_116 {
      %add3A_117 = arith.addi %add3A_4, %sub3A_74 : i32
      %mul3A_118 = arith.constant 128 : i32
      %mul3A_119 = arith.muli %add3A_117, %mul3A_118 : i32
      %dma_wait3A = arith.constant 0 : i32
      %dma_wait3A_120 = tpu.memref_slice %arg6[%mul3A_119, %dma_wait3A] : memref<320000x32xf32, #tpu.memory_space<hbm>> -> memref<128x32xf32, #tpu.memory_space<hbm>>
      %dma_wait3A_121 = arith.constant 0 : i32
      %dma_wait3A_122 = tpu.memref_slice %arg6[%mul3A_119, %dma_wait3A_121] : memref<320000x32xf32, #tpu.memory_space<hbm>> -> memref<128x32xf32, #tpu.memory_space<hbm>>
      tpu.wait_dma2 semaphore(%arg26 : memref<!tpu.dma_semaphore, #tpu.memory_space<semaphore_mem>>) src(%arg16 : memref<128x32xf32, #tpu.memory_space<vmem>>) dst(%dma_wait3A_122 : memref<128x32xf32, #tpu.memory_space<hbm>>)
      %dma_wait3A_123 = arith.constant 0 : i32
      %dma_wait3A_124 = tpu.memref_slice %arg7[%mul3A_119, %dma_wait3A_123] : memref<320000x32xf32, #tpu.memory_space<hbm>> -> memref<128x32xf32, #tpu.memory_space<hbm>>
      %dma_wait3A_125 = arith.constant 0 : i32
      %dma_wait3A_126 = tpu.memref_slice %arg7[%mul3A_119, %dma_wait3A_125] : memref<320000x32xf32, #tpu.memory_space<hbm>> -> memref<128x32xf32, #tpu.memory_space<hbm>>
      tpu.wait_dma2 semaphore(%arg26 : memref<!tpu.dma_semaphore, #tpu.memory_space<semaphore_mem>>) src(%arg18 : memref<128x32xf32, #tpu.memory_space<vmem>>) dst(%dma_wait3A_126 : memref<128x32xf32, #tpu.memory_space<hbm>>)
      %dma_wait3A_127 = tpu.memref_slice %arg8[%mul3A_119] : memref<320000xf32, #tpu.memory_space<hbm>> -> memref<128xf32, #tpu.memory_space<hbm>>
      %dma_wait3A_128 = tpu.memref_slice %arg8[%mul3A_119] : memref<320000xf32, #tpu.memory_space<hbm>> -> memref<128xf32, #tpu.memory_space<hbm>>
      tpu.wait_dma2 semaphore(%arg26 : memref<!tpu.dma_semaphore, #tpu.memory_space<semaphore_mem>>) src(%arg20 : memref<128xf32, #tpu.memory_space<vmem>>) dst(%dma_wait3A_128 : memref<128xf32, #tpu.memory_space<hbm>>)
    } else {
    }
    return
  }
}

module attributes {stable_mosaic.version = 14 : i64} {
  func.func @_stage_b_body(%arg0: memref<20000x128xf32, #tpu.memory_space<vmem>>, %arg1: memref<20000x16xf32, #tpu.memory_space<vmem>>, %arg2: memref<128x128xf32, #tpu.memory_space<vmem>>, %arg3: memref<1x128xf32, #tpu.memory_space<vmem>>, %arg4: memref<80x128xf32, #tpu.memory_space<vmem>>, %arg5: memref<80x128xf32, #tpu.memory_space<vmem>>, %arg6: memref<1x80xf32, #tpu.memory_space<vmem>>, %arg7: memref<10000x80xf32, #tpu.memory_space<vmem>>, %arg8: memref<10000x80xf32, #tpu.memory_space<vmem>>) attributes {dimension_semantics = [], scalar_prefetch = 0 : i64, scratch_operands = 0 : i64, tpu.core_type = #tpu.core_type<tc>} {
    %get3A = arith.constant 0 : index
    %get3A_0 = arith.constant 0 : index
    %get3A_1 = vector.load %arg0[%get3A, %get3A_0] : memref<20000x128xf32, #tpu.memory_space<vmem>>, vector<10000x128xf32>
    %get3A_2 = arith.constant 10000 : index
    %get3A_3 = arith.constant 0 : index
    %get3A_4 = vector.load %arg0[%get3A_2, %get3A_3] : memref<20000x128xf32, #tpu.memory_space<vmem>>, vector<10000x128xf32>
    %add3A = arith.addf %get3A_1, %get3A_4 : vector<10000x128xf32>
    %get3A_5 = arith.constant 0 : index
    %get3A_6 = arith.constant 0 : index
    %get3A_7 = vector.load %arg1[%get3A_5, %get3A_6] : memref<20000x16xf32, #tpu.memory_space<vmem>>, vector<10000x1xf32>
    %get3A_8 = arith.constant 10000 : index
    %get3A_9 = arith.constant 0 : index
    %get3A_10 = vector.load %arg1[%get3A_8, %get3A_9] : memref<20000x16xf32, #tpu.memory_space<vmem>>, vector<10000x1xf32>
    %add3A_11 = arith.addf %get3A_7, %get3A_10 : vector<10000x1xf32>
    %max3A = arith.constant 1.000000e+00 : f32
    %max3A_12 = vector.broadcast %max3A : f32 to vector<10000x1xf32>
    %max3A_13 = arith.maximumf %add3A_11, %max3A_12 : vector<10000x1xf32>
    %div3A = vector.broadcast %max3A_13 : vector<10000x1xf32> to vector<10000x128xf32>
    %div3A_14 = arith.divf %add3A, %div3A : vector<10000x128xf32>
    %get3A_15 = arith.constant 0 : index
    %get3A_16 = arith.constant 0 : index
    %get3A_17 = vector.load %arg2[%get3A_15, %get3A_16] : memref<128x128xf32, #tpu.memory_space<vmem>>, vector<128x128xf32>
    %transpose3A = tpu.transpose %get3A_17, [1, 0] : vector<128x128xf32> -> vector<128x128xf32>
    %dot_general3A = arith.constant dense<0.000000e+00> : vector<10000x128xf32>
    %dot_general3A_18 = tpu.matmul %div3A_14, %transpose3A, %dot_general3A {dimension_numbers = #tpu.dot_dimension_numbers<[1], [0], [0], [1], [0, 0, 1, 1], [], []>, transpose_lhs_hint = false} : vector<10000x128xf32>, vector<128x128xf32>, vector<10000x128xf32> -> vector<10000x128xf32>
    %get3A_19 = arith.constant 0 : index
    %get3A_20 = arith.constant 0 : index
    %get3A_21 = vector.load %arg3[%get3A_19, %get3A_20] : memref<1x128xf32, #tpu.memory_space<vmem>>, vector<1x128xf32>
    %add3A_22 = vector.broadcast %get3A_21 : vector<1x128xf32> to vector<10000x128xf32>
    %add3A_23 = arith.addf %dot_general3A_18, %add3A_22 : vector<10000x128xf32>
    %max3A_24 = arith.constant 0.000000e+00 : f32
    %max3A_25 = vector.broadcast %max3A_24 : f32 to vector<10000x128xf32>
    %max3A_26 = arith.maximumf %add3A_23, %max3A_25 : vector<10000x128xf32>
    %get3A_27 = arith.constant 0 : index
    %get3A_28 = arith.constant 0 : index
    %get3A_29 = vector.load %arg4[%get3A_27, %get3A_28] : memref<80x128xf32, #tpu.memory_space<vmem>>, vector<80x128xf32>
    %transpose3A_30 = tpu.transpose %get3A_29, [1, 0] : vector<80x128xf32> -> vector<128x80xf32>
    %dot_general3A_31 = arith.constant dense<0.000000e+00> : vector<10000x80xf32>
    %dot_general3A_32 = tpu.matmul %max3A_26, %transpose3A_30, %dot_general3A_31 {dimension_numbers = #tpu.dot_dimension_numbers<[1], [0], [0], [1], [0, 0, 1, 1], [], []>, transpose_lhs_hint = false} : vector<10000x128xf32>, vector<128x80xf32>, vector<10000x80xf32> -> vector<10000x80xf32>
    %get3A_33 = arith.constant 0 : index
    %get3A_34 = arith.constant 0 : index
    %get3A_35 = vector.load %arg6[%get3A_33, %get3A_34] : memref<1x80xf32, #tpu.memory_space<vmem>>, vector<1x80xf32>
    %add3A_36 = vector.broadcast %get3A_35 : vector<1x80xf32> to vector<10000x80xf32>
    %add3A_37 = arith.addf %dot_general3A_32, %add3A_36 : vector<10000x80xf32>
    %swap3A = arith.constant 0 : index
    %swap3A_38 = arith.constant 0 : index
    %swap3A_39 = vector.load %arg7[%swap3A, %swap3A_38] : memref<10000x80xf32, #tpu.memory_space<vmem>>, vector<10000x80xf32>
    tpu.vector_store %arg7[%swap3A, %swap3A_38], %add3A_37 {strides = array<i32>} : memref<10000x80xf32, #tpu.memory_space<vmem>>, vector<10000x80xf32>,
    %get3A_40 = arith.constant 0 : index
    %get3A_41 = arith.constant 0 : index
    %get3A_42 = vector.load %arg5[%get3A_40, %get3A_41] : memref<80x128xf32, #tpu.memory_space<vmem>>, vector<80x128xf32>
    %transpose3A_43 = tpu.transpose %get3A_42, [1, 0] : vector<80x128xf32> -> vector<128x80xf32>
    %dot_general3A_44 = arith.constant dense<0.000000e+00> : vector<10000x80xf32>
    %dot_general3A_45 = tpu.matmul %max3A_26, %transpose3A_43, %dot_general3A_44 {dimension_numbers = #tpu.dot_dimension_numbers<[1], [0], [0], [1], [0, 0, 1, 1], [], []>, transpose_lhs_hint = false} : vector<10000x128xf32>, vector<128x80xf32>, vector<10000x80xf32> -> vector<10000x80xf32>
    %swap3A_46 = arith.constant 0 : index
    %swap3A_47 = arith.constant 0 : index
    %swap3A_48 = vector.load %arg8[%swap3A_46, %swap3A_47] : memref<10000x80xf32, #tpu.memory_space<vmem>>, vector<10000x80xf32>
    tpu.vector_store %arg8[%swap3A_46, %swap3A_47], %dot_general3A_45 {strides = array<i32>} : memref<10000x80xf32, #tpu.memory_space<vmem>>, vector<10000x80xf32>,
    return
  }
}

</mosaic_0001>

<sc_bundles>
// kernel: kernel.5.cloned.1.call-start
scs
__scs_entry_jumppad:
0x0: {  	(pc) =	sbr.rel $0x88, $3  }
0x1: {  	(tag) =	ssettag $0x0;
	lr =	simm.s32 $0x1  }
0x2: {  	[smem:$0x3F96] =	sst lr;
	_ =	strace $0xD0000000  }
0x3: {  	_ = 	snop  }
0x4: {  	_ = 	snop  }
0x5: {  	_ = 	snop  }
0x6: {  	_ = 	snop  }
0x7: {  	_ = 	snop  }
__scs_overlays_trampoline_lowered:
0x8: {  	[smem:$0x3FA5] =	sst s0  }
0x9: {  	[smem:$0x3FA6] =	sst s1  }
0xa: {  	[smem:$0x3FA7] =	sst s2  }
0xb: {  	[smem:$0x3FA8] =	sst s3  }
0xc: {  	[smem:$0x3FA9] =	sst s4  }
0xd: {  	[smem:$0x3FAA] =	sst s5  }
0xe: {  	[smem:$0x3FAB] =	sst s6  }
0xf: {  	[smem:$0x3FAC] =	sst s7  }
0x10: {  	[smem:$0x3FAD] =	sst s8  }
0x11: {  	[smem:$0x3FAE] =	sst s9;
	s0 =	simm.s32 @!p0 $0x0  }
0x12: {  	s1 =	sld [smem:$0x3F94];
	s0 =	simm.s32 @p0 $0x1  }
0x13: {  	[smem:$0x3FAF] =	sst s0;
	s0 =	simm.s32 @!p1 $0x0  }
0x14: {  	s2 =	sld [smem:$0x3F93];
	s0 =	simm.s32 @p1 $0x1  }
0x15: {  	[smem:$0x3FB0] =	sst s0;
	s0 =	simm.s32 @!p2 $0x0  }
0x16: {  	s3 =	sld [smem:$0x3FDB];
	s0 =	simm.s32 @p2 $0x1  }
0x17: {  	s4 =	simm.s32 $0x1BF5;
	[smem:$0x3FB2] =	sst s0  }
0x18: {  	s0 =	sld [smem:$0x3F95];
	_ =	swait.ge [sflag:s4], $0x0  }
0x19: {  	s7 =	sld [smem:$0x3F96]  }
0x1a: {  	s8 =	sadd.s32 $0xFFFFE003, lr  }
0x1b: {  	s9 =	sadd.s32 $0xFFFFFEF7, lr;
	s5 =	simm.s32 $0xFFFFFFFF;
	p2 =	slt.u32 s8, $0xFFFFF086  }
0x1c: {  	p1 =	slt.u32 s9, $0xF7A;
	s5 =	simm.s32 @!p2 $0x0  }
0x1d: {  	s5 =	simm.s32 @p1 $0x1;
	p0 =	seq.s32 s7, s2  }
0x1e: {  	s7 =	smul.u32 @!p0 $0xF7A, s2;
	p2 =	seq.s32 @!p0 s5, $0x0  }
0x1f: {  	s9 =	smul.u32 $0xF7A, s1;
	s8 =	simm.s32 @!p0 $0x1BF5;
	p2 =	por !p2, p0  }
0x20: {  	[sflag:s8] =	ssyncset.s32 @!p0 $0xFFFFF086;
	s6 =	sadd.s32 @!p0 s3, s7;
	s7 =	simm.s32 @!p0 $0x108  }
0x21: {  	s3 =	sadd.s32 s3, s9;
	s6 =	sadd.s32 @!p0 $0x88, s6;
	s7 =	simm.s32 @p2 $0x1082  }
0x22: {  	[simem:s7], [sflag:s8] =	dma.local @!p0 [hbm:s6], $0xF7A  }
0x23: {  	s9 =	sor.u32 $0xD0000000, s2;
	s6 =	simm.s32 $0x108;
	_ =	swait.ge @!p0 [sflag:s8], $0x0  }
0x24: {  	s3 =	sadd.s32 $0x88, s3;
	s6 =	simm.s32 @!p1 $0x1082;
	[sflag:s4] =	ssyncset.s32 $0xFFFFF086  }
0x25: {  	[simem:s6], [sflag:s4] =	dma.local [hbm:s3], $0xF7A  }
0x26: {  	[smem:$0x3F96] =	sst s1;
	(tag) =	ssettag s2;
	_ =	strace s9  }
0x27: {  	s1 =	sld [smem:$0x3FA6]  }
0x28: {  	s2 =	sld [smem:$0x3FA7]  }
0x29: {  	s4 =	sld [smem:$0x3FA9]  }
0x2a: {  	p0 =	seq.s32 s5, $0x0;
	s5 =	sld [smem:$0x3FAA]  }
0x2b: {  	s6 =	sld [smem:$0x3FAB]  }
0x2c: {  	s7 =	sld [smem:$0x3FAC]  }
0x2d: {  	s3 =	simm.s32 $0x108;
	s8 =	sld [smem:$0x3FAD]  }
0x2e: {  	s3 =	simm.s32 @!p0 $0x1082;
	s9 =	sld [smem:$0x3FAE]  }
0x2f: {  	lr =	sadd.s32 s0, s3;
	s0 =	sld [smem:$0x3FA5]  }
0x30: {  	s3 =	sld [smem:$0x3FA8]  }
0x31: {  	[smem:$0x3FB1] =	sst s10  }
0x32: {  	s10 =	sld [smem:$0x3FAF];
	_ =	sdelay $0x3  }
0x33: {  	p0 =	seq.s32 s10, $0x1;
	s10 =	sld [smem:$0x3FB1];
	_ =	sdelay $0x3  }
0x34: {  	[smem:$0x3FB1] =	sst s10  }
0x35: {  	s10 =	sld [smem:$0x3FB0];
	_ =	sdelay $0x3  }
0x36: {  	p1 =	seq.s32 s10, $0x1;
	s10 =	sld [smem:$0x3FB1];
	_ =	sdelay $0x3  }
0x37: {  	[smem:$0x3FB1] =	sst s10  }
0x38: {  	s10 =	sld [smem:$0x3FB2]  }
0x39: {  	_ = 	snop;
	(pc) =	sbr.ind lr, $3  }
0x3a: {  	_ = 	snop  }
0x3b: {  	_ = 	snop  }
0x3c: {  	p2 =	seq.s32 s10, $0x1;
	s10 =	sld [smem:$0x3FB1]  }
0x3d: {  	_ =	shalt  }
0x3e: {  	_ =	shalt  }
0x3f: {  	_ =	shalt  }
0x40: {  	_ =	shalt  }
0x41: {  	_ =	shalt  }
0x42: {  	_ =	shalt  }
0x43: {  	_ =	shalt  }
0x44: {  	_ =	shalt  }
0x45: {  	_ =	shalt  }
0x46: {  	_ =	shalt  }
0x47: {  	_ =	shalt  }
0x48: {  	_ =	shalt  }
0x49: {  	_ =	shalt  }
0x4a: {  	_ =	shalt  }
0x4b: {  	_ =	shalt  }
0x4c: {  	_ =	shalt  }
0x4d: {  	_ =	shalt  }
0x4e: {  	_ =	shalt  }
0x4f: {  	_ =	shalt  }
0x50: {  	_ =	shalt  }
0x51: {  	_ =	shalt  }
0x52: {  	_ =	shalt  }
0x53: {  	_ =	shalt  }
0x54: {  	_ =	shalt  }
0x55: {  	_ =	shalt  }
0x56: {  	_ =	shalt  }
0x57: {  	_ =	shalt  }
0x58: {  	_ =	shalt  }
0x59: {  	_ =	shalt  }
0x5a: {  	_ =	shalt  }
0x5b: {  	_ =	shalt  }
0x5c: {  	_ =	shalt  }
0x5d: {  	_ =	shalt  }
0x5e: {  	_ =	shalt  }
0x5f: {  	_ =	shalt  }
0x60: {  	_ =	shalt  }
0x61: {  	_ =	shalt  }
0x62: {  	_ =	shalt  }
0x63: {  	_ =	shalt  }
0x64: {  	_ =	shalt  }
0x65: {  	_ =	shalt  }
0x66: {  	_ =	shalt  }
0x67: {  	_ =	shalt  }
0x68: {  	_ =	shalt  }
0x69: {  	_ =	shalt  }
0x6a: {  	_ =	shalt  }
0x6b: {  	_ =	shalt  }
0x6c: {  	_ =	shalt  }
0x6d: {  	_ =	shalt  }
0x6e: {  	_ =	shalt  }
0x6f: {  	_ =	shalt  }
0x70: {  	_ =	shalt  }
0x71: {  	_ =	shalt  }
0x72: {  	_ =	shalt  }
0x73: {  	_ =	shalt  }
0x74: {  	_ =	shalt  }
0x75: {  	_ =	shalt  }
0x76: {  	_ =	shalt  }
0x77: {  	_ =	shalt  }
0x78: {  	_ =	shalt  }
0x79: {  	_ =	shalt  }
0x7a: {  	_ =	shalt  }
0x7b: {  	_ =	shalt  }
0x7c: {  	_ =	shalt  }
0x7d: {  	_ =	shalt  }
0x7e: {  	_ =	shalt  }
0x7f: {  	_ =	shalt  }
0x80: {  	_ =	shalt  }
0x81: {  	_ =	shalt  }
0x82: {  	_ =	shalt  }
0x83: {  	_ =	shalt  }
0x84: {  	_ =	shalt  }
0x85: {  	_ =	shalt  }
0x86: {  	_ =	shalt  }
0x87: {  	_ =	shalt  }
.Lfunc_end0:
.L_simem_size_0:
called_computation.2_lowered:
.L_overlay_start_0:
0x88: {  	s2 =	sld [smem:$0x3FD9]  }
0x89: {  	s3 =	sld [smem:$0x3FFE];
	_ =	sdelay $0x1  }
0x8a: {  	s1 =	srdreg.scid  }
0x8b: {  	s0 =	sand.u32 $0x1, s1  }
0x8c: {  	s14 =	sshll.u32 s0, $0xA;
	s2 =	sadd.s32 s3, s2  }
0x8d: {  	s2 =	sadd.s32 s2, s14  }
0x8e: {  	[smem:$0x3FBD] =	sst s2  }
0x8f: {  	_ = 	snop  }
0x90: {  	s2 =	sld [smem:$0x3FD0];
	_ =	sdelay $0x2  }
0x91: {  	s15 =	simm.s32 $0xB;
	s4 =	simm.s32 $0x10  }
0x92: {  	[smem:s4], [sflag:s15] =	dma.local [hbm:s2], $0x1  }
0x93: {  	_ =	swait.eq [sflag:s15], $0x1  }
0x94: {  	s16 =	sld [smem:$0x10];
	[sflag:s15] =	ssyncset.done $0x0  }
0x95: {  	s17 =	sld [smem:$0x11];
	[sflag:s15] =	ssyncadd.s32 $0xFFFFFFFF  }
0x96: {  	s18 =	sld [smem:$0x12];
	(tm) =	ssettm $0x1  }
0x97: {  	s5 =	sld [smem:$0x3FFB];
	_ =	sdelay $0x3  }
0x98: {  	_ =	strace s5  }
0x99: {  	s5 =	sld [smem:$0x3FFC];
	_ =	sdelay $0x3  }
0x9a: {  	_ =	strace s5  }
0x9b: {  	s5 =	sld [smem:$0x3FFD];
	_ =	sdelay $0x3  }
0x9c: {  	_ =	strace s5  }
0x9d: {  	_ =	strace $0x8FFFFFFF  }
0x9e: {  	s19 =	sld [smem:$0x3FDB];
	_ =	sdelay $0x1  }
0x9f: {  	s6 =	simm.s32 $_scs_section_size  }
0xa0: {  	s7 =	simm.s32 $_size__tile_overlayer_lowered;
	s8 =	simm.s32 $_tile_overlayer_lowered  }
0xa1: {  	s22 =	simm.s32 $0x1BFF;
	s21 =	sshll.u32 s8, $0x1;
	s5 =	sadd.s32 s6, s19  }
0xa2: {  	s9 =	simm.s32 $0x0;
	s20 =	sshll.u32 s7, $0x1;
	s7 =	sadd.s32 s21, s5  }
0xa3: {  	[timem:s9], [sflag:s22] =	dma.local [hbm:s7], s20  }
0xa4: {  	_ =	swait.ge [sflag:s22], s20  }
0xa5: {  	s6 =	ssub.s32 $0x0, s20;
	[sflag:s22] =	ssyncset.done $0x0  }
0xa6: {  	[sflag:s22] =	ssyncadd.s32 s6;
	_ =	sdelay $0x1  }
0xa7: {  	s23 =	simm.s32 $0x1B8B  }
0xa8: {  	_ =	swait.ge [sflag:s23], $0x1  }
0xa9: {  	[sflag:s23] =	ssyncset.done $0x0  }
0xaa: {  	s25 =	simm.s32 $0x1B8E;
	s24 =	sld [smem:$0x3FFE];
	[sflag:s23] =	ssyncadd.s32 $0xFFFFFFFF  }
0xab: {  	s26 =	simm.s32 $execute0_lowered;
	[smem:$0x3FD2] =	sst s25  }
0xac: {  	s7 =	sshll.u32 s26, $0x1;
	_ =	strace $0x80000046;
	[dreg:$0x1] =	wrdreg $0xFFFFFFFF  }
0xad: {  	s28 =	simm.s32 $_size_execute0_lowered;
	s5 =	sadd.s32 s5, s7;
	[dreg:$0x0] =	wrdreg $0x0  }
0xae: {  	s7 =	sshll.u32 s28, $0x1;
	[dreg:$0x2] =	wrdreg s5  }
0xaf: {  	[dreg:$0x3] =	wrdreg s7  }
0xb0: {  	[dreg:$0x4] =	wrdreg $0xC0  }
0xb1: {  	_ =	task [dreg:s9], $0x5FFFF  }
0xb2: {  	[dreg:$0x1] =	wrdreg $0xFFFFFFFF  }
0xb3: {  	[dreg:$0x0] =	wrdreg $0x60  }
0xb4: {  	[dreg:$0x2] =	wrdreg s17  }
0xb5: {  	[dreg:$0x3] =	wrdreg s24  }
0xb6: {  	[dreg:$0x4] =	wrdreg s16  }
0xb7: {  	[dreg:$0x5] =	wrdreg s18  }
0xb8: {  	[dreg:$0x6] =	wrdreg $0x8A000  }
0xb9: {  	[dreg:$0x7] =	wrdreg $0x1C2800  }
0xba: {  	[dreg:$0x8] =	wrdreg $0x9  }
0xbb: {  	_ =	task.clear_ibuf [dreg:s9], $0x9FFFF;
	_ =	strace $0x90000046  }
0xbc: {  	s29 =	simm.s32 $0x9;
	_ =	strace $0x80000048  }
0xbd: {  	_ =	swait.ge [sflag:s29], $0x1  }
0xbe: {  	[sflag:s29] =	ssyncadd.s32 $0xFFFFFFFF  }
0xbf: {  	_ =	strace $0x90000048  }
0xc0: {  	_ =	sfence  }
0xc1: {  	s30 =	sld [smem:$0x0];
	_ =	sdelay $0x2  }
0xc2: {  	s31 =	sshll.u32 s1, $0xD;
	s1 =	sshrl.u32 s1, $0x2  }
0xc3: {  	s3 =	sand.u32 $0x4000, s31;
	s1 =	sadd.s32 s1, s30  }
0xc4: {  	s0 =	sor.u32 s3, s0;
	s1 =	sshll.u32 s1, $0x11  }
0xc5: {  	s0 =	sor.u32 s1, s0  }
0xc6: {  	s0 =	sadd.s32 $0x8F2B, s0  }
0xc7: {  	[sflag:s0] =	ssyncadd.remote.s32 $0x1  }
0xc8: {  	_ =	sfence.sel $0xFFFF  }
0xc9: {  	[dreg:$0x0] =	wrdreg $0xFFFFFFFF;
	(pc) =	sbr.abs _section_cstart, $3  }
0xca: {  	[dreg:$0x1] =	wrdreg $0xFFFFFFFF  }
0xcb: {  	_ =	task.clear_ibuf [dreg:s9], $0x2FFFF;
	_ =	strace $0x9FFFFFFF  }
0xcc: {  	(tm) =	ssettm $0x7FFFFFFF  }
0xcd: {  	_ =	shalt  }
tec
execute0_lowered:
.L_overlay_start_1:
0x0: {  	(tag) =	ssettag $0x1  }
0x1: {  	s1 =	rddreg [dreg:$0x0]  }
0x2: {  	s0 =	rddreg [dreg:$0x1]  }
0x3: {  	s2 =	rddreg [dreg:$0x2]  }
0x4: {  	s9 =	rddreg [dreg:$0x3]  }
0x5: {  	s3 =	rddreg [dreg:$0x4]  }
0x6: {  	s4 =	rddreg [dreg:$0x5];
	s6 =	srdreg.scid  }
0x7: {  	s21 =	stileid.u32;
	s5 =	simm.s32 $0x0;
	s8 =	sand.u32 $0x1, s6  }
0x8: {  	s22 =	sshll.u32 s21, $0x1;
	[smem:$0x7FF] =	sst s5;
	s6 =	sadd.s32 $0xCA00, s0  }
0x9: {  	s7 =	sadd.s32 $0x2C00, s0;
	s12 =	smul.u32 $0x271, s21;
	p0 =	slt.u32 s21, $0x2  }
0xa: {  	s10 =	sor.u32 s8, s22;
	s23 =	ssub.s32 $0x2, s8;
	s14 =	smul.u32 $0x2710, s8  }
0xb: {  	_ =	strace $0x80000047;
	s11 =	smul.u32 $0x4E, s10;
	s13 =	sshrl.u32 s23, $0x1  }
0xc: {  	s10 =	smin.u32 s10, $0x4;
	s0 =	sadd.s32 $0x7D, s12;
	s28 =	sadd.s32 $0x177, s12  }
0xd: {  	s13 =	ssub.s32 s23, s13;
	s24 =	sadd.s32 s12, s14;
	s15 =	sadd.s32 s14, s0  }
0xe: {  	s31 =	sadd.s32 s14, s28;
	s8 =	sadd.s32 s10, s11;
	s10 =	sadd.s32 $0xFA, s12  }
0xf: {  	s16 =	sshll.u32 s24, $0x4;
	s17 =	sshll.u32 s15, $0x4;
	s12 =	sadd.s32 $0x1F4, s12  }
0x10: {  	s19 =	sshll.u32 s31, $0x4;
	s11 =	sshll.u32 s24, $0x1;
	s15 =	sshll.u32 s15, $0x1  }
0x11: {  	s24 =	sshll.u32 s31, $0x1;
	s31 =	sshll.u32 s0, $0x7;
	s0 =	sshll.u32 s0, $0x4  }
0x12: {  	s16 =	sadd.s32 s2, s16;
	s25 =	sadd.s32 s2, s17;
	s26 =	sadd.s32 s14, s10  }
0x13: {  	s14 =	sadd.s32 s14, s12;
	s19 =	sadd.s32 s2, s19;
	[dreg:$0x7] =	wrdreg s16  }
0x14: {  	s11 =	sadd.s32 s9, s11;
	s22 =	sadd.s32 s9, s15;
	[dreg:$0x8] =	wrdreg s25  }
0x15: {  	s15 =	sshll.u32 s28, $0x4;
	s17 =	sshll.u32 s12, $0x4;
	[dreg:$0xa] =	wrdreg s19  }
0x16: {  	s18 =	sshll.u32 s26, $0x4;
	s20 =	sshll.u32 s14, $0x4;
	[dreg:$0xc] =	wrdreg s11  }
0x17: {  	[dreg:$0xd] =	wrdreg s22;
	s23 =	sshll.u32 s26, $0x1;
	s14 =	sshll.u32 s14, $0x1  }
0x18: {  	s25 =	smul.u32 $0x9C40, s21;
	s19 =	simm.s32 $0x4F;
	s22 =	sadd.s32 s31, s3  }
0x19: {  	s16 =	sshll.u32 s12, $0x7;
	s30 =	sadd.s32 s17, s4;
	s12 =	simm.s32 $0x0  }
0x1a: {  	s18 =	sadd.s32 s2, s18;
	s2 =	sadd.s32 s2, s20;
	s20 =	smul.u32 $0x4E200, s21  }
0x1b: {  	s11 =	sadd.s32 s9, s23;
	s19 =	simm.s32 @!p0 $0x4E;
	[dreg:$0x9] =	wrdreg s18  }
0x1c: {  	s23 =	sadd.s32 s0, s4;
	s29 =	sadd.s32 s16, s3;
	[dreg:$0xb] =	wrdreg s2  }
0x1d: {  	[dreg:$0xe] =	wrdreg s11;
	s11 =	sadd.s32 s9, s24;
	s9 =	sadd.s32 s9, s14  }
0x1e: {  	s26 =	sshrl.u32 s25, $0x2;
	s14 =	sshll.u32 s28, $0x7;
	[dreg:$0xf] =	wrdreg s11  }
0x1f: {  	s28 =	sadd.s32 s15, s4;
	s18 =	sshll.u32 s8, $0x4;
	[dreg:$0x10] =	wrdreg s9  }
0x20: {  	s2 =	sshrl.u32 s20, $0x2;
	s21 =	sadd.s32 s26, s4;
	s9 =	sshll.u32 s10, $0x7  }
0x21: {  	s11 =	sshll.u32 s10, $0x4;
	s26 =	sadd.s32 s14, s3;
	s31 =	sadd.s32 s6, s18  }
0x22: {  	s0 =	sadd.s32 s7, s18;
	s10 =	simm.s32 $0x3;
	s20 =	sadd.s32 s2, s3  }
0x23: {  	s24 =	sadd.s32 s9, s3;
	s25 =	sadd.s32 s11, s4;
	[dreg:$0x11] =	wrdreg s31  }
0x24: {  	v0 =	vimm.f32 $0.0e+00;
	v1 =	vimm.f32 $1.000000000e+00;
	s2 =	smax.u32 s13, $0x1;
	s9 =	simm.s32 $0x200;
	s11 =	simm.s32 $0x8200  }
.LBB2_1:
0x25: {  	s13 =	simm.s32 $0x240  }
0x26: {  	[tilespmem:s13+$0xFFFFFFC0] =	vst v0  }
0x27: {  	[tilespmem:s13+$0xFFFFFFD0] =	vst v0  }
0x28: {  	[tilespmem:s13+$0xFFFFFFE0] =	vst v0  }
0x29: {  	[tilespmem:s13+$0xFFFFFFF0] =	vst v0  }
0x2a: {  	[tilespmem:s13+$0x0] =	vst v0  }
0x2b: {  	[tilespmem:s13+$0x10] =	vst v0  }
0x2c: {  	[tilespmem:s13+$0x20] =	vst v0  }
0x2d: {  	s15 =	simm.s32 $0x0;
	s14 =	simm.s32 $0x40;
	[tilespmem:s13+$0x30] =	vst v0  }
.LBB2_2:
0x2e: {  	p0 =	sne.s32 s14, $0x1FC0;
	[tilespmem:s15+$0x8200] =	vst v0;
	s13 =	sadd.s32 $0x80, s13  }
0x2f: {  	[tilespmem:s13+$0xFFFFFFC0] =	vst v0  }
0x30: {  	[tilespmem:s13+$0xFFFFFFD0] =	vst v0  }
0x31: {  	[tilespmem:s13+$0xFFFFFFE0] =	vst v0  }
.Ltmp0:
0x32: {  	[tilespmem:s13+$0xFFFFFFF0] =	vst v0;
	(pc) =	sbr.rel @p0 .LBB2_2-.Ltmp0, $4  }
0x33: {  	[tilespmem:s13+$0x0] =	vst v0  }
0x34: {  	[tilespmem:s13+$0x10] =	vst v0  }
0x35: {  	[tilespmem:s13+$0x20] =	vst v0  }
0x36: {  	s15 =	sshra.s32 s14, $0x2;
	s14 =	sadd.s32 $0x40, s14;
	[tilespmem:s13+$0x30] =	vst v0  }
0x37: {  	[tilespmem:s15+$0x8200] =	vst v0  }
0x38: {  	[spmem:s20] =	stream.linear.scatter [tilespmem:s9], [sflag:$0x3], $0x3E80, $0x38;
	[tilespmem:$0x1E990] =	vst v63  }
0x39: {  	_ =	swait.ge [sflag:s10], $0x3E80  }
0x3a: {  	[sflag:s10] =	ssyncset.done $0x0  }
0x3b: {  	[sflag:s10] =	ssyncadd.s32 $0xFFFFC180  }
0x3c: {  	[spmem:s21] =	stream.linear.scatter [tilespmem:s11], [sflag:$0x3], $0x7D0, $0x38;
	[tilespmem:$0x1E990] =	vst v63  }
0x3d: {  	_ =	swait.ge [sflag:s10], $0x7D0  }
0x3e: {  	[sflag:s10] =	ssyncset.done $0x0  }
0x3f: {  	[sflag:s10] =	ssyncadd.s32 $0xFFFFF830  }
0x40: {  	[spmem:s22] =	stream.linear.scatter [tilespmem:s9], [sflag:$0x3], $0x3E80, $0x38;
	[tilespmem:$0x1E990] =	vst v63  }
0x41: {  	_ =	swait.ge [sflag:s10], $0x3E80  }
0x42: {  	[sflag:s10] =	ssyncset.done $0x0  }
0x43: {  	[sflag:s10] =	ssyncadd.s32 $0xFFFFC180  }
0x44: {  	[spmem:s23] =	stream.linear.scatter [tilespmem:s11], [sflag:$0x3], $0x7D0, $0x38;
	[tilespmem:$0x1E990] =	vst v63  }
0x45: {  	_ =	swait.ge [sflag:s10], $0x7D0  }
0x46: {  	[sflag:s10] =	ssyncset.done $0x0  }
0x47: {  	[sflag:s10] =	ssyncadd.s32 $0xFFFFF830  }
0x48: {  	[spmem:s24] =	stream.linear.scatter [tilespmem:s9], [sflag:$0x3], $0x3E80, $0x38;
	[tilespmem:$0x1E990] =	vst v63  }
0x49: {  	_ =	swait.ge [sflag:s10], $0x3E80  }
0x4a: {  	[sflag:s10] =	ssyncset.done $0x0  }
0x4b: {  	[sflag:s10] =	ssyncadd.s32 $0xFFFFC180  }
0x4c: {  	[spmem:s25] =	stream.linear.scatter [tilespmem:s11], [sflag:$0x3], $0x7D0, $0x38;
	[tilespmem:$0x1E990] =	vst v63  }
0x4d: {  	_ =	swait.ge [sflag:s10], $0x7D0  }
0x4e: {  	[sflag:s10] =	ssyncset.done $0x0  }
0x4f: {  	[sflag:s10] =	ssyncadd.s32 $0xFFFFF830  }
0x50: {  	[spmem:s26] =	stream.linear.scatter [tilespmem:s9], [sflag:$0x3], $0x3E80, $0x38;
	[tilespmem:$0x1E990] =	vst v63  }
0x51: {  	_ =	swait.ge [sflag:s10], $0x3E80  }
0x52: {  	[sflag:s10] =	ssyncset.done $0x0  }
0x53: {  	[sflag:s10] =	ssyncadd.s32 $0xFFFFC180  }
0x54: {  	[spmem:s28] =	stream.linear.scatter [tilespmem:s11], [sflag:$0x3], $0x7D0, $0x38;
	[tilespmem:$0x1E990] =	vst v63  }
0x55: {  	_ =	swait.ge [sflag:s10], $0x7D0  }
0x56: {  	[sflag:s10] =	ssyncset.done $0x0  }
0x57: {  	[sflag:s10] =	ssyncadd.s32 $0xFFFFF830  }
0x58: {  	[spmem:s29] =	stream.linear.scatter [tilespmem:s9], [sflag:$0x3], $0x3E80, $0x38;
	[tilespmem:$0x1E990] =	vst v63  }
0x59: {  	_ =	swait.ge [sflag:s10], $0x3E80  }
0x5a: {  	[sflag:s10] =	ssyncset.done $0x0  }
0x5b: {  	[sflag:s10] =	ssyncadd.s32 $0xFFFFC180  }
0x5c: {  	[spmem:s30] =	stream.linear.scatter [tilespmem:s11], [sflag:$0x3], $0x7D0, $0x38;
	[tilespmem:$0x1E990] =	vst v63  }
0x5d: {  	_ =	swait.ge [sflag:s10], $0x7D0  }
0x5e: {  	[sflag:s10] =	ssyncset.done $0x0  }
0x5f: {  	[sflag:s10] =	ssyncadd.s32 $0xFFFFF830  }
0x60: {  	s13 =	simm.s32 $0x40;
	s14 =	simm.s32 $0x0;
	[bflag:$0x0] =	sbarrier.arrive $0xFFFF  }
.LBB2_4:
0x61: {  	p0 =	sne.s32 s13, $0x1FC0;
	[tilespmem:s14+$0x8200] =	vst v1;
	s14 =	smov.u32 s13;
	s13 =	sadd.s32 $0x40, s13  }
.Ltmp1:
0x62: {  	(pc) =	sbr.rel @p0 .LBB2_4-.Ltmp1, $2  }
0x63: {  	_ =	sdelay $0x2  }
0x64: {  	s14 =	sshra.s32 s14, $0x2  }
0x65: {  	[tilespmem:s14+$0x8200] =	vst v1  }
0x66: {  	s13 =	simm.s32 $0x0;
	s14 =	rddreg [dreg:$0x11]  }
0x67: {  	[tilespmem:s13], [sflag:$0x3] =	stream.linear.gather [hbm4b:s14+s13], $0x80, $0x38;
	[tilespmem:$0x1E990] =	vst v63  }
0x68: {  	_ =	swait.ge [sflag:s10], $0x80  }
0x69: {  	[sflag:s10] =	ssyncset.done $0x0  }
0x6a: {  	s18 =	simm.s32 $0x100;
	[sflag:s10] =	ssyncadd.s32 $0xFFFFFF80  }
0x6b: {  	[tilespmem:s18], [sflag:$0x3] =	stream.linear.gather [hbm4b:s0+s13], $0x80, $0x38;
	[tilespmem:$0x1E990] =	vst v63  }
0x6c: {  	_ =	swait.ge [sflag:s10], $0x80  }
0x6d: {  	[sflag:s10] =	ssyncset.done $0x0  }
0x6e: {  	s31 =	simm.s32 $0x80;
	[sflag:s10] =	ssyncadd.s32 $0xFFFFFF80  }
0x6f: {  	[tilespmem:s9], [sflag:$0x1] =	stream.indirect.gather [hbm4b:s1+s31], $0x80, s13, s31, $0xb8;
	[tilespmem:$0x1E990] =	vst v63  }
.LBB2_6:
0x70: {  	s14 =	sand.u32 $0x1, s13  }
0x71: {  	p0 =	seq.s32 s14, $0x1  }
0x72: {  	s14 =	sadd.s32 @p0 $0x1, s13  }
0x73: {  	p1 =	sge.u32 @p0 s14, s19  }
0x74: {  	p1 =	por p1, !p0  }
0x75: {  	s15 =	simm.s32 @p0 $0x2;
	s16 =	sadd.s32 @!p1 s8, s14  }
0x76: {  	_ =	swait.ge @p0 [sflag:s15], $0x4000;
	s16 =	sshll.u32 @!p1 s16, $0x4  }
0x77: {  	[sflag:s15] =	ssyncset.done @p0 $0x0;
	s16 =	sand.u32 @!p1 $0x1FFFFFF0, s16  }
0x78: {  	[sflag:s15] =	ssyncadd.s32 @p0 $0xFFFFC000;
	s17 =	simm.s32 @!p1 $0x0;
	s15 =	sadd.s32 @!p1 s6, s16  }
0x79: {  	[tilespmem:s17], [sflag:$0x4] =	stream.linear.gather @!p1 [hbm4b:s15+s17], $0x80, $0x38;
	[tilespmem:$0x1E990] =	vst v63  }
0x7a: {  	s15 =	simm.s32 @!p1 $0x4  }
0x7b: {  	_ =	swait.ge @!p1 [sflag:s15], $0x80  }
0x7c: {  	[sflag:s15] =	ssyncset.done @!p1 $0x0  }
0x7d: {  	s18 =	simm.s32 @!p1 $0x100;
	s16 =	sadd.s32 @!p1 s7, s16;
	[sflag:s15] =	ssyncadd.s32 @!p1 $0xFFFFFF80  }
0x7e: {  	[tilespmem:s18], [sflag:$0x4] =	stream.linear.gather @!p1 [hbm4b:s16+s17], $0x80, $0x38;
	[tilespmem:$0x1E990] =	vst v63  }
0x7f: {  	_ =	swait.ge @!p1 [sflag:s15], $0x80  }
0x80: {  	[sflag:s15] =	ssyncset.done @!p1 $0x0  }
0x81: {  	s16 =	simm.s32 @!p1 $0x200;
	[sflag:s15] =	ssyncadd.s32 @!p1 $0xFFFFFF80;
	s15 =	simm.s32 @!p1 $0x80  }
0x82: {  	[tilespmem:s16], [sflag:$0x1] =	stream.indirect.gather @!p1 [hbm4b:s1+s15], $0x80, s17, s15, $0xb8;
	[tilespmem:$0x1E990] =	vst v63  }
0x83: {  	s15 =	simm.s32 @p0 $0x80;
	s16 =	simm.s32 @p0 $0x180;
	s17 =	simm.s32 @p0 $0x4200  }
0x84: {  	[spmem:s3] =	stream.indirect.scatter.add.f32 @p0 [tilespmem:s17], [sflag:$0x4], $0x80, s16, s15, $0xb8;
	[tilespmem:$0x1E990] =	vst v63  }
0x85: {  	s17 =	simm.s32 @p0 $0x4  }
0x86: {  	_ =	swait.ge @p0 [sflag:s17], $0x4000  }
0x87: {  	[sflag:s17] =	ssyncset.done @p0 $0x0  }
0x88: {  	[sflag:s17] =	ssyncadd.s32 @p0 $0xFFFFC000;
	s17 =	simm.s32 @p0 $0x8200  }
0x89: {  	[spmem:s4] =	stream.indirect.scatter.add.f32 @p0 [tilespmem:s17], [sflag:$0x3], $0x10, s16, s15, $0xb8;
	[tilespmem:$0x1E990] =	vst v63  }
0x8a: {  	s15 =	simm.s32 @p0 $0x3  }
0x8b: {  	s13 =	sor.u32 @!p0 $0x1, s13;
	_ =	swait.ge @p0 [sflag:s15], $0x800  }
0x8c: {  	p1 =	sge.u32 @!p0 s13, s19;
	[sflag:s15] =	ssyncset.done @p0 $0x0  }
0x8d: {  	p1 =	por p1, p0;
	[sflag:s15] =	ssyncadd.s32 @p0 $0xFFFFF800;
	s15 =	simm.s32 @!p0 $0x1  }
0x8e: {  	s16 =	sadd.s32 @!p1 s8, s13;
	_ =	swait.ge @!p0 [sflag:s15], $0x4000  }
0x8f: {  	s16 =	sshll.u32 @!p1 s16, $0x4;
	[sflag:s15] =	ssyncset.done @!p0 $0x0  }
0x90: {  	[sflag:s15] =	ssyncadd.s32 @!p0 $0xFFFFC000;
	s15 =	sand.u32 @!p1 $0x1FFFFFF0, s16  }
0x91: {  	s18 =	simm.s32 @!p1 $0x80;
	s17 =	simm.s32 @!p1 $0x0;
	s16 =	sadd.s32 @!p1 s6, s15  }
0x92: {  	[tilespmem:s18], [sflag:$0x4] =	stream.linear.gather @!p1 [hbm4b:s16+s17], $0x80, $0x38;
	[tilespmem:$0x1E990] =	vst v63  }
0x93: {  	s16 =	simm.s32 @!p1 $0x4  }
0x94: {  	_ =	swait.ge @!p1 [sflag:s16], $0x80  }
0x95: {  	[sflag:s16] =	ssyncset.done @!p1 $0x0  }
0x96: {  	s31 =	simm.s32 @!p1 $0x180;
	s15 =	sadd.s32 @!p1 s7, s15;
	[sflag:s16] =	ssyncadd.s32 @!p1 $0xFFFFFF80  }
0x97: {  	[tilespmem:s31], [sflag:$0x4] =	stream.linear.gather @!p1 [hbm4b:s15+s17], $0x80, $0x38;
	[tilespmem:$0x1E990] =	vst v63  }
0x98: {  	_ =	swait.ge @!p1 [sflag:s16], $0x80  }
0x99: {  	[sflag:s16] =	ssyncset.done @!p1 $0x0  }
0x9a: {  	s15 =	simm.s32 @!p1 $0x4200;
	[sflag:s16] =	ssyncadd.s32 @!p1 $0xFFFFFF80  }
0x9b: {  	[tilespmem:s15], [sflag:$0x2] =	stream.indirect.gather @!p1 [hbm4b:s1+s18], $0x80, s18, s18, $0xb8;
	[tilespmem:$0x1E990] =	vst v63  }
0x9c: {  	s17 =	simm.s32 @!p0 $0x200;
	s16 =	simm.s32 @!p0 $0x100;
	s15 =	simm.s32 @!p0 $0x80  }
0x9d: {  	[spmem:s3] =	stream.indirect.scatter.add.f32 @!p0 [tilespmem:s17], [sflag:$0x4], $0x80, s16, s15, $0xb8;
	[tilespmem:$0x1E990] =	vst v63  }
0x9e: {  	s17 =	simm.s32 @!p0 $0x4  }
0x9f: {  	s13 =	smov.u32 @p0 s14;
	_ =	swait.ge @!p0 [sflag:s17], $0x4000  }
0xa0: {  	p1 =	sne.s32 s13, s19;
	[sflag:s17] =	ssyncset.done @!p0 $0x0  }
.Ltmp2:
0xa1: {  	s18 =	simm.s32 @!p0 $0x8200;
	[sflag:s17] =	ssyncadd.s32 @!p0 $0xFFFFC000;
	(pc) =	sbr.rel @p1 .LBB2_6-.Ltmp2, $4  }
0xa2: {  	[spmem:s4] =	stream.indirect.scatter.add.f32 @!p0 [tilespmem:s18], [sflag:$0x4], $0x10, s16, s15, $0xb8;
	[tilespmem:$0x1E990] =	vst v63  }
0xa3: {  	_ =	swait.ge @!p0 [sflag:s17], $0x800  }
0xa4: {  	[sflag:s17] =	ssyncset.done @!p0 $0x0  }
0xa5: {  	[sflag:s17] =	ssyncadd.s32 @!p0 $0xFFFFF800  }
0xa6: {  	[bflag:$0x0] =	sbarrier.arrive $0xFFFF  }
0xa7: {  	[tilespmem:s9], [sflag:$0x3] =	stream.linear.gather [spmem:s20], $0x3E80, $0x38;
	[tilespmem:$0x1E990] =	vst v63  }
0xa8: {  	_ =	swait.ge [sflag:s10], $0x3E80  }
0xa9: {  	[sflag:s10] =	ssyncset.done $0x0  }
0xaa: {  	s13 =	rddreg [dreg:$0x7];
	[sflag:s10] =	ssyncadd.s32 $0xFFFFC180  }
0xab: {  	[hbm4b:s13+s5] =	stream.linear.scatter [tilespmem:s9], [sflag:$0x3], $0x3E80, $0x38;
	[tilespmem:$0x1E990] =	vst v63  }
0xac: {  	_ =	swait.ge [sflag:s10], $0x3E80  }
0xad: {  	[sflag:s10] =	ssyncset.done $0x0  }
0xae: {  	[sflag:s10] =	ssyncadd.s32 $0xFFFFC180  }
0xaf: {  	[tilespmem:s11], [sflag:$0x3] =	stream.linear.gather [spmem:s21], $0x7D0, $0x38;
	[tilespmem:$0x1E990] =	vst v63  }
0xb0: {  	_ =	swait.ge [sflag:s10], $0x7D0  }
0xb1: {  	[sflag:s10] =	ssyncset.done $0x0  }
0xb2: {  	s17 =	rddreg [dreg:$0xc];
	[sflag:s10] =	ssyncadd.s32 $0xFFFFF830  }
0xb3: {  	[hbm4b:s17+s5] =	stream.linear.scatter [tilespmem:s11], [sflag:$0x3], $0x7D0, $0x38;
	[tilespmem:$0x1E990] =	vst v63  }
0xb4: {  	_ =	swait.ge [sflag:s10], $0x7D0  }
0xb5: {  	[sflag:s10] =	ssyncset.done $0x0  }
0xb6: {  	[sflag:s10] =	ssyncadd.s32 $0xFFFFF830  }
0xb7: {  	[tilespmem:s9], [sflag:$0x3] =	stream.linear.gather [spmem:s22], $0x3E80, $0x38;
	[tilespmem:$0x1E990] =	vst v63  }
0xb8: {  	_ =	swait.ge [sflag:s10], $0x3E80  }
0xb9: {  	[sflag:s10] =	ssyncset.done $0x0  }
0xba: {  	s18 =	rddreg [dreg:$0x8];
	[sflag:s10] =	ssyncadd.s32 $0xFFFFC180  }
0xbb: {  	[hbm4b:s18+s5] =	stream.linear.scatter [tilespmem:s9], [sflag:$0x3], $0x3E80, $0x38;
	[tilespmem:$0x1E990] =	vst v63  }
0xbc: {  	_ =	swait.ge [sflag:s10], $0x3E80  }
0xbd: {  	[sflag:s10] =	ssyncset.done $0x0  }
0xbe: {  	[sflag:s10] =	ssyncadd.s32 $0xFFFFC180  }
0xbf: {  	[tilespmem:s11], [sflag:$0x3] =	stream.linear.gather [spmem:s23], $0x7D0, $0x38;
	[tilespmem:$0x1E990] =	vst v63  }
0xc0: {  	_ =	swait.ge [sflag:s10], $0x7D0  }
0xc1: {  	[sflag:s10] =	ssyncset.done $0x0  }
0xc2: {  	s31 =	rddreg [dreg:$0xd];
	[sflag:s10] =	ssyncadd.s32 $0xFFFFF830  }
0xc3: {  	[hbm4b:s31+s5] =	stream.linear.scatter [tilespmem:s11], [sflag:$0x3], $0x7D0, $0x38;
	[tilespmem:$0x1E990] =	vst v63  }
0xc4: {  	_ =	swait.ge [sflag:s10], $0x7D0  }
0xc5: {  	[sflag:s10] =	ssyncset.done $0x0  }
0xc6: {  	[sflag:s10] =	ssyncadd.s32 $0xFFFFF830  }
0xc7: {  	[tilespmem:s9], [sflag:$0x3] =	stream.linear.gather [spmem:s24], $0x3E80, $0x38;
	[tilespmem:$0x1E990] =	vst v63  }
0xc8: {  	_ =	swait.ge [sflag:s10], $0x3E80  }
0xc9: {  	[sflag:s10] =	ssyncset.done $0x0  }
0xca: {  	s14 =	rddreg [dreg:$0x9];
	[sflag:s10] =	ssyncadd.s32 $0xFFFFC180  }
0xcb: {  	[hbm4b:s14+s5] =	stream.linear.scatter [tilespmem:s9], [sflag:$0x3], $0x3E80, $0x38;
	[tilespmem:$0x1E990] =	vst v63  }
0xcc: {  	_ =	swait.ge [sflag:s10], $0x3E80  }
0xcd: {  	[sflag:s10] =	ssyncset.done $0x0  }
0xce: {  	[sflag:s10] =	ssyncadd.s32 $0xFFFFC180  }
0xcf: {  	[tilespmem:s11], [sflag:$0x3] =	stream.linear.gather [spmem:s25], $0x7D0, $0x38;
	[tilespmem:$0x1E990] =	vst v63  }
0xd0: {  	_ =	swait.ge [sflag:s10], $0x7D0  }
0xd1: {  	[sflag:s10] =	ssyncset.done $0x0  }
0xd2: {  	s15 =	rddreg [dreg:$0xe];
	[sflag:s10] =	ssyncadd.s32 $0xFFFFF830  }
0xd3: {  	[hbm4b:s15+s5] =	stream.linear.scatter [tilespmem:s11], [sflag:$0x3], $0x7D0, $0x38;
	[tilespmem:$0x1E990] =	vst v63  }
0xd4: {  	_ =	swait.ge [sflag:s10], $0x7D0  }
0xd5: {  	[sflag:s10] =	ssyncset.done $0x0  }
0xd6: {  	[sflag:s10] =	ssyncadd.s32 $0xFFFFF830  }
0xd7: {  	[tilespmem:s9], [sflag:$0x3] =	stream.linear.gather [spmem:s26], $0x3E80, $0x38;
	[tilespmem:$0x1E990] =	vst v63  }
0xd8: {  	_ =	swait.ge [sflag:s10], $0x3E80  }
0xd9: {  	[sflag:s10] =	ssyncset.done $0x0  }
0xda: {  	s16 =	rddreg [dreg:$0xa];
	[sflag:s10] =	ssyncadd.s32 $0xFFFFC180  }
0xdb: {  	[hbm4b:s16+s5] =	stream.linear.scatter [tilespmem:s9], [sflag:$0x3], $0x3E80, $0x38;
	[tilespmem:$0x1E990] =	vst v63  }
0xdc: {  	_ =	swait.ge [sflag:s10], $0x3E80  }
0xdd: {  	[sflag:s10] =	ssyncset.done $0x0  }
0xde: {  	[sflag:s10] =	ssyncadd.s32 $0xFFFFC180  }
0xdf: {  	[tilespmem:s11], [sflag:$0x3] =	stream.linear.gather [spmem:s28], $0x7D0, $0x38;
	[tilespmem:$0x1E990] =	vst v63  }
0xe0: {  	_ =	swait.ge [sflag:s10], $0x7D0  }
0xe1: {  	[sflag:s10] =	ssyncset.done $0x0  }
0xe2: {  	s17 =	rddreg [dreg:$0xf];
	[sflag:s10] =	ssyncadd.s32 $0xFFFFF830  }
0xe3: {  	[hbm4b:s17+s5] =	stream.linear.scatter [tilespmem:s11], [sflag:$0x3], $0x7D0, $0x38;
	[tilespmem:$0x1E990] =	vst v63  }
0xe4: {  	_ =	swait.ge [sflag:s10], $0x7D0  }
0xe5: {  	[sflag:s10] =	ssyncset.done $0x0  }
0xe6: {  	[sflag:s10] =	ssyncadd.s32 $0xFFFFF830  }
0xe7: {  	[tilespmem:s9], [sflag:$0x3] =	stream.linear.gather [spmem:s29], $0x3E80, $0x38;
	[tilespmem:$0x1E990] =	vst v63  }
0xe8: {  	_ =	swait.ge [sflag:s10], $0x3E80  }
0xe9: {  	[sflag:s10] =	ssyncset.done $0x0  }
0xea: {  	s18 =	rddreg [dreg:$0xb];
	[sflag:s10] =	ssyncadd.s32 $0xFFFFC180  }
0xeb: {  	[hbm4b:s18+s5] =	stream.linear.scatter [tilespmem:s9], [sflag:$0x3], $0x3E80, $0x38;
	[tilespmem:$0x1E990] =	vst v63  }
0xec: {  	_ =	swait.ge [sflag:s10], $0x3E80  }
0xed: {  	[sflag:s10] =	ssyncset.done $0x0  }
0xee: {  	[sflag:s10] =	ssyncadd.s32 $0xFFFFC180  }
0xef: {  	[tilespmem:s11], [sflag:$0x3] =	stream.linear.gather [spmem:s30], $0x7D0, $0x38;
	[tilespmem:$0x1E990] =	vst v63  }
0xf0: {  	s12 =	sadd.s32 $0x1, s12;
	_ =	swait.ge [sflag:s10], $0x7D0  }
0xf1: {  	p0 =	sne.s32 s12, s2;
	[sflag:s10] =	ssyncset.done $0x0  }
.Ltmp3:
0xf2: {  	s31 =	rddreg [dreg:$0x10];
	[sflag:s10] =	ssyncadd.s32 $0xFFFFF830;
	(pc) =	sbr.rel @p0 .LBB2_1-.Ltmp3, $4  }
0xf3: {  	[hbm4b:s31+s5] =	stream.linear.scatter [tilespmem:s11], [sflag:$0x3], $0x7D0, $0x38;
	[tilespmem:$0x1E990] =	vst v63  }
0xf4: {  	_ =	swait.ge [sflag:s10], $0x7D0  }
0xf5: {  	[sflag:s10] =	ssyncset.done $0x0  }
0xf6: {  	[sflag:s10] =	ssyncadd.s32 $0xFFFFF830  }
0xf7: {  	_ =	sfence.sel $0x180000  }
0xf8: {  	[bflag:$0x0] =	sbarrier.arrive $0xFFFF  }
0xf9: {  	_ =	strace $0x90000047  }
0xfa: {  	s0 =	stileid.u32;
	[bflag:$0x2] =	sbarrier.arrive $0xFFFF  }
0xfb: {  	p0 =	sne.s32 s0, $0x0;
	s0 =	rddreg [dreg:$0x6]  }
0xfc: {  	s0 =	sadd.s32 @!p0 $0x100000, s0  }
0xfd: {  	[sflag:s0] =	ssyncadd.tile.s32 @!p0 $0x1;
	_ =	shalt  }
.Lfunc_end2:
_tile_overlayer_lowered:
.L_overlay_start_2:
0xfe: {  	(tag) =	ssettag $0x2  }
0xff: {  	s0 =	rddreg [dreg:$0x0];
	s2 =	stileid.u32  }
0x100: {  	s1 =	rddreg [dreg:$0x1];
	p0 =	sne.s32 s2, $0x0  }
0x101: {  	s3 =	rddreg [dreg:$0x2];
	[bflag:$0x3] =	sbarrier.arrive $0xFFFF;
	s2 =	simm.s32 @!p0 $0x1C03  }
0x102: {  	[timem:s3], [sflag:s2] =	dma.local @!p0 [hbm:s0], s1  }
0x103: {  	s0 =	simm.s32 @!p0 $0x3  }
0x104: {  	_ =	swait.ge @!p0 [sflag:s0], s1  }
0x105: {  	s1 =	ssub.s32 @!p0 $0x0, s1;
	[sflag:s0] =	ssyncset.done @!p0 $0x0  }
0x106: {  	[sflag:s0] =	ssyncadd.s32 @!p0 s1  }
0x107: {  	[bflag:$0x3] =	sbarrier.arrive $0xFFFF  }
0x108: {  	_ =	shalt  }

// kernel: kernel.8.cloned.1.call-start
scs
__scs_entry_jumppad:
0x0: {  	(pc) =	sbr.rel $0x88, $3  }
0x1: {  	(tag) =	ssettag $0x0;
	lr =	simm.s32 $0x1  }
0x2: {  	[smem:$0x3F96] =	sst lr;
	_ =	strace $0xD0000000  }
0x3: {  	_ = 	snop  }
0x4: {  	_ = 	snop  }
0x5: {  	_ = 	snop  }
0x6: {  	_ = 	snop  }
0x7: {  	_ = 	snop  }
__scs_overlays_trampoline_lowered:
0x8: {  	[smem:$0x3FA5] =	sst s0  }
0x9: {  	[smem:$0x3FA6] =	sst s1  }
0xa: {  	[smem:$0x3FA7] =	sst s2  }
0xb: {  	[smem:$0x3FA8] =	sst s3  }
0xc: {  	[smem:$0x3FA9] =	sst s4  }
0xd: {  	[smem:$0x3FAA] =	sst s5  }
0xe: {  	[smem:$0x3FAB] =	sst s6  }
0xf: {  	[smem:$0x3FAC] =	sst s7  }
0x10: {  	[smem:$0x3FAD] =	sst s8  }
0x11: {  	[smem:$0x3FAE] =	sst s9;
	s0 =	simm.s32 @!p0 $0x0  }
0x12: {  	s1 =	sld [smem:$0x3F94];
	s0 =	simm.s32 @p0 $0x1  }
0x13: {  	[smem:$0x3FAF] =	sst s0;
	s0 =	simm.s32 @!p1 $0x0  }
0x14: {  	s2 =	sld [smem:$0x3F93];
	s0 =	simm.s32 @p1 $0x1  }
0x15: {  	[smem:$0x3FB0] =	sst s0;
	s0 =	simm.s32 @!p2 $0x0  }
0x16: {  	s3 =	sld [smem:$0x3FDB];
	s0 =	simm.s32 @p2 $0x1  }
0x17: {  	s4 =	simm.s32 $0x1BF5;
	[smem:$0x3FB2] =	sst s0  }
0x18: {  	s0 =	sld [smem:$0x3F95];
	_ =	swait.ge [sflag:s4], $0x0  }
0x19: {  	s7 =	sld [smem:$0x3F96]  }
0x1a: {  	s8 =	sadd.s32 $0xFFFFE003, lr  }
0x1b: {  	s9 =	sadd.s32 $0xFFFFFEF7, lr;
	s5 =	simm.s32 $0xFFFFFFFF;
	p2 =	slt.u32 s8, $0xFFFFF086  }
0x1c: {  	p1 =	slt.u32 s9, $0xF7A;
	s5 =	simm.s32 @!p2 $0x0  }
0x1d: {  	s5 =	simm.s32 @p1 $0x1;
	p0 =	seq.s32 s7, s2  }
0x1e: {  	s7 =	smul.u32 @!p0 $0xF7A, s2;
	p2 =	seq.s32 @!p0 s5, $0x0  }
0x1f: {  	s9 =	smul.u32 $0xF7A, s1;
	s8 =	simm.s32 @!p0 $0x1BF5;
	p2 =	por !p2, p0  }
0x20: {  	[sflag:s8] =	ssyncset.s32 @!p0 $0xFFFFF086;
	s6 =	sadd.s32 @!p0 s3, s7;
	s7 =	simm.s32 @!p0 $0x108  }
0x21: {  	s3 =	sadd.s32 s3, s9;
	s6 =	sadd.s32 @!p0 $0x88, s6;
	s7 =	simm.s32 @p2 $0x1082  }
0x22: {  	[simem:s7], [sflag:s8] =	dma.local @!p0 [hbm:s6], $0xF7A  }
0x23: {  	s9 =	sor.u32 $0xD0000000, s2;
	s6 =	simm.s32 $0x108;
	_ =	swait.ge @!p0 [sflag:s8], $0x0  }
0x24: {  	s3 =	sadd.s32 $0x88, s3;
	s6 =	simm.s32 @!p1 $0x1082;
	[sflag:s4] =	ssyncset.s32 $0xFFFFF086  }
0x25: {  	[simem:s6], [sflag:s4] =	dma.local [hbm:s3], $0xF7A  }
0x26: {  	[smem:$0x3F96] =	sst s1;
	(tag) =	ssettag s2;
	_ =	strace s9  }
0x27: {  	s1 =	sld [smem:$0x3FA6]  }
0x28: {  	s2 =	sld [smem:$0x3FA7]  }
0x29: {  	s4 =	sld [smem:$0x3FA9]  }
0x2a: {  	p0 =	seq.s32 s5, $0x0;
	s5 =	sld [smem:$0x3FAA]  }
0x2b: {  	s6 =	sld [smem:$0x3FAB]  }
0x2c: {  	s7 =	sld [smem:$0x3FAC]  }
0x2d: {  	s3 =	simm.s32 $0x108;
	s8 =	sld [smem:$0x3FAD]  }
0x2e: {  	s3 =	simm.s32 @!p0 $0x1082;
	s9 =	sld [smem:$0x3FAE]  }
0x2f: {  	lr =	sadd.s32 s0, s3;
	s0 =	sld [smem:$0x3FA5]  }
0x30: {  	s3 =	sld [smem:$0x3FA8]  }
0x31: {  	[smem:$0x3FB1] =	sst s10  }
0x32: {  	s10 =	sld [smem:$0x3FAF];
	_ =	sdelay $0x3  }
0x33: {  	p0 =	seq.s32 s10, $0x1;
	s10 =	sld [smem:$0x3FB1];
	_ =	sdelay $0x3  }
0x34: {  	[smem:$0x3FB1] =	sst s10  }
0x35: {  	s10 =	sld [smem:$0x3FB0];
	_ =	sdelay $0x3  }
0x36: {  	p1 =	seq.s32 s10, $0x1;
	s10 =	sld [smem:$0x3FB1];
	_ =	sdelay $0x3  }
0x37: {  	[smem:$0x3FB1] =	sst s10  }
0x38: {  	s10 =	sld [smem:$0x3FB2]  }
0x39: {  	_ = 	snop;
	(pc) =	sbr.ind lr, $3  }
0x3a: {  	_ = 	snop  }
0x3b: {  	_ = 	snop  }
0x3c: {  	p2 =	seq.s32 s10, $0x1;
	s10 =	sld [smem:$0x3FB1]  }
0x3d: {  	_ =	shalt  }
0x3e: {  	_ =	shalt  }
0x3f: {  	_ =	shalt  }
0x40: {  	_ =	shalt  }
0x41: {  	_ =	shalt  }
0x42: {  	_ =	shalt  }
0x43: {  	_ =	shalt  }
0x44: {  	_ =	shalt  }
0x45: {  	_ =	shalt  }
0x46: {  	_ =	shalt  }
0x47: {  	_ =	shalt  }
0x48: {  	_ =	shalt  }
0x49: {  	_ =	shalt  }
0x4a: {  	_ =	shalt  }
0x4b: {  	_ =	shalt  }
0x4c: {  	_ =	shalt  }
0x4d: {  	_ =	shalt  }
0x4e: {  	_ =	shalt  }
0x4f: {  	_ =	shalt  }
0x50: {  	_ =	shalt  }
0x51: {  	_ =	shalt  }
0x52: {  	_ =	shalt  }
0x53: {  	_ =	shalt  }
0x54: {  	_ =	shalt  }
0x55: {  	_ =	shalt  }
0x56: {  	_ =	shalt  }
0x57: {  	_ =	shalt  }
0x58: {  	_ =	shalt  }
0x59: {  	_ =	shalt  }
0x5a: {  	_ =	shalt  }
0x5b: {  	_ =	shalt  }
0x5c: {  	_ =	shalt  }
0x5d: {  	_ =	shalt  }
0x5e: {  	_ =	shalt  }
0x5f: {  	_ =	shalt  }
0x60: {  	_ =	shalt  }
0x61: {  	_ =	shalt  }
0x62: {  	_ =	shalt  }
0x63: {  	_ =	shalt  }
0x64: {  	_ =	shalt  }
0x65: {  	_ =	shalt  }
0x66: {  	_ =	shalt  }
0x67: {  	_ =	shalt  }
0x68: {  	_ =	shalt  }
0x69: {  	_ =	shalt  }
0x6a: {  	_ =	shalt  }
0x6b: {  	_ =	shalt  }
0x6c: {  	_ =	shalt  }
0x6d: {  	_ =	shalt  }
0x6e: {  	_ =	shalt  }
0x6f: {  	_ =	shalt  }
0x70: {  	_ =	shalt  }
0x71: {  	_ =	shalt  }
0x72: {  	_ =	shalt  }
0x73: {  	_ =	shalt  }
0x74: {  	_ =	shalt  }
0x75: {  	_ =	shalt  }
0x76: {  	_ =	shalt  }
0x77: {  	_ =	shalt  }
0x78: {  	_ =	shalt  }
0x79: {  	_ =	shalt  }
0x7a: {  	_ =	shalt  }
0x7b: {  	_ =	shalt  }
0x7c: {  	_ =	shalt  }
0x7d: {  	_ =	shalt  }
0x7e: {  	_ =	shalt  }
0x7f: {  	_ =	shalt  }
0x80: {  	_ =	shalt  }
0x81: {  	_ =	shalt  }
0x82: {  	_ =	shalt  }
0x83: {  	_ =	shalt  }
0x84: {  	_ =	shalt  }
0x85: {  	_ =	shalt  }
0x86: {  	_ =	shalt  }
0x87: {  	_ =	shalt  }
.Lfunc_end0:
.L_simem_size_0:
called_computation.3_lowered:
.L_overlay_start_0:
0x88: {  	s2 =	sld [smem:$0x3FD9]  }
0x89: {  	s3 =	sld [smem:$0x3FFE];
	_ =	sdelay $0x1  }
0x8a: {  	s1 =	srdreg.scid  }
0x8b: {  	s0 =	sand.u32 $0x1, s1  }
0x8c: {  	s14 =	sshll.u32 s0, $0xA;
	s2 =	sadd.s32 s3, s2  }
0x8d: {  	s2 =	sadd.s32 s2, s14  }
0x8e: {  	[smem:$0x3FBD] =	sst s2  }
0x8f: {  	_ = 	snop  }
0x90: {  	s2 =	sld [smem:$0x3FD0];
	_ =	sdelay $0x2  }
0x91: {  	s15 =	simm.s32 $0xB;
	s4 =	simm.s32 $0x10  }
0x92: {  	[smem:s4], [sflag:s15] =	dma.local [hbm:s2], $0x1  }
0x93: {  	_ =	swait.eq [sflag:s15], $0x1  }
0x94: {  	s16 =	sld [smem:$0x10];
	[sflag:s15] =	ssyncset.done $0x0  }
0x95: {  	s17 =	sld [smem:$0x11];
	[sflag:s15] =	ssyncadd.s32 $0xFFFFFFFF  }
0x96: {  	s18 =	sld [smem:$0x12];
	(tm) =	ssettm $0x1  }
0x97: {  	s5 =	sld [smem:$0x3FFB];
	_ =	sdelay $0x3  }
0x98: {  	_ =	strace s5  }
0x99: {  	s5 =	sld [smem:$0x3FFC];
	_ =	sdelay $0x3  }
0x9a: {  	_ =	strace s5  }
0x9b: {  	s5 =	sld [smem:$0x3FFD];
	_ =	sdelay $0x3  }
0x9c: {  	_ =	strace s5  }
0x9d: {  	_ =	strace $0x8FFFFFFF  }
0x9e: {  	s19 =	sld [smem:$0x3FDB];
	_ =	sdelay $0x1  }
0x9f: {  	s6 =	simm.s32 $_scs_section_size  }
0xa0: {  	s7 =	simm.s32 $_size__tile_overlayer_lowered;
	s8 =	simm.s32 $_tile_overlayer_lowered  }
0xa1: {  	s22 =	simm.s32 $0x1BFF;
	s21 =	sshll.u32 s8, $0x1;
	s5 =	sadd.s32 s6, s19  }
0xa2: {  	s9 =	simm.s32 $0x0;
	s20 =	sshll.u32 s7, $0x1;
	s7 =	sadd.s32 s21, s5  }
0xa3: {  	[timem:s9], [sflag:s22] =	dma.local [hbm:s7], s20  }
0xa4: {  	_ =	swait.ge [sflag:s22], s20  }
0xa5: {  	s6 =	ssub.s32 $0x0, s20;
	[sflag:s22] =	ssyncset.done $0x0  }
0xa6: {  	[sflag:s22] =	ssyncadd.s32 s6;
	_ =	sdelay $0x1  }
0xa7: {  	s23 =	simm.s32 $0x1B8B  }
0xa8: {  	_ =	swait.ge [sflag:s23], $0x1  }
0xa9: {  	[sflag:s23] =	ssyncset.done $0x0  }
0xaa: {  	s25 =	simm.s32 $0x1B8E;
	s24 =	sld [smem:$0x3FFE];
	[sflag:s23] =	ssyncadd.s32 $0xFFFFFFFF  }
0xab: {  	s26 =	simm.s32 $execute0_lowered;
	[smem:$0x3FD2] =	sst s25  }
0xac: {  	s7 =	sshll.u32 s26, $0x1;
	_ =	strace $0x80000049;
	[dreg:$0x1] =	wrdreg $0xFFFFFFFF  }
0xad: {  	s28 =	simm.s32 $_size_execute0_lowered;
	s5 =	sadd.s32 s5, s7;
	[dreg:$0x0] =	wrdreg $0x0  }
0xae: {  	s7 =	sshll.u32 s28, $0x1;
	[dreg:$0x2] =	wrdreg s5  }
0xaf: {  	[dreg:$0x3] =	wrdreg s7  }
0xb0: {  	[dreg:$0x4] =	wrdreg $0xC0  }
0xb1: {  	_ =	task [dreg:s9], $0x5FFFF  }
0xb2: {  	[dreg:$0x1] =	wrdreg $0xFFFFFFFF  }
0xb3: {  	[dreg:$0x0] =	wrdreg $0x60  }
0xb4: {  	[dreg:$0x2] =	wrdreg s24  }
0xb5: {  	[dreg:$0x3] =	wrdreg s16  }
0xb6: {  	[dreg:$0x4] =	wrdreg s17  }
0xb7: {  	[dreg:$0x5] =	wrdreg s18  }
0xb8: {  	[dreg:$0x6] =	wrdreg $0x9  }
0xb9: {  	_ =	task.clear_ibuf [dreg:s9], $0x7FFFF;
	_ =	strace $0x90000049  }
0xba: {  	s29 =	simm.s32 $0x9;
	_ =	strace $0x8000004B  }
0xbb: {  	_ =	swait.ge [sflag:s29], $0x1  }
0xbc: {  	[sflag:s29] =	ssyncadd.s32 $0xFFFFFFFF  }
0xbd: {  	_ =	strace $0x9000004B  }
0xbe: {  	_ =	sfence  }
0xbf: {  	s30 =	sld [smem:$0x0];
	_ =	sdelay $0x2  }
0xc0: {  	s31 =	sshll.u32 s1, $0xD;
	s1 =	sshrl.u32 s1, $0x2  }
0xc1: {  	s3 =	sand.u32 $0x4000, s31;
	s1 =	sadd.s32 s1, s30  }
0xc2: {  	s0 =	sor.u32 s3, s0;
	s1 =	sshll.u32 s1, $0x11  }
0xc3: {  	s0 =	sor.u32 s1, s0  }
0xc4: {  	s0 =	sadd.s32 $0x8F2B, s0  }
0xc5: {  	[sflag:s0] =	ssyncadd.remote.s32 $0x1  }
0xc6: {  	_ =	sfence.sel $0xFFFF  }
0xc7: {  	[dreg:$0x0] =	wrdreg $0xFFFFFFFF;
	(pc) =	sbr.abs _section_cstart, $3  }
0xc8: {  	[dreg:$0x1] =	wrdreg $0xFFFFFFFF  }
0xc9: {  	_ =	task.clear_ibuf [dreg:s9], $0x2FFFF;
	_ =	strace $0x9FFFFFFF  }
0xca: {  	(tm) =	ssettm $0x7FFFFFFF  }
0xcb: {  	_ =	shalt  }
tec
execute0_lowered:
.L_overlay_start_1:
0x0: {  	(tag) =	ssettag $0x1  }
0x1: {  	s0 =	rddreg [dreg:$0x0]  }
0x2: {  	s1 =	rddreg [dreg:$0x1]  }
0x3: {  	s2 =	rddreg [dreg:$0x2]  }
0x4: {  	s4 =	rddreg [dreg:$0x3]  }
0x5: {  	s5 =	simm.s32 $0x0;
	s3 =	srdreg.scid;
	s12 =	stileid.u32  }
0x6: {  	s15 =	simm.s32 $0x5;
	s16 =	simm.s32 $0x6;
	s22 =	simm.s32 $0x2  }
0x7: {  	s23 =	simm.s32 $0x4;
	s28 =	simm.s32 $0x1;
	s29 =	simm.s32 $0x3  }
0x8: {  	s31 =	simm.s32 $0x10F00;
	[smem:$0x7FF] =	sst s5;
	s3 =	sand.u32 $0x1, s3  }
0x9: {  	s7 =	sshll.u32 s12, $0x1;
	s6 =	sadd.s32 $0x16800, s0;
	s10 =	sadd.s32 $0xCA00, s0  }
0xa: {  	p0 =	sgt.u32 s12, $0x1;
	_ =	strace $0x8000004A;
	s8 =	sor.u32 s3, s7  }
0xb: {  	s7 =	sadd.s32 $0x2F000, s0;
	s3 =	ssub.s32 $0x2, s3;
	s0 =	sadd.s32 $0x2C00, s0  }
0xc: {  	s15 =	simm.s32 @!p0 $0x6;
	s9 =	smul.u32 $0x4E, s8;
	s11 =	sshrl.u32 s3, $0x1  }
0xd: {  	s16 =	simm.s32 @!p0 $0x5;
	s8 =	smin.u32 s8, $0x4;
	s3 =	ssub.s32 s3, s11  }
0xe: {  	s8 =	sadd.s32 s8, s9;
	s9 =	simm.s32 $0x4E;
	s30 =	smax.u32 s3, $0x1  }
0xf: {  	s24 =	sshll.u32 s8, $0x4;
	s9 =	simm.s32 @!p0 $0x4F;
	[dreg:$0x9] =	wrdreg s30  }
.Ltmp0:
0x10: {  	s25 =	sadd.s32 s10, s24;
	s26 =	sadd.s32 $0x4E0, s24;
	(pc) =	sbr.rel .LBB2_1-.Ltmp0, $4  }
0x11: {  	s11 =	sadd.s32 s0, s24;
	s24 =	simm.s32 $0xFF00;
	[dreg:$0x5] =	wrdreg s25  }
0x12: {  	[dreg:$0x6] =	wrdreg s11;
	s10 =	sadd.s32 s10, s26;
	s0 =	sadd.s32 s0, s26  }
0x13: {  	s25 =	simm.s32 $0x11F00;
	s26 =	simm.s32 $0x12F80;
	[dreg:$0x7] =	wrdreg s10  }
0x14: {  	v0 =	vlaneseq.u32;
	[dreg:$0x8] =	wrdreg s0;
	s0 =	simm.s32 $0x12F00;
	s10 =	simm.s32 $0x0  }
.LBB2_10:
0x15: {  	_ =	swait.ge [sflag:s15], $0x1000  }
0x16: {  	[sflag:s15] =	ssyncset.done $0x0  }
0x17: {  	[sflag:s15] =	ssyncadd.s32 $0xFFFFF000  }
0x18: {  	_ =	swait.ge [sflag:s15], $0x1000  }
0x19: {  	[sflag:s15] =	ssyncset.done $0x0  }
0x1a: {  	[sflag:s15] =	ssyncadd.s32 $0xFFFFF000  }
0x1b: {  	_ =	swait.ge [sflag:s15], $0x80  }
0x1c: {  	[sflag:s15] =	ssyncset.done $0x0  }
0x1d: {  	[sflag:s15] =	ssyncadd.s32 $0xFFFFFF80  }
0x1e: {  	_ =	swait.ge [sflag:s16], $0x1000  }
0x1f: {  	[sflag:s16] =	ssyncset.done $0x0  }
0x20: {  	[sflag:s16] =	ssyncadd.s32 $0xFFFFF000  }
0x21: {  	_ =	swait.ge [sflag:s16], $0x1000  }
0x22: {  	[sflag:s16] =	ssyncset.done $0x0  }
0x23: {  	[sflag:s16] =	ssyncadd.s32 $0xFFFFF000  }
0x24: {  	_ =	swait.ge [sflag:s16], $0x80  }
0x25: {  	s10 =	rddreg [dreg:$0xa]  }
0x26: {  	s3 =	rddreg [dreg:$0x9];
	s10 =	sadd.s32 $0x1, s10  }
0x27: {  	p1 =	sne.s32 s10, s3  }
.Ltmp1:
0x28: {  	_ = 	snop;
	(pc) =	sbr.rel @!p1 .LBB2_11-.Ltmp1, $3  }
0x29: {  	_ =	sdelay $0x1  }
0x2a: {  	[sflag:s16] =	ssyncset.done $0x0  }
0x2b: {  	[sflag:s16] =	ssyncadd.s32 $0xFFFFFF80  }
.LBB2_1:
0x2c: {  	[dreg:$0xa] =	wrdreg s10  }
0x2d: {  	s3 =	rddreg [dreg:$0x5];
	s18 =	simm.s32 $0x7  }
0x2e: {  	[tilespmem:s5], [sflag:$0x7] =	stream.linear.gather [hbm4b:s3+s5], $0x2700, $0x38;
	[tilespmem:$0x13000] =	vst v63  }
0x2f: {  	_ =	swait.ge [sflag:s18], $0x2700  }
0x30: {  	[sflag:s18] =	ssyncset.done $0x0  }
0x31: {  	s13 =	simm.s32 $0x2780;
	s19 =	rddreg [dreg:$0x6];
	[sflag:s18] =	ssyncadd.s32 $0xFFFFD900  }
0x32: {  	[tilespmem:s13], [sflag:$0x7] =	stream.linear.gather [hbm4b:s19+s5], $0x2700, $0x38;
	[tilespmem:$0x13000] =	vst v63  }
0x33: {  	_ =	swait.ge [sflag:s18], $0x2700  }
0x34: {  	s10 =	simm.s32 @!p0 $0x2700;
	[sflag:s18] =	ssyncset.done $0x0  }
0x35: {  	s3 =	simm.s32 @!p0 $0x0;
	s11 =	rddreg [dreg:$0x7];
	[sflag:s18] =	ssyncadd.s32 $0xFFFFD900  }
0x36: {  	[tilespmem:s10], [sflag:$0x7] =	stream.linear.gather @!p0 [hbm4b:s11+s3], $0x80, $0x38;
	[tilespmem:$0x13000] =	vst v63  }
0x37: {  	s10 =	simm.s32 @!p0 $0x7  }
0x38: {  	_ =	swait.ge @!p0 [sflag:s10], $0x80  }
0x39: {  	[sflag:s10] =	ssyncset.done @!p0 $0x0  }
0x3a: {  	s11 =	simm.s32 @!p0 $0x4E80;
	s12 =	rddreg [dreg:$0x8];
	[sflag:s10] =	ssyncadd.s32 @!p0 $0xFFFFFF80  }
0x3b: {  	[tilespmem:s11], [sflag:$0x7] =	stream.linear.gather @!p0 [hbm4b:s12+s3], $0x80, $0x38;
	[tilespmem:$0x13000] =	vst v63  }
0x3c: {  	_ =	swait.ge @!p0 [sflag:s10], $0x80  }
0x3d: {  	s20 =	simm.s32 $0x80;
	[sflag:s10] =	ssyncset.done @!p0 $0x0  }
.Ltmp2:
0x3e: {  	s21 =	simm.s32 $0x4F00;
	[sflag:s10] =	ssyncadd.s32 @!p0 $0xFFFFFF80;
	(pc) =	sbr.rel .LBB2_2-.Ltmp2, $4  }
0x3f: {  	[tilespmem:s21], [sflag:$0x1] =	stream.indirect.gather [hbm4b:s6+s20], $0x50, s5, s20, $0xb8;
	[tilespmem:$0x13000] =	vst v63  }
0x40: {  	s30 =	simm.s32 $0x9F00  }
0x41: {  	[tilespmem:s30], [sflag:$0x3] =	stream.indirect.gather [hbm4b:s7+s20], $0x50, s13, s20, $0xb8;
	[tilespmem:$0x13000] =	vst v63  }
0x42: {  	s20 =	simm.s32 $0x0  }
.LBB2_9:
0x43: {  	p1 =	sne.s32 s21, s9  }
.Ltmp3:
0x44: {  	_ = 	snop;
	(pc) =	sbr.rel @!p1 .LBB2_10-.Ltmp3, $2  }
0x45: {  	_ =	sdelay $0x2  }
0x46: {  	s20 =	smov.u32 s21  }
.LBB2_2:
0x47: {  	s18 =	sand.u32 $0x1, s20  }
0x48: {  	p1 =	seq.s32 s18, $0x1  }
.Ltmp4:
0x49: {  	_ = 	snop;
	(pc) =	sbr.rel @p1 .LBB2_6-.Ltmp4, $1  }
0x4a: {  	_ =	sdelay $0x3  }
0x4b: {  	_ =	swait.ge [sflag:s28], $0x2800  }
0x4c: {  	[sflag:s28] =	ssyncset.done $0x0  }
0x4d: {  	s21 =	sor.u32 $0x1, s20;
	[sflag:s28] =	ssyncadd.s32 $0xFFFFD800  }
0x4e: {  	p1 =	sge.u32 s21, s9;
	_ =	swait.ge [sflag:s29], $0x2800  }
0x4f: {  	s3 =	sshll.u32 @!p1 s21, $0x7;
	[sflag:s29] =	ssyncset.done $0x0  }
0x50: {  	s10 =	simm.s32 @!p1 $0x80;
	s11 =	simm.s32 @!p1 $0x7700;
	[sflag:s29] =	ssyncadd.s32 $0xFFFFD800  }
0x51: {  	[tilespmem:s11], [sflag:$0x2] =	stream.indirect.gather @!p1 [hbm4b:s6+s10], $0x50, s3, s10, $0xb8;
	[tilespmem:$0x13000] =	vst v63  }
0x52: {  	s3 =	sadd.s32 @!p1 $0x2780, s3;
	s11 =	simm.s32 @!p1 $0xC700  }
0x53: {  	[tilespmem:s11], [sflag:$0x4] =	stream.indirect.gather @!p1 [hbm4b:s7+s10], $0x50, s3, s10, $0xb8;
	[tilespmem:$0x13000] =	vst v63  }
0x54: {  	p1 =	slt.u32 s20, $0x2  }
0x55: {  	s3 =	simm.s32 @!p1 $0x5  }
0x56: {  	_ =	swait.ge @!p1 [sflag:s3], $0x1000  }
0x57: {  	[sflag:s3] =	ssyncset.done @!p1 $0x0  }
0x58: {  	[sflag:s3] =	ssyncadd.s32 @!p1 $0xFFFFF000  }
0x59: {  	_ =	swait.ge @!p1 [sflag:s3], $0x1000  }
0x5a: {  	[sflag:s3] =	ssyncset.done @!p1 $0x0  }
0x5b: {  	[sflag:s3] =	ssyncadd.s32 @!p1 $0xFFFFF000  }
0x5c: {  	_ =	swait.ge @!p1 [sflag:s3], $0x80  }
0x5d: {  	[sflag:s3] =	ssyncset.done @!p1 $0x0  }
0x5e: {  	s14 =	simm.s32 $0x4F20;
	[sflag:s3] =	ssyncadd.s32 @!p1 $0xFFFFFF80  }
0x5f: {  	s17 =	simm.s32 $0x9F20;
	v1 =	vld [tilespmem:s14+$0xFFFFFFE0]  }
0x60: {  	v2 =	vld [tilespmem:s17+$0xFFFFFFF0]  }
0x61: {  	v3 =	vld [tilespmem:s14+$0xFFFFFFF0]  }
0x62: {  	v4 =	vld [tilespmem:s17+$0xFFFFFFE0];
	_ =	sdelay $0x3  }
0x63: {  	v2 =	vadd.f32 v2, v3  }
0x64: {  	s19 =	simm.s32 $0xEF10;
	v1 =	vadd.f32 v4, v1  }
0x65: {  	[tilespmem:s19+$0x0] =	vst v2  }
0x66: {  	[tilespmem:s19+$0xFFFFFFF0] =	vst v1  }
0x67: {  	v1 =	vld [tilespmem:s14+$0x10]  }
0x68: {  	v2 =	vld [tilespmem:s17+$0x0]  }
0x69: {  	v3 =	vld [tilespmem:s17+$0x10]  }
0x6a: {  	v61 =	vld [tilespmem:s14+$0x0];
	_ =	sdelay $0x3  }
0x6b: {  	v1 =	vadd.f32 v3, v1  }
0x6c: {  	v2 =	vadd.f32 v2, v61  }
0x6d: {  	v3 =	vand.u32 $0x7FFFFFFF, v1  }
0x6e: {  	v4 =	vand.u32 $0x7FFFFFFF, v2;
	v3 =	vsub.f32 $0.0e+00, v3  }
0x6f: {  	v4 =	vsub.f32 $0.0e+00, v4  }
0x70: {  	v3 =	vmul.f32 $1.442695020e+00, v3  }
0x71: {  	v4 =	vmul.f32 $1.442695020e+00, v4  }
0x72: {  	(erf) = vpow2.f32 v3  }
0x73: {  	(erf) = vpow2.f32 v4;
	_ =	sdelay $0x7  }
0x74: {  	v3 =	vpop (erf)  }
0x75: {  	v62 =	vmul.f32 $1.741407810e-02, v3;
	v5 =	vpop (erf)  }
0x76: {  	v6 =	vmul.f32 $1.741407810e-02, v5  }
0x77: {  	v4 =	vsub.f32 $8.269123730e-02, v62  }
0x78: {  	v6 =	vsub.f32 $8.269123730e-02, v6  }
0x79: {  	v4 =	vmul.f32 v4, v3  }
0x7a: {  	v6 =	vmul.f32 v6, v5  }
0x7b: {  	v4 =	vadd.f32 $-1.903543320e-01, v4  }
0x7c: {  	v6 =	vadd.f32 $-1.903543320e-01, v6  }
0x7d: {  	v4 =	vmul.f32 v4, v3  }
0x7e: {  	v6 =	vmul.f32 v6, v5  }
0x7f: {  	v4 =	vadd.f32 $3.157473210e-01, v4  }
0x80: {  	v6 =	vadd.f32 $3.157473210e-01, v6  }
0x81: {  	v4 =	vmul.f32 v4, v3  }
0x82: {  	v6 =	vmul.f32 v6, v5  }
0x83: {  	v4 =	vadd.f32 $-4.973732230e-01, v4  }
0x84: {  	v6 =	vadd.f32 $-4.973732230e-01, v6  }
0x85: {  	v4 =	vmul.f32 v4, v3  }
0x86: {  	v6 =	vmul.f32 v6, v5  }
0x87: {  	v4 =	vadd.f32 $9.998477100e-01, v4  }
0x88: {  	v6 =	vadd.f32 $9.998477100e-01, v6  }
0x89: {  	v3 =	vmul.f32 v4, v3  }
0x8a: {  	v63 =	vmul.f32 v6, v5  }
0x8b: {  	v3 =	vadd.f32 $1.472065040e-06, v3  }
0x8c: {  	v1 =	vmax.f32 v1, $0.0e+00;
	v4 =	vadd.f32 $1.472065040e-06, v63  }
0x8d: {  	v2 =	vmax.f32 v2, $0.0e+00;
	v1 =	vadd.f32 v3, v1  }
0x8e: {  	v2 =	vadd.f32 v4, v2  }
0x8f: {  	v1 =	vadd.f32 $9.999999970e-07, v1  }
0x90: {  	s30 =	simm.s32 $0x10F10;
	v2 =	vadd.f32 $9.999999970e-07, v2  }
0x91: {  	[tilespmem:s30+$0x0] =	vst v1  }
0x92: {  	[tilespmem:s30+$0xFFFFFFF0] =	vst v2  }
0x93: {  	v1 =	vld [tilespmem:s14+$0x20]  }
0x94: {  	v2 =	vld [tilespmem:s17+$0x20];
	_ =	sdelay $0x4  }
0x95: {  	v1 =	vadd.f32 v2, v1;
	_ =	sdelay $0x1  }
0x96: {  	v1 =	vsub.f32 $0.0e+00, v1;
	_ =	sdelay $0x1  }
0x97: {  	v1 =	vmul.f32 $1.442695020e+00, v1;
	_ =	sdelay $0x1  }
0x98: {  	(erf) = vpow2.f32 v1;
	_ =	sdelay $0x8  }
0x99: {  	v1 =	vpop (erf)  }
0x9a: {  	v2 =	vadd.f32 $1.000000000e+00, v1;
	_ =	sdelay $0x1  }
0x9b: {  	(erf) = vrcp.f32 v2;
	_ =	sdelay $0x2  }
0x9c: {  	s12 =	simm.s32 $0x1;
	s13 =	simm.s32 $0x10F30  }
0x9d: {  	s10 =	simm.s32 $0x0;
	s11 =	simm.s32 $0x12EF1;
	s3 =	simm.s32 $0xEF30  }
0x9e: {  	s19 =	simm.s32 $0x12EF1;
	s14 =	simm.s32 $0x4F70;
	s17 =	simm.s32 $0x9F70;
	v1 =	vimm.f32 $0.0e+00  }
.LBB2_4:
0x9f: {  	s30 =	sand.u32 $0xF, s10  }
0xa0: {  	s11 =	sadd.s32 $0x1, s11;
	s10 =	smov.u32 s12;
	s12 =	sadd.s32 $0x1, s12  }
0xa1: {  	p1 =	sne.s32 s12, $0x80;
	v3 =	vmov s30  }
0xa2: {  	vm0 =	veq.s32 v3, v0;
	v2 =	vpop (erf)  }
0xa3: {  	p2 =	sne.s32 s30, $0xF;
	v1 =	vsel vm0, v2, v1  }
0xa4: {  	[tilespmem:s19+$0x0] =	vst @!p2 v1;
	s19 =	smov.u32 s11  }
0xa5: {  	v2 =	vld [tilespmem:s14+$0xFFFFFFE0]  }
0xa6: {  	v3 =	vld [tilespmem:s17+$0xFFFFFFF0]  }
0xa7: {  	v4 =	vld [tilespmem:s14+$0xFFFFFFF0]  }
0xa8: {  	v5 =	vld [tilespmem:s17+$0xFFFFFFE0];
	_ =	sdelay $0x3  }
0xa9: {  	v3 =	vadd.f32 v3, v4  }
0xaa: {  	v2 =	vadd.f32 v5, v2  }
0xab: {  	[tilespmem:s3+$0x0] =	vst v3  }
0xac: {  	[tilespmem:s3+$0xFFFFFFF0] =	vst v2  }
0xad: {  	v2 =	vld [tilespmem:s14+$0x10]  }
0xae: {  	v3 =	vld [tilespmem:s17+$0x0]  }
0xaf: {  	v4 =	vld [tilespmem:s17+$0x10]  }
0xb0: {  	v5 =	vld [tilespmem:s14+$0x0];
	_ =	sdelay $0x3  }
0xb1: {  	v2 =	vadd.f32 v4, v2  }
0xb2: {  	v3 =	vadd.f32 v3, v5  }
0xb3: {  	v4 =	vand.u32 $0x7FFFFFFF, v2  }
0xb4: {  	v5 =	vand.u32 $0x7FFFFFFF, v3;
	v4 =	vsub.f32 $0.0e+00, v4  }
0xb5: {  	v5 =	vsub.f32 $0.0e+00, v5  }
0xb6: {  	v4 =	vmul.f32 $1.442695020e+00, v4  }
0xb7: {  	v5 =	vmul.f32 $1.442695020e+00, v5  }
0xb8: {  	(erf) = vpow2.f32 v4  }
0xb9: {  	(erf) = vpow2.f32 v5;
	_ =	sdelay $0x7  }
0xba: {  	v4 =	vpop (erf)  }
0xbb: {  	v5 =	vmul.f32 $1.741407810e-02, v4;
	v6 =	vpop (erf)  }
0xbc: {  	v7 =	vmul.f32 $1.741407810e-02, v6  }
0xbd: {  	v5 =	vsub.f32 $8.269123730e-02, v5  }
0xbe: {  	v7 =	vsub.f32 $8.269123730e-02, v7  }
0xbf: {  	v5 =	vmul.f32 v5, v4  }
0xc0: {  	v7 =	vmul.f32 v7, v6  }
0xc1: {  	v5 =	vadd.f32 $-1.903543320e-01, v5  }
0xc2: {  	v7 =	vadd.f32 $-1.903543320e-01, v7  }
0xc3: {  	v5 =	vmul.f32 v5, v4  }
0xc4: {  	v7 =	vmul.f32 v7, v6  }
0xc5: {  	v5 =	vadd.f32 $3.157473210e-01, v5  }
0xc6: {  	v7 =	vadd.f32 $3.157473210e-01, v7  }
0xc7: {  	v5 =	vmul.f32 v5, v4  }
0xc8: {  	v7 =	vmul.f32 v7, v6  }
0xc9: {  	v5 =	vadd.f32 $-4.973732230e-01, v5  }
0xca: {  	v7 =	vadd.f32 $-4.973732230e-01, v7  }
0xcb: {  	v5 =	vmul.f32 v5, v4  }
0xcc: {  	v7 =	vmul.f32 v7, v6  }
0xcd: {  	v5 =	vadd.f32 $9.998477100e-01, v5  }
0xce: {  	v7 =	vadd.f32 $9.998477100e-01, v7  }
0xcf: {  	v4 =	vmul.f32 v5, v4  }
0xd0: {  	v5 =	vmul.f32 v7, v6  }
0xd1: {  	v4 =	vadd.f32 $1.472065040e-06, v4  }
0xd2: {  	v2 =	vmax.f32 v2, $0.0e+00;
	v5 =	vadd.f32 $1.472065040e-06, v5  }
0xd3: {  	v3 =	vmax.f32 v3, $0.0e+00;
	v2 =	vadd.f32 v4, v2  }
0xd4: {  	v3 =	vadd.f32 v5, v3  }
0xd5: {  	v2 =	vadd.f32 $9.999999970e-07, v2  }
0xd6: {  	v3 =	vadd.f32 $9.999999970e-07, v3  }
0xd7: {  	[tilespmem:s13+$0x0] =	vst v2  }
0xd8: {  	[tilespmem:s13+$0xFFFFFFF0] =	vst v3  }
0xd9: {  	v2 =	vld [tilespmem:s14+$0x20]  }
0xda: {  	v3 =	vld [tilespmem:s17+$0x20];
	_ =	sdelay $0x4  }
0xdb: {  	v2 =	vadd.f32 v3, v2;
	_ =	sdelay $0x1  }
0xdc: {  	v2 =	vsub.f32 $0.0e+00, v2;
	_ =	sdelay $0x1  }
0xdd: {  	v2 =	vmul.f32 $1.442695020e+00, v2;
	_ =	sdelay $0x1  }
0xde: {  	(erf) = vpow2.f32 v2;
	_ =	sdelay $0x8  }
0xdf: {  	v2 =	vpop (erf)  }
0xe0: {  	v2 =	vadd.f32 $1.000000000e+00, v2;
	_ =	sdelay $0x1  }
0xe1: {  	(erf) = vrcp.f32 v2;
	_ =	sdelay $0x1  }
.Ltmp5:
0xe2: {  	(pc) =	sbr.rel @p1 .LBB2_4-.Ltmp5, $3  }
0xe3: {  	_ =	sdelay $0x1  }
0xe4: {  	s13 =	sadd.s32 $0x20, s13  }
0xe5: {  	s3 =	sadd.s32 $0x20, s3;
	s14 =	sadd.s32 $0x50, s14;
	s17 =	sadd.s32 $0x50, s17  }
0xe6: {  	s3 =	sand.u32 $0xF, s10  }
0xe7: {  	v2 =	vmov s3;
	_ =	sdelay $0x1  }
0xe8: {  	s14 =	sadd.s32 s8, s20  }
0xe9: {  	s11 =	sshll.u32 s14, $0x9;
	vm0 =	veq.s32 v2, v0;
	v2 =	vpop (erf)  }
0xea: {  	p1 =	sne.s32 s3, $0xF;
	s17 =	sand.u32 $0x1FFFFE00, s11;
	v1 =	vsel vm0, v2, v1  }
0xeb: {  	s12 =	simm.s32 $0xEF00;
	s11 =	sadd.s32 s1, s17;
	[tilespmem:s19+$0x0] =	vst @!p1 v1;
	p1 =	seq.s32 s18, $0x0  }
0xec: {  	[hbm4b:s11+s5] =	stream.linear.scatter [tilespmem:s12], [sflag:$0x5], $0x1000, $0x38;
	[tilespmem:$0x13000] =	vst v63  }
.Ltmp6:
0xed: {  	s30 =	sshll.u32 s14, $0x4;
	s3 =	sadd.s32 s2, s17;
	(pc) =	sbr.rel @p1 .LBB2_9-.Ltmp6, $4  }
0xee: {  	[hbm4b:s3+s5] =	stream.linear.scatter [tilespmem:s31], [sflag:$0x5], $0x1000, $0x38;
	[tilespmem:$0x13000] =	vst v63  }
0xef: {  	s3 =	sand.u32 $0x1FFFFFF0, s30  }
0xf0: {  	s3 =	sadd.s32 s4, s3  }
0xf1: {  	[hbm4b:s3+s5] =	stream.linear.scatter [tilespmem:s0], [sflag:$0x5], $0x80, $0x38;
	[tilespmem:$0x13000] =	vst v63  }
.LBB2_6:
0xf2: {  	_ =	swait.ge [sflag:s22], $0x2800  }
0xf3: {  	[sflag:s22] =	ssyncset.done $0x0  }
0xf4: {  	s21 =	sadd.s32 $0x1, s20;
	[sflag:s22] =	ssyncadd.s32 $0xFFFFD800  }
0xf5: {  	p1 =	sge.u32 s21, s9;
	_ =	swait.ge [sflag:s23], $0x2800  }
0xf6: {  	s3 =	sshll.u32 @!p1 s21, $0x7;
	[sflag:s23] =	ssyncset.done $0x0  }
0xf7: {  	s10 =	simm.s32 @!p1 $0x80;
	s11 =	simm.s32 @!p1 $0x4F00;
	[sflag:s23] =	ssyncadd.s32 $0xFFFFD800  }
0xf8: {  	[tilespmem:s11], [sflag:$0x1] =	stream.indirect.gather @!p1 [hbm4b:s6+s10], $0x50, s3, s10, $0xb8;
	[tilespmem:$0x13000] =	vst v63  }
0xf9: {  	s3 =	sadd.s32 @!p1 $0x2780, s3;
	s11 =	simm.s32 @!p1 $0x9F00  }
0xfa: {  	[tilespmem:s11], [sflag:$0x3] =	stream.indirect.gather @!p1 [hbm4b:s7+s10], $0x50, s3, s10, $0xb8;
	[tilespmem:$0x13000] =	vst v63  }
0xfb: {  	p1 =	slt.u32 s20, $0x2  }
0xfc: {  	s3 =	simm.s32 @!p1 $0x6  }
0xfd: {  	_ =	swait.ge @!p1 [sflag:s3], $0x1000  }
0xfe: {  	[sflag:s3] =	ssyncset.done @!p1 $0x0  }
0xff: {  	[sflag:s3] =	ssyncadd.s32 @!p1 $0xFFFFF000  }
0x100: {  	_ =	swait.ge @!p1 [sflag:s3], $0x1000  }
0x101: {  	[sflag:s3] =	ssyncset.done @!p1 $0x0  }
0x102: {  	[sflag:s3] =	ssyncadd.s32 @!p1 $0xFFFFF000  }
0x103: {  	_ =	swait.ge @!p1 [sflag:s3], $0x80  }
0x104: {  	[sflag:s3] =	ssyncset.done @!p1 $0x0  }
0x105: {  	s17 =	simm.s32 $0x7720;
	[sflag:s3] =	ssyncadd.s32 @!p1 $0xFFFFFF80  }
0x106: {  	s18 =	simm.s32 $0xC720;
	v1 =	vld [tilespmem:s17+$0xFFFFFFE0]  }
0x107: {  	v2 =	vld [tilespmem:s18+$0xFFFFFFF0]  }
0x108: {  	v3 =	vld [tilespmem:s17+$0xFFFFFFF0]  }
0x109: {  	v4 =	vld [tilespmem:s18+$0xFFFFFFE0];
	_ =	sdelay $0x3  }
0x10a: {  	v2 =	vadd.f32 v2, v3  }
0x10b: {  	s19 =	simm.s32 $0xFF10;
	v1 =	vadd.f32 v4, v1  }
0x10c: {  	[tilespmem:s19+$0x0] =	vst v2  }
0x10d: {  	[tilespmem:s19+$0xFFFFFFF0] =	vst v1  }
0x10e: {  	v1 =	vld [tilespmem:s17+$0x10]  }
0x10f: {  	v2 =	vld [tilespmem:s18+$0x0]  }
0x110: {  	v3 =	vld [tilespmem:s18+$0x10]  }
0x111: {  	v61 =	vld [tilespmem:s17+$0x0];
	_ =	sdelay $0x3  }
0x112: {  	v1 =	vadd.f32 v3, v1  }
0x113: {  	v2 =	vadd.f32 v2, v61  }
0x114: {  	v3 =	vand.u32 $0x7FFFFFFF, v1  }
0x115: {  	v4 =	vand.u32 $0x7FFFFFFF, v2;
	v3 =	vsub.f32 $0.0e+00, v3  }
0x116: {  	v4 =	vsub.f32 $0.0e+00, v4  }
0x117: {  	v3 =	vmul.f32 $1.442695020e+00, v3  }
0x118: {  	v4 =	vmul.f32 $1.442695020e+00, v4  }
0x119: {  	(erf) = vpow2.f32 v3  }
0x11a: {  	(erf) = vpow2.f32 v4;
	_ =	sdelay $0x7  }
0x11b: {  	v3 =	vpop (erf)  }
0x11c: {  	v62 =	vmul.f32 $1.741407810e-02, v3;
	v5 =	vpop (erf)  }
0x11d: {  	v6 =	vmul.f32 $1.741407810e-02, v5  }
0x11e: {  	v4 =	vsub.f32 $8.269123730e-02, v62  }
0x11f: {  	v6 =	vsub.f32 $8.269123730e-02, v6  }
0x120: {  	v4 =	vmul.f32 v4, v3  }
0x121: {  	v6 =	vmul.f32 v6, v5  }
0x122: {  	v4 =	vadd.f32 $-1.903543320e-01, v4  }
0x123: {  	v6 =	vadd.f32 $-1.903543320e-01, v6  }
0x124: {  	v4 =	vmul.f32 v4, v3  }
0x125: {  	v6 =	vmul.f32 v6, v5  }
0x126: {  	v4 =	vadd.f32 $3.157473210e-01, v4  }
0x127: {  	v6 =	vadd.f32 $3.157473210e-01, v6  }
0x128: {  	v4 =	vmul.f32 v4, v3  }
0x129: {  	v6 =	vmul.f32 v6, v5  }
0x12a: {  	v4 =	vadd.f32 $-4.973732230e-01, v4  }
0x12b: {  	v6 =	vadd.f32 $-4.973732230e-01, v6  }
0x12c: {  	v4 =	vmul.f32 v4, v3  }
0x12d: {  	v6 =	vmul.f32 v6, v5  }
0x12e: {  	v4 =	vadd.f32 $9.998477100e-01, v4  }
0x12f: {  	v6 =	vadd.f32 $9.998477100e-01, v6  }
0x130: {  	v3 =	vmul.f32 v4, v3  }
0x131: {  	v63 =	vmul.f32 v6, v5  }
0x132: {  	v3 =	vadd.f32 $1.472065040e-06, v3  }
0x133: {  	v1 =	vmax.f32 v1, $0.0e+00;
	v4 =	vadd.f32 $1.472065040e-06, v63  }
0x134: {  	v2 =	vmax.f32 v2, $0.0e+00;
	v1 =	vadd.f32 v3, v1  }
0x135: {  	v2 =	vadd.f32 v4, v2  }
0x136: {  	v1 =	vadd.f32 $9.999999970e-07, v1  }
0x137: {  	s30 =	simm.s32 $0x11F10;
	v2 =	vadd.f32 $9.999999970e-07, v2  }
0x138: {  	[tilespmem:s30+$0x0] =	vst v1  }
0x139: {  	[tilespmem:s30+$0xFFFFFFF0] =	vst v2  }
0x13a: {  	v1 =	vld [tilespmem:s17+$0x20]  }
0x13b: {  	v2 =	vld [tilespmem:s18+$0x20];
	_ =	sdelay $0x4  }
0x13c: {  	v1 =	vadd.f32 v2, v1;
	_ =	sdelay $0x1  }
0x13d: {  	v1 =	vsub.f32 $0.0e+00, v1;
	_ =	sdelay $0x1  }
0x13e: {  	v1 =	vmul.f32 $1.442695020e+00, v1;
	_ =	sdelay $0x1  }
0x13f: {  	(erf) = vpow2.f32 v1;
	_ =	sdelay $0x8  }
0x140: {  	v1 =	vpop (erf)  }
0x141: {  	v2 =	vadd.f32 $1.000000000e+00, v1;
	_ =	sdelay $0x1  }
0x142: {  	(erf) = vrcp.f32 v2;
	_ =	sdelay $0x2  }
0x143: {  	s12 =	simm.s32 $0x1;
	s13 =	simm.s32 $0x11F30  }
0x144: {  	s14 =	simm.s32 $0x7770;
	s10 =	simm.s32 $0x0;
	s11 =	simm.s32 $0x12F71  }
0x145: {  	s3 =	simm.s32 $0xFF30;
	s17 =	simm.s32 $0xC770;
	s18 =	simm.s32 $0x12F71;
	v1 =	vimm.f32 $0.0e+00  }
.LBB2_7:
0x146: {  	s19 =	sand.u32 $0xF, s10  }
0x147: {  	s11 =	sadd.s32 $0x1, s11;
	s10 =	smov.u32 s12;
	s12 =	sadd.s32 $0x1, s12  }
0x148: {  	p1 =	sne.s32 s12, $0x80;
	v3 =	vmov s19  }
0x149: {  	vm0 =	veq.s32 v3, v0;
	v2 =	vpop (erf)  }
0x14a: {  	p2 =	sne.s32 s19, $0xF;
	v1 =	vsel vm0, v2, v1  }
0x14b: {  	[tilespmem:s18+$0x0] =	vst @!p2 v1;
	s18 =	smov.u32 s11  }
0x14c: {  	v2 =	vld [tilespmem:s14+$0xFFFFFFE0]  }
0x14d: {  	v3 =	vld [tilespmem:s17+$0xFFFFFFF0]  }
0x14e: {  	v4 =	vld [tilespmem:s14+$0xFFFFFFF0]  }
0x14f: {  	v5 =	vld [tilespmem:s17+$0xFFFFFFE0];
	_ =	sdelay $0x3  }
0x150: {  	v3 =	vadd.f32 v3, v4  }
0x151: {  	v2 =	vadd.f32 v5, v2  }
0x152: {  	[tilespmem:s3+$0x0] =	vst v3  }
0x153: {  	[tilespmem:s3+$0xFFFFFFF0] =	vst v2  }
0x154: {  	v2 =	vld [tilespmem:s14+$0x10]  }
0x155: {  	v3 =	vld [tilespmem:s17+$0x0]  }
0x156: {  	v4 =	vld [tilespmem:s17+$0x10]  }
0x157: {  	v5 =	vld [tilespmem:s14+$0x0];
	_ =	sdelay $0x3  }
0x158: {  	v2 =	vadd.f32 v4, v2  }
0x159: {  	v3 =	vadd.f32 v3, v5  }
0x15a: {  	v4 =	vand.u32 $0x7FFFFFFF, v2  }
0x15b: {  	v5 =	vand.u32 $0x7FFFFFFF, v3;
	v4 =	vsub.f32 $0.0e+00, v4  }
0x15c: {  	v5 =	vsub.f32 $0.0e+00, v5  }
0x15d: {  	v4 =	vmul.f32 $1.442695020e+00, v4  }
0x15e: {  	v5 =	vmul.f32 $1.442695020e+00, v5  }
0x15f: {  	(erf) = vpow2.f32 v4  }
0x160: {  	(erf) = vpow2.f32 v5;
	_ =	sdelay $0x7  }
0x161: {  	v4 =	vpop (erf)  }
0x162: {  	v5 =	vmul.f32 $1.741407810e-02, v4;
	v6 =	vpop (erf)  }
0x163: {  	v7 =	vmul.f32 $1.741407810e-02, v6  }
0x164: {  	v5 =	vsub.f32 $8.269123730e-02, v5  }
0x165: {  	v7 =	vsub.f32 $8.269123730e-02, v7  }
0x166: {  	v5 =	vmul.f32 v5, v4  }
0x167: {  	v7 =	vmul.f32 v7, v6  }
0x168: {  	v5 =	vadd.f32 $-1.903543320e-01, v5  }
0x169: {  	v7 =	vadd.f32 $-1.903543320e-01, v7  }
0x16a: {  	v5 =	vmul.f32 v5, v4  }
0x16b: {  	v7 =	vmul.f32 v7, v6  }
0x16c: {  	v5 =	vadd.f32 $3.157473210e-01, v5  }
0x16d: {  	v7 =	vadd.f32 $3.157473210e-01, v7  }
0x16e: {  	v5 =	vmul.f32 v5, v4  }
0x16f: {  	v7 =	vmul.f32 v7, v6  }
0x170: {  	v5 =	vadd.f32 $-4.973732230e-01, v5  }
0x171: {  	v7 =	vadd.f32 $-4.973732230e-01, v7  }
0x172: {  	v5 =	vmul.f32 v5, v4  }
0x173: {  	v7 =	vmul.f32 v7, v6  }
0x174: {  	v5 =	vadd.f32 $9.998477100e-01, v5  }
0x175: {  	v7 =	vadd.f32 $9.998477100e-01, v7  }
0x176: {  	v4 =	vmul.f32 v5, v4  }
0x177: {  	v5 =	vmul.f32 v7, v6  }
0x178: {  	v4 =	vadd.f32 $1.472065040e-06, v4  }
0x179: {  	v2 =	vmax.f32 v2, $0.0e+00;
	v5 =	vadd.f32 $1.472065040e-06, v5  }
0x17a: {  	v3 =	vmax.f32 v3, $0.0e+00;
	v2 =	vadd.f32 v4, v2  }
0x17b: {  	v3 =	vadd.f32 v5, v3  }
0x17c: {  	v2 =	vadd.f32 $9.999999970e-07, v2  }
0x17d: {  	v3 =	vadd.f32 $9.999999970e-07, v3  }
0x17e: {  	[tilespmem:s13+$0x0] =	vst v2  }
0x17f: {  	[tilespmem:s13+$0xFFFFFFF0] =	vst v3  }
0x180: {  	v2 =	vld [tilespmem:s14+$0x20]  }
0x181: {  	v3 =	vld [tilespmem:s17+$0x20];
	_ =	sdelay $0x4  }
0x182: {  	v2 =	vadd.f32 v3, v2;
	_ =	sdelay $0x1  }
0x183: {  	v2 =	vsub.f32 $0.0e+00, v2;
	_ =	sdelay $0x1  }
0x184: {  	v2 =	vmul.f32 $1.442695020e+00, v2;
	_ =	sdelay $0x1  }
0x185: {  	(erf) = vpow2.f32 v2;
	_ =	sdelay $0x8  }
0x186: {  	v2 =	vpop (erf)  }
0x187: {  	v2 =	vadd.f32 $1.000000000e+00, v2;
	_ =	sdelay $0x1  }
0x188: {  	(erf) = vrcp.f32 v2;
	_ =	sdelay $0x1  }
.Ltmp7:
0x189: {  	(pc) =	sbr.rel @p1 .LBB2_7-.Ltmp7, $3  }
0x18a: {  	_ =	sdelay $0x1  }
0x18b: {  	s13 =	sadd.s32 $0x20, s13  }
0x18c: {  	s3 =	sadd.s32 $0x20, s3;
	s14 =	sadd.s32 $0x50, s14;
	s17 =	sadd.s32 $0x50, s17  }
0x18d: {  	s3 =	sand.u32 $0xF, s10  }
0x18e: {  	v2 =	vmov s3;
	_ =	sdelay $0x1  }
0x18f: {  	s19 =	sadd.s32 s8, s20  }
0x190: {  	s11 =	sshll.u32 s19, $0x9;
	vm0 =	veq.s32 v2, v0;
	v2 =	vpop (erf)  }
0x191: {  	p1 =	sne.s32 s3, $0xF;
	s20 =	sand.u32 $0x1FFFFE00, s11;
	v1 =	vsel vm0, v2, v1  }
0x192: {  	s11 =	sadd.s32 s1, s20;
	[tilespmem:s18+$0x0] =	vst @!p1 v1  }
0x193: {  	[hbm4b:s11+s5] =	stream.linear.scatter [tilespmem:s24], [sflag:$0x6], $0x1000, $0x38;
	[tilespmem:$0x13000] =	vst v63  }
.Ltmp8:
0x194: {  	s30 =	sshll.u32 s19, $0x4;
	s3 =	sadd.s32 s2, s20;
	(pc) =	sbr.rel .LBB2_9-.Ltmp8, $4  }
0x195: {  	[hbm4b:s3+s5] =	stream.linear.scatter [tilespmem:s25], [sflag:$0x6], $0x1000, $0x38;
	[tilespmem:$0x13000] =	vst v63  }
0x196: {  	s3 =	sand.u32 $0x1FFFFFF0, s30  }
0x197: {  	s3 =	sadd.s32 s4, s3  }
0x198: {  	[hbm4b:s3+s5] =	stream.linear.scatter [tilespmem:s26], [sflag:$0x6], $0x80, $0x38;
	[tilespmem:$0x13000] =	vst v63  }
.LBB2_11:
0x199: {  	_ =	sfence.sel $0x180000  }
0x19a: {  	[bflag:$0x0] =	sbarrier.arrive $0xFFFF  }
0x19b: {  	_ =	strace $0x9000004A  }
0x19c: {  	s0 =	stileid.u32;
	[bflag:$0x2] =	sbarrier.arrive $0xFFFF  }
0x19d: {  	p0 =	sne.s32 s0, $0x0;
	s0 =	rddreg [dreg:$0x4]  }
0x19e: {  	s0 =	sadd.s32 @!p0 $0x100000, s0  }
0x19f: {  	[sflag:s0] =	ssyncadd.tile.s32 @!p0 $0x1;
	_ =	shalt  }
.Lfunc_end2:
_tile_overlayer_lowered:
.L_overlay_start_2:
0x1a0: {  	(tag) =	ssettag $0x2  }
0x1a1: {  	s0 =	rddreg [dreg:$0x0];
	s2 =	stileid.u32  }
0x1a2: {  	s1 =	rddreg [dreg:$0x1];
	p0 =	sne.s32 s2, $0x0  }
0x1a3: {  	s3 =	rddreg [dreg:$0x2];
	[bflag:$0x3] =	sbarrier.arrive $0xFFFF;
	s2 =	simm.s32 @!p0 $0x1C07  }
0x1a4: {  	[timem:s3], [sflag:s2] =	dma.local @!p0 [hbm:s0], s1  }
0x1a5: {  	s0 =	simm.s32 @!p0 $0x7  }
0x1a6: {  	_ =	swait.ge @!p0 [sflag:s0], s1  }
0x1a7: {  	s1 =	ssub.s32 @!p0 $0x0, s1;
	[sflag:s0] =	ssyncset.done @!p0 $0x0  }
0x1a8: {  	[sflag:s0] =	ssyncadd.s32 @!p0 s1  }
0x1a9: {  	[bflag:$0x3] =	sbarrier.arrive $0xFFFF  }
0x1aa: {  	_ =	shalt  }

// kernel: sparse-core-data-format-call.1.cloned.1.call-start
scs
called_computation.1_lowered:
.L_overlay_start_0:
0x0: {  	s2 =	sld [smem:$0x3FD9]  }
0x1: {  	s3 =	sld [smem:$0x3FFE];
	_ =	sdelay $0x1  }
0x2: {  	s1 =	srdreg.scid  }
0x3: {  	s0 =	sand.u32 $0x1, s1  }
0x4: {  	s16 =	sshll.u32 s0, $0xA;
	s2 =	sadd.s32 s3, s2  }
0x5: {  	s2 =	sadd.s32 s2, s16  }
0x6: {  	[smem:$0x3FBD] =	sst s2  }
0x7: {  	_ = 	snop  }
0x8: {  	s2 =	sld [smem:$0x3FD0];
	_ =	sdelay $0x2  }
0x9: {  	s17 =	simm.s32 $0xB;
	s4 =	simm.s32 $0x10  }
0xa: {  	[smem:s4], [sflag:s17] =	dma.local [hbm:s2], $0x1  }
0xb: {  	_ =	swait.eq [sflag:s17], $0x1  }
0xc: {  	[sflag:s17] =	ssyncset.done $0x0  }
0xd: {  	[sflag:s17] =	ssyncadd.s32 $0xFFFFFFFF  }
0xe: {  	s18 =	sld [smem:$0x10];
	(tm) =	ssettm $0x1  }
0xf: {  	s19 =	sld [smem:$0x3FFB];
	_ =	sdelay $0x3  }
0x10: {  	_ =	strace s19  }
0x11: {  	s2 =	sld [smem:$0x3FFC];
	_ =	sdelay $0x3  }
0x12: {  	_ =	strace s2  }
0x13: {  	s2 =	sld [smem:$0x3FFD];
	_ =	sdelay $0x3  }
0x14: {  	_ =	strace s2  }
0x15: {  	_ =	strace $0x8FFFFFFF  }
0x16: {  	s20 =	sld [smem:$0x3FDB];
	_ =	sdelay $0x1  }
0x17: {  	s21 =	simm.s32 $_scs_section_size  }
0x18: {  	s5 =	simm.s32 $_size__tile_overlayer_lowered;
	s6 =	simm.s32 $_tile_overlayer_lowered  }
0x19: {  	s7 =	simm.s32 $0x1BFF;
	s22 =	sshll.u32 s6, $0x1;
	s4 =	sadd.s32 s21, s20  }
0x1a: {  	s23 =	simm.s32 $0x0;
	s5 =	sshll.u32 s5, $0x1;
	s6 =	sadd.s32 s22, s4  }
0x1b: {  	[timem:s23], [sflag:s7] =	dma.local [hbm:s6], s5  }
0x1c: {  	_ =	swait.ge [sflag:s7], s5  }
0x1d: {  	s5 =	ssub.s32 $0x0, s5;
	[sflag:s7] =	ssyncset.done $0x0  }
0x1e: {  	[sflag:s7] =	ssyncadd.s32 s5;
	_ =	sdelay $0x1  }
0x1f: {  	s24 =	simm.s32 $0x1B8B  }
0x20: {  	_ =	swait.ge [sflag:s24], $0x1  }
0x21: {  	[sflag:s24] =	ssyncset.done $0x0  }
0x22: {  	[sflag:s24] =	ssyncadd.s32 $0xFFFFFFFF  }
0x23: {  	s5 =	sld [smem:$0x0]  }
0x24: {  	s6 =	sand.u32 $0xFFFFFFFE, s1  }
0x25: {  	p0 =	sne.s32 s1, s6  }
0x26: {  	s6 =	sshll.u32 @p0 s6, $0xE  }
0x27: {  	s6 =	sadd.s32 @p0 $0x11B8D, s6;
	s7 =	sshll.u32 @p0 s5, $0x11  }
0x28: {  	s6 =	sor.u32 @p0 s7, s6  }
0x29: {  	[sflag:s6] =	ssyncadd.remote.s32 @p0 $0x1;
	_ =	sdelay $0x1  }
0x2a: {  	s6 =	simm.s32 @p0 $0x1B8D  }
0x2b: {  	_ =	swait.eq @p0 [sflag:s6], $0x1  }
0x2c: {  	[sflag:s6] =	ssyncadd.s32 @p0 $0xFFFFFFFF  }
0x2d: {  	s7 =	sshll.u32 @!p0 s1, $0xE  }
0x2e: {  	s7 =	sor.u32 @!p0 $0x4000, s7;
	s6 =	simm.s32 @!p0 $0x1B8D  }
0x2f: {  	s5 =	sshll.u32 @!p0 s5, $0x11;
	s7 =	sadd.s32 @!p0 $0x11B8D, s7;
	_ =	swait.eq @!p0 [sflag:s6], $0x1  }
0x30: {  	s5 =	sor.u32 @!p0 s5, s7;
	[sflag:s6] =	ssyncadd.s32 @!p0 $0xFFFFFFFF  }
0x31: {  	s26 =	simm.s32 $0x1B8E;
	s25 =	sld [smem:$0x3FFE];
	[sflag:s5] =	ssyncadd.remote.s32 @!p0 $0x1  }
0x32: {  	s27 =	simm.s32 $execute0_lowered;
	[smem:$0x3FD2] =	sst s26  }
0x33: {  	s6 =	sshll.u32 s27, $0x1;
	_ =	strace $0x8000004F;
	[dreg:$0x1] =	wrdreg $0xFFFFFFFF  }
0x34: {  	s28 =	simm.s32 $_size_execute0_lowered;
	s4 =	sadd.s32 s4, s6;
	[dreg:$0x0] =	wrdreg $0x0  }
0x35: {  	s6 =	sshll.u32 s28, $0x1;
	[dreg:$0x2] =	wrdreg s4  }
0x36: {  	[dreg:$0x3] =	wrdreg s6  }
0x37: {  	[dreg:$0x4] =	wrdreg $0xC0  }
0x38: {  	_ =	task [dreg:s23], $0x5FFFF  }
0x39: {  	[dreg:$0x1] =	wrdreg $0xFFFFFFFF  }
0x3a: {  	[dreg:$0x0] =	wrdreg $0x60  }
0x3b: {  	[dreg:$0x2] =	wrdreg s25  }
0x3c: {  	[dreg:$0x3] =	wrdreg s18  }
0x3d: {  	[dreg:$0x4] =	wrdreg $0xA  }
0x3e: {  	_ =	task.clear_ibuf [dreg:s23], $0x5FFFF;
	_ =	strace $0x9000004F  }
0x3f: {  	s29 =	simm.s32 $0xA;
	_ =	strace $0x80000051  }
0x40: {  	_ =	swait.ge [sflag:s29], $0x1  }
0x41: {  	[sflag:s29] =	ssyncadd.s32 $0xFFFFFFFF  }
0x42: {  	_ =	strace $0x90000051  }
0x43: {  	_ =	sfence  }
0x44: {  	s30 =	sld [smem:$0x0];
	_ =	sdelay $0x2  }
0x45: {  	s31 =	sshll.u32 s1, $0xD;
	s1 =	sshrl.u32 s1, $0x2  }
0x46: {  	s4 =	sand.u32 $0x4000, s31;
	s1 =	sadd.s32 s1, s30  }
0x47: {  	s0 =	sor.u32 s4, s0;
	s1 =	sshll.u32 s1, $0x11  }
0x48: {  	s0 =	sor.u32 s1, s0  }
0x49: {  	s0 =	sadd.s32 $0x8F2B, s0  }
0x4a: {  	[sflag:s0] =	ssyncadd.remote.s32 $0x1  }
0x4b: {  	_ =	sfence.sel $0xFFFF  }
0x4c: {  	[dreg:$0x0] =	wrdreg $0xFFFFFFFF;
	(pc) =	sbr.abs _section_cstart, $3  }
0x4d: {  	[dreg:$0x1] =	wrdreg $0xFFFFFFFF  }
0x4e: {  	_ =	task.clear_ibuf [dreg:s23], $0x2FFFF;
	_ =	strace $0x9FFFFFFF  }
0x4f: {  	(tm) =	ssettm $0x7FFFFFFF  }
tec
execute0_lowered:
.L_overlay_start_1:
0x0: {  	(tag) =	ssettag $0x1  }
0x1: {  	s0 =	srdreg.scid  }
0x2: {  	s1 =	sshll.u32 s0, $0x4  }
0x3: {  	s4 =	rddreg [dreg:$0x0];
	s0 =	stileid.u32;
	s1 =	sand.u32 $0x10, s1  }
0x4: {  	s2 =	rddreg [dreg:$0x1];
	s7 =	simm.s32 $0x1;
	s1 =	sor.u32 s0, s1  }
0x5: {  	s8 =	simm.s32 $0x2;
	s11 =	simm.s32 $0x0;
	s3 =	sshll.u32 s1, $0x7  }
0x6: {  	s10 =	simm.s32 $0x0;
	s4 =	sadd.s32 $0x4E4C00, s4;
	s6 =	ssub.s32 $0x4E200, s3  }
.Ltmp0:
0x7: {  	s1 =	rddreg [dreg:$0x2];
	s5 =	sand.u32 $0xF80, s6;
	(pc) =	sbr.rel .LBB1_1-.Ltmp0, $4  }
0x8: {  	_ =	strace $0x80000050;
	s9 =	smov.u32 s3;
	p0 =	sne.s32 s5, $0x0  }
0x9: {  	s6 =	sshrl.u32 s6, $0xC;
	s5 =	simm.s32 $0x1;
	s7 =	simm.s32 @!p0 $0x0  }
0xa: {  	[sflag:s5] =	ssyncpa.u1 $0x0;
	p0 =	por $0x0, $0x0;
	s6 =	sadd.s32 s7, s6  }
0xb: {  	[sflag:s8] =	ssyncpa.u1 $0x0;
	s8 =	simm.s32 $0x271000;
	s7 =	sadd.s32 $0x1, s6  }
.LBB1_4:
0xc: {  	s14 =	sshll.u32 s11, $0x3  }
0xd: {  	s30 =	sand.u32 $0x7F, s11;
	s14 =	sand.u32 $0xFFFFFC00, s14  }
0xe: {  	s11 =	sor.u32 s30, s14  }
0xf: {  	s15 =	smulhi.u32 $0xD1B71759, s11;
	_ =	sdelay $0x1  }
0x10: {  	s14 =	smulhi.u32 $0xD1B71759, s14;
	s15 =	sshrl.u32 s15, $0x12  }
0x11: {  	s15 =	smul.u32 $0x4E200, s15  }
0x12: {  	s14 =	sshrl.u32 s14, $0x12  }
0x13: {  	s14 =	sand.u32 $0x1F, s14;
	s11 =	ssub.s32 s11, s15  }
0x14: {  	s14 =	smul.u32 $0x9C40, s14;
	s15 =	sshrl.u32 s11, $0x3;
	s11 =	sand.u32 $0x7, s11  }
0x15: {  	s15 =	sadd.s32 s2, s15;
	s11 =	sshll.u32 s11, $0x12  }
0x16: {  	[tilespmem:s13+$0x0 ss:$0x81] =	vst.msk $0xffff, v0;
	s31 =	sadd.s32 s14, s15;
	s11 =	sor.u32 $0x400, s11  }
0x17: {  	[hbm4b:s31+s11] =	stream.strided.scatter [tilespmem:s12], [sflag:$0x2], $0x1000, s8, s11, $0x20;
	[tilespmem:$0x4040] =	vst v63  }
.LBB1_5:
0x18: {  	s13 =	sadd.s32 $0x1000, s9  }
0x19: {  	p2 =	sgt.s32 s13, $0x4E1FF  }
0x1a: {  	s13 =	smov.u32 @p2 s3;
	p2 =	sne.s32 s10, s7  }
.Ltmp1:
0x1b: {  	p1 =	slt.u32 s10, $0x2;
	(pc) =	sbr.rel @!p2 .LBB1_6-.Ltmp1, $4  }
0x1c: {  	s12 =	simm.s32 @!p1 $0x2  }
0x1d: {  	s14 =	sadd.s32 $0x1, s10;
	_ =	swait.ge @!p1 [sflag:s12], $0x1000  }
0x1e: {  	s11 =	smov.u32 s9;
	p0 =	por !p0, !p0;
	[sflag:s12] =	ssyncset.done @!p1 $0x0  }
0x1f: {  	s10 =	smov.u32 s14;
	s9 =	smov.u32 s13;
	[sflag:s12] =	ssyncadd.s32 @!p1 $0xFFFFF000  }
.LBB1_1:
0x20: {  	p1 =	sge.u32 s10, s6  }
0x21: {  	s12 =	sand.u32 @!p1 $0x1FFFFFF, s9  }
0x22: {  	s13 =	smulhi.u32 @!p1 $0x1A36E2F, s12;
	_ =	sdelay $0x1  }
0x23: {  	s13 =	sshrl.u32 @!p1 s13, $0xB  }
0x24: {  	s13 =	smul.u32 @!p1 $0x4E200, s13;
	_ =	sdelay $0x1  }
0x25: {  	s31 =	sadd.s32 $0xFFFFFFFF, s10;
	s14 =	sxor.u32 @!p1 $0xFFFFFFFF, s10;
	s12 =	ssub.s32 @!p1 s12, s13  }
0x26: {  	s15 =	simm.s32 @!p1 $0x80;
	s14 =	sshll.u32 @!p1 s14, $0xC;
	s12 =	sshll.u32 @!p1 s12, $0x4  }
0x27: {  	s13 =	sand.u32 @!p1 $0x1000, s14;
	s14 =	simm.s32 @!p1 $0x20;
	s12 =	sadd.s32 @!p1 s4, s12  }
0x28: {  	[tilespmem:s13], [sflag:$0x1] =	stream.strided.gather @!p1 [hbm4b:s12+s14], $0x1000, s15, s14, $0x38;
	[tilespmem:$0x4040] =	vst v63  }
0x29: {  	p1 =	sge.u32 s31, s6  }
.Ltmp2:
0x2a: {  	_ = 	snop;
	(pc) =	sbr.rel @p1 .LBB1_5-.Ltmp2, $1  }
0x2b: {  	_ =	sdelay $0x3  }
0x2c: {  	s12 =	simm.s32 $0x1  }
0x2d: {  	_ =	swait.ge [sflag:s5], $0x1000;
	s12 =	simm.s32 @!p0 $0x0  }
0x2e: {  	[sflag:s5] =	ssyncset.done $0x0;
	s13 =	sshll.u32 s12, $0xC  }
0x2f: {  	[sflag:s5] =	ssyncadd.s32 $0xFFFFF000;
	s16 =	sor.u32 $0x10, s13  }
0x30: {  	s12 =	smul.u32 $0x4080, s12;
	v1 =	vld [tilespmem:s16+$0x0]  }
0x31: {  	s30 =	sand.u32 $0x1, s10;
	v0 =	vld [tilespmem:s16+$0xFFFFFFF0]  }
0x32: {  	s13 =	smul.u32 $0x4080, s30;
	s12 =	sshrl.u32 s12, $0x2  }
0x33: {  	s14 =	sor.u32 $0x2000, s12  }
0x34: {  	s31 =	sshrl.u32 s13, $0x2;
	s13 =	sadd.s32 $0x0, s14  }
0x35: {  	s15 =	simm.s32 $0x4;
	s16 =	sadd.s32 $0x20, s16;
	s12 =	sor.u32 $0x2000, s31;
	[tilespmem:s13+$0x810 ss:$0x81] =	vst.msk $0xffff, v1  }
.LBB1_3:
0x36: {  	v1 =	vld [tilespmem:s16+$0x0];
	p1 =	sne.s32 s15, $0x1FC;
	[tilespmem:s13+$0x0 ss:$0x81] =	vst.msk $0xffff, v0;
	s13 =	smov.u32 s15;
	s15 =	sadd.s32 $0x4, s15  }
.Ltmp3:
0x37: {  	v0 =	vld [tilespmem:s16+$0xFFFFFFF0];
	(pc) =	sbr.rel @p1 .LBB1_3-.Ltmp3, $4  }
0x38: {  	_ = 	snop  }
0x39: {  	s13 =	sshra.s32 s13, $0x2  }
0x3a: {  	s13 =	sadd.s32 s13, s14  }
0x3b: {  	s16 =	sadd.s32 $0x20, s16;
	[tilespmem:s13+$0x810 ss:$0x81] =	vst.msk $0xffff, v1  }
.Ltmp4:
0x3c: {  	_ = 	snop;
	(pc) =	sbr.rel .LBB1_4-.Ltmp4, $1  }
0x3d: {  	_ =	sdelay $0x3  }
.LBB1_6:
0x3e: {  	_ =	sfence.sel $0x180000  }
0x3f: {  	s2 =	simm.s32 $0x1;
	[bflag:$0x0] =	sbarrier.arrive $0xFFFF  }
0x40: {  	s31 =	simm.s32 $0x2;
	[sflag:s2] =	ssyncpa.u1 $0x1  }
0x41: {  	[sflag:s31] =	ssyncpa.u1 $0x1  }
0x42: {  	p0 =	sne.s32 s0, $0x0;
	_ =	strace $0x90000050  }
0x43: {  	s0 =	sadd.s32 @!p0 $0x100000, s1;
	[bflag:$0x2] =	sbarrier.arrive $0xFFFF  }
0x44: {  	[sflag:s0] =	ssyncadd.tile.s32 @!p0 $0x1;
	_ =	shalt  }
.Lfunc_end1:
_tile_overlayer_lowered:
.L_overlay_start_2:
0x45: {  	(tag) =	ssettag $0x2  }
0x46: {  	s0 =	rddreg [dreg:$0x0];
	s2 =	stileid.u32  }
0x47: {  	s1 =	rddreg [dreg:$0x1];
	p0 =	sne.s32 s2, $0x0  }
0x48: {  	s3 =	rddreg [dreg:$0x2];
	[bflag:$0x3] =	sbarrier.arrive $0xFFFF;
	s2 =	simm.s32 @!p0 $0x1C01  }
0x49: {  	[timem:s3], [sflag:s2] =	dma.local @!p0 [hbm:s0], s1  }
0x4a: {  	s0 =	simm.s32 @!p0 $0x1  }
0x4b: {  	_ =	swait.ge @!p0 [sflag:s0], s1  }
0x4c: {  	s1 =	ssub.s32 @!p0 $0x0, s1;
	[sflag:s0] =	ssyncset.done @!p0 $0x0  }
0x4d: {  	[sflag:s0] =	ssyncadd.s32 @!p0 s1  }
0x4e: {  	[bflag:$0x3] =	sbarrier.arrive $0xFFFF  }
0x4f: {  	_ =	shalt  }

// kernel: sparse-core-data-format-call.cloned.1.call-start
scs
called_computation_lowered:
.L_overlay_start_0:
0x0: {  	s2 =	sld [smem:$0x3FD9]  }
0x1: {  	s3 =	sld [smem:$0x3FFE];
	_ =	sdelay $0x1  }
0x2: {  	s1 =	srdreg.scid  }
0x3: {  	s0 =	sand.u32 $0x1, s1  }
0x4: {  	s15 =	sshll.u32 s0, $0xA;
	s2 =	sadd.s32 s3, s2  }
0x5: {  	s2 =	sadd.s32 s2, s15  }
0x6: {  	[smem:$0x3FBD] =	sst s2  }
0x7: {  	_ = 	snop  }
0x8: {  	s2 =	sld [smem:$0x3FD0];
	_ =	sdelay $0x2  }
0x9: {  	s16 =	simm.s32 $0xB;
	s4 =	simm.s32 $0x10  }
0xa: {  	[smem:s4], [sflag:s16] =	dma.local [hbm:s2], $0x1  }
0xb: {  	_ =	swait.eq [sflag:s16], $0x1  }
0xc: {  	[sflag:s16] =	ssyncset.done $0x0  }
0xd: {  	[sflag:s16] =	ssyncadd.s32 $0xFFFFFFFF  }
0xe: {  	s17 =	sld [smem:$0x11];
	(tm) =	ssettm $0x1  }
0xf: {  	s18 =	sld [smem:$0x3FFB];
	_ =	sdelay $0x3  }
0x10: {  	_ =	strace s18  }
0x11: {  	s3 =	sld [smem:$0x3FFC];
	_ =	sdelay $0x3  }
0x12: {  	_ =	strace s3  }
0x13: {  	s3 =	sld [smem:$0x3FFD];
	_ =	sdelay $0x3  }
0x14: {  	_ =	strace s3  }
0x15: {  	_ =	strace $0x8FFFFFFF  }
0x16: {  	s19 =	sld [smem:$0x3FDB];
	_ =	sdelay $0x1  }
0x17: {  	s20 =	simm.s32 $_scs_section_size  }
0x18: {  	s5 =	simm.s32 $_size__tile_overlayer_lowered;
	s6 =	simm.s32 $_tile_overlayer_lowered  }
0x19: {  	s23 =	simm.s32 $0x1BFF;
	s22 =	sshll.u32 s6, $0x1;
	s3 =	sadd.s32 s20, s19  }
0x1a: {  	s7 =	simm.s32 $0x0;
	s21 =	sshll.u32 s5, $0x1;
	s5 =	sadd.s32 s22, s3  }
0x1b: {  	[timem:s7], [sflag:s23] =	dma.local [hbm:s5], s21  }
0x1c: {  	_ =	swait.ge [sflag:s23], s21  }
0x1d: {  	s4 =	ssub.s32 $0x0, s21;
	[sflag:s23] =	ssyncset.done $0x0  }
0x1e: {  	[sflag:s23] =	ssyncadd.s32 s4;
	_ =	sdelay $0x1  }
0x1f: {  	s24 =	simm.s32 $0x1B8B  }
0x20: {  	_ =	swait.ge [sflag:s24], $0x1  }
0x21: {  	[sflag:s24] =	ssyncset.done $0x0  }
0x22: {  	s26 =	simm.s32 $0x1B8E;
	s25 =	sld [smem:$0x3FFE];
	[sflag:s24] =	ssyncadd.s32 $0xFFFFFFFF  }
0x23: {  	s27 =	simm.s32 $execute0_lowered;
	[smem:$0x3FD2] =	sst s26  }
0x24: {  	s5 =	sshll.u32 s27, $0x1;
	_ =	strace $0x8000004C;
	[dreg:$0x1] =	wrdreg $0xFFFFFFFF  }
0x25: {  	s28 =	simm.s32 $_size_execute0_lowered;
	s3 =	sadd.s32 s3, s5;
	[dreg:$0x0] =	wrdreg $0x0  }
0x26: {  	s5 =	sshll.u32 s28, $0x1;
	[dreg:$0x2] =	wrdreg s3  }
0x27: {  	[dreg:$0x3] =	wrdreg s5  }
0x28: {  	[dreg:$0x4] =	wrdreg $0xC0  }
0x29: {  	_ =	task [dreg:s7], $0x5FFFF  }
0x2a: {  	[dreg:$0x1] =	wrdreg $0xFFFFFFFF  }
0x2b: {  	[dreg:$0x0] =	wrdreg $0x60  }
0x2c: {  	[dreg:$0x2] =	wrdreg s25  }
0x2d: {  	[dreg:$0x3] =	wrdreg s17  }
0x2e: {  	[dreg:$0x4] =	wrdreg $0x9  }
0x2f: {  	_ =	task.clear_ibuf [dreg:s7], $0x5FFFF;
	_ =	strace $0x9000004C  }
0x30: {  	s29 =	simm.s32 $0x9;
	_ =	strace $0x8000004E  }
0x31: {  	_ =	swait.ge [sflag:s29], $0x1  }
0x32: {  	[sflag:s29] =	ssyncadd.s32 $0xFFFFFFFF  }
0x33: {  	_ =	strace $0x9000004E  }
0x34: {  	_ =	sfence  }
0x35: {  	s30 =	sld [smem:$0x0];
	_ =	sdelay $0x2  }
0x36: {  	s31 =	sshll.u32 s1, $0xD;
	s1 =	sshrl.u32 s1, $0x2  }
0x37: {  	s3 =	sand.u32 $0x4000, s31;
	s1 =	sadd.s32 s1, s30  }
0x38: {  	s0 =	sor.u32 s3, s0;
	s1 =	sshll.u32 s1, $0x11  }
0x39: {  	s0 =	sor.u32 s1, s0  }
0x3a: {  	s0 =	sadd.s32 $0x8F2B, s0  }
0x3b: {  	[sflag:s0] =	ssyncadd.remote.s32 $0x1  }
0x3c: {  	_ =	sfence.sel $0xFFFF  }
0x3d: {  	[dreg:$0x0] =	wrdreg $0xFFFFFFFF;
	(pc) =	sbr.abs _section_cstart, $3  }
0x3e: {  	[dreg:$0x1] =	wrdreg $0xFFFFFFFF  }
0x3f: {  	_ =	task.clear_ibuf [dreg:s7], $0x2FFFF;
	_ =	strace $0x9FFFFFFF  }
0x40: {  	(tm) =	ssettm $0x7FFFFFFF  }
0x41: {  	_ =	shalt  }
tec
execute0_lowered:
.L_overlay_start_1:
0x0: {  	(tag) =	ssettag $0x1  }
0x1: {  	s0 =	srdreg.scid  }
0x2: {  	s1 =	sshll.u32 s0, $0x4  }
0x3: {  	s4 =	rddreg [dreg:$0x0];
	s0 =	stileid.u32;
	s1 =	sand.u32 $0x10, s1  }
0x4: {  	s2 =	rddreg [dreg:$0x1];
	s7 =	simm.s32 $0x1;
	s1 =	sor.u32 s0, s1  }
0x5: {  	s8 =	simm.s32 $0x2;
	s11 =	simm.s32 $0x0;
	s3 =	sshll.u32 s1, $0x7  }
0x6: {  	s10 =	simm.s32 $0x0;
	s4 =	sadd.s32 $0x2C00, s4;
	s6 =	ssub.s32 $0x4E200, s3  }
.Ltmp0:
0x7: {  	s1 =	rddreg [dreg:$0x2];
	s5 =	sand.u32 $0xF80, s6;
	(pc) =	sbr.rel .LBB1_1-.Ltmp0, $4  }
0x8: {  	_ =	strace $0x8000004D;
	s9 =	smov.u32 s3;
	p0 =	sne.s32 s5, $0x0  }
0x9: {  	s6 =	sshrl.u32 s6, $0xC;
	s5 =	simm.s32 $0x1;
	s7 =	simm.s32 @!p0 $0x0  }
0xa: {  	[sflag:s5] =	ssyncpa.u1 $0x0;
	p0 =	por $0x0, $0x0;
	s6 =	sadd.s32 s7, s6  }
0xb: {  	[sflag:s8] =	ssyncpa.u1 $0x0;
	s8 =	simm.s32 $0x271000;
	s7 =	sadd.s32 $0x1, s6  }
.LBB1_4:
0xc: {  	s14 =	sshll.u32 s11, $0x3  }
0xd: {  	s30 =	sand.u32 $0x7F, s11;
	s14 =	sand.u32 $0xFFFFFC00, s14  }
0xe: {  	s11 =	sor.u32 s30, s14  }
0xf: {  	s15 =	smulhi.u32 $0xD1B71759, s11;
	_ =	sdelay $0x1  }
0x10: {  	s14 =	smulhi.u32 $0xD1B71759, s14;
	s15 =	sshrl.u32 s15, $0x12  }
0x11: {  	s15 =	smul.u32 $0x4E200, s15  }
0x12: {  	s14 =	sshrl.u32 s14, $0x12  }
0x13: {  	s14 =	sand.u32 $0x1F, s14;
	s11 =	ssub.s32 s11, s15  }
0x14: {  	s14 =	smul.u32 $0x9C40, s14;
	s15 =	sshrl.u32 s11, $0x3;
	s11 =	sand.u32 $0x7, s11  }
0x15: {  	s15 =	sadd.s32 s2, s15;
	s11 =	sshll.u32 s11, $0x12  }
0x16: {  	[tilespmem:s13+$0x0 ss:$0x81] =	vst.msk $0xffff, v0;
	s31 =	sadd.s32 s14, s15;
	s11 =	sor.u32 $0x400, s11  }
0x17: {  	[hbm4b:s31+s11] =	stream.strided.scatter [tilespmem:s12], [sflag:$0x2], $0x1000, s8, s11, $0x20;
	[tilespmem:$0x4040] =	vst v63  }
.LBB1_5:
0x18: {  	s13 =	sadd.s32 $0x1000, s9  }
0x19: {  	p2 =	sgt.s32 s13, $0x4E1FF  }
0x1a: {  	s13 =	smov.u32 @p2 s3;
	p2 =	sne.s32 s10, s7  }
.Ltmp1:
0x1b: {  	p1 =	slt.u32 s10, $0x2;
	(pc) =	sbr.rel @!p2 .LBB1_6-.Ltmp1, $4  }
0x1c: {  	s12 =	simm.s32 @!p1 $0x2  }
0x1d: {  	s14 =	sadd.s32 $0x1, s10;
	_ =	swait.ge @!p1 [sflag:s12], $0x1000  }
0x1e: {  	s11 =	smov.u32 s9;
	p0 =	por !p0, !p0;
	[sflag:s12] =	ssyncset.done @!p1 $0x0  }
0x1f: {  	s10 =	smov.u32 s14;
	s9 =	smov.u32 s13;
	[sflag:s12] =	ssyncadd.s32 @!p1 $0xFFFFF000  }
.LBB1_1:
0x20: {  	p1 =	sge.u32 s10, s6  }
0x21: {  	s12 =	sand.u32 @!p1 $0x1FFFFFF, s9  }
0x22: {  	s13 =	smulhi.u32 @!p1 $0x1A36E2F, s12;
	_ =	sdelay $0x1  }
0x23: {  	s13 =	sshrl.u32 @!p1 s13, $0xB  }
0x24: {  	s13 =	smul.u32 @!p1 $0x4E200, s13;
	_ =	sdelay $0x1  }
0x25: {  	s31 =	sadd.s32 $0xFFFFFFFF, s10;
	s14 =	sxor.u32 @!p1 $0xFFFFFFFF, s10;
	s12 =	ssub.s32 @!p1 s12, s13  }
0x26: {  	s15 =	simm.s32 @!p1 $0x80;
	s14 =	sshll.u32 @!p1 s14, $0xC;
	s12 =	sshll.u32 @!p1 s12, $0x4  }
0x27: {  	s13 =	sand.u32 @!p1 $0x1000, s14;
	s14 =	simm.s32 @!p1 $0x20;
	s12 =	sadd.s32 @!p1 s4, s12  }
0x28: {  	[tilespmem:s13], [sflag:$0x1] =	stream.strided.gather @!p1 [hbm4b:s12+s14], $0x1000, s15, s14, $0x38;
	[tilespmem:$0x4040] =	vst v63  }
0x29: {  	p1 =	sge.u32 s31, s6  }
.Ltmp2:
0x2a: {  	_ = 	snop;
	(pc) =	sbr.rel @p1 .LBB1_5-.Ltmp2, $1  }
0x2b: {  	_ =	sdelay $0x3  }
0x2c: {  	s12 =	simm.s32 $0x1  }
0x2d: {  	_ =	swait.ge [sflag:s5], $0x1000;
	s12 =	simm.s32 @!p0 $0x0  }
0x2e: {  	[sflag:s5] =	ssyncset.done $0x0;
	s13 =	sshll.u32 s12, $0xC  }
0x2f: {  	[sflag:s5] =	ssyncadd.s32 $0xFFFFF000;
	s16 =	sor.u32 $0x10, s13  }
0x30: {  	s12 =	smul.u32 $0x4080, s12;
	v1 =	vld [tilespmem:s16+$0x0]  }
0x31: {  	s30 =	sand.u32 $0x1, s10;
	v0 =	vld [tilespmem:s16+$0xFFFFFFF0]  }
0x32: {  	s13 =	smul.u32 $0x4080, s30;
	s12 =	sshrl.u32 s12, $0x2  }
0x33: {  	s14 =	sor.u32 $0x2000, s12  }
0x34: {  	s31 =	sshrl.u32 s13, $0x2;
	s13 =	sadd.s32 $0x0, s14  }
0x35: {  	s15 =	simm.s32 $0x4;
	s16 =	sadd.s32 $0x20, s16;
	s12 =	sor.u32 $0x2000, s31;
	[tilespmem:s13+$0x810 ss:$0x81] =	vst.msk $0xffff, v1  }
.LBB1_3:
0x36: {  	v1 =	vld [tilespmem:s16+$0x0];
	p1 =	sne.s32 s15, $0x1FC;
	[tilespmem:s13+$0x0 ss:$0x81] =	vst.msk $0xffff, v0;
	s13 =	smov.u32 s15;
	s15 =	sadd.s32 $0x4, s15  }
.Ltmp3:
0x37: {  	v0 =	vld [tilespmem:s16+$0xFFFFFFF0];
	(pc) =	sbr.rel @p1 .LBB1_3-.Ltmp3, $4  }
0x38: {  	_ = 	snop  }
0x39: {  	s13 =	sshra.s32 s13, $0x2  }
0x3a: {  	s13 =	sadd.s32 s13, s14  }
0x3b: {  	s16 =	sadd.s32 $0x20, s16;
	[tilespmem:s13+$0x810 ss:$0x81] =	vst.msk $0xffff, v1  }
.Ltmp4:
0x3c: {  	_ = 	snop;
	(pc) =	sbr.rel .LBB1_4-.Ltmp4, $1  }
0x3d: {  	_ =	sdelay $0x3  }
.LBB1_6:
0x3e: {  	_ =	sfence.sel $0x180000  }
0x3f: {  	s2 =	simm.s32 $0x1;
	[bflag:$0x0] =	sbarrier.arrive $0xFFFF  }
0x40: {  	s31 =	simm.s32 $0x2;
	[sflag:s2] =	ssyncpa.u1 $0x1  }
0x41: {  	[sflag:s31] =	ssyncpa.u1 $0x1  }
0x42: {  	p0 =	sne.s32 s0, $0x0;
	_ =	strace $0x9000004D  }
0x43: {  	s0 =	sadd.s32 @!p0 $0x100000, s1;
	[bflag:$0x2] =	sbarrier.arrive $0xFFFF  }
0x44: {  	[sflag:s0] =	ssyncadd.tile.s32 @!p0 $0x1;
	_ =	shalt  }
.Lfunc_end1:
_tile_overlayer_lowered:
.L_overlay_start_2:
0x45: {  	(tag) =	ssettag $0x2  }
0x46: {  	s0 =	rddreg [dreg:$0x0];
	s2 =	stileid.u32  }
0x47: {  	s1 =	rddreg [dreg:$0x1];
	p0 =	sne.s32 s2, $0x0  }
0x48: {  	s3 =	rddreg [dreg:$0x2];
	[bflag:$0x3] =	sbarrier.arrive $0xFFFF;
	s2 =	simm.s32 @!p0 $0x1C01  }
0x49: {  	[timem:s3], [sflag:s2] =	dma.local @!p0 [hbm:s0], s1  }
0x4a: {  	s0 =	simm.s32 @!p0 $0x1  }
0x4b: {  	_ =	swait.ge @!p0 [sflag:s0], s1  }
0x4c: {  	s1 =	ssub.s32 @!p0 $0x0, s1;
	[sflag:s0] =	ssyncset.done @!p0 $0x0  }
0x4d: {  	[sflag:s0] =	ssyncadd.s32 @!p0 s1  }
0x4e: {  	[bflag:$0x3] =	sbarrier.arrive $0xFFFF  }
0x4f: {  	_ =	shalt  }

</sc_bundles>
